<compile_context>
chip_gen: v7x
topology: tpu7x:2x2x1
jax: 0.10.2.dev20260603
libtpu: 0.0.44.dev20260713+nightly
codegen_flags: <defaults>
</compile_context>

<pallas_src>
import functools

import numpy as np
import jax
import jax.numpy as jnp
from jax import lax
from jax.experimental import pallas as pl
from jax.experimental.pallas import tpu as pltpu
from jax.experimental.pallas import tpu_sc as plsc

N = 10000
E = 320000
IN_DIM = 128
OUT_DIM = 16
NUM_HEADS = 8
RANK = 16
HD = NUM_HEADS * OUT_DIM
KVW = 2 * HD

NC = 2
NS = 16
LANES = 16
NW = NC * NS
EPW = E // NW
CHUNK = 40
STEPS = EPW // CHUNK
NCH = E // CHUNK + 1
ACC_W = 144
N_PAD = 10240
RPT = N_PAD // NS
ROW_BLK = 1000


def _proj_body(h_ref, wkv_ref, wq_ref, kv_ref, q_ref, hsum_ref):
    hb = h_ref[...]
    kv_ref[...] = jnp.dot(hb, wkv_ref[...], preferred_element_type=jnp.float32)
    q_ref[...] = jnp.dot(hb, wq_ref[...], preferred_element_type=jnp.float32)
    part = jnp.sum(hb, axis=0, keepdims=True)

    @pl.when(pl.program_id(0) == 0)
    def _():
        hsum_ref[...] = part

    @pl.when(pl.program_id(0) != 0)
    def _():
        hsum_ref[...] = hsum_ref[...] + part


def _edge_body(kv_hbm, q_hbm, pk_hbm, out_hbm,
               eb0, eb1, kvb0, kvb1, qb0, qb1, ob, acc, sg0, sg1):
    c = lax.axis_index("c")
    s = lax.axis_index("s")
    wid = s * NC + c
    ebs = (eb0, eb1)
    kvbs = (kvb0, kvb1)
    qbs = (qb0, qb1)
    sgs = (sg0, sg1)

    zeros16f = jnp.zeros((LANES,), jnp.float32)
    iota16 = lax.iota(jnp.int32, LANES)

    def zrow(r, carry):
        for cc in range(ACC_W // LANES):
            ob[r, pl.ds(cc * LANES, LANES)] = zeros16f
        return carry

    lax.fori_loop(0, CHUNK, zrow, 0)
    base = s * RPT
    for j in range(RPT // CHUNK):
        pltpu.sync_copy(ob, acc.at[pl.ds(base + j * CHUNK, CHUNK)])
    plsc.subcore_barrier()

    tbase = wid * STEPS

    def fetch_rows(slot):
        eb = ebs[slot]
        ck = pltpu.async_copy(kv_hbm.at[eb.at[0]], kvbs[slot], sgs[slot])
        cq = pltpu.async_copy(q_hbm.at[eb.at[1]], qbs[slot], sgs[slot])
        return ck, cq

    def wait_rows(slot):
        eb = ebs[slot]
        pltpu.make_async_copy(kv_hbm.at[eb.at[0]], kvbs[slot],
                              sgs[slot]).wait()
        pltpu.make_async_copy(q_hbm.at[eb.at[1]], qbs[slot],
                              sgs[slot]).wait()

    def compute(slot):
        kvb, qb = kvbs[slot], qbs[slot]

        @plsc.parallel_loop(0, CHUNK, unroll=4)
        def edge_compute(e):
            zv = zeros16f
            for hd in range(NUM_HEADS):
                kvec = kvb[e, pl.ds(hd * RANK, LANES)]
                qvec = qb[e, pl.ds(hd * RANK, LANES)]
                dot = jnp.sum(kvec * qvec)
                sv = jnp.full((LANES,), dot, jnp.float32)
                se = jnp.exp(jnp.minimum(jnp.maximum(sv * 0.25, -5.0), 5.0))
                vvec = kvb[e, pl.ds(HD + hd * RANK, LANES)]
                ob[e, pl.ds(hd * RANK, LANES)] = vvec * se
                zv = jnp.where(iota16 == hd, se, zv)
            ob[e, pl.ds(HD, LANES)] = zv

    pltpu.sync_copy(pk_hbm.at[tbase], eb0)
    fetch_rows(0)

    def outer(t, carry):
        for b in range(2):
            i = t * 2 + b
            pltpu.sync_copy(pk_hbm.at[tbase + i + 1], ebs[1 - b])
            fetch_rows(1 - b)
            wait_rows(b)
            compute(b)
            pltpu.sync_copy(ob, acc.at[ebs[b].at[1]], add=True)
        return carry

    lax.fori_loop(0, STEPS // 2, outer, 0)

    wait_rows(0)

    plsc.subcore_barrier()
    pltpu.sync_copy(acc.at[pl.ds(s * RPT, RPT)],
                    out_hbm.at[c, pl.ds(s * RPT, RPT)])


_EDGE_KERNEL_CACHE = []


def _edge_kernel(kv, qh, packed):
    if not _EDGE_KERNEL_CACHE:
        _EDGE_KERNEL_CACHE.append(functools.partial(
            pl.kernel,
            out_type=jax.ShapeDtypeStruct((NC, N_PAD, ACC_W), jnp.float32),
            mesh=plsc.VectorSubcoreMesh(core_axis_name="c", subcore_axis_name="s",
                                        num_cores=NC, num_subcores=NS),
            scratch_types=(
                [pltpu.VMEM((2, CHUNK), jnp.int32) for _ in range(2)]
                + [pltpu.VMEM((CHUNK, KVW), jnp.float32) for _ in range(2)]
                + [pltpu.VMEM((CHUNK, HD), jnp.float32) for _ in range(2)]
                + [pltpu.VMEM((CHUNK, ACC_W), jnp.float32)]
                + [pltpu.VMEM_SHARED((N_PAD, ACC_W), jnp.float32)]
                + [pltpu.SemaphoreType.DMA for _ in range(2)]
            ),
            compiler_params=pltpu.CompilerParams(use_tc_tiling_on_sc=False,
                                                 needs_layout_passes=False),
        )(_edge_body))
    return _EDGE_KERNEL_CACHE[0](kv, qh, packed)


_ZSEL = np.kron(np.eye(NUM_HEADS, dtype=np.float32),
                np.ones((1, OUT_DIM), np.float32))


def _final_body(part_ref, hsum_ref, zsel_ref, out_ref):
    p = part_ref[...]
    w = p[0, :, :HD] + p[1, :, :HD]
    z = p[0, :, HD:HD + NUM_HEADS] + p[1, :, HD:HD + NUM_HEADS]
    zr = jnp.dot(z, zsel_ref[...], preferred_element_type=jnp.float32)
    ho = w / (zr + 1e-6)
    att = jnp.broadcast_to(hsum_ref[...] * (1.0 / N), (ROW_BLK, IN_DIM))
    out_ref[...] = jnp.concatenate([ho, att], axis=1)


def kernel(h, edge_index, p, q, Wv):
    wkv = jnp.concatenate([p, Wv], axis=1)
    kv, qh, hsum = pl.pallas_call(
        _proj_body,
        grid=(N // ROW_BLK,),
        in_specs=[
            pl.BlockSpec((ROW_BLK, IN_DIM), lambda i: (i, 0)),
            pl.BlockSpec((IN_DIM, KVW), lambda i: (0, 0)),
            pl.BlockSpec((IN_DIM, HD), lambda i: (0, 0)),
        ],
        out_specs=[
            pl.BlockSpec((ROW_BLK, KVW), lambda i: (i, 0)),
            pl.BlockSpec((ROW_BLK, HD), lambda i: (i, 0)),
            pl.BlockSpec((1, IN_DIM), lambda i: (0, 0)),
        ],
        out_shape=[
            jax.ShapeDtypeStruct((N_PAD, KVW), jnp.float32),
            jax.ShapeDtypeStruct((N_PAD, HD), jnp.float32),
            jax.ShapeDtypeStruct((1, IN_DIM), jnp.float32),
        ],
    )(h, wkv, q)

    pad = NCH * CHUNK - E
    srcp = jnp.concatenate([edge_index[0],
                            jnp.zeros((pad,), jnp.int32)]).reshape(NCH, CHUNK)
    dstp = jnp.concatenate([edge_index[1],
                            jnp.full((pad,), N_PAD - 1,
                                     jnp.int32)]).reshape(NCH, CHUNK)
    packed = jnp.stack([srcp, dstp], axis=1)

    partial = _edge_kernel(kv, qh, packed)

    out = pl.pallas_call(
        _final_body,
        grid=(N // ROW_BLK,),
        in_specs=[
            pl.BlockSpec((NC, ROW_BLK, ACC_W), lambda i: (0, i, 0)),
            pl.BlockSpec((1, IN_DIM), lambda i: (0, 0)),
            pl.BlockSpec((NUM_HEADS, HD), lambda i: (0, 0)),
        ],
        out_specs=pl.BlockSpec((ROW_BLK, HD + IN_DIM), lambda i: (i, 0)),
        out_shape=jax.ShapeDtypeStruct((N, HD + IN_DIM), jnp.float32),
    )(partial, hsum, jnp.asarray(_ZSEL))
    return out

# --- scband reference (transcript-rebuilt; emitter-appended) ---
"""Pipeline reference for scband-multi-head-attention-layer-80942953660861 (READ-ONLY COPY).

The authoritative reference and input builder live on the scoring server;
editing this copy changes nothing except your own understanding.
"""

import jax, jax.numpy as jnp
import numpy as np

N = 10000
E = 320000
IN_DIM = 128
OUT_DIM = 16
NUM_HEADS = 8
RANK = 16


def setup_inputs(seed: int = 0) -> dict:
    key = jax.random.key(seed)
    k1, k2, k3, k4, k5 = jax.random.split(key, 5)
    h = jax.random.normal(k1, (N, IN_DIM), dtype=jnp.float32)
    edge_index = jax.random.randint(k2, (2, E), 0, N, dtype=jnp.int32)
    # learned parameters (kaiming-uniform-ish init)
    bound_pq = float(np.sqrt(6.0 / IN_DIM))
    p = jax.random.uniform(k3, (IN_DIM, NUM_HEADS * RANK), jnp.float32, -bound_pq, bound_pq)
    q = jax.random.uniform(k4, (IN_DIM, NUM_HEADS * RANK), jnp.float32, -bound_pq, bound_pq)
    bound_v = float(1.0 / np.sqrt(IN_DIM))
    Wv = jax.random.uniform(k5, (IN_DIM, NUM_HEADS * OUT_DIM), jnp.float32, -bound_v, bound_v)
    return {"h": h, "edge_index": edge_index, "p": p, "q": q, "Wv": Wv}


def reference(h, edge_index, p, q, Wv):
    src = edge_index[0]
    dst = edge_index[1]
    # node projections (K from _p, Q from _q, V from linear V; use_bias=False)
    K_h = (h @ p).reshape(N, NUM_HEADS, RANK)
    Q_h = (h @ q).reshape(N, NUM_HEADS, RANK)
    V_h = (h @ Wv).reshape(N, NUM_HEADS, OUT_DIM)
    # apply_edges(src_dot_dst('K_h','Q_h','score'))
    score = jnp.sum(K_h[src] * Q_h[dst], axis=-1, keepdims=True)  # [E, H, 1]
    # apply_edges(scaled_exp('score', sqrt(out_dim))) with clamp(-5, 5)
    score = jnp.exp(jnp.clip(score / np.sqrt(OUT_DIM), -5.0, 5.0))
    # send_and_recv: src_mul_edge('V_h','score') summed to 'wV'; copy_edge('score') summed to 'z'
    wV = jax.ops.segment_sum(V_h[src] * score, dst, num_segments=N)  # [N, H, d]
    z = jax.ops.segment_sum(score, dst, num_segments=N)              # [N, H, 1]
    h_out = (wV / (z + 1e-6)).reshape(N, NUM_HEADS * OUT_DIM)
    # global_attention_type == 'global-mean': global context vector broadcast to all nodes
    c = jnp.mean(h, axis=0)
    atted = jnp.broadcast_to(c, (N, IN_DIM))
    return jnp.concatenate([h_out, atted], axis=-1)  # [N, H*out_dim + in_dim]

if __name__ == "__main__":
    import jax
    _d = setup_inputs()
    print(jax.jit(kernel)(*tuple(_d.values())))

</pallas_src>

<mosaic_0001>
#map = affine_map<(d0, d1) -> (0, 0)>
#map1 = affine_map<(d0, d1) -> (0, 0, 0)>
module attributes {stable_mosaic.version = 14 : i64} {
  func.func @_edge_body(%arg0: i32, %arg1: i32, %arg2: memref<10240x256xf32, #tpu.memory_space<hbm>>, %arg3: memref<10240x128xf32, #tpu.memory_space<hbm>>, %arg4: memref<8001x2x40xi32, #tpu.memory_space<hbm>>, %arg5: memref<2x10240x144xf32, #tpu.memory_space<hbm>>, %arg6: memref<2x40xi32, #tpu.memory_space<vmem>>, %arg7: memref<2x40xi32, #tpu.memory_space<vmem>>, %arg8: memref<40x256xf32, #tpu.memory_space<vmem>>, %arg9: memref<40x256xf32, #tpu.memory_space<vmem>>, %arg10: memref<40x128xf32, #tpu.memory_space<vmem>>, %arg11: memref<40x128xf32, #tpu.memory_space<vmem>>, %arg12: memref<40x144xf32, #tpu.memory_space<vmem>>, %arg13: memref<10240x144xf32, #tpu.memory_space<vmem_shared>>, %arg14: memref<!tpu.dma_semaphore, #tpu.memory_space<semaphore_mem>>, %arg15: memref<!tpu.dma_semaphore, #tpu.memory_space<semaphore_mem>>) attributes {dimension_semantics = [#tpu.dimension_semantics<core_parallel>, #tpu.dimension_semantics<subcore_parallel>], iteration_bounds = array<i64: 2, 16>, scalar_prefetch = 0 : i64, scratch_operands = 10 : i64, tpu.core_type = #tpu.core_type<sc_vector_subcore>, window_params = [{transform_indices = #map}, {transform_indices = #map}, {transform_indices = #map1}, {transform_indices = #map1}]} {
    %mul3A = arith.constant 2 : i32
    %mul3A_0 = arith.muli %arg1, %mul3A : i32
    %add3A = arith.addi %mul3A_0, %arg0 : i32
    %broadcast_in_dim3A = arith.constant 0.000000e+00 : f32
    %broadcast_in_dim3A_1 = vector.broadcast %broadcast_in_dim3A : f32 to vector<16xf32>
    %iota3A = tpu.iota {dimensions = array<i32: 0>} : vector<16xi32>
    %scan3A = arith.constant 0 : i32
    %scan3A_2 = arith.constant 0 : i32
    %scan3A_3 = arith.constant 40 : i32
    %scan3A_4 = arith.addi %scan3A_2, %scan3A_3 : i32
    %scan3A_5 = arith.constant 1 : i32
    scf.for %scan3A_80 = %scan3A_2 to %scan3A_4 step %scan3A_5  : i32 {
      %swap3A = arith.index_cast %scan3A_80 : i32 to index
      %swap3A_81 = arith.constant 0 : index
      %swap3A_82 = tpu.vector_load %arg12[%swap3A, %swap3A_81] {strides = array<i32>} : memref<40x144xf32, #tpu.memory_space<vmem>>, vector<16xf32>,
      tpu.vector_store %arg12[%swap3A, %swap3A_81], %broadcast_in_dim3A_1 {strides = array<i32>} : memref<40x144xf32, #tpu.memory_space<vmem>>, vector<16xf32>,
      %swap3A_83 = arith.index_cast %scan3A_80 : i32 to index
      %swap3A_84 = arith.constant 16 : index
      %swap3A_85 = tpu.vector_load %arg12[%swap3A_83, %swap3A_84] {strides = array<i32>} : memref<40x144xf32, #tpu.memory_space<vmem>>, vector<16xf32>,
      tpu.vector_store %arg12[%swap3A_83, %swap3A_84], %broadcast_in_dim3A_1 {strides = array<i32>} : memref<40x144xf32, #tpu.memory_space<vmem>>, vector<16xf32>,
      %swap3A_86 = arith.index_cast %scan3A_80 : i32 to index
      %swap3A_87 = arith.constant 32 : index
      %swap3A_88 = tpu.vector_load %arg12[%swap3A_86, %swap3A_87] {strides = array<i32>} : memref<40x144xf32, #tpu.memory_space<vmem>>, vector<16xf32>,
      tpu.vector_store %arg12[%swap3A_86, %swap3A_87], %broadcast_in_dim3A_1 {strides = array<i32>} : memref<40x144xf32, #tpu.memory_space<vmem>>, vector<16xf32>,
      %swap3A_89 = arith.index_cast %scan3A_80 : i32 to index
      %swap3A_90 = arith.constant 48 : index
      %swap3A_91 = tpu.vector_load %arg12[%swap3A_89, %swap3A_90] {strides = array<i32>} : memref<40x144xf32, #tpu.memory_space<vmem>>, vector<16xf32>,
      tpu.vector_store %arg12[%swap3A_89, %swap3A_90], %broadcast_in_dim3A_1 {strides = array<i32>} : memref<40x144xf32, #tpu.memory_space<vmem>>, vector<16xf32>,
      %swap3A_92 = arith.index_cast %scan3A_80 : i32 to index
      %swap3A_93 = arith.constant 64 : index
      %swap3A_94 = tpu.vector_load %arg12[%swap3A_92, %swap3A_93] {strides = array<i32>} : memref<40x144xf32, #tpu.memory_space<vmem>>, vector<16xf32>,
      tpu.vector_store %arg12[%swap3A_92, %swap3A_93], %broadcast_in_dim3A_1 {strides = array<i32>} : memref<40x144xf32, #tpu.memory_space<vmem>>, vector<16xf32>,
      %swap3A_95 = arith.index_cast %scan3A_80 : i32 to index
      %swap3A_96 = arith.constant 80 : index
      %swap3A_97 = tpu.vector_load %arg12[%swap3A_95, %swap3A_96] {strides = array<i32>} : memref<40x144xf32, #tpu.memory_space<vmem>>, vector<16xf32>,
      tpu.vector_store %arg12[%swap3A_95, %swap3A_96], %broadcast_in_dim3A_1 {strides = array<i32>} : memref<40x144xf32, #tpu.memory_space<vmem>>, vector<16xf32>,
      %swap3A_98 = arith.index_cast %scan3A_80 : i32 to index
      %swap3A_99 = arith.constant 96 : index
      %swap3A_100 = tpu.vector_load %arg12[%swap3A_98, %swap3A_99] {strides = array<i32>} : memref<40x144xf32, #tpu.memory_space<vmem>>, vector<16xf32>,
      tpu.vector_store %arg12[%swap3A_98, %swap3A_99], %broadcast_in_dim3A_1 {strides = array<i32>} : memref<40x144xf32, #tpu.memory_space<vmem>>, vector<16xf32>,
      %swap3A_101 = arith.index_cast %scan3A_80 : i32 to index
      %swap3A_102 = arith.constant 112 : index
      %swap3A_103 = tpu.vector_load %arg12[%swap3A_101, %swap3A_102] {strides = array<i32>} : memref<40x144xf32, #tpu.memory_space<vmem>>, vector<16xf32>,
      tpu.vector_store %arg12[%swap3A_101, %swap3A_102], %broadcast_in_dim3A_1 {strides = array<i32>} : memref<40x144xf32, #tpu.memory_space<vmem>>, vector<16xf32>,
      %swap3A_104 = arith.index_cast %scan3A_80 : i32 to index
      %swap3A_105 = arith.constant 128 : index
      %swap3A_106 = tpu.vector_load %arg12[%swap3A_104, %swap3A_105] {strides = array<i32>} : memref<40x144xf32, #tpu.memory_space<vmem>>, vector<16xf32>,
      tpu.vector_store %arg12[%swap3A_104, %swap3A_105], %broadcast_in_dim3A_1 {strides = array<i32>} : memref<40x144xf32, #tpu.memory_space<vmem>>, vector<16xf32>,
    }
    %scan3A_6 = arith.constant 40 : i32
    %mul3A_7 = arith.constant 640 : i32
    %mul3A_8 = arith.muli %arg1, %mul3A_7 : i32
    %add3A_9 = arith.constant 0 : i32
    %add3A_10 = arith.addi %mul3A_8, %add3A_9 : i32
    "tpu.region"() ({
      %run_scoped3A = tpu.sem_alloc : memref<!tpu.dma_semaphore, #tpu.memory_space<semaphore_mem>>
      %dma_start3A_80 = arith.constant 0 : i32
      %dma_start3A_81 = tpu.memref_slice %arg13[%add3A_10, %dma_start3A_80] : memref<10240x144xf32, #tpu.memory_space<vmem_shared>> -> memref<40x144xf32, #tpu.memory_space<vmem_shared>>
      %dma_start3A_82 = arith.constant 0 : i32
      %dma_start3A_83 = tpu.memref_slice %arg13[%add3A_10, %dma_start3A_82] : memref<10240x144xf32, #tpu.memory_space<vmem_shared>> -> memref<40x144xf32, #tpu.memory_space<vmem_shared>>
      tpu.enqueue_dma source(%arg12 : memref<40x144xf32, #tpu.memory_space<vmem>>) target(%dma_start3A_83 : memref<40x144xf32, #tpu.memory_space<vmem_shared>>) target_semaphore(%run_scoped3A : memref<!tpu.dma_semaphore, #tpu.memory_space<semaphore_mem>>)
      %dma_wait3A_84 = arith.constant 0 : i32
      %dma_wait3A_85 = tpu.memref_slice %arg13[%add3A_10, %dma_wait3A_84] : memref<10240x144xf32, #tpu.memory_space<vmem_shared>> -> memref<40x144xf32, #tpu.memory_space<vmem_shared>>
      %dma_wait3A_86 = arith.constant 0 : i32
      %dma_wait3A_87 = tpu.memref_slice %arg13[%add3A_10, %dma_wait3A_86] : memref<10240x144xf32, #tpu.memory_space<vmem_shared>> -> memref<40x144xf32, #tpu.memory_space<vmem_shared>>
      tpu.wait_dma2 semaphore(%run_scoped3A : memref<!tpu.dma_semaphore, #tpu.memory_space<semaphore_mem>>) src(%arg12 : memref<40x144xf32, #tpu.memory_space<vmem>>) dst(%dma_wait3A_87 : memref<40x144xf32, #tpu.memory_space<vmem_shared>>)
      tpu.yield
    }) : () -> ()
    %add3A_11 = arith.constant 40 : i32
    %add3A_12 = arith.addi %mul3A_8, %add3A_11 : i32
    "tpu.region"() ({
      %run_scoped3A = tpu.sem_alloc : memref<!tpu.dma_semaphore, #tpu.memory_space<semaphore_mem>>
      %dma_start3A_80 = arith.constant 0 : i32
      %dma_start3A_81 = tpu.memref_slice %arg13[%add3A_12, %dma_start3A_80] : memref<10240x144xf32, #tpu.memory_space<vmem_shared>> -> memref<40x144xf32, #tpu.memory_space<vmem_shared>>
      %dma_start3A_82 = arith.constant 0 : i32
      %dma_start3A_83 = tpu.memref_slice %arg13[%add3A_12, %dma_start3A_82] : memref<10240x144xf32, #tpu.memory_space<vmem_shared>> -> memref<40x144xf32, #tpu.memory_space<vmem_shared>>
      tpu.enqueue_dma source(%arg12 : memref<40x144xf32, #tpu.memory_space<vmem>>) target(%dma_start3A_83 : memref<40x144xf32, #tpu.memory_space<vmem_shared>>) target_semaphore(%run_scoped3A : memref<!tpu.dma_semaphore, #tpu.memory_space<semaphore_mem>>)
      %dma_wait3A_84 = arith.constant 0 : i32
      %dma_wait3A_85 = tpu.memref_slice %arg13[%add3A_12, %dma_wait3A_84] : memref<10240x144xf32, #tpu.memory_space<vmem_shared>> -> memref<40x144xf32, #tpu.memory_space<vmem_shared>>
      %dma_wait3A_86 = arith.constant 0 : i32
      %dma_wait3A_87 = tpu.memref_slice %arg13[%add3A_12, %dma_wait3A_86] : memref<10240x144xf32, #tpu.memory_space<vmem_shared>> -> memref<40x144xf32, #tpu.memory_space<vmem_shared>>
      tpu.wait_dma2 semaphore(%run_scoped3A : memref<!tpu.dma_semaphore, #tpu.memory_space<semaphore_mem>>) src(%arg12 : memref<40x144xf32, #tpu.memory_space<vmem>>) dst(%dma_wait3A_87 : memref<40x144xf32, #tpu.memory_space<vmem_shared>>)
      tpu.yield
    }) : () -> ()
    %add3A_13 = arith.constant 80 : i32
    %add3A_14 = arith.addi %mul3A_8, %add3A_13 : i32
    "tpu.region"() ({
      %run_scoped3A = tpu.sem_alloc : memref<!tpu.dma_semaphore, #tpu.memory_space<semaphore_mem>>
      %dma_start3A_80 = arith.constant 0 : i32
      %dma_start3A_81 = tpu.memref_slice %arg13[%add3A_14, %dma_start3A_80] : memref<10240x144xf32, #tpu.memory_space<vmem_shared>> -> memref<40x144xf32, #tpu.memory_space<vmem_shared>>
      %dma_start3A_82 = arith.constant 0 : i32
      %dma_start3A_83 = tpu.memref_slice %arg13[%add3A_14, %dma_start3A_82] : memref<10240x144xf32, #tpu.memory_space<vmem_shared>> -> memref<40x144xf32, #tpu.memory_space<vmem_shared>>
      tpu.enqueue_dma source(%arg12 : memref<40x144xf32, #tpu.memory_space<vmem>>) target(%dma_start3A_83 : memref<40x144xf32, #tpu.memory_space<vmem_shared>>) target_semaphore(%run_scoped3A : memref<!tpu.dma_semaphore, #tpu.memory_space<semaphore_mem>>)
      %dma_wait3A_84 = arith.constant 0 : i32
      %dma_wait3A_85 = tpu.memref_slice %arg13[%add3A_14, %dma_wait3A_84] : memref<10240x144xf32, #tpu.memory_space<vmem_shared>> -> memref<40x144xf32, #tpu.memory_space<vmem_shared>>
      %dma_wait3A_86 = arith.constant 0 : i32
      %dma_wait3A_87 = tpu.memref_slice %arg13[%add3A_14, %dma_wait3A_86] : memref<10240x144xf32, #tpu.memory_space<vmem_shared>> -> memref<40x144xf32, #tpu.memory_space<vmem_shared>>
      tpu.wait_dma2 semaphore(%run_scoped3A : memref<!tpu.dma_semaphore, #tpu.memory_space<semaphore_mem>>) src(%arg12 : memref<40x144xf32, #tpu.memory_space<vmem>>) dst(%dma_wait3A_87 : memref<40x144xf32, #tpu.memory_space<vmem_shared>>)
      tpu.yield
    }) : () -> ()
    %add3A_15 = arith.constant 120 : i32
    %add3A_16 = arith.addi %mul3A_8, %add3A_15 : i32
    "tpu.region"() ({
      %run_scoped3A = tpu.sem_alloc : memref<!tpu.dma_semaphore, #tpu.memory_space<semaphore_mem>>
      %dma_start3A_80 = arith.constant 0 : i32
      %dma_start3A_81 = tpu.memref_slice %arg13[%add3A_16, %dma_start3A_80] : memref<10240x144xf32, #tpu.memory_space<vmem_shared>> -> memref<40x144xf32, #tpu.memory_space<vmem_shared>>
      %dma_start3A_82 = arith.constant 0 : i32
      %dma_start3A_83 = tpu.memref_slice %arg13[%add3A_16, %dma_start3A_82] : memref<10240x144xf32, #tpu.memory_space<vmem_shared>> -> memref<40x144xf32, #tpu.memory_space<vmem_shared>>
      tpu.enqueue_dma source(%arg12 : memref<40x144xf32, #tpu.memory_space<vmem>>) target(%dma_start3A_83 : memref<40x144xf32, #tpu.memory_space<vmem_shared>>) target_semaphore(%run_scoped3A : memref<!tpu.dma_semaphore, #tpu.memory_space<semaphore_mem>>)
      %dma_wait3A_84 = arith.constant 0 : i32
      %dma_wait3A_85 = tpu.memref_slice %arg13[%add3A_16, %dma_wait3A_84] : memref<10240x144xf32, #tpu.memory_space<vmem_shared>> -> memref<40x144xf32, #tpu.memory_space<vmem_shared>>
      %dma_wait3A_86 = arith.constant 0 : i32
      %dma_wait3A_87 = tpu.memref_slice %arg13[%add3A_16, %dma_wait3A_86] : memref<10240x144xf32, #tpu.memory_space<vmem_shared>> -> memref<40x144xf32, #tpu.memory_space<vmem_shared>>
      tpu.wait_dma2 semaphore(%run_scoped3A : memref<!tpu.dma_semaphore, #tpu.memory_space<semaphore_mem>>) src(%arg12 : memref<40x144xf32, #tpu.memory_space<vmem>>) dst(%dma_wait3A_87 : memref<40x144xf32, #tpu.memory_space<vmem_shared>>)
      tpu.yield
    }) : () -> ()
    %add3A_17 = arith.constant 160 : i32
    %add3A_18 = arith.addi %mul3A_8, %add3A_17 : i32
    "tpu.region"() ({
      %run_scoped3A = tpu.sem_alloc : memref<!tpu.dma_semaphore, #tpu.memory_space<semaphore_mem>>
      %dma_start3A_80 = arith.constant 0 : i32
      %dma_start3A_81 = tpu.memref_slice %arg13[%add3A_18, %dma_start3A_80] : memref<10240x144xf32, #tpu.memory_space<vmem_shared>> -> memref<40x144xf32, #tpu.memory_space<vmem_shared>>
      %dma_start3A_82 = arith.constant 0 : i32
      %dma_start3A_83 = tpu.memref_slice %arg13[%add3A_18, %dma_start3A_82] : memref<10240x144xf32, #tpu.memory_space<vmem_shared>> -> memref<40x144xf32, #tpu.memory_space<vmem_shared>>
      tpu.enqueue_dma source(%arg12 : memref<40x144xf32, #tpu.memory_space<vmem>>) target(%dma_start3A_83 : memref<40x144xf32, #tpu.memory_space<vmem_shared>>) target_semaphore(%run_scoped3A : memref<!tpu.dma_semaphore, #tpu.memory_space<semaphore_mem>>)
      %dma_wait3A_84 = arith.constant 0 : i32
      %dma_wait3A_85 = tpu.memref_slice %arg13[%add3A_18, %dma_wait3A_84] : memref<10240x144xf32, #tpu.memory_space<vmem_shared>> -> memref<40x144xf32, #tpu.memory_space<vmem_shared>>
      %dma_wait3A_86 = arith.constant 0 : i32
      %dma_wait3A_87 = tpu.memref_slice %arg13[%add3A_18, %dma_wait3A_86] : memref<10240x144xf32, #tpu.memory_space<vmem_shared>> -> memref<40x144xf32, #tpu.memory_space<vmem_shared>>
      tpu.wait_dma2 semaphore(%run_scoped3A : memref<!tpu.dma_semaphore, #tpu.memory_space<semaphore_mem>>) src(%arg12 : memref<40x144xf32, #tpu.memory_space<vmem>>) dst(%dma_wait3A_87 : memref<40x144xf32, #tpu.memory_space<vmem_shared>>)
      tpu.yield
    }) : () -> ()
    %add3A_19 = arith.constant 200 : i32
    %add3A_20 = arith.addi %mul3A_8, %add3A_19 : i32
    "tpu.region"() ({
      %run_scoped3A = tpu.sem_alloc : memref<!tpu.dma_semaphore, #tpu.memory_space<semaphore_mem>>
      %dma_start3A_80 = arith.constant 0 : i32
      %dma_start3A_81 = tpu.memref_slice %arg13[%add3A_20, %dma_start3A_80] : memref<10240x144xf32, #tpu.memory_space<vmem_shared>> -> memref<40x144xf32, #tpu.memory_space<vmem_shared>>
      %dma_start3A_82 = arith.constant 0 : i32
      %dma_start3A_83 = tpu.memref_slice %arg13[%add3A_20, %dma_start3A_82] : memref<10240x144xf32, #tpu.memory_space<vmem_shared>> -> memref<40x144xf32, #tpu.memory_space<vmem_shared>>
      tpu.enqueue_dma source(%arg12 : memref<40x144xf32, #tpu.memory_space<vmem>>) target(%dma_start3A_83 : memref<40x144xf32, #tpu.memory_space<vmem_shared>>) target_semaphore(%run_scoped3A : memref<!tpu.dma_semaphore, #tpu.memory_space<semaphore_mem>>)
      %dma_wait3A_84 = arith.constant 0 : i32
      %dma_wait3A_85 = tpu.memref_slice %arg13[%add3A_20, %dma_wait3A_84] : memref<10240x144xf32, #tpu.memory_space<vmem_shared>> -> memref<40x144xf32, #tpu.memory_space<vmem_shared>>
      %dma_wait3A_86 = arith.constant 0 : i32
      %dma_wait3A_87 = tpu.memref_slice %arg13[%add3A_20, %dma_wait3A_86] : memref<10240x144xf32, #tpu.memory_space<vmem_shared>> -> memref<40x144xf32, #tpu.memory_space<vmem_shared>>
      tpu.wait_dma2 semaphore(%run_scoped3A : memref<!tpu.dma_semaphore, #tpu.memory_space<semaphore_mem>>) src(%arg12 : memref<40x144xf32, #tpu.memory_space<vmem>>) dst(%dma_wait3A_87 : memref<40x144xf32, #tpu.memory_space<vmem_shared>>)
      tpu.yield
    }) : () -> ()
    %add3A_21 = arith.constant 240 : i32
    %add3A_22 = arith.addi %mul3A_8, %add3A_21 : i32
    "tpu.region"() ({
      %run_scoped3A = tpu.sem_alloc : memref<!tpu.dma_semaphore, #tpu.memory_space<semaphore_mem>>
      %dma_start3A_80 = arith.constant 0 : i32
      %dma_start3A_81 = tpu.memref_slice %arg13[%add3A_22, %dma_start3A_80] : memref<10240x144xf32, #tpu.memory_space<vmem_shared>> -> memref<40x144xf32, #tpu.memory_space<vmem_shared>>
      %dma_start3A_82 = arith.constant 0 : i32
      %dma_start3A_83 = tpu.memref_slice %arg13[%add3A_22, %dma_start3A_82] : memref<10240x144xf32, #tpu.memory_space<vmem_shared>> -> memref<40x144xf32, #tpu.memory_space<vmem_shared>>
      tpu.enqueue_dma source(%arg12 : memref<40x144xf32, #tpu.memory_space<vmem>>) target(%dma_start3A_83 : memref<40x144xf32, #tpu.memory_space<vmem_shared>>) target_semaphore(%run_scoped3A : memref<!tpu.dma_semaphore, #tpu.memory_space<semaphore_mem>>)
      %dma_wait3A_84 = arith.constant 0 : i32
      %dma_wait3A_85 = tpu.memref_slice %arg13[%add3A_22, %dma_wait3A_84] : memref<10240x144xf32, #tpu.memory_space<vmem_shared>> -> memref<40x144xf32, #tpu.memory_space<vmem_shared>>
      %dma_wait3A_86 = arith.constant 0 : i32
      %dma_wait3A_87 = tpu.memref_slice %arg13[%add3A_22, %dma_wait3A_86] : memref<10240x144xf32, #tpu.memory_space<vmem_shared>> -> memref<40x144xf32, #tpu.memory_space<vmem_shared>>
      tpu.wait_dma2 semaphore(%run_scoped3A : memref<!tpu.dma_semaphore, #tpu.memory_space<semaphore_mem>>) src(%arg12 : memref<40x144xf32, #tpu.memory_space<vmem>>) dst(%dma_wait3A_87 : memref<40x144xf32, #tpu.memory_space<vmem_shared>>)
      tpu.yield
    }) : () -> ()
    %add3A_23 = arith.constant 280 : i32
    %add3A_24 = arith.addi %mul3A_8, %add3A_23 : i32
    "tpu.region"() ({
      %run_scoped3A = tpu.sem_alloc : memref<!tpu.dma_semaphore, #tpu.memory_space<semaphore_mem>>
      %dma_start3A_80 = arith.constant 0 : i32
      %dma_start3A_81 = tpu.memref_slice %arg13[%add3A_24, %dma_start3A_80] : memref<10240x144xf32, #tpu.memory_space<vmem_shared>> -> memref<40x144xf32, #tpu.memory_space<vmem_shared>>
      %dma_start3A_82 = arith.constant 0 : i32
      %dma_start3A_83 = tpu.memref_slice %arg13[%add3A_24, %dma_start3A_82] : memref<10240x144xf32, #tpu.memory_space<vmem_shared>> -> memref<40x144xf32, #tpu.memory_space<vmem_shared>>
      tpu.enqueue_dma source(%arg12 : memref<40x144xf32, #tpu.memory_space<vmem>>) target(%dma_start3A_83 : memref<40x144xf32, #tpu.memory_space<vmem_shared>>) target_semaphore(%run_scoped3A : memref<!tpu.dma_semaphore, #tpu.memory_space<semaphore_mem>>)
      %dma_wait3A_84 = arith.constant 0 : i32
      %dma_wait3A_85 = tpu.memref_slice %arg13[%add3A_24, %dma_wait3A_84] : memref<10240x144xf32, #tpu.memory_space<vmem_shared>> -> memref<40x144xf32, #tpu.memory_space<vmem_shared>>
      %dma_wait3A_86 = arith.constant 0 : i32
      %dma_wait3A_87 = tpu.memref_slice %arg13[%add3A_24, %dma_wait3A_86] : memref<10240x144xf32, #tpu.memory_space<vmem_shared>> -> memref<40x144xf32, #tpu.memory_space<vmem_shared>>
      tpu.wait_dma2 semaphore(%run_scoped3A : memref<!tpu.dma_semaphore, #tpu.memory_space<semaphore_mem>>) src(%arg12 : memref<40x144xf32, #tpu.memory_space<vmem>>) dst(%dma_wait3A_87 : memref<40x144xf32, #tpu.memory_space<vmem_shared>>)
      tpu.yield
    }) : () -> ()
    %add3A_25 = arith.constant 320 : i32
    %add3A_26 = arith.addi %mul3A_8, %add3A_25 : i32
    "tpu.region"() ({
      %run_scoped3A = tpu.sem_alloc : memref<!tpu.dma_semaphore, #tpu.memory_space<semaphore_mem>>
      %dma_start3A_80 = arith.constant 0 : i32
      %dma_start3A_81 = tpu.memref_slice %arg13[%add3A_26, %dma_start3A_80] : memref<10240x144xf32, #tpu.memory_space<vmem_shared>> -> memref<40x144xf32, #tpu.memory_space<vmem_shared>>
      %dma_start3A_82 = arith.constant 0 : i32
      %dma_start3A_83 = tpu.memref_slice %arg13[%add3A_26, %dma_start3A_82] : memref<10240x144xf32, #tpu.memory_space<vmem_shared>> -> memref<40x144xf32, #tpu.memory_space<vmem_shared>>
      tpu.enqueue_dma source(%arg12 : memref<40x144xf32, #tpu.memory_space<vmem>>) target(%dma_start3A_83 : memref<40x144xf32, #tpu.memory_space<vmem_shared>>) target_semaphore(%run_scoped3A : memref<!tpu.dma_semaphore, #tpu.memory_space<semaphore_mem>>)
      %dma_wait3A_84 = arith.constant 0 : i32
      %dma_wait3A_85 = tpu.memref_slice %arg13[%add3A_26, %dma_wait3A_84] : memref<10240x144xf32, #tpu.memory_space<vmem_shared>> -> memref<40x144xf32, #tpu.memory_space<vmem_shared>>
      %dma_wait3A_86 = arith.constant 0 : i32
      %dma_wait3A_87 = tpu.memref_slice %arg13[%add3A_26, %dma_wait3A_86] : memref<10240x144xf32, #tpu.memory_space<vmem_shared>> -> memref<40x144xf32, #tpu.memory_space<vmem_shared>>
      tpu.wait_dma2 semaphore(%run_scoped3A : memref<!tpu.dma_semaphore, #tpu.memory_space<semaphore_mem>>) src(%arg12 : memref<40x144xf32, #tpu.memory_space<vmem>>) dst(%dma_wait3A_87 : memref<40x144xf32, #tpu.memory_space<vmem_shared>>)
      tpu.yield
    }) : () -> ()
    %add3A_27 = arith.constant 360 : i32
    %add3A_28 = arith.addi %mul3A_8, %add3A_27 : i32
    "tpu.region"() ({
      %run_scoped3A = tpu.sem_alloc : memref<!tpu.dma_semaphore, #tpu.memory_space<semaphore_mem>>
      %dma_start3A_80 = arith.constant 0 : i32
      %dma_start3A_81 = tpu.memref_slice %arg13[%add3A_28, %dma_start3A_80] : memref<10240x144xf32, #tpu.memory_space<vmem_shared>> -> memref<40x144xf32, #tpu.memory_space<vmem_shared>>
      %dma_start3A_82 = arith.constant 0 : i32
      %dma_start3A_83 = tpu.memref_slice %arg13[%add3A_28, %dma_start3A_82] : memref<10240x144xf32, #tpu.memory_space<vmem_shared>> -> memref<40x144xf32, #tpu.memory_space<vmem_shared>>
      tpu.enqueue_dma source(%arg12 : memref<40x144xf32, #tpu.memory_space<vmem>>) target(%dma_start3A_83 : memref<40x144xf32, #tpu.memory_space<vmem_shared>>) target_semaphore(%run_scoped3A : memref<!tpu.dma_semaphore, #tpu.memory_space<semaphore_mem>>)
      %dma_wait3A_84 = arith.constant 0 : i32
      %dma_wait3A_85 = tpu.memref_slice %arg13[%add3A_28, %dma_wait3A_84] : memref<10240x144xf32, #tpu.memory_space<vmem_shared>> -> memref<40x144xf32, #tpu.memory_space<vmem_shared>>
      %dma_wait3A_86 = arith.constant 0 : i32
      %dma_wait3A_87 = tpu.memref_slice %arg13[%add3A_28, %dma_wait3A_86] : memref<10240x144xf32, #tpu.memory_space<vmem_shared>> -> memref<40x144xf32, #tpu.memory_space<vmem_shared>>
      tpu.wait_dma2 semaphore(%run_scoped3A : memref<!tpu.dma_semaphore, #tpu.memory_space<semaphore_mem>>) src(%arg12 : memref<40x144xf32, #tpu.memory_space<vmem>>) dst(%dma_wait3A_87 : memref<40x144xf32, #tpu.memory_space<vmem_shared>>)
      tpu.yield
    }) : () -> ()
    %add3A_29 = arith.constant 400 : i32
    %add3A_30 = arith.addi %mul3A_8, %add3A_29 : i32
    "tpu.region"() ({
      %run_scoped3A = tpu.sem_alloc : memref<!tpu.dma_semaphore, #tpu.memory_space<semaphore_mem>>
      %dma_start3A_80 = arith.constant 0 : i32
      %dma_start3A_81 = tpu.memref_slice %arg13[%add3A_30, %dma_start3A_80] : memref<10240x144xf32, #tpu.memory_space<vmem_shared>> -> memref<40x144xf32, #tpu.memory_space<vmem_shared>>
      %dma_start3A_82 = arith.constant 0 : i32
      %dma_start3A_83 = tpu.memref_slice %arg13[%add3A_30, %dma_start3A_82] : memref<10240x144xf32, #tpu.memory_space<vmem_shared>> -> memref<40x144xf32, #tpu.memory_space<vmem_shared>>
      tpu.enqueue_dma source(%arg12 : memref<40x144xf32, #tpu.memory_space<vmem>>) target(%dma_start3A_83 : memref<40x144xf32, #tpu.memory_space<vmem_shared>>) target_semaphore(%run_scoped3A : memref<!tpu.dma_semaphore, #tpu.memory_space<semaphore_mem>>)
      %dma_wait3A_84 = arith.constant 0 : i32
      %dma_wait3A_85 = tpu.memref_slice %arg13[%add3A_30, %dma_wait3A_84] : memref<10240x144xf32, #tpu.memory_space<vmem_shared>> -> memref<40x144xf32, #tpu.memory_space<vmem_shared>>
      %dma_wait3A_86 = arith.constant 0 : i32
      %dma_wait3A_87 = tpu.memref_slice %arg13[%add3A_30, %dma_wait3A_86] : memref<10240x144xf32, #tpu.memory_space<vmem_shared>> -> memref<40x144xf32, #tpu.memory_space<vmem_shared>>
      tpu.wait_dma2 semaphore(%run_scoped3A : memref<!tpu.dma_semaphore, #tpu.memory_space<semaphore_mem>>) src(%arg12 : memref<40x144xf32, #tpu.memory_space<vmem>>) dst(%dma_wait3A_87 : memref<40x144xf32, #tpu.memory_space<vmem_shared>>)
      tpu.yield
    }) : () -> ()
    %add3A_31 = arith.constant 440 : i32
    %add3A_32 = arith.addi %mul3A_8, %add3A_31 : i32
    "tpu.region"() ({
      %run_scoped3A = tpu.sem_alloc : memref<!tpu.dma_semaphore, #tpu.memory_space<semaphore_mem>>
      %dma_start3A_80 = arith.constant 0 : i32
      %dma_start3A_81 = tpu.memref_slice %arg13[%add3A_32, %dma_start3A_80] : memref<10240x144xf32, #tpu.memory_space<vmem_shared>> -> memref<40x144xf32, #tpu.memory_space<vmem_shared>>
      %dma_start3A_82 = arith.constant 0 : i32
      %dma_start3A_83 = tpu.memref_slice %arg13[%add3A_32, %dma_start3A_82] : memref<10240x144xf32, #tpu.memory_space<vmem_shared>> -> memref<40x144xf32, #tpu.memory_space<vmem_shared>>
      tpu.enqueue_dma source(%arg12 : memref<40x144xf32, #tpu.memory_space<vmem>>) target(%dma_start3A_83 : memref<40x144xf32, #tpu.memory_space<vmem_shared>>) target_semaphore(%run_scoped3A : memref<!tpu.dma_semaphore, #tpu.memory_space<semaphore_mem>>)
      %dma_wait3A_84 = arith.constant 0 : i32
      %dma_wait3A_85 = tpu.memref_slice %arg13[%add3A_32, %dma_wait3A_84] : memref<10240x144xf32, #tpu.memory_space<vmem_shared>> -> memref<40x144xf32, #tpu.memory_space<vmem_shared>>
      %dma_wait3A_86 = arith.constant 0 : i32
      %dma_wait3A_87 = tpu.memref_slice %arg13[%add3A_32, %dma_wait3A_86] : memref<10240x144xf32, #tpu.memory_space<vmem_shared>> -> memref<40x144xf32, #tpu.memory_space<vmem_shared>>
      tpu.wait_dma2 semaphore(%run_scoped3A : memref<!tpu.dma_semaphore, #tpu.memory_space<semaphore_mem>>) src(%arg12 : memref<40x144xf32, #tpu.memory_space<vmem>>) dst(%dma_wait3A_87 : memref<40x144xf32, #tpu.memory_space<vmem_shared>>)
      tpu.yield
    }) : () -> ()
    %add3A_33 = arith.constant 480 : i32
    %add3A_34 = arith.addi %mul3A_8, %add3A_33 : i32
    "tpu.region"() ({
      %run_scoped3A = tpu.sem_alloc : memref<!tpu.dma_semaphore, #tpu.memory_space<semaphore_mem>>
      %dma_start3A_80 = arith.constant 0 : i32
      %dma_start3A_81 = tpu.memref_slice %arg13[%add3A_34, %dma_start3A_80] : memref<10240x144xf32, #tpu.memory_space<vmem_shared>> -> memref<40x144xf32, #tpu.memory_space<vmem_shared>>
      %dma_start3A_82 = arith.constant 0 : i32
      %dma_start3A_83 = tpu.memref_slice %arg13[%add3A_34, %dma_start3A_82] : memref<10240x144xf32, #tpu.memory_space<vmem_shared>> -> memref<40x144xf32, #tpu.memory_space<vmem_shared>>
      tpu.enqueue_dma source(%arg12 : memref<40x144xf32, #tpu.memory_space<vmem>>) target(%dma_start3A_83 : memref<40x144xf32, #tpu.memory_space<vmem_shared>>) target_semaphore(%run_scoped3A : memref<!tpu.dma_semaphore, #tpu.memory_space<semaphore_mem>>)
      %dma_wait3A_84 = arith.constant 0 : i32
      %dma_wait3A_85 = tpu.memref_slice %arg13[%add3A_34, %dma_wait3A_84] : memref<10240x144xf32, #tpu.memory_space<vmem_shared>> -> memref<40x144xf32, #tpu.memory_space<vmem_shared>>
      %dma_wait3A_86 = arith.constant 0 : i32
      %dma_wait3A_87 = tpu.memref_slice %arg13[%add3A_34, %dma_wait3A_86] : memref<10240x144xf32, #tpu.memory_space<vmem_shared>> -> memref<40x144xf32, #tpu.memory_space<vmem_shared>>
      tpu.wait_dma2 semaphore(%run_scoped3A : memref<!tpu.dma_semaphore, #tpu.memory_space<semaphore_mem>>) src(%arg12 : memref<40x144xf32, #tpu.memory_space<vmem>>) dst(%dma_wait3A_87 : memref<40x144xf32, #tpu.memory_space<vmem_shared>>)
      tpu.yield
    }) : () -> ()
    %add3A_35 = arith.constant 520 : i32
    %add3A_36 = arith.addi %mul3A_8, %add3A_35 : i32
    "tpu.region"() ({
      %run_scoped3A = tpu.sem_alloc : memref<!tpu.dma_semaphore, #tpu.memory_space<semaphore_mem>>
      %dma_start3A_80 = arith.constant 0 : i32
      %dma_start3A_81 = tpu.memref_slice %arg13[%add3A_36, %dma_start3A_80] : memref<10240x144xf32, #tpu.memory_space<vmem_shared>> -> memref<40x144xf32, #tpu.memory_space<vmem_shared>>
      %dma_start3A_82 = arith.constant 0 : i32
      %dma_start3A_83 = tpu.memref_slice %arg13[%add3A_36, %dma_start3A_82] : memref<10240x144xf32, #tpu.memory_space<vmem_shared>> -> memref<40x144xf32, #tpu.memory_space<vmem_shared>>
      tpu.enqueue_dma source(%arg12 : memref<40x144xf32, #tpu.memory_space<vmem>>) target(%dma_start3A_83 : memref<40x144xf32, #tpu.memory_space<vmem_shared>>) target_semaphore(%run_scoped3A : memref<!tpu.dma_semaphore, #tpu.memory_space<semaphore_mem>>)
      %dma_wait3A_84 = arith.constant 0 : i32
      %dma_wait3A_85 = tpu.memref_slice %arg13[%add3A_36, %dma_wait3A_84] : memref<10240x144xf32, #tpu.memory_space<vmem_shared>> -> memref<40x144xf32, #tpu.memory_space<vmem_shared>>
      %dma_wait3A_86 = arith.constant 0 : i32
      %dma_wait3A_87 = tpu.memref_slice %arg13[%add3A_36, %dma_wait3A_86] : memref<10240x144xf32, #tpu.memory_space<vmem_shared>> -> memref<40x144xf32, #tpu.memory_space<vmem_shared>>
      tpu.wait_dma2 semaphore(%run_scoped3A : memref<!tpu.dma_semaphore, #tpu.memory_space<semaphore_mem>>) src(%arg12 : memref<40x144xf32, #tpu.memory_space<vmem>>) dst(%dma_wait3A_87 : memref<40x144xf32, #tpu.memory_space<vmem_shared>>)
      tpu.yield
    }) : () -> ()
    %add3A_37 = arith.constant 560 : i32
    %add3A_38 = arith.addi %mul3A_8, %add3A_37 : i32
    "tpu.region"() ({
      %run_scoped3A = tpu.sem_alloc : memref<!tpu.dma_semaphore, #tpu.memory_space<semaphore_mem>>
      %dma_start3A_80 = arith.constant 0 : i32
      %dma_start3A_81 = tpu.memref_slice %arg13[%add3A_38, %dma_start3A_80] : memref<10240x144xf32, #tpu.memory_space<vmem_shared>> -> memref<40x144xf32, #tpu.memory_space<vmem_shared>>
      %dma_start3A_82 = arith.constant 0 : i32
      %dma_start3A_83 = tpu.memref_slice %arg13[%add3A_38, %dma_start3A_82] : memref<10240x144xf32, #tpu.memory_space<vmem_shared>> -> memref<40x144xf32, #tpu.memory_space<vmem_shared>>
      tpu.enqueue_dma source(%arg12 : memref<40x144xf32, #tpu.memory_space<vmem>>) target(%dma_start3A_83 : memref<40x144xf32, #tpu.memory_space<vmem_shared>>) target_semaphore(%run_scoped3A : memref<!tpu.dma_semaphore, #tpu.memory_space<semaphore_mem>>)
      %dma_wait3A_84 = arith.constant 0 : i32
      %dma_wait3A_85 = tpu.memref_slice %arg13[%add3A_38, %dma_wait3A_84] : memref<10240x144xf32, #tpu.memory_space<vmem_shared>> -> memref<40x144xf32, #tpu.memory_space<vmem_shared>>
      %dma_wait3A_86 = arith.constant 0 : i32
      %dma_wait3A_87 = tpu.memref_slice %arg13[%add3A_38, %dma_wait3A_86] : memref<10240x144xf32, #tpu.memory_space<vmem_shared>> -> memref<40x144xf32, #tpu.memory_space<vmem_shared>>
      tpu.wait_dma2 semaphore(%run_scoped3A : memref<!tpu.dma_semaphore, #tpu.memory_space<semaphore_mem>>) src(%arg12 : memref<40x144xf32, #tpu.memory_space<vmem>>) dst(%dma_wait3A_87 : memref<40x144xf32, #tpu.memory_space<vmem_shared>>)
      tpu.yield
    }) : () -> ()
    %add3A_39 = arith.constant 600 : i32
    %add3A_40 = arith.addi %mul3A_8, %add3A_39 : i32
    "tpu.region"() ({
      %run_scoped3A = tpu.sem_alloc : memref<!tpu.dma_semaphore, #tpu.memory_space<semaphore_mem>>
      %dma_start3A_80 = arith.constant 0 : i32
      %dma_start3A_81 = tpu.memref_slice %arg13[%add3A_40, %dma_start3A_80] : memref<10240x144xf32, #tpu.memory_space<vmem_shared>> -> memref<40x144xf32, #tpu.memory_space<vmem_shared>>
      %dma_start3A_82 = arith.constant 0 : i32
      %dma_start3A_83 = tpu.memref_slice %arg13[%add3A_40, %dma_start3A_82] : memref<10240x144xf32, #tpu.memory_space<vmem_shared>> -> memref<40x144xf32, #tpu.memory_space<vmem_shared>>
      tpu.enqueue_dma source(%arg12 : memref<40x144xf32, #tpu.memory_space<vmem>>) target(%dma_start3A_83 : memref<40x144xf32, #tpu.memory_space<vmem_shared>>) target_semaphore(%run_scoped3A : memref<!tpu.dma_semaphore, #tpu.memory_space<semaphore_mem>>)
      %dma_wait3A_84 = arith.constant 0 : i32
      %dma_wait3A_85 = tpu.memref_slice %arg13[%add3A_40, %dma_wait3A_84] : memref<10240x144xf32, #tpu.memory_space<vmem_shared>> -> memref<40x144xf32, #tpu.memory_space<vmem_shared>>
      %dma_wait3A_86 = arith.constant 0 : i32
      %dma_wait3A_87 = tpu.memref_slice %arg13[%add3A_40, %dma_wait3A_86] : memref<10240x144xf32, #tpu.memory_space<vmem_shared>> -> memref<40x144xf32, #tpu.memory_space<vmem_shared>>
      tpu.wait_dma2 semaphore(%run_scoped3A : memref<!tpu.dma_semaphore, #tpu.memory_space<semaphore_mem>>) src(%arg12 : memref<40x144xf32, #tpu.memory_space<vmem>>) dst(%dma_wait3A_87 : memref<40x144xf32, #tpu.memory_space<vmem_shared>>)
      tpu.yield
    }) : () -> ()
    %barrier3A = arith.constant 0 : index
    tpu.barrier barrier_id(%barrier3A)
    %mul3A_41 = arith.constant 250 : i32
    %mul3A_42 = arith.muli %add3A, %mul3A_41 : i32
    "tpu.region"() ({
      %run_scoped3A = tpu.sem_alloc : memref<!tpu.dma_semaphore, #tpu.memory_space<semaphore_mem>>
      %dma_start3A_80 = arith.constant 0 : i32
      %dma_start3A_81 = arith.constant 0 : i32
      %dma_start3A_82 = tpu.memref_slice %arg4[%mul3A_42, %dma_start3A_80, %dma_start3A_81] : memref<8001x2x40xi32, #tpu.memory_space<hbm>> -> memref<1x2x40xi32, #tpu.memory_space<hbm>>
      %dma_start3A_83 = tpu.memref_squeeze %dma_start3A_82 : memref<1x2x40xi32, #tpu.memory_space<hbm>> -> memref<2x40xi32, #tpu.memory_space<hbm>>
      %dma_start3A_84 = arith.constant 0 : i32
      %dma_start3A_85 = arith.constant 0 : i32
      %dma_start3A_86 = tpu.memref_slice %arg4[%mul3A_42, %dma_start3A_84, %dma_start3A_85] : memref<8001x2x40xi32, #tpu.memory_space<hbm>> -> memref<1x2x40xi32, #tpu.memory_space<hbm>>
      %dma_start3A_87 = tpu.memref_squeeze %dma_start3A_86 : memref<1x2x40xi32, #tpu.memory_space<hbm>> -> memref<2x40xi32, #tpu.memory_space<hbm>>
      tpu.enqueue_dma source(%dma_start3A_87 : memref<2x40xi32, #tpu.memory_space<hbm>>) target(%arg6 : memref<2x40xi32, #tpu.memory_space<vmem>>) target_semaphore(%run_scoped3A : memref<!tpu.dma_semaphore, #tpu.memory_space<semaphore_mem>>)
      %dma_wait3A_88 = arith.constant 0 : i32
      %dma_wait3A_89 = arith.constant 0 : i32
      %dma_wait3A_90 = tpu.memref_slice %arg4[%mul3A_42, %dma_wait3A_88, %dma_wait3A_89] : memref<8001x2x40xi32, #tpu.memory_space<hbm>> -> memref<1x2x40xi32, #tpu.memory_space<hbm>>
      %dma_wait3A_91 = tpu.memref_squeeze %dma_wait3A_90 : memref<1x2x40xi32, #tpu.memory_space<hbm>> -> memref<2x40xi32, #tpu.memory_space<hbm>>
      %dma_wait3A_92 = arith.constant 0 : i32
      %dma_wait3A_93 = arith.constant 0 : i32
      %dma_wait3A_94 = tpu.memref_slice %arg4[%mul3A_42, %dma_wait3A_92, %dma_wait3A_93] : memref<8001x2x40xi32, #tpu.memory_space<hbm>> -> memref<1x2x40xi32, #tpu.memory_space<hbm>>
      %dma_wait3A_95 = tpu.memref_squeeze %dma_wait3A_94 : memref<1x2x40xi32, #tpu.memory_space<hbm>> -> memref<2x40xi32, #tpu.memory_space<hbm>>
      tpu.wait_dma2 semaphore(%run_scoped3A : memref<!tpu.dma_semaphore, #tpu.memory_space<semaphore_mem>>) src(%dma_wait3A_95 : memref<2x40xi32, #tpu.memory_space<hbm>>) dst(%arg6 : memref<2x40xi32, #tpu.memory_space<vmem>>)
      tpu.yield
    }) : () -> ()
    %dma_start3A = arith.constant 0 : i32
    %dma_start3A_43 = arith.constant 0 : i32
    %dma_start3A_44 = tpu.memref_slice %arg6[%dma_start3A, %dma_start3A_43] : memref<2x40xi32, #tpu.memory_space<vmem>> -> memref<1x40xi32, #tpu.memory_space<vmem>>
    %dma_start3A_45 = tpu.memref_squeeze %dma_start3A_44 : memref<1x40xi32, #tpu.memory_space<vmem>> -> memref<40xi32, #tpu.memory_space<vmem>>
    %dma_start3A_46 = arith.constant 0 : i32
    %dma_start3A_47 = arith.constant 0 : i32
    %dma_start3A_48 = tpu.memref_slice %arg2[%dma_start3A_46, %dma_start3A_47] : memref<10240x256xf32, #tpu.memory_space<hbm>> -> memref<10240x256xf32, #tpu.memory_space<hbm>>
    tpu.enqueue_indirect_dma source(%dma_start3A_48 : memref<10240x256xf32, #tpu.memory_space<hbm>>) target(%arg8 : memref<40x256xf32, #tpu.memory_space<vmem>>) offsets(%dma_start3A_45 : memref<40xi32, #tpu.memory_space<vmem>>) semaphore(%arg14 : memref<!tpu.dma_semaphore, #tpu.memory_space<semaphore_mem>>)
    %dma_start3A_49 = arith.constant 1 : i32
    %dma_start3A_50 = arith.constant 0 : i32
    %dma_start3A_51 = tpu.memref_slice %arg6[%dma_start3A_49, %dma_start3A_50] : memref<2x40xi32, #tpu.memory_space<vmem>> -> memref<1x40xi32, #tpu.memory_space<vmem>>
    %dma_start3A_52 = tpu.memref_squeeze %dma_start3A_51 : memref<1x40xi32, #tpu.memory_space<vmem>> -> memref<40xi32, #tpu.memory_space<vmem>>
    %dma_start3A_53 = arith.constant 0 : i32
    %dma_start3A_54 = arith.constant 0 : i32
    %dma_start3A_55 = tpu.memref_slice %arg3[%dma_start3A_53, %dma_start3A_54] : memref<10240x128xf32, #tpu.memory_space<hbm>> -> memref<10240x128xf32, #tpu.memory_space<hbm>>
    tpu.enqueue_indirect_dma source(%dma_start3A_55 : memref<10240x128xf32, #tpu.memory_space<hbm>>) target(%arg10 : memref<40x128xf32, #tpu.memory_space<vmem>>) offsets(%dma_start3A_52 : memref<40xi32, #tpu.memory_space<vmem>>) semaphore(%arg14 : memref<!tpu.dma_semaphore, #tpu.memory_space<semaphore_mem>>)
    %scan3A_56 = arith.constant 0 : i32
    %scan3A_57 = arith.constant 0 : i32
    %scan3A_58 = arith.constant 125 : i32
    %scan3A_59 = arith.addi %scan3A_57, %scan3A_58 : i32
    %scan3A_60 = arith.constant 1 : i32
    scf.for %scan3A_80 = %scan3A_57 to %scan3A_59 step %scan3A_60  : i32 {
      %mul3A_81 = arith.constant 2 : i32
      %mul3A_82 = arith.muli %scan3A_80, %mul3A_81 : i32
      %add3A_83 = arith.constant 0 : i32
      %add3A_84 = arith.addi %mul3A_82, %add3A_83 : i32
      %add3A_85 = arith.addi %mul3A_42, %add3A_84 : i32
      %add3A_86 = arith.constant 1 : i32
      %add3A_87 = arith.addi %add3A_85, %add3A_86 : i32
      "tpu.region"() ({
        %run_scoped3A_157 = tpu.sem_alloc : memref<!tpu.dma_semaphore, #tpu.memory_space<semaphore_mem>>
        %dma_start3A_158 = arith.constant 0 : i32
        %dma_start3A_159 = arith.constant 0 : i32
        %dma_start3A_160 = tpu.memref_slice %arg4[%add3A_87, %dma_start3A_158, %dma_start3A_159] : memref<8001x2x40xi32, #tpu.memory_space<hbm>> -> memref<1x2x40xi32, #tpu.memory_space<hbm>>
        %dma_start3A_161 = tpu.memref_squeeze %dma_start3A_160 : memref<1x2x40xi32, #tpu.memory_space<hbm>> -> memref<2x40xi32, #tpu.memory_space<hbm>>
        %dma_start3A_162 = arith.constant 0 : i32
        %dma_start3A_163 = arith.constant 0 : i32
        %dma_start3A_164 = tpu.memref_slice %arg4[%add3A_87, %dma_start3A_162, %dma_start3A_163] : memref<8001x2x40xi32, #tpu.memory_space<hbm>> -> memref<1x2x40xi32, #tpu.memory_space<hbm>>
        %dma_start3A_165 = tpu.memref_squeeze %dma_start3A_164 : memref<1x2x40xi32, #tpu.memory_space<hbm>> -> memref<2x40xi32, #tpu.memory_space<hbm>>
        tpu.enqueue_dma source(%dma_start3A_165 : memref<2x40xi32, #tpu.memory_space<hbm>>) target(%arg7 : memref<2x40xi32, #tpu.memory_space<vmem>>) target_semaphore(%run_scoped3A_157 : memref<!tpu.dma_semaphore, #tpu.memory_space<semaphore_mem>>)
        %dma_wait3A_166 = arith.constant 0 : i32
        %dma_wait3A_167 = arith.constant 0 : i32
        %dma_wait3A_168 = tpu.memref_slice %arg4[%add3A_87, %dma_wait3A_166, %dma_wait3A_167] : memref<8001x2x40xi32, #tpu.memory_space<hbm>> -> memref<1x2x40xi32, #tpu.memory_space<hbm>>
        %dma_wait3A_169 = tpu.memref_squeeze %dma_wait3A_168 : memref<1x2x40xi32, #tpu.memory_space<hbm>> -> memref<2x40xi32, #tpu.memory_space<hbm>>
        %dma_wait3A_170 = arith.constant 0 : i32
        %dma_wait3A_171 = arith.constant 0 : i32
        %dma_wait3A_172 = tpu.memref_slice %arg4[%add3A_87, %dma_wait3A_170, %dma_wait3A_171] : memref<8001x2x40xi32, #tpu.memory_space<hbm>> -> memref<1x2x40xi32, #tpu.memory_space<hbm>>
        %dma_wait3A_173 = tpu.memref_squeeze %dma_wait3A_172 : memref<1x2x40xi32, #tpu.memory_space<hbm>> -> memref<2x40xi32, #tpu.memory_space<hbm>>
        tpu.wait_dma2 semaphore(%run_scoped3A_157 : memref<!tpu.dma_semaphore, #tpu.memory_space<semaphore_mem>>) src(%dma_wait3A_173 : memref<2x40xi32, #tpu.memory_space<hbm>>) dst(%arg7 : memref<2x40xi32, #tpu.memory_space<vmem>>)
        tpu.yield
      }) : () -> ()
      %dma_start3A_88 = arith.constant 0 : i32
      %dma_start3A_89 = arith.constant 0 : i32
      %dma_start3A_90 = tpu.memref_slice %arg7[%dma_start3A_88, %dma_start3A_89] : memref<2x40xi32, #tpu.memory_space<vmem>> -> memref<1x40xi32, #tpu.memory_space<vmem>>
      %dma_start3A_91 = tpu.memref_squeeze %dma_start3A_90 : memref<1x40xi32, #tpu.memory_space<vmem>> -> memref<40xi32, #tpu.memory_space<vmem>>
      %dma_start3A_92 = arith.constant 0 : i32
      %dma_start3A_93 = arith.constant 0 : i32
      %dma_start3A_94 = tpu.memref_slice %arg2[%dma_start3A_92, %dma_start3A_93] : memref<10240x256xf32, #tpu.memory_space<hbm>> -> memref<10240x256xf32, #tpu.memory_space<hbm>>
      tpu.enqueue_indirect_dma source(%dma_start3A_94 : memref<10240x256xf32, #tpu.memory_space<hbm>>) target(%arg9 : memref<40x256xf32, #tpu.memory_space<vmem>>) offsets(%dma_start3A_91 : memref<40xi32, #tpu.memory_space<vmem>>) semaphore(%arg15 : memref<!tpu.dma_semaphore, #tpu.memory_space<semaphore_mem>>)
      %dma_start3A_95 = arith.constant 1 : i32
      %dma_start3A_96 = arith.constant 0 : i32
      %dma_start3A_97 = tpu.memref_slice %arg7[%dma_start3A_95, %dma_start3A_96] : memref<2x40xi32, #tpu.memory_space<vmem>> -> memref<1x40xi32, #tpu.memory_space<vmem>>
      %dma_start3A_98 = tpu.memref_squeeze %dma_start3A_97 : memref<1x40xi32, #tpu.memory_space<vmem>> -> memref<40xi32, #tpu.memory_space<vmem>>
      %dma_start3A_99 = arith.constant 0 : i32
      %dma_start3A_100 = arith.constant 0 : i32
      %dma_start3A_101 = tpu.memref_slice %arg3[%dma_start3A_99, %dma_start3A_100] : memref<10240x128xf32, #tpu.memory_space<hbm>> -> memref<10240x128xf32, #tpu.memory_space<hbm>>
      tpu.enqueue_indirect_dma source(%dma_start3A_101 : memref<10240x128xf32, #tpu.memory_space<hbm>>) target(%arg11 : memref<40x128xf32, #tpu.memory_space<vmem>>) offsets(%dma_start3A_98 : memref<40xi32, #tpu.memory_space<vmem>>) semaphore(%arg15 : memref<!tpu.dma_semaphore, #tpu.memory_space<semaphore_mem>>)
      %dma_wait3A_102 = arith.constant 0 : i32
      %dma_wait3A_103 = arith.constant 0 : i32
      %dma_wait3A_104 = tpu.memref_slice %arg6[%dma_wait3A_102, %dma_wait3A_103] : memref<2x40xi32, #tpu.memory_space<vmem>> -> memref<1x40xi32, #tpu.memory_space<vmem>>
      %dma_wait3A_105 = tpu.memref_squeeze %dma_wait3A_104 : memref<1x40xi32, #tpu.memory_space<vmem>> -> memref<40xi32, #tpu.memory_space<vmem>>
      %dma_wait3A_106 = arith.constant 0 : i32
      %dma_wait3A_107 = arith.constant 0 : i32
      %dma_wait3A_108 = tpu.memref_slice %arg2[%dma_wait3A_106, %dma_wait3A_107] : memref<10240x256xf32, #tpu.memory_space<hbm>> -> memref<10240x256xf32, #tpu.memory_space<hbm>>
      tpu.wait_indirect_dma semaphore(%arg14 : memref<!tpu.dma_semaphore, #tpu.memory_space<semaphore_mem>>) src(%dma_wait3A_108 : memref<10240x256xf32, #tpu.memory_space<hbm>>) dst(%arg8 : memref<40x256xf32, #tpu.memory_space<vmem>>)
      %dma_wait3A_109 = arith.constant 1 : i32
      %dma_wait3A_110 = arith.constant 0 : i32
      %dma_wait3A_111 = tpu.memref_slice %arg6[%dma_wait3A_109, %dma_wait3A_110] : memref<2x40xi32, #tpu.memory_space<vmem>> -> memref<1x40xi32, #tpu.memory_space<vmem>>
      %dma_wait3A_112 = tpu.memref_squeeze %dma_wait3A_111 : memref<1x40xi32, #tpu.memory_space<vmem>> -> memref<40xi32, #tpu.memory_space<vmem>>
      %dma_wait3A_113 = arith.constant 0 : i32
      %dma_wait3A_114 = arith.constant 0 : i32
      %dma_wait3A_115 = tpu.memref_slice %arg3[%dma_wait3A_113, %dma_wait3A_114] : memref<10240x128xf32, #tpu.memory_space<hbm>> -> memref<10240x128xf32, #tpu.memory_space<hbm>>
      tpu.wait_indirect_dma semaphore(%arg14 : memref<!tpu.dma_semaphore, #tpu.memory_space<semaphore_mem>>) src(%dma_wait3A_115 : memref<10240x128xf32, #tpu.memory_space<hbm>>) dst(%arg10 : memref<40x128xf32, #tpu.memory_space<vmem>>)
      %parallel_loop3A = arith.constant 0 : i32
      %parallel_loop3A_116 = arith.constant 40 : i32
      %parallel_loop3A_117 = arith.constant 1 : i32
      scf.for %parallel_loop3A_157 = %parallel_loop3A to %parallel_loop3A_116 step %parallel_loop3A_117  : i32 {
        %parallel_loop3A_158 = arith.index_cast %parallel_loop3A_157 : i32 to index
        %parallel_loop3A_159 = arith.constant 0 : index
        %parallel_loop3A_160 = tpu.vector_load %arg8[%parallel_loop3A_158, %parallel_loop3A_159] {strides = array<i32>} : memref<40x256xf32, #tpu.memory_space<vmem>>, vector<16xf32>,
        %parallel_loop3A_161 = arith.index_cast %parallel_loop3A_157 : i32 to index
        %parallel_loop3A_162 = arith.constant 0 : index
        %parallel_loop3A_163 = tpu.vector_load %arg10[%parallel_loop3A_161, %parallel_loop3A_162] {strides = array<i32>} : memref<40x128xf32, #tpu.memory_space<vmem>>, vector<16xf32>,
        %parallel_loop3A_164 = arith.mulf %parallel_loop3A_160, %parallel_loop3A_163 : vector<16xf32>
        %parallel_loop3A_165 = arith.constant true
        %parallel_loop3A_166 = vector.broadcast %parallel_loop3A_165 : i1 to vector<16xi1>
        %parallel_loop3A_167 = tpu.scan <sum>, %parallel_loop3A_164 masked %parallel_loop3A_166 : vector<16xf32>, vector<16xi1> -> vector<16xf32>
        %parallel_loop3A_168 = vector.extract %parallel_loop3A_167[15] : f32 from vector<16xf32>
        %parallel_loop3A_169 = vector.broadcast %parallel_loop3A_168 : f32 to vector<16xf32>
        %parallel_loop3A_170 = arith.constant 2.500000e-01 : f32
        %parallel_loop3A_171 = vector.broadcast %parallel_loop3A_170 : f32 to vector<16xf32>
        %parallel_loop3A_172 = arith.mulf %parallel_loop3A_169, %parallel_loop3A_171 : vector<16xf32>
        %parallel_loop3A_173 = arith.constant -5.000000e+00 : f32
        %parallel_loop3A_174 = vector.broadcast %parallel_loop3A_173 : f32 to vector<16xf32>
        %parallel_loop3A_175 = arith.maximumf %parallel_loop3A_172, %parallel_loop3A_174 : vector<16xf32>
        %parallel_loop3A_176 = arith.constant 5.000000e+00 : f32
        %parallel_loop3A_177 = vector.broadcast %parallel_loop3A_176 : f32 to vector<16xf32>
        %parallel_loop3A_178 = arith.minimumf %parallel_loop3A_175, %parallel_loop3A_177 : vector<16xf32>
        %parallel_loop3A_179 = math.exp %parallel_loop3A_178 : vector<16xf32>
        %parallel_loop3A_180 = arith.index_cast %parallel_loop3A_157 : i32 to index
        %parallel_loop3A_181 = arith.constant 128 : index
        %parallel_loop3A_182 = tpu.vector_load %arg8[%parallel_loop3A_180, %parallel_loop3A_181] {strides = array<i32>} : memref<40x256xf32, #tpu.memory_space<vmem>>, vector<16xf32>,
        %parallel_loop3A_183 = arith.mulf %parallel_loop3A_182, %parallel_loop3A_179 : vector<16xf32>
        %parallel_loop3A_184 = arith.index_cast %parallel_loop3A_157 : i32 to index
        %parallel_loop3A_185 = arith.constant 0 : index
        %parallel_loop3A_186 = tpu.vector_load %arg12[%parallel_loop3A_184, %parallel_loop3A_185] {strides = array<i32>} : memref<40x144xf32, #tpu.memory_space<vmem>>, vector<16xf32>,
        tpu.vector_store %arg12[%parallel_loop3A_184, %parallel_loop3A_185], %parallel_loop3A_183 {strides = array<i32>} : memref<40x144xf32, #tpu.memory_space<vmem>>, vector<16xf32>,
        %parallel_loop3A_187 = arith.constant 0 : i32
        %parallel_loop3A_188 = vector.broadcast %parallel_loop3A_187 : i32 to vector<16xi32>
        %parallel_loop3A_189 = arith.cmpi eq, %iota3A, %parallel_loop3A_188 : vector<16xi32>
        %parallel_loop3A_190 = arith.select %parallel_loop3A_189, %parallel_loop3A_179, %broadcast_in_dim3A_1 : vector<16xi1>, vector<16xf32>
        %parallel_loop3A_191 = arith.index_cast %parallel_loop3A_157 : i32 to index
        %parallel_loop3A_192 = arith.constant 16 : index
        %parallel_loop3A_193 = tpu.vector_load %arg8[%parallel_loop3A_191, %parallel_loop3A_192] {strides = array<i32>} : memref<40x256xf32, #tpu.memory_space<vmem>>, vector<16xf32>,
        %parallel_loop3A_194 = arith.index_cast %parallel_loop3A_157 : i32 to index
        %parallel_loop3A_195 = arith.constant 16 : index
        %parallel_loop3A_196 = tpu.vector_load %arg10[%parallel_loop3A_194, %parallel_loop3A_195] {strides = array<i32>} : memref<40x128xf32, #tpu.memory_space<vmem>>, vector<16xf32>,
        %parallel_loop3A_197 = arith.mulf %parallel_loop3A_193, %parallel_loop3A_196 : vector<16xf32>
        %parallel_loop3A_198 = arith.constant true
        %parallel_loop3A_199 = vector.broadcast %parallel_loop3A_198 : i1 to vector<16xi1>
        %parallel_loop3A_200 = tpu.scan <sum>, %parallel_loop3A_197 masked %parallel_loop3A_199 : vector<16xf32>, vector<16xi1> -> vector<16xf32>
        %parallel_loop3A_201 = vector.extract %parallel_loop3A_200[15] : f32 from vector<16xf32>
        %parallel_loop3A_202 = vector.broadcast %parallel_loop3A_201 : f32 to vector<16xf32>
        %parallel_loop3A_203 = arith.constant 2.500000e-01 : f32
        %parallel_loop3A_204 = vector.broadcast %parallel_loop3A_203 : f32 to vector<16xf32>
        %parallel_loop3A_205 = arith.mulf %parallel_loop3A_202, %parallel_loop3A_204 : vector<16xf32>
        %parallel_loop3A_206 = arith.constant -5.000000e+00 : f32
        %parallel_loop3A_207 = vector.broadcast %parallel_loop3A_206 : f32 to vector<16xf32>
        %parallel_loop3A_208 = arith.maximumf %parallel_loop3A_205, %parallel_loop3A_207 : vector<16xf32>
        %parallel_loop3A_209 = arith.constant 5.000000e+00 : f32
        %parallel_loop3A_210 = vector.broadcast %parallel_loop3A_209 : f32 to vector<16xf32>
        %parallel_loop3A_211 = arith.minimumf %parallel_loop3A_208, %parallel_loop3A_210 : vector<16xf32>
        %parallel_loop3A_212 = math.exp %parallel_loop3A_211 : vector<16xf32>
        %parallel_loop3A_213 = arith.index_cast %parallel_loop3A_157 : i32 to index
        %parallel_loop3A_214 = arith.constant 144 : index
        %parallel_loop3A_215 = tpu.vector_load %arg8[%parallel_loop3A_213, %parallel_loop3A_214] {strides = array<i32>} : memref<40x256xf32, #tpu.memory_space<vmem>>, vector<16xf32>,
        %parallel_loop3A_216 = arith.mulf %parallel_loop3A_215, %parallel_loop3A_212 : vector<16xf32>
        %parallel_loop3A_217 = arith.index_cast %parallel_loop3A_157 : i32 to index
        %parallel_loop3A_218 = arith.constant 16 : index
        %parallel_loop3A_219 = tpu.vector_load %arg12[%parallel_loop3A_217, %parallel_loop3A_218] {strides = array<i32>} : memref<40x144xf32, #tpu.memory_space<vmem>>, vector<16xf32>,
        tpu.vector_store %arg12[%parallel_loop3A_217, %parallel_loop3A_218], %parallel_loop3A_216 {strides = array<i32>} : memref<40x144xf32, #tpu.memory_space<vmem>>, vector<16xf32>,
        %parallel_loop3A_220 = arith.constant 1 : i32
        %parallel_loop3A_221 = vector.broadcast %parallel_loop3A_220 : i32 to vector<16xi32>
        %parallel_loop3A_222 = arith.cmpi eq, %iota3A, %parallel_loop3A_221 : vector<16xi32>
        %parallel_loop3A_223 = arith.select %parallel_loop3A_222, %parallel_loop3A_212, %parallel_loop3A_190 : vector<16xi1>, vector<16xf32>
        %parallel_loop3A_224 = arith.index_cast %parallel_loop3A_157 : i32 to index
        %parallel_loop3A_225 = arith.constant 32 : index
        %parallel_loop3A_226 = tpu.vector_load %arg8[%parallel_loop3A_224, %parallel_loop3A_225] {strides = array<i32>} : memref<40x256xf32, #tpu.memory_space<vmem>>, vector<16xf32>,
        %parallel_loop3A_227 = arith.index_cast %parallel_loop3A_157 : i32 to index
        %parallel_loop3A_228 = arith.constant 32 : index
        %parallel_loop3A_229 = tpu.vector_load %arg10[%parallel_loop3A_227, %parallel_loop3A_228] {strides = array<i32>} : memref<40x128xf32, #tpu.memory_space<vmem>>, vector<16xf32>,
        %parallel_loop3A_230 = arith.mulf %parallel_loop3A_226, %parallel_loop3A_229 : vector<16xf32>
        %parallel_loop3A_231 = arith.constant true
        %parallel_loop3A_232 = vector.broadcast %parallel_loop3A_231 : i1 to vector<16xi1>
        %parallel_loop3A_233 = tpu.scan <sum>, %parallel_loop3A_230 masked %parallel_loop3A_232 : vector<16xf32>, vector<16xi1> -> vector<16xf32>
        %parallel_loop3A_234 = vector.extract %parallel_loop3A_233[15] : f32 from vector<16xf32>
        %parallel_loop3A_235 = vector.broadcast %parallel_loop3A_234 : f32 to vector<16xf32>
        %parallel_loop3A_236 = arith.constant 2.500000e-01 : f32
        %parallel_loop3A_237 = vector.broadcast %parallel_loop3A_236 : f32 to vector<16xf32>
        %parallel_loop3A_238 = arith.mulf %parallel_loop3A_235, %parallel_loop3A_237 : vector<16xf32>
        %parallel_loop3A_239 = arith.constant -5.000000e+00 : f32
        %parallel_loop3A_240 = vector.broadcast %parallel_loop3A_239 : f32 to vector<16xf32>
        %parallel_loop3A_241 = arith.maximumf %parallel_loop3A_238, %parallel_loop3A_240 : vector<16xf32>
        %parallel_loop3A_242 = arith.constant 5.000000e+00 : f32
        %parallel_loop3A_243 = vector.broadcast %parallel_loop3A_242 : f32 to vector<16xf32>
        %parallel_loop3A_244 = arith.minimumf %parallel_loop3A_241, %parallel_loop3A_243 : vector<16xf32>
        %parallel_loop3A_245 = math.exp %parallel_loop3A_244 : vector<16xf32>
        %parallel_loop3A_246 = arith.index_cast %parallel_loop3A_157 : i32 to index
        %parallel_loop3A_247 = arith.constant 160 : index
        %parallel_loop3A_248 = tpu.vector_load %arg8[%parallel_loop3A_246, %parallel_loop3A_247] {strides = array<i32>} : memref<40x256xf32, #tpu.memory_space<vmem>>, vector<16xf32>,
        %parallel_loop3A_249 = arith.mulf %parallel_loop3A_248, %parallel_loop3A_245 : vector<16xf32>
        %parallel_loop3A_250 = arith.index_cast %parallel_loop3A_157 : i32 to index
        %parallel_loop3A_251 = arith.constant 32 : index
        %parallel_loop3A_252 = tpu.vector_load %arg12[%parallel_loop3A_250, %parallel_loop3A_251] {strides = array<i32>} : memref<40x144xf32, #tpu.memory_space<vmem>>, vector<16xf32>,
        tpu.vector_store %arg12[%parallel_loop3A_250, %parallel_loop3A_251], %parallel_loop3A_249 {strides = array<i32>} : memref<40x144xf32, #tpu.memory_space<vmem>>, vector<16xf32>,
        %parallel_loop3A_253 = arith.constant 2 : i32
        %parallel_loop3A_254 = vector.broadcast %parallel_loop3A_253 : i32 to vector<16xi32>
        %parallel_loop3A_255 = arith.cmpi eq, %iota3A, %parallel_loop3A_254 : vector<16xi32>
        %parallel_loop3A_256 = arith.select %parallel_loop3A_255, %parallel_loop3A_245, %parallel_loop3A_223 : vector<16xi1>, vector<16xf32>
        %parallel_loop3A_257 = arith.index_cast %parallel_loop3A_157 : i32 to index
        %parallel_loop3A_258 = arith.constant 48 : index
        %parallel_loop3A_259 = tpu.vector_load %arg8[%parallel_loop3A_257, %parallel_loop3A_258] {strides = array<i32>} : memref<40x256xf32, #tpu.memory_space<vmem>>, vector<16xf32>,
        %parallel_loop3A_260 = arith.index_cast %parallel_loop3A_157 : i32 to index
        %parallel_loop3A_261 = arith.constant 48 : index
        %parallel_loop3A_262 = tpu.vector_load %arg10[%parallel_loop3A_260, %parallel_loop3A_261] {strides = array<i32>} : memref<40x128xf32, #tpu.memory_space<vmem>>, vector<16xf32>,
        %parallel_loop3A_263 = arith.mulf %parallel_loop3A_259, %parallel_loop3A_262 : vector<16xf32>
        %parallel_loop3A_264 = arith.constant true
        %parallel_loop3A_265 = vector.broadcast %parallel_loop3A_264 : i1 to vector<16xi1>
        %parallel_loop3A_266 = tpu.scan <sum>, %parallel_loop3A_263 masked %parallel_loop3A_265 : vector<16xf32>, vector<16xi1> -> vector<16xf32>
        %parallel_loop3A_267 = vector.extract %parallel_loop3A_266[15] : f32 from vector<16xf32>
        %parallel_loop3A_268 = vector.broadcast %parallel_loop3A_267 : f32 to vector<16xf32>
        %parallel_loop3A_269 = arith.constant 2.500000e-01 : f32
        %parallel_loop3A_270 = vector.broadcast %parallel_loop3A_269 : f32 to vector<16xf32>
        %parallel_loop3A_271 = arith.mulf %parallel_loop3A_268, %parallel_loop3A_270 : vector<16xf32>
        %parallel_loop3A_272 = arith.constant -5.000000e+00 : f32
        %parallel_loop3A_273 = vector.broadcast %parallel_loop3A_272 : f32 to vector<16xf32>
        %parallel_loop3A_274 = arith.maximumf %parallel_loop3A_271, %parallel_loop3A_273 : vector<16xf32>
        %parallel_loop3A_275 = arith.constant 5.000000e+00 : f32
        %parallel_loop3A_276 = vector.broadcast %parallel_loop3A_275 : f32 to vector<16xf32>
        %parallel_loop3A_277 = arith.minimumf %parallel_loop3A_274, %parallel_loop3A_276 : vector<16xf32>
        %parallel_loop3A_278 = math.exp %parallel_loop3A_277 : vector<16xf32>
        %parallel_loop3A_279 = arith.index_cast %parallel_loop3A_157 : i32 to index
        %parallel_loop3A_280 = arith.constant 176 : index
        %parallel_loop3A_281 = tpu.vector_load %arg8[%parallel_loop3A_279, %parallel_loop3A_280] {strides = array<i32>} : memref<40x256xf32, #tpu.memory_space<vmem>>, vector<16xf32>,
        %parallel_loop3A_282 = arith.mulf %parallel_loop3A_281, %parallel_loop3A_278 : vector<16xf32>
        %parallel_loop3A_283 = arith.index_cast %parallel_loop3A_157 : i32 to index
        %parallel_loop3A_284 = arith.constant 48 : index
        %parallel_loop3A_285 = tpu.vector_load %arg12[%parallel_loop3A_283, %parallel_loop3A_284] {strides = array<i32>} : memref<40x144xf32, #tpu.memory_space<vmem>>, vector<16xf32>,
        tpu.vector_store %arg12[%parallel_loop3A_283, %parallel_loop3A_284], %parallel_loop3A_282 {strides = array<i32>} : memref<40x144xf32, #tpu.memory_space<vmem>>, vector<16xf32>,
        %parallel_loop3A_286 = arith.constant 3 : i32
        %parallel_loop3A_287 = vector.broadcast %parallel_loop3A_286 : i32 to vector<16xi32>
        %parallel_loop3A_288 = arith.cmpi eq, %iota3A, %parallel_loop3A_287 : vector<16xi32>
        %parallel_loop3A_289 = arith.select %parallel_loop3A_288, %parallel_loop3A_278, %parallel_loop3A_256 : vector<16xi1>, vector<16xf32>
        %parallel_loop3A_290 = arith.index_cast %parallel_loop3A_157 : i32 to index
        %parallel_loop3A_291 = arith.constant 64 : index
        %parallel_loop3A_292 = tpu.vector_load %arg8[%parallel_loop3A_290, %parallel_loop3A_291] {strides = array<i32>} : memref<40x256xf32, #tpu.memory_space<vmem>>, vector<16xf32>,
        %parallel_loop3A_293 = arith.index_cast %parallel_loop3A_157 : i32 to index
        %parallel_loop3A_294 = arith.constant 64 : index
        %parallel_loop3A_295 = tpu.vector_load %arg10[%parallel_loop3A_293, %parallel_loop3A_294] {strides = array<i32>} : memref<40x128xf32, #tpu.memory_space<vmem>>, vector<16xf32>,
        %parallel_loop3A_296 = arith.mulf %parallel_loop3A_292, %parallel_loop3A_295 : vector<16xf32>
        %parallel_loop3A_297 = arith.constant true
        %parallel_loop3A_298 = vector.broadcast %parallel_loop3A_297 : i1 to vector<16xi1>
        %parallel_loop3A_299 = tpu.scan <sum>, %parallel_loop3A_296 masked %parallel_loop3A_298 : vector<16xf32>, vector<16xi1> -> vector<16xf32>
        %parallel_loop3A_300 = vector.extract %parallel_loop3A_299[15] : f32 from vector<16xf32>
        %parallel_loop3A_301 = vector.broadcast %parallel_loop3A_300 : f32 to vector<16xf32>
        %parallel_loop3A_302 = arith.constant 2.500000e-01 : f32
        %parallel_loop3A_303 = vector.broadcast %parallel_loop3A_302 : f32 to vector<16xf32>
        %parallel_loop3A_304 = arith.mulf %parallel_loop3A_301, %parallel_loop3A_303 : vector<16xf32>
        %parallel_loop3A_305 = arith.constant -5.000000e+00 : f32
        %parallel_loop3A_306 = vector.broadcast %parallel_loop3A_305 : f32 to vector<16xf32>
        %parallel_loop3A_307 = arith.maximumf %parallel_loop3A_304, %parallel_loop3A_306 : vector<16xf32>
        %parallel_loop3A_308 = arith.constant 5.000000e+00 : f32
        %parallel_loop3A_309 = vector.broadcast %parallel_loop3A_308 : f32 to vector<16xf32>
        %parallel_loop3A_310 = arith.minimumf %parallel_loop3A_307, %parallel_loop3A_309 : vector<16xf32>
        %parallel_loop3A_311 = math.exp %parallel_loop3A_310 : vector<16xf32>
        %parallel_loop3A_312 = arith.index_cast %parallel_loop3A_157 : i32 to index
        %parallel_loop3A_313 = arith.constant 192 : index
        %parallel_loop3A_314 = tpu.vector_load %arg8[%parallel_loop3A_312, %parallel_loop3A_313] {strides = array<i32>} : memref<40x256xf32, #tpu.memory_space<vmem>>, vector<16xf32>,
        %parallel_loop3A_315 = arith.mulf %parallel_loop3A_314, %parallel_loop3A_311 : vector<16xf32>
        %parallel_loop3A_316 = arith.index_cast %parallel_loop3A_157 : i32 to index
        %parallel_loop3A_317 = arith.constant 64 : index
        %parallel_loop3A_318 = tpu.vector_load %arg12[%parallel_loop3A_316, %parallel_loop3A_317] {strides = array<i32>} : memref<40x144xf32, #tpu.memory_space<vmem>>, vector<16xf32>,
        tpu.vector_store %arg12[%parallel_loop3A_316, %parallel_loop3A_317], %parallel_loop3A_315 {strides = array<i32>} : memref<40x144xf32, #tpu.memory_space<vmem>>, vector<16xf32>,
        %parallel_loop3A_319 = arith.constant 4 : i32
        %parallel_loop3A_320 = vector.broadcast %parallel_loop3A_319 : i32 to vector<16xi32>
        %parallel_loop3A_321 = arith.cmpi eq, %iota3A, %parallel_loop3A_320 : vector<16xi32>
        %parallel_loop3A_322 = arith.select %parallel_loop3A_321, %parallel_loop3A_311, %parallel_loop3A_289 : vector<16xi1>, vector<16xf32>
        %parallel_loop3A_323 = arith.index_cast %parallel_loop3A_157 : i32 to index
        %parallel_loop3A_324 = arith.constant 80 : index
        %parallel_loop3A_325 = tpu.vector_load %arg8[%parallel_loop3A_323, %parallel_loop3A_324] {strides = array<i32>} : memref<40x256xf32, #tpu.memory_space<vmem>>, vector<16xf32>,
        %parallel_loop3A_326 = arith.index_cast %parallel_loop3A_157 : i32 to index
        %parallel_loop3A_327 = arith.constant 80 : index
        %parallel_loop3A_328 = tpu.vector_load %arg10[%parallel_loop3A_326, %parallel_loop3A_327] {strides = array<i32>} : memref<40x128xf32, #tpu.memory_space<vmem>>, vector<16xf32>,
        %parallel_loop3A_329 = arith.mulf %parallel_loop3A_325, %parallel_loop3A_328 : vector<16xf32>
        %parallel_loop3A_330 = arith.constant true
        %parallel_loop3A_331 = vector.broadcast %parallel_loop3A_330 : i1 to vector<16xi1>
        %parallel_loop3A_332 = tpu.scan <sum>, %parallel_loop3A_329 masked %parallel_loop3A_331 : vector<16xf32>, vector<16xi1> -> vector<16xf32>
        %parallel_loop3A_333 = vector.extract %parallel_loop3A_332[15] : f32 from vector<16xf32>
        %parallel_loop3A_334 = vector.broadcast %parallel_loop3A_333 : f32 to vector<16xf32>
        %parallel_loop3A_335 = arith.constant 2.500000e-01 : f32
        %parallel_loop3A_336 = vector.broadcast %parallel_loop3A_335 : f32 to vector<16xf32>
        %parallel_loop3A_337 = arith.mulf %parallel_loop3A_334, %parallel_loop3A_336 : vector<16xf32>
        %parallel_loop3A_338 = arith.constant -5.000000e+00 : f32
        %parallel_loop3A_339 = vector.broadcast %parallel_loop3A_338 : f32 to vector<16xf32>
        %parallel_loop3A_340 = arith.maximumf %parallel_loop3A_337, %parallel_loop3A_339 : vector<16xf32>
        %parallel_loop3A_341 = arith.constant 5.000000e+00 : f32
        %parallel_loop3A_342 = vector.broadcast %parallel_loop3A_341 : f32 to vector<16xf32>
        %parallel_loop3A_343 = arith.minimumf %parallel_loop3A_340, %parallel_loop3A_342 : vector<16xf32>
        %parallel_loop3A_344 = math.exp %parallel_loop3A_343 : vector<16xf32>
        %parallel_loop3A_345 = arith.index_cast %parallel_loop3A_157 : i32 to index
        %parallel_loop3A_346 = arith.constant 208 : index
        %parallel_loop3A_347 = tpu.vector_load %arg8[%parallel_loop3A_345, %parallel_loop3A_346] {strides = array<i32>} : memref<40x256xf32, #tpu.memory_space<vmem>>, vector<16xf32>,
        %parallel_loop3A_348 = arith.mulf %parallel_loop3A_347, %parallel_loop3A_344 : vector<16xf32>
        %parallel_loop3A_349 = arith.index_cast %parallel_loop3A_157 : i32 to index
        %parallel_loop3A_350 = arith.constant 80 : index
        %parallel_loop3A_351 = tpu.vector_load %arg12[%parallel_loop3A_349, %parallel_loop3A_350] {strides = array<i32>} : memref<40x144xf32, #tpu.memory_space<vmem>>, vector<16xf32>,
        tpu.vector_store %arg12[%parallel_loop3A_349, %parallel_loop3A_350], %parallel_loop3A_348 {strides = array<i32>} : memref<40x144xf32, #tpu.memory_space<vmem>>, vector<16xf32>,
        %parallel_loop3A_352 = arith.constant 5 : i32
        %parallel_loop3A_353 = vector.broadcast %parallel_loop3A_352 : i32 to vector<16xi32>
        %parallel_loop3A_354 = arith.cmpi eq, %iota3A, %parallel_loop3A_353 : vector<16xi32>
        %parallel_loop3A_355 = arith.select %parallel_loop3A_354, %parallel_loop3A_344, %parallel_loop3A_322 : vector<16xi1>, vector<16xf32>
        %parallel_loop3A_356 = arith.index_cast %parallel_loop3A_157 : i32 to index
        %parallel_loop3A_357 = arith.constant 96 : index
        %parallel_loop3A_358 = tpu.vector_load %arg8[%parallel_loop3A_356, %parallel_loop3A_357] {strides = array<i32>} : memref<40x256xf32, #tpu.memory_space<vmem>>, vector<16xf32>,
        %parallel_loop3A_359 = arith.index_cast %parallel_loop3A_157 : i32 to index
        %parallel_loop3A_360 = arith.constant 96 : index
        %parallel_loop3A_361 = tpu.vector_load %arg10[%parallel_loop3A_359, %parallel_loop3A_360] {strides = array<i32>} : memref<40x128xf32, #tpu.memory_space<vmem>>, vector<16xf32>,
        %parallel_loop3A_362 = arith.mulf %parallel_loop3A_358, %parallel_loop3A_361 : vector<16xf32>
        %parallel_loop3A_363 = arith.constant true
        %parallel_loop3A_364 = vector.broadcast %parallel_loop3A_363 : i1 to vector<16xi1>
        %parallel_loop3A_365 = tpu.scan <sum>, %parallel_loop3A_362 masked %parallel_loop3A_364 : vector<16xf32>, vector<16xi1> -> vector<16xf32>
        %parallel_loop3A_366 = vector.extract %parallel_loop3A_365[15] : f32 from vector<16xf32>
        %parallel_loop3A_367 = vector.broadcast %parallel_loop3A_366 : f32 to vector<16xf32>
        %parallel_loop3A_368 = arith.constant 2.500000e-01 : f32
        %parallel_loop3A_369 = vector.broadcast %parallel_loop3A_368 : f32 to vector<16xf32>
        %parallel_loop3A_370 = arith.mulf %parallel_loop3A_367, %parallel_loop3A_369 : vector<16xf32>
        %parallel_loop3A_371 = arith.constant -5.000000e+00 : f32
        %parallel_loop3A_372 = vector.broadcast %parallel_loop3A_371 : f32 to vector<16xf32>
        %parallel_loop3A_373 = arith.maximumf %parallel_loop3A_370, %parallel_loop3A_372 : vector<16xf32>
        %parallel_loop3A_374 = arith.constant 5.000000e+00 : f32
        %parallel_loop3A_375 = vector.broadcast %parallel_loop3A_374 : f32 to vector<16xf32>
        %parallel_loop3A_376 = arith.minimumf %parallel_loop3A_373, %parallel_loop3A_375 : vector<16xf32>
        %parallel_loop3A_377 = math.exp %parallel_loop3A_376 : vector<16xf32>
        %parallel_loop3A_378 = arith.index_cast %parallel_loop3A_157 : i32 to index
        %parallel_loop3A_379 = arith.constant 224 : index
        %parallel_loop3A_380 = tpu.vector_load %arg8[%parallel_loop3A_378, %parallel_loop3A_379] {strides = array<i32>} : memref<40x256xf32, #tpu.memory_space<vmem>>, vector<16xf32>,
        %parallel_loop3A_381 = arith.mulf %parallel_loop3A_380, %parallel_loop3A_377 : vector<16xf32>
        %parallel_loop3A_382 = arith.index_cast %parallel_loop3A_157 : i32 to index
        %parallel_loop3A_383 = arith.constant 96 : index
        %parallel_loop3A_384 = tpu.vector_load %arg12[%parallel_loop3A_382, %parallel_loop3A_383] {strides = array<i32>} : memref<40x144xf32, #tpu.memory_space<vmem>>, vector<16xf32>,
        tpu.vector_store %arg12[%parallel_loop3A_382, %parallel_loop3A_383], %parallel_loop3A_381 {strides = array<i32>} : memref<40x144xf32, #tpu.memory_space<vmem>>, vector<16xf32>,
        %parallel_loop3A_385 = arith.constant 6 : i32
        %parallel_loop3A_386 = vector.broadcast %parallel_loop3A_385 : i32 to vector<16xi32>
        %parallel_loop3A_387 = arith.cmpi eq, %iota3A, %parallel_loop3A_386 : vector<16xi32>
        %parallel_loop3A_388 = arith.select %parallel_loop3A_387, %parallel_loop3A_377, %parallel_loop3A_355 : vector<16xi1>, vector<16xf32>
        %parallel_loop3A_389 = arith.index_cast %parallel_loop3A_157 : i32 to index
        %parallel_loop3A_390 = arith.constant 112 : index
        %parallel_loop3A_391 = tpu.vector_load %arg8[%parallel_loop3A_389, %parallel_loop3A_390] {strides = array<i32>} : memref<40x256xf32, #tpu.memory_space<vmem>>, vector<16xf32>,
        %parallel_loop3A_392 = arith.index_cast %parallel_loop3A_157 : i32 to index
        %parallel_loop3A_393 = arith.constant 112 : index
        %parallel_loop3A_394 = tpu.vector_load %arg10[%parallel_loop3A_392, %parallel_loop3A_393] {strides = array<i32>} : memref<40x128xf32, #tpu.memory_space<vmem>>, vector<16xf32>,
        %parallel_loop3A_395 = arith.mulf %parallel_loop3A_391, %parallel_loop3A_394 : vector<16xf32>
        %parallel_loop3A_396 = arith.constant true
        %parallel_loop3A_397 = vector.broadcast %parallel_loop3A_396 : i1 to vector<16xi1>
        %parallel_loop3A_398 = tpu.scan <sum>, %parallel_loop3A_395 masked %parallel_loop3A_397 : vector<16xf32>, vector<16xi1> -> vector<16xf32>
        %parallel_loop3A_399 = vector.extract %parallel_loop3A_398[15] : f32 from vector<16xf32>
        %parallel_loop3A_400 = vector.broadcast %parallel_loop3A_399 : f32 to vector<16xf32>
        %parallel_loop3A_401 = arith.constant 2.500000e-01 : f32
        %parallel_loop3A_402 = vector.broadcast %parallel_loop3A_401 : f32 to vector<16xf32>
        %parallel_loop3A_403 = arith.mulf %parallel_loop3A_400, %parallel_loop3A_402 : vector<16xf32>
        %parallel_loop3A_404 = arith.constant -5.000000e+00 : f32
        %parallel_loop3A_405 = vector.broadcast %parallel_loop3A_404 : f32 to vector<16xf32>
        %parallel_loop3A_406 = arith.maximumf %parallel_loop3A_403, %parallel_loop3A_405 : vector<16xf32>
        %parallel_loop3A_407 = arith.constant 5.000000e+00 : f32
        %parallel_loop3A_408 = vector.broadcast %parallel_loop3A_407 : f32 to vector<16xf32>
        %parallel_loop3A_409 = arith.minimumf %parallel_loop3A_406, %parallel_loop3A_408 : vector<16xf32>
        %parallel_loop3A_410 = math.exp %parallel_loop3A_409 : vector<16xf32>
        %parallel_loop3A_411 = arith.index_cast %parallel_loop3A_157 : i32 to index
        %parallel_loop3A_412 = arith.constant 240 : index
        %parallel_loop3A_413 = tpu.vector_load %arg8[%parallel_loop3A_411, %parallel_loop3A_412] {strides = array<i32>} : memref<40x256xf32, #tpu.memory_space<vmem>>, vector<16xf32>,
        %parallel_loop3A_414 = arith.mulf %parallel_loop3A_413, %parallel_loop3A_410 : vector<16xf32>
        %parallel_loop3A_415 = arith.index_cast %parallel_loop3A_157 : i32 to index
        %parallel_loop3A_416 = arith.constant 112 : index
        %parallel_loop3A_417 = tpu.vector_load %arg12[%parallel_loop3A_415, %parallel_loop3A_416] {strides = array<i32>} : memref<40x144xf32, #tpu.memory_space<vmem>>, vector<16xf32>,
        tpu.vector_store %arg12[%parallel_loop3A_415, %parallel_loop3A_416], %parallel_loop3A_414 {strides = array<i32>} : memref<40x144xf32, #tpu.memory_space<vmem>>, vector<16xf32>,
        %parallel_loop3A_418 = arith.constant 7 : i32
        %parallel_loop3A_419 = vector.broadcast %parallel_loop3A_418 : i32 to vector<16xi32>
        %parallel_loop3A_420 = arith.cmpi eq, %iota3A, %parallel_loop3A_419 : vector<16xi32>
        %parallel_loop3A_421 = arith.select %parallel_loop3A_420, %parallel_loop3A_410, %parallel_loop3A_388 : vector<16xi1>, vector<16xf32>
        %parallel_loop3A_422 = arith.index_cast %parallel_loop3A_157 : i32 to index
        %parallel_loop3A_423 = arith.constant 128 : index
        %parallel_loop3A_424 = tpu.vector_load %arg12[%parallel_loop3A_422, %parallel_loop3A_423] {strides = array<i32>} : memref<40x144xf32, #tpu.memory_space<vmem>>, vector<16xf32>,
        tpu.vector_store %arg12[%parallel_loop3A_422, %parallel_loop3A_423], %parallel_loop3A_421 {strides = array<i32>} : memref<40x144xf32, #tpu.memory_space<vmem>>, vector<16xf32>,
      } {sc.loop_unroll_factor = 4 : i64, sc.parallel_access}
      %run_scoped3A = arith.constant 1 : i32
      "tpu.region"() ({
        %run_scoped3A_157 = tpu.sem_alloc : memref<!tpu.dma_semaphore, #tpu.memory_space<semaphore_mem>>
        %dma_start3A_158 = arith.constant 0 : i32
        %dma_start3A_159 = tpu.memref_slice %arg6[%run_scoped3A, %dma_start3A_158] : memref<2x40xi32, #tpu.memory_space<vmem>> -> memref<1x40xi32, #tpu.memory_space<vmem>>
        %dma_start3A_160 = tpu.memref_squeeze %dma_start3A_159 : memref<1x40xi32, #tpu.memory_space<vmem>> -> memref<40xi32, #tpu.memory_space<vmem>>
        %dma_start3A_161 = arith.constant 0 : i32
        %dma_start3A_162 = arith.constant 0 : i32
        %dma_start3A_163 = tpu.memref_slice %arg13[%dma_start3A_161, %dma_start3A_162] : memref<10240x144xf32, #tpu.memory_space<vmem_shared>> -> memref<10240x144xf32, #tpu.memory_space<vmem_shared>>
        tpu.enqueue_indirect_dma source(%arg12 : memref<40x144xf32, #tpu.memory_space<vmem>>) target(%dma_start3A_163 : memref<10240x144xf32, #tpu.memory_space<vmem_shared>>) offsets(%dma_start3A_160 : memref<40xi32, #tpu.memory_space<vmem>>) semaphore(%run_scoped3A_157 : memref<!tpu.dma_semaphore, #tpu.memory_space<semaphore_mem>>) {add = true}
        %dma_wait3A_164 = arith.constant 0 : i32
        %dma_wait3A_165 = tpu.memref_slice %arg6[%run_scoped3A, %dma_wait3A_164] : memref<2x40xi32, #tpu.memory_space<vmem>> -> memref<1x40xi32, #tpu.memory_space<vmem>>
        %dma_wait3A_166 = tpu.memref_squeeze %dma_wait3A_165 : memref<1x40xi32, #tpu.memory_space<vmem>> -> memref<40xi32, #tpu.memory_space<vmem>>
        %dma_wait3A_167 = arith.constant 0 : i32
        %dma_wait3A_168 = arith.constant 0 : i32
        %dma_wait3A_169 = tpu.memref_slice %arg13[%dma_wait3A_167, %dma_wait3A_168] : memref<10240x144xf32, #tpu.memory_space<vmem_shared>> -> memref<10240x144xf32, #tpu.memory_space<vmem_shared>>
        tpu.wait_indirect_dma semaphore(%run_scoped3A_157 : memref<!tpu.dma_semaphore, #tpu.memory_space<semaphore_mem>>) src(%arg12 : memref<40x144xf32, #tpu.memory_space<vmem>>) dst(%dma_wait3A_169 : memref<10240x144xf32, #tpu.memory_space<vmem_shared>>)
        tpu.yield
      }) : () -> ()
      %mul3A_118 = arith.constant 2 : i32
      %mul3A_119 = arith.muli %scan3A_80, %mul3A_118 : i32
      %add3A_120 = arith.constant 1 : i32
      %add3A_121 = arith.addi %mul3A_119, %add3A_120 : i32
      %add3A_122 = arith.addi %mul3A_42, %add3A_121 : i32
      %add3A_123 = arith.constant 1 : i32
      %add3A_124 = arith.addi %add3A_122, %add3A_123 : i32
      "tpu.region"() ({
        %run_scoped3A_157 = tpu.sem_alloc : memref<!tpu.dma_semaphore, #tpu.memory_space<semaphore_mem>>
        %dma_start3A_158 = arith.constant 0 : i32
        %dma_start3A_159 = arith.constant 0 : i32
        %dma_start3A_160 = tpu.memref_slice %arg4[%add3A_124, %dma_start3A_158, %dma_start3A_159] : memref<8001x2x40xi32, #tpu.memory_space<hbm>> -> memref<1x2x40xi32, #tpu.memory_space<hbm>>
        %dma_start3A_161 = tpu.memref_squeeze %dma_start3A_160 : memref<1x2x40xi32, #tpu.memory_space<hbm>> -> memref<2x40xi32, #tpu.memory_space<hbm>>
        %dma_start3A_162 = arith.constant 0 : i32
        %dma_start3A_163 = arith.constant 0 : i32
        %dma_start3A_164 = tpu.memref_slice %arg4[%add3A_124, %dma_start3A_162, %dma_start3A_163] : memref<8001x2x40xi32, #tpu.memory_space<hbm>> -> memref<1x2x40xi32, #tpu.memory_space<hbm>>
        %dma_start3A_165 = tpu.memref_squeeze %dma_start3A_164 : memref<1x2x40xi32, #tpu.memory_space<hbm>> -> memref<2x40xi32, #tpu.memory_space<hbm>>
        tpu.enqueue_dma source(%dma_start3A_165 : memref<2x40xi32, #tpu.memory_space<hbm>>) target(%arg6 : memref<2x40xi32, #tpu.memory_space<vmem>>) target_semaphore(%run_scoped3A_157 : memref<!tpu.dma_semaphore, #tpu.memory_space<semaphore_mem>>)
        %dma_wait3A_166 = arith.constant 0 : i32
        %dma_wait3A_167 = arith.constant 0 : i32
        %dma_wait3A_168 = tpu.memref_slice %arg4[%add3A_124, %dma_wait3A_166, %dma_wait3A_167] : memref<8001x2x40xi32, #tpu.memory_space<hbm>> -> memref<1x2x40xi32, #tpu.memory_space<hbm>>
        %dma_wait3A_169 = tpu.memref_squeeze %dma_wait3A_168 : memref<1x2x40xi32, #tpu.memory_space<hbm>> -> memref<2x40xi32, #tpu.memory_space<hbm>>
        %dma_wait3A_170 = arith.constant 0 : i32
        %dma_wait3A_171 = arith.constant 0 : i32
        %dma_wait3A_172 = tpu.memref_slice %arg4[%add3A_124, %dma_wait3A_170, %dma_wait3A_171] : memref<8001x2x40xi32, #tpu.memory_space<hbm>> -> memref<1x2x40xi32, #tpu.memory_space<hbm>>
        %dma_wait3A_173 = tpu.memref_squeeze %dma_wait3A_172 : memref<1x2x40xi32, #tpu.memory_space<hbm>> -> memref<2x40xi32, #tpu.memory_space<hbm>>
        tpu.wait_dma2 semaphore(%run_scoped3A_157 : memref<!tpu.dma_semaphore, #tpu.memory_space<semaphore_mem>>) src(%dma_wait3A_173 : memref<2x40xi32, #tpu.memory_space<hbm>>) dst(%arg6 : memref<2x40xi32, #tpu.memory_space<vmem>>)
        tpu.yield
      }) : () -> ()
      %dma_start3A_125 = arith.constant 0 : i32
      %dma_start3A_126 = arith.constant 0 : i32
      %dma_start3A_127 = tpu.memref_slice %arg6[%dma_start3A_125, %dma_start3A_126] : memref<2x40xi32, #tpu.memory_space<vmem>> -> memref<1x40xi32, #tpu.memory_space<vmem>>
      %dma_start3A_128 = tpu.memref_squeeze %dma_start3A_127 : memref<1x40xi32, #tpu.memory_space<vmem>> -> memref<40xi32, #tpu.memory_space<vmem>>
      %dma_start3A_129 = arith.constant 0 : i32
      %dma_start3A_130 = arith.constant 0 : i32
      %dma_start3A_131 = tpu.memref_slice %arg2[%dma_start3A_129, %dma_start3A_130] : memref<10240x256xf32, #tpu.memory_space<hbm>> -> memref<10240x256xf32, #tpu.memory_space<hbm>>
      tpu.enqueue_indirect_dma source(%dma_start3A_131 : memref<10240x256xf32, #tpu.memory_space<hbm>>) target(%arg8 : memref<40x256xf32, #tpu.memory_space<vmem>>) offsets(%dma_start3A_128 : memref<40xi32, #tpu.memory_space<vmem>>) semaphore(%arg14 : memref<!tpu.dma_semaphore, #tpu.memory_space<semaphore_mem>>)
      %dma_start3A_132 = arith.constant 1 : i32
      %dma_start3A_133 = arith.constant 0 : i32
      %dma_start3A_134 = tpu.memref_slice %arg6[%dma_start3A_132, %dma_start3A_133] : memref<2x40xi32, #tpu.memory_space<vmem>> -> memref<1x40xi32, #tpu.memory_space<vmem>>
      %dma_start3A_135 = tpu.memref_squeeze %dma_start3A_134 : memref<1x40xi32, #tpu.memory_space<vmem>> -> memref<40xi32, #tpu.memory_space<vmem>>
      %dma_start3A_136 = arith.constant 0 : i32
      %dma_start3A_137 = arith.constant 0 : i32
      %dma_start3A_138 = tpu.memref_slice %arg3[%dma_start3A_136, %dma_start3A_137] : memref<10240x128xf32, #tpu.memory_space<hbm>> -> memref<10240x128xf32, #tpu.memory_space<hbm>>
      tpu.enqueue_indirect_dma source(%dma_start3A_138 : memref<10240x128xf32, #tpu.memory_space<hbm>>) target(%arg10 : memref<40x128xf32, #tpu.memory_space<vmem>>) offsets(%dma_start3A_135 : memref<40xi32, #tpu.memory_space<vmem>>) semaphore(%arg14 : memref<!tpu.dma_semaphore, #tpu.memory_space<semaphore_mem>>)
      %dma_wait3A_139 = arith.constant 0 : i32
      %dma_wait3A_140 = arith.constant 0 : i32
      %dma_wait3A_141 = tpu.memref_slice %arg7[%dma_wait3A_139, %dma_wait3A_140] : memref<2x40xi32, #tpu.memory_space<vmem>> -> memref<1x40xi32, #tpu.memory_space<vmem>>
      %dma_wait3A_142 = tpu.memref_squeeze %dma_wait3A_141 : memref<1x40xi32, #tpu.memory_space<vmem>> -> memref<40xi32, #tpu.memory_space<vmem>>
      %dma_wait3A_143 = arith.constant 0 : i32
      %dma_wait3A_144 = arith.constant 0 : i32
      %dma_wait3A_145 = tpu.memref_slice %arg2[%dma_wait3A_143, %dma_wait3A_144] : memref<10240x256xf32, #tpu.memory_space<hbm>> -> memref<10240x256xf32, #tpu.memory_space<hbm>>
      tpu.wait_indirect_dma semaphore(%arg15 : memref<!tpu.dma_semaphore, #tpu.memory_space<semaphore_mem>>) src(%dma_wait3A_145 : memref<10240x256xf32, #tpu.memory_space<hbm>>) dst(%arg9 : memref<40x256xf32, #tpu.memory_space<vmem>>)
      %dma_wait3A_146 = arith.constant 1 : i32
      %dma_wait3A_147 = arith.constant 0 : i32
      %dma_wait3A_148 = tpu.memref_slice %arg7[%dma_wait3A_146, %dma_wait3A_147] : memref<2x40xi32, #tpu.memory_space<vmem>> -> memref<1x40xi32, #tpu.memory_space<vmem>>
      %dma_wait3A_149 = tpu.memref_squeeze %dma_wait3A_148 : memref<1x40xi32, #tpu.memory_space<vmem>> -> memref<40xi32, #tpu.memory_space<vmem>>
      %dma_wait3A_150 = arith.constant 0 : i32
      %dma_wait3A_151 = arith.constant 0 : i32
      %dma_wait3A_152 = tpu.memref_slice %arg3[%dma_wait3A_150, %dma_wait3A_151] : memref<10240x128xf32, #tpu.memory_space<hbm>> -> memref<10240x128xf32, #tpu.memory_space<hbm>>
      tpu.wait_indirect_dma semaphore(%arg15 : memref<!tpu.dma_semaphore, #tpu.memory_space<semaphore_mem>>) src(%dma_wait3A_152 : memref<10240x128xf32, #tpu.memory_space<hbm>>) dst(%arg11 : memref<40x128xf32, #tpu.memory_space<vmem>>)
      %parallel_loop3A_153 = arith.constant 0 : i32
      %parallel_loop3A_154 = arith.constant 40 : i32
      %parallel_loop3A_155 = arith.constant 1 : i32
      scf.for %parallel_loop3A_157 = %parallel_loop3A_153 to %parallel_loop3A_154 step %parallel_loop3A_155  : i32 {
        %parallel_loop3A_158 = arith.index_cast %parallel_loop3A_157 : i32 to index
        %parallel_loop3A_159 = arith.constant 0 : index
        %parallel_loop3A_160 = tpu.vector_load %arg9[%parallel_loop3A_158, %parallel_loop3A_159] {strides = array<i32>} : memref<40x256xf32, #tpu.memory_space<vmem>>, vector<16xf32>,
        %parallel_loop3A_161 = arith.index_cast %parallel_loop3A_157 : i32 to index
        %parallel_loop3A_162 = arith.constant 0 : index
        %parallel_loop3A_163 = tpu.vector_load %arg11[%parallel_loop3A_161, %parallel_loop3A_162] {strides = array<i32>} : memref<40x128xf32, #tpu.memory_space<vmem>>, vector<16xf32>,
        %parallel_loop3A_164 = arith.mulf %parallel_loop3A_160, %parallel_loop3A_163 : vector<16xf32>
        %parallel_loop3A_165 = arith.constant true
        %parallel_loop3A_166 = vector.broadcast %parallel_loop3A_165 : i1 to vector<16xi1>
        %parallel_loop3A_167 = tpu.scan <sum>, %parallel_loop3A_164 masked %parallel_loop3A_166 : vector<16xf32>, vector<16xi1> -> vector<16xf32>
        %parallel_loop3A_168 = vector.extract %parallel_loop3A_167[15] : f32 from vector<16xf32>
        %parallel_loop3A_169 = vector.broadcast %parallel_loop3A_168 : f32 to vector<16xf32>
        %parallel_loop3A_170 = arith.constant 2.500000e-01 : f32
        %parallel_loop3A_171 = vector.broadcast %parallel_loop3A_170 : f32 to vector<16xf32>
        %parallel_loop3A_172 = arith.mulf %parallel_loop3A_169, %parallel_loop3A_171 : vector<16xf32>
        %parallel_loop3A_173 = arith.constant -5.000000e+00 : f32
        %parallel_loop3A_174 = vector.broadcast %parallel_loop3A_173 : f32 to vector<16xf32>
        %parallel_loop3A_175 = arith.maximumf %parallel_loop3A_172, %parallel_loop3A_174 : vector<16xf32>
        %parallel_loop3A_176 = arith.constant 5.000000e+00 : f32
        %parallel_loop3A_177 = vector.broadcast %parallel_loop3A_176 : f32 to vector<16xf32>
        %parallel_loop3A_178 = arith.minimumf %parallel_loop3A_175, %parallel_loop3A_177 : vector<16xf32>
        %parallel_loop3A_179 = math.exp %parallel_loop3A_178 : vector<16xf32>
        %parallel_loop3A_180 = arith.index_cast %parallel_loop3A_157 : i32 to index
        %parallel_loop3A_181 = arith.constant 128 : index
        %parallel_loop3A_182 = tpu.vector_load %arg9[%parallel_loop3A_180, %parallel_loop3A_181] {strides = array<i32>} : memref<40x256xf32, #tpu.memory_space<vmem>>, vector<16xf32>,
        %parallel_loop3A_183 = arith.mulf %parallel_loop3A_182, %parallel_loop3A_179 : vector<16xf32>
        %parallel_loop3A_184 = arith.index_cast %parallel_loop3A_157 : i32 to index
        %parallel_loop3A_185 = arith.constant 0 : index
        %parallel_loop3A_186 = tpu.vector_load %arg12[%parallel_loop3A_184, %parallel_loop3A_185] {strides = array<i32>} : memref<40x144xf32, #tpu.memory_space<vmem>>, vector<16xf32>,
        tpu.vector_store %arg12[%parallel_loop3A_184, %parallel_loop3A_185], %parallel_loop3A_183 {strides = array<i32>} : memref<40x144xf32, #tpu.memory_space<vmem>>, vector<16xf32>,
        %parallel_loop3A_187 = arith.constant 0 : i32
        %parallel_loop3A_188 = vector.broadcast %parallel_loop3A_187 : i32 to vector<16xi32>
        %parallel_loop3A_189 = arith.cmpi eq, %iota3A, %parallel_loop3A_188 : vector<16xi32>
        %parallel_loop3A_190 = arith.select %parallel_loop3A_189, %parallel_loop3A_179, %broadcast_in_dim3A_1 : vector<16xi1>, vector<16xf32>
        %parallel_loop3A_191 = arith.index_cast %parallel_loop3A_157 : i32 to index
        %parallel_loop3A_192 = arith.constant 16 : index
        %parallel_loop3A_193 = tpu.vector_load %arg9[%parallel_loop3A_191, %parallel_loop3A_192] {strides = array<i32>} : memref<40x256xf32, #tpu.memory_space<vmem>>, vector<16xf32>,
        %parallel_loop3A_194 = arith.index_cast %parallel_loop3A_157 : i32 to index
        %parallel_loop3A_195 = arith.constant 16 : index
        %parallel_loop3A_196 = tpu.vector_load %arg11[%parallel_loop3A_194, %parallel_loop3A_195] {strides = array<i32>} : memref<40x128xf32, #tpu.memory_space<vmem>>, vector<16xf32>,
        %parallel_loop3A_197 = arith.mulf %parallel_loop3A_193, %parallel_loop3A_196 : vector<16xf32>
        %parallel_loop3A_198 = arith.constant true
        %parallel_loop3A_199 = vector.broadcast %parallel_loop3A_198 : i1 to vector<16xi1>
        %parallel_loop3A_200 = tpu.scan <sum>, %parallel_loop3A_197 masked %parallel_loop3A_199 : vector<16xf32>, vector<16xi1> -> vector<16xf32>
        %parallel_loop3A_201 = vector.extract %parallel_loop3A_200[15] : f32 from vector<16xf32>
        %parallel_loop3A_202 = vector.broadcast %parallel_loop3A_201 : f32 to vector<16xf32>
        %parallel_loop3A_203 = arith.constant 2.500000e-01 : f32
        %parallel_loop3A_204 = vector.broadcast %parallel_loop3A_203 : f32 to vector<16xf32>
        %parallel_loop3A_205 = arith.mulf %parallel_loop3A_202, %parallel_loop3A_204 : vector<16xf32>
        %parallel_loop3A_206 = arith.constant -5.000000e+00 : f32
        %parallel_loop3A_207 = vector.broadcast %parallel_loop3A_206 : f32 to vector<16xf32>
        %parallel_loop3A_208 = arith.maximumf %parallel_loop3A_205, %parallel_loop3A_207 : vector<16xf32>
        %parallel_loop3A_209 = arith.constant 5.000000e+00 : f32
        %parallel_loop3A_210 = vector.broadcast %parallel_loop3A_209 : f32 to vector<16xf32>
        %parallel_loop3A_211 = arith.minimumf %parallel_loop3A_208, %parallel_loop3A_210 : vector<16xf32>
        %parallel_loop3A_212 = math.exp %parallel_loop3A_211 : vector<16xf32>
        %parallel_loop3A_213 = arith.index_cast %parallel_loop3A_157 : i32 to index
        %parallel_loop3A_214 = arith.constant 144 : index
        %parallel_loop3A_215 = tpu.vector_load %arg9[%parallel_loop3A_213, %parallel_loop3A_214] {strides = array<i32>} : memref<40x256xf32, #tpu.memory_space<vmem>>, vector<16xf32>,
        %parallel_loop3A_216 = arith.mulf %parallel_loop3A_215, %parallel_loop3A_212 : vector<16xf32>
        %parallel_loop3A_217 = arith.index_cast %parallel_loop3A_157 : i32 to index
        %parallel_loop3A_218 = arith.constant 16 : index
        %parallel_loop3A_219 = tpu.vector_load %arg12[%parallel_loop3A_217, %parallel_loop3A_218] {strides = array<i32>} : memref<40x144xf32, #tpu.memory_space<vmem>>, vector<16xf32>,
        tpu.vector_store %arg12[%parallel_loop3A_217, %parallel_loop3A_218], %parallel_loop3A_216 {strides = array<i32>} : memref<40x144xf32, #tpu.memory_space<vmem>>, vector<16xf32>,
        %parallel_loop3A_220 = arith.constant 1 : i32
        %parallel_loop3A_221 = vector.broadcast %parallel_loop3A_220 : i32 to vector<16xi32>
        %parallel_loop3A_222 = arith.cmpi eq, %iota3A, %parallel_loop3A_221 : vector<16xi32>
        %parallel_loop3A_223 = arith.select %parallel_loop3A_222, %parallel_loop3A_212, %parallel_loop3A_190 : vector<16xi1>, vector<16xf32>
        %parallel_loop3A_224 = arith.index_cast %parallel_loop3A_157 : i32 to index
        %parallel_loop3A_225 = arith.constant 32 : index
        %parallel_loop3A_226 = tpu.vector_load %arg9[%parallel_loop3A_224, %parallel_loop3A_225] {strides = array<i32>} : memref<40x256xf32, #tpu.memory_space<vmem>>, vector<16xf32>,
        %parallel_loop3A_227 = arith.index_cast %parallel_loop3A_157 : i32 to index
        %parallel_loop3A_228 = arith.constant 32 : index
        %parallel_loop3A_229 = tpu.vector_load %arg11[%parallel_loop3A_227, %parallel_loop3A_228] {strides = array<i32>} : memref<40x128xf32, #tpu.memory_space<vmem>>, vector<16xf32>,
        %parallel_loop3A_230 = arith.mulf %parallel_loop3A_226, %parallel_loop3A_229 : vector<16xf32>
        %parallel_loop3A_231 = arith.constant true
        %parallel_loop3A_232 = vector.broadcast %parallel_loop3A_231 : i1 to vector<16xi1>
        %parallel_loop3A_233 = tpu.scan <sum>, %parallel_loop3A_230 masked %parallel_loop3A_232 : vector<16xf32>, vector<16xi1> -> vector<16xf32>
        %parallel_loop3A_234 = vector.extract %parallel_loop3A_233[15] : f32 from vector<16xf32>
        %parallel_loop3A_235 = vector.broadcast %parallel_loop3A_234 : f32 to vector<16xf32>
        %parallel_loop3A_236 = arith.constant 2.500000e-01 : f32
        %parallel_loop3A_237 = vector.broadcast %parallel_loop3A_236 : f32 to vector<16xf32>
        %parallel_loop3A_238 = arith.mulf %parallel_loop3A_235, %parallel_loop3A_237 : vector<16xf32>
        %parallel_loop3A_239 = arith.constant -5.000000e+00 : f32
        %parallel_loop3A_240 = vector.broadcast %parallel_loop3A_239 : f32 to vector<16xf32>
        %parallel_loop3A_241 = arith.maximumf %parallel_loop3A_238, %parallel_loop3A_240 : vector<16xf32>
        %parallel_loop3A_242 = arith.constant 5.000000e+00 : f32
        %parallel_loop3A_243 = vector.broadcast %parallel_loop3A_242 : f32 to vector<16xf32>
        %parallel_loop3A_244 = arith.minimumf %parallel_loop3A_241, %parallel_loop3A_243 : vector<16xf32>
        %parallel_loop3A_245 = math.exp %parallel_loop3A_244 : vector<16xf32>
        %parallel_loop3A_246 = arith.index_cast %parallel_loop3A_157 : i32 to index
        %parallel_loop3A_247 = arith.constant 160 : index
        %parallel_loop3A_248 = tpu.vector_load %arg9[%parallel_loop3A_246, %parallel_loop3A_247] {strides = array<i32>} : memref<40x256xf32, #tpu.memory_space<vmem>>, vector<16xf32>,
        %parallel_loop3A_249 = arith.mulf %parallel_loop3A_248, %parallel_loop3A_245 : vector<16xf32>
        %parallel_loop3A_250 = arith.index_cast %parallel_loop3A_157 : i32 to index
        %parallel_loop3A_251 = arith.constant 32 : index
        %parallel_loop3A_252 = tpu.vector_load %arg12[%parallel_loop3A_250, %parallel_loop3A_251] {strides = array<i32>} : memref<40x144xf32, #tpu.memory_space<vmem>>, vector<16xf32>,
        tpu.vector_store %arg12[%parallel_loop3A_250, %parallel_loop3A_251], %parallel_loop3A_249 {strides = array<i32>} : memref<40x144xf32, #tpu.memory_space<vmem>>, vector<16xf32>,
        %parallel_loop3A_253 = arith.constant 2 : i32
        %parallel_loop3A_254 = vector.broadcast %parallel_loop3A_253 : i32 to vector<16xi32>
        %parallel_loop3A_255 = arith.cmpi eq, %iota3A, %parallel_loop3A_254 : vector<16xi32>
        %parallel_loop3A_256 = arith.select %parallel_loop3A_255, %parallel_loop3A_245, %parallel_loop3A_223 : vector<16xi1>, vector<16xf32>
        %parallel_loop3A_257 = arith.index_cast %parallel_loop3A_157 : i32 to index
        %parallel_loop3A_258 = arith.constant 48 : index
        %parallel_loop3A_259 = tpu.vector_load %arg9[%parallel_loop3A_257, %parallel_loop3A_258] {strides = array<i32>} : memref<40x256xf32, #tpu.memory_space<vmem>>, vector<16xf32>,
        %parallel_loop3A_260 = arith.index_cast %parallel_loop3A_157 : i32 to index
        %parallel_loop3A_261 = arith.constant 48 : index
        %parallel_loop3A_262 = tpu.vector_load %arg11[%parallel_loop3A_260, %parallel_loop3A_261] {strides = array<i32>} : memref<40x128xf32, #tpu.memory_space<vmem>>, vector<16xf32>,
        %parallel_loop3A_263 = arith.mulf %parallel_loop3A_259, %parallel_loop3A_262 : vector<16xf32>
        %parallel_loop3A_264 = arith.constant true
        %parallel_loop3A_265 = vector.broadcast %parallel_loop3A_264 : i1 to vector<16xi1>
        %parallel_loop3A_266 = tpu.scan <sum>, %parallel_loop3A_263 masked %parallel_loop3A_265 : vector<16xf32>, vector<16xi1> -> vector<16xf32>
        %parallel_loop3A_267 = vector.extract %parallel_loop3A_266[15] : f32 from vector<16xf32>
        %parallel_loop3A_268 = vector.broadcast %parallel_loop3A_267 : f32 to vector<16xf32>
        %parallel_loop3A_269 = arith.constant 2.500000e-01 : f32
        %parallel_loop3A_270 = vector.broadcast %parallel_loop3A_269 : f32 to vector<16xf32>
        %parallel_loop3A_271 = arith.mulf %parallel_loop3A_268, %parallel_loop3A_270 : vector<16xf32>
        %parallel_loop3A_272 = arith.constant -5.000000e+00 : f32
        %parallel_loop3A_273 = vector.broadcast %parallel_loop3A_272 : f32 to vector<16xf32>
        %parallel_loop3A_274 = arith.maximumf %parallel_loop3A_271, %parallel_loop3A_273 : vector<16xf32>
        %parallel_loop3A_275 = arith.constant 5.000000e+00 : f32
        %parallel_loop3A_276 = vector.broadcast %parallel_loop3A_275 : f32 to vector<16xf32>
        %parallel_loop3A_277 = arith.minimumf %parallel_loop3A_274, %parallel_loop3A_276 : vector<16xf32>
        %parallel_loop3A_278 = math.exp %parallel_loop3A_277 : vector<16xf32>
        %parallel_loop3A_279 = arith.index_cast %parallel_loop3A_157 : i32 to index
        %parallel_loop3A_280 = arith.constant 176 : index
        %parallel_loop3A_281 = tpu.vector_load %arg9[%parallel_loop3A_279, %parallel_loop3A_280] {strides = array<i32>} : memref<40x256xf32, #tpu.memory_space<vmem>>, vector<16xf32>,
        %parallel_loop3A_282 = arith.mulf %parallel_loop3A_281, %parallel_loop3A_278 : vector<16xf32>
        %parallel_loop3A_283 = arith.index_cast %parallel_loop3A_157 : i32 to index
        %parallel_loop3A_284 = arith.constant 48 : index
        %parallel_loop3A_285 = tpu.vector_load %arg12[%parallel_loop3A_283, %parallel_loop3A_284] {strides = array<i32>} : memref<40x144xf32, #tpu.memory_space<vmem>>, vector<16xf32>,
        tpu.vector_store %arg12[%parallel_loop3A_283, %parallel_loop3A_284], %parallel_loop3A_282 {strides = array<i32>} : memref<40x144xf32, #tpu.memory_space<vmem>>, vector<16xf32>,
        %parallel_loop3A_286 = arith.constant 3 : i32
        %parallel_loop3A_287 = vector.broadcast %parallel_loop3A_286 : i32 to vector<16xi32>
        %parallel_loop3A_288 = arith.cmpi eq, %iota3A, %parallel_loop3A_287 : vector<16xi32>
        %parallel_loop3A_289 = arith.select %parallel_loop3A_288, %parallel_loop3A_278, %parallel_loop3A_256 : vector<16xi1>, vector<16xf32>
        %parallel_loop3A_290 = arith.index_cast %parallel_loop3A_157 : i32 to index
        %parallel_loop3A_291 = arith.constant 64 : index
        %parallel_loop3A_292 = tpu.vector_load %arg9[%parallel_loop3A_290, %parallel_loop3A_291] {strides = array<i32>} : memref<40x256xf32, #tpu.memory_space<vmem>>, vector<16xf32>,
        %parallel_loop3A_293 = arith.index_cast %parallel_loop3A_157 : i32 to index
        %parallel_loop3A_294 = arith.constant 64 : index
        %parallel_loop3A_295 = tpu.vector_load %arg11[%parallel_loop3A_293, %parallel_loop3A_294] {strides = array<i32>} : memref<40x128xf32, #tpu.memory_space<vmem>>, vector<16xf32>,
        %parallel_loop3A_296 = arith.mulf %parallel_loop3A_292, %parallel_loop3A_295 : vector<16xf32>
        %parallel_loop3A_297 = arith.constant true
        %parallel_loop3A_298 = vector.broadcast %parallel_loop3A_297 : i1 to vector<16xi1>
        %parallel_loop3A_299 = tpu.scan <sum>, %parallel_loop3A_296 masked %parallel_loop3A_298 : vector<16xf32>, vector<16xi1> -> vector<16xf32>
        %parallel_loop3A_300 = vector.extract %parallel_loop3A_299[15] : f32 from vector<16xf32>
        %parallel_loop3A_301 = vector.broadcast %parallel_loop3A_300 : f32 to vector<16xf32>
        %parallel_loop3A_302 = arith.constant 2.500000e-01 : f32
        %parallel_loop3A_303 = vector.broadcast %parallel_loop3A_302 : f32 to vector<16xf32>
        %parallel_loop3A_304 = arith.mulf %parallel_loop3A_301, %parallel_loop3A_303 : vector<16xf32>
        %parallel_loop3A_305 = arith.constant -5.000000e+00 : f32
        %parallel_loop3A_306 = vector.broadcast %parallel_loop3A_305 : f32 to vector<16xf32>
        %parallel_loop3A_307 = arith.maximumf %parallel_loop3A_304, %parallel_loop3A_306 : vector<16xf32>
        %parallel_loop3A_308 = arith.constant 5.000000e+00 : f32
        %parallel_loop3A_309 = vector.broadcast %parallel_loop3A_308 : f32 to vector<16xf32>
        %parallel_loop3A_310 = arith.minimumf %parallel_loop3A_307, %parallel_loop3A_309 : vector<16xf32>
        %parallel_loop3A_311 = math.exp %parallel_loop3A_310 : vector<16xf32>
        %parallel_loop3A_312 = arith.index_cast %parallel_loop3A_157 : i32 to index
        %parallel_loop3A_313 = arith.constant 192 : index
        %parallel_loop3A_314 = tpu.vector_load %arg9[%parallel_loop3A_312, %parallel_loop3A_313] {strides = array<i32>} : memref<40x256xf32, #tpu.memory_space<vmem>>, vector<16xf32>,
        %parallel_loop3A_315 = arith.mulf %parallel_loop3A_314, %parallel_loop3A_311 : vector<16xf32>
        %parallel_loop3A_316 = arith.index_cast %parallel_loop3A_157 : i32 to index
        %parallel_loop3A_317 = arith.constant 64 : index
        %parallel_loop3A_318 = tpu.vector_load %arg12[%parallel_loop3A_316, %parallel_loop3A_317] {strides = array<i32>} : memref<40x144xf32, #tpu.memory_space<vmem>>, vector<16xf32>,
        tpu.vector_store %arg12[%parallel_loop3A_316, %parallel_loop3A_317], %parallel_loop3A_315 {strides = array<i32>} : memref<40x144xf32, #tpu.memory_space<vmem>>, vector<16xf32>,
        %parallel_loop3A_319 = arith.constant 4 : i32
        %parallel_loop3A_320 = vector.broadcast %parallel_loop3A_319 : i32 to vector<16xi32>
        %parallel_loop3A_321 = arith.cmpi eq, %iota3A, %parallel_loop3A_320 : vector<16xi32>
        %parallel_loop3A_322 = arith.select %parallel_loop3A_321, %parallel_loop3A_311, %parallel_loop3A_289 : vector<16xi1>, vector<16xf32>
        %parallel_loop3A_323 = arith.index_cast %parallel_loop3A_157 : i32 to index
        %parallel_loop3A_324 = arith.constant 80 : index
        %parallel_loop3A_325 = tpu.vector_load %arg9[%parallel_loop3A_323, %parallel_loop3A_324] {strides = array<i32>} : memref<40x256xf32, #tpu.memory_space<vmem>>, vector<16xf32>,
        %parallel_loop3A_326 = arith.index_cast %parallel_loop3A_157 : i32 to index
        %parallel_loop3A_327 = arith.constant 80 : index
        %parallel_loop3A_328 = tpu.vector_load %arg11[%parallel_loop3A_326, %parallel_loop3A_327] {strides = array<i32>} : memref<40x128xf32, #tpu.memory_space<vmem>>, vector<16xf32>,
        %parallel_loop3A_329 = arith.mulf %parallel_loop3A_325, %parallel_loop3A_328 : vector<16xf32>
        %parallel_loop3A_330 = arith.constant true
        %parallel_loop3A_331 = vector.broadcast %parallel_loop3A_330 : i1 to vector<16xi1>
        %parallel_loop3A_332 = tpu.scan <sum>, %parallel_loop3A_329 masked %parallel_loop3A_331 : vector<16xf32>, vector<16xi1> -> vector<16xf32>
        %parallel_loop3A_333 = vector.extract %parallel_loop3A_332[15] : f32 from vector<16xf32>
        %parallel_loop3A_334 = vector.broadcast %parallel_loop3A_333 : f32 to vector<16xf32>
        %parallel_loop3A_335 = arith.constant 2.500000e-01 : f32
        %parallel_loop3A_336 = vector.broadcast %parallel_loop3A_335 : f32 to vector<16xf32>
        %parallel_loop3A_337 = arith.mulf %parallel_loop3A_334, %parallel_loop3A_336 : vector<16xf32>
        %parallel_loop3A_338 = arith.constant -5.000000e+00 : f32
        %parallel_loop3A_339 = vector.broadcast %parallel_loop3A_338 : f32 to vector<16xf32>
        %parallel_loop3A_340 = arith.maximumf %parallel_loop3A_337, %parallel_loop3A_339 : vector<16xf32>
        %parallel_loop3A_341 = arith.constant 5.000000e+00 : f32
        %parallel_loop3A_342 = vector.broadcast %parallel_loop3A_341 : f32 to vector<16xf32>
        %parallel_loop3A_343 = arith.minimumf %parallel_loop3A_340, %parallel_loop3A_342 : vector<16xf32>
        %parallel_loop3A_344 = math.exp %parallel_loop3A_343 : vector<16xf32>
        %parallel_loop3A_345 = arith.index_cast %parallel_loop3A_157 : i32 to index
        %parallel_loop3A_346 = arith.constant 208 : index
        %parallel_loop3A_347 = tpu.vector_load %arg9[%parallel_loop3A_345, %parallel_loop3A_346] {strides = array<i32>} : memref<40x256xf32, #tpu.memory_space<vmem>>, vector<16xf32>,
        %parallel_loop3A_348 = arith.mulf %parallel_loop3A_347, %parallel_loop3A_344 : vector<16xf32>
        %parallel_loop3A_349 = arith.index_cast %parallel_loop3A_157 : i32 to index
        %parallel_loop3A_350 = arith.constant 80 : index
        %parallel_loop3A_351 = tpu.vector_load %arg12[%parallel_loop3A_349, %parallel_loop3A_350] {strides = array<i32>} : memref<40x144xf32, #tpu.memory_space<vmem>>, vector<16xf32>,
        tpu.vector_store %arg12[%parallel_loop3A_349, %parallel_loop3A_350], %parallel_loop3A_348 {strides = array<i32>} : memref<40x144xf32, #tpu.memory_space<vmem>>, vector<16xf32>,
        %parallel_loop3A_352 = arith.constant 5 : i32
        %parallel_loop3A_353 = vector.broadcast %parallel_loop3A_352 : i32 to vector<16xi32>
        %parallel_loop3A_354 = arith.cmpi eq, %iota3A, %parallel_loop3A_353 : vector<16xi32>
        %parallel_loop3A_355 = arith.select %parallel_loop3A_354, %parallel_loop3A_344, %parallel_loop3A_322 : vector<16xi1>, vector<16xf32>
        %parallel_loop3A_356 = arith.index_cast %parallel_loop3A_157 : i32 to index
        %parallel_loop3A_357 = arith.constant 96 : index
        %parallel_loop3A_358 = tpu.vector_load %arg9[%parallel_loop3A_356, %parallel_loop3A_357] {strides = array<i32>} : memref<40x256xf32, #tpu.memory_space<vmem>>, vector<16xf32>,
        %parallel_loop3A_359 = arith.index_cast %parallel_loop3A_157 : i32 to index
        %parallel_loop3A_360 = arith.constant 96 : index
        %parallel_loop3A_361 = tpu.vector_load %arg11[%parallel_loop3A_359, %parallel_loop3A_360] {strides = array<i32>} : memref<40x128xf32, #tpu.memory_space<vmem>>, vector<16xf32>,
        %parallel_loop3A_362 = arith.mulf %parallel_loop3A_358, %parallel_loop3A_361 : vector<16xf32>
        %parallel_loop3A_363 = arith.constant true
        %parallel_loop3A_364 = vector.broadcast %parallel_loop3A_363 : i1 to vector<16xi1>
        %parallel_loop3A_365 = tpu.scan <sum>, %parallel_loop3A_362 masked %parallel_loop3A_364 : vector<16xf32>, vector<16xi1> -> vector<16xf32>
        %parallel_loop3A_366 = vector.extract %parallel_loop3A_365[15] : f32 from vector<16xf32>
        %parallel_loop3A_367 = vector.broadcast %parallel_loop3A_366 : f32 to vector<16xf32>
        %parallel_loop3A_368 = arith.constant 2.500000e-01 : f32
        %parallel_loop3A_369 = vector.broadcast %parallel_loop3A_368 : f32 to vector<16xf32>
        %parallel_loop3A_370 = arith.mulf %parallel_loop3A_367, %parallel_loop3A_369 : vector<16xf32>
        %parallel_loop3A_371 = arith.constant -5.000000e+00 : f32
        %parallel_loop3A_372 = vector.broadcast %parallel_loop3A_371 : f32 to vector<16xf32>
        %parallel_loop3A_373 = arith.maximumf %parallel_loop3A_370, %parallel_loop3A_372 : vector<16xf32>
        %parallel_loop3A_374 = arith.constant 5.000000e+00 : f32
        %parallel_loop3A_375 = vector.broadcast %parallel_loop3A_374 : f32 to vector<16xf32>
        %parallel_loop3A_376 = arith.minimumf %parallel_loop3A_373, %parallel_loop3A_375 : vector<16xf32>
        %parallel_loop3A_377 = math.exp %parallel_loop3A_376 : vector<16xf32>
        %parallel_loop3A_378 = arith.index_cast %parallel_loop3A_157 : i32 to index
        %parallel_loop3A_379 = arith.constant 224 : index
        %parallel_loop3A_380 = tpu.vector_load %arg9[%parallel_loop3A_378, %parallel_loop3A_379] {strides = array<i32>} : memref<40x256xf32, #tpu.memory_space<vmem>>, vector<16xf32>,
        %parallel_loop3A_381 = arith.mulf %parallel_loop3A_380, %parallel_loop3A_377 : vector<16xf32>
        %parallel_loop3A_382 = arith.index_cast %parallel_loop3A_157 : i32 to index
        %parallel_loop3A_383 = arith.constant 96 : index
        %parallel_loop3A_384 = tpu.vector_load %arg12[%parallel_loop3A_382, %parallel_loop3A_383] {strides = array<i32>} : memref<40x144xf32, #tpu.memory_space<vmem>>, vector<16xf32>,
        tpu.vector_store %arg12[%parallel_loop3A_382, %parallel_loop3A_383], %parallel_loop3A_381 {strides = array<i32>} : memref<40x144xf32, #tpu.memory_space<vmem>>, vector<16xf32>,
        %parallel_loop3A_385 = arith.constant 6 : i32
        %parallel_loop3A_386 = vector.broadcast %parallel_loop3A_385 : i32 to vector<16xi32>
        %parallel_loop3A_387 = arith.cmpi eq, %iota3A, %parallel_loop3A_386 : vector<16xi32>
        %parallel_loop3A_388 = arith.select %parallel_loop3A_387, %parallel_loop3A_377, %parallel_loop3A_355 : vector<16xi1>, vector<16xf32>
        %parallel_loop3A_389 = arith.index_cast %parallel_loop3A_157 : i32 to index
        %parallel_loop3A_390 = arith.constant 112 : index
        %parallel_loop3A_391 = tpu.vector_load %arg9[%parallel_loop3A_389, %parallel_loop3A_390] {strides = array<i32>} : memref<40x256xf32, #tpu.memory_space<vmem>>, vector<16xf32>,
        %parallel_loop3A_392 = arith.index_cast %parallel_loop3A_157 : i32 to index
        %parallel_loop3A_393 = arith.constant 112 : index
        %parallel_loop3A_394 = tpu.vector_load %arg11[%parallel_loop3A_392, %parallel_loop3A_393] {strides = array<i32>} : memref<40x128xf32, #tpu.memory_space<vmem>>, vector<16xf32>,
        %parallel_loop3A_395 = arith.mulf %parallel_loop3A_391, %parallel_loop3A_394 : vector<16xf32>
        %parallel_loop3A_396 = arith.constant true
        %parallel_loop3A_397 = vector.broadcast %parallel_loop3A_396 : i1 to vector<16xi1>
        %parallel_loop3A_398 = tpu.scan <sum>, %parallel_loop3A_395 masked %parallel_loop3A_397 : vector<16xf32>, vector<16xi1> -> vector<16xf32>
        %parallel_loop3A_399 = vector.extract %parallel_loop3A_398[15] : f32 from vector<16xf32>
        %parallel_loop3A_400 = vector.broadcast %parallel_loop3A_399 : f32 to vector<16xf32>
        %parallel_loop3A_401 = arith.constant 2.500000e-01 : f32
        %parallel_loop3A_402 = vector.broadcast %parallel_loop3A_401 : f32 to vector<16xf32>
        %parallel_loop3A_403 = arith.mulf %parallel_loop3A_400, %parallel_loop3A_402 : vector<16xf32>
        %parallel_loop3A_404 = arith.constant -5.000000e+00 : f32
        %parallel_loop3A_405 = vector.broadcast %parallel_loop3A_404 : f32 to vector<16xf32>
        %parallel_loop3A_406 = arith.maximumf %parallel_loop3A_403, %parallel_loop3A_405 : vector<16xf32>
        %parallel_loop3A_407 = arith.constant 5.000000e+00 : f32
        %parallel_loop3A_408 = vector.broadcast %parallel_loop3A_407 : f32 to vector<16xf32>
        %parallel_loop3A_409 = arith.minimumf %parallel_loop3A_406, %parallel_loop3A_408 : vector<16xf32>
        %parallel_loop3A_410 = math.exp %parallel_loop3A_409 : vector<16xf32>
        %parallel_loop3A_411 = arith.index_cast %parallel_loop3A_157 : i32 to index
        %parallel_loop3A_412 = arith.constant 240 : index
        %parallel_loop3A_413 = tpu.vector_load %arg9[%parallel_loop3A_411, %parallel_loop3A_412] {strides = array<i32>} : memref<40x256xf32, #tpu.memory_space<vmem>>, vector<16xf32>,
        %parallel_loop3A_414 = arith.mulf %parallel_loop3A_413, %parallel_loop3A_410 : vector<16xf32>
        %parallel_loop3A_415 = arith.index_cast %parallel_loop3A_157 : i32 to index
        %parallel_loop3A_416 = arith.constant 112 : index
        %parallel_loop3A_417 = tpu.vector_load %arg12[%parallel_loop3A_415, %parallel_loop3A_416] {strides = array<i32>} : memref<40x144xf32, #tpu.memory_space<vmem>>, vector<16xf32>,
        tpu.vector_store %arg12[%parallel_loop3A_415, %parallel_loop3A_416], %parallel_loop3A_414 {strides = array<i32>} : memref<40x144xf32, #tpu.memory_space<vmem>>, vector<16xf32>,
        %parallel_loop3A_418 = arith.constant 7 : i32
        %parallel_loop3A_419 = vector.broadcast %parallel_loop3A_418 : i32 to vector<16xi32>
        %parallel_loop3A_420 = arith.cmpi eq, %iota3A, %parallel_loop3A_419 : vector<16xi32>
        %parallel_loop3A_421 = arith.select %parallel_loop3A_420, %parallel_loop3A_410, %parallel_loop3A_388 : vector<16xi1>, vector<16xf32>
        %parallel_loop3A_422 = arith.index_cast %parallel_loop3A_157 : i32 to index
        %parallel_loop3A_423 = arith.constant 128 : index
        %parallel_loop3A_424 = tpu.vector_load %arg12[%parallel_loop3A_422, %parallel_loop3A_423] {strides = array<i32>} : memref<40x144xf32, #tpu.memory_space<vmem>>, vector<16xf32>,
        tpu.vector_store %arg12[%parallel_loop3A_422, %parallel_loop3A_423], %parallel_loop3A_421 {strides = array<i32>} : memref<40x144xf32, #tpu.memory_space<vmem>>, vector<16xf32>,
      } {sc.loop_unroll_factor = 4 : i64, sc.parallel_access}
      %run_scoped3A_156 = arith.constant 1 : i32
      "tpu.region"() ({
        %run_scoped3A_157 = tpu.sem_alloc : memref<!tpu.dma_semaphore, #tpu.memory_space<semaphore_mem>>
        %dma_start3A_158 = arith.constant 0 : i32
        %dma_start3A_159 = tpu.memref_slice %arg7[%run_scoped3A_156, %dma_start3A_158] : memref<2x40xi32, #tpu.memory_space<vmem>> -> memref<1x40xi32, #tpu.memory_space<vmem>>
        %dma_start3A_160 = tpu.memref_squeeze %dma_start3A_159 : memref<1x40xi32, #tpu.memory_space<vmem>> -> memref<40xi32, #tpu.memory_space<vmem>>
        %dma_start3A_161 = arith.constant 0 : i32
        %dma_start3A_162 = arith.constant 0 : i32
        %dma_start3A_163 = tpu.memref_slice %arg13[%dma_start3A_161, %dma_start3A_162] : memref<10240x144xf32, #tpu.memory_space<vmem_shared>> -> memref<10240x144xf32, #tpu.memory_space<vmem_shared>>
        tpu.enqueue_indirect_dma source(%arg12 : memref<40x144xf32, #tpu.memory_space<vmem>>) target(%dma_start3A_163 : memref<10240x144xf32, #tpu.memory_space<vmem_shared>>) offsets(%dma_start3A_160 : memref<40xi32, #tpu.memory_space<vmem>>) semaphore(%run_scoped3A_157 : memref<!tpu.dma_semaphore, #tpu.memory_space<semaphore_mem>>) {add = true}
        %dma_wait3A_164 = arith.constant 0 : i32
        %dma_wait3A_165 = tpu.memref_slice %arg7[%run_scoped3A_156, %dma_wait3A_164] : memref<2x40xi32, #tpu.memory_space<vmem>> -> memref<1x40xi32, #tpu.memory_space<vmem>>
        %dma_wait3A_166 = tpu.memref_squeeze %dma_wait3A_165 : memref<1x40xi32, #tpu.memory_space<vmem>> -> memref<40xi32, #tpu.memory_space<vmem>>
        %dma_wait3A_167 = arith.constant 0 : i32
        %dma_wait3A_168 = arith.constant 0 : i32
        %dma_wait3A_169 = tpu.memref_slice %arg13[%dma_wait3A_167, %dma_wait3A_168] : memref<10240x144xf32, #tpu.memory_space<vmem_shared>> -> memref<10240x144xf32, #tpu.memory_space<vmem_shared>>
        tpu.wait_indirect_dma semaphore(%run_scoped3A_157 : memref<!tpu.dma_semaphore, #tpu.memory_space<semaphore_mem>>) src(%arg12 : memref<40x144xf32, #tpu.memory_space<vmem>>) dst(%dma_wait3A_169 : memref<10240x144xf32, #tpu.memory_space<vmem_shared>>)
        tpu.yield
      }) : () -> ()
    }
    %scan3A_61 = arith.constant 125 : i32
    %dma_wait3A = arith.constant 0 : i32
    %dma_wait3A_62 = arith.constant 0 : i32
    %dma_wait3A_63 = tpu.memref_slice %arg6[%dma_wait3A, %dma_wait3A_62] : memref<2x40xi32, #tpu.memory_space<vmem>> -> memref<1x40xi32, #tpu.memory_space<vmem>>
    %dma_wait3A_64 = tpu.memref_squeeze %dma_wait3A_63 : memref<1x40xi32, #tpu.memory_space<vmem>> -> memref<40xi32, #tpu.memory_space<vmem>>
    %dma_wait3A_65 = arith.constant 0 : i32
    %dma_wait3A_66 = arith.constant 0 : i32
    %dma_wait3A_67 = tpu.memref_slice %arg2[%dma_wait3A_65, %dma_wait3A_66] : memref<10240x256xf32, #tpu.memory_space<hbm>> -> memref<10240x256xf32, #tpu.memory_space<hbm>>
    tpu.wait_indirect_dma semaphore(%arg14 : memref<!tpu.dma_semaphore, #tpu.memory_space<semaphore_mem>>) src(%dma_wait3A_67 : memref<10240x256xf32, #tpu.memory_space<hbm>>) dst(%arg8 : memref<40x256xf32, #tpu.memory_space<vmem>>)
    %dma_wait3A_68 = arith.constant 1 : i32
    %dma_wait3A_69 = arith.constant 0 : i32
    %dma_wait3A_70 = tpu.memref_slice %arg6[%dma_wait3A_68, %dma_wait3A_69] : memref<2x40xi32, #tpu.memory_space<vmem>> -> memref<1x40xi32, #tpu.memory_space<vmem>>
    %dma_wait3A_71 = tpu.memref_squeeze %dma_wait3A_70 : memref<1x40xi32, #tpu.memory_space<vmem>> -> memref<40xi32, #tpu.memory_space<vmem>>
    %dma_wait3A_72 = arith.constant 0 : i32
    %dma_wait3A_73 = arith.constant 0 : i32
    %dma_wait3A_74 = tpu.memref_slice %arg3[%dma_wait3A_72, %dma_wait3A_73] : memref<10240x128xf32, #tpu.memory_space<hbm>> -> memref<10240x128xf32, #tpu.memory_space<hbm>>
    tpu.wait_indirect_dma semaphore(%arg14 : memref<!tpu.dma_semaphore, #tpu.memory_space<semaphore_mem>>) src(%dma_wait3A_74 : memref<10240x128xf32, #tpu.memory_space<hbm>>) dst(%arg10 : memref<40x128xf32, #tpu.memory_space<vmem>>)
    %barrier3A_75 = arith.constant 0 : index
    tpu.barrier barrier_id(%barrier3A_75)
    %mul3A_76 = arith.constant 640 : i32
    %mul3A_77 = arith.muli %arg1, %mul3A_76 : i32
    %mul3A_78 = arith.constant 640 : i32
    %mul3A_79 = arith.muli %arg1, %mul3A_78 : i32
    "tpu.region"() ({
      %run_scoped3A = tpu.sem_alloc : memref<!tpu.dma_semaphore, #tpu.memory_space<semaphore_mem>>
      %dma_start3A_80 = arith.constant 0 : i32
      %dma_start3A_81 = tpu.memref_slice %arg5[%arg0, %mul3A_79, %dma_start3A_80] : memref<2x10240x144xf32, #tpu.memory_space<hbm>> -> memref<1x640x144xf32, #tpu.memory_space<hbm>>
      %dma_start3A_82 = tpu.memref_squeeze %dma_start3A_81 : memref<1x640x144xf32, #tpu.memory_space<hbm>> -> memref<640x144xf32, #tpu.memory_space<hbm>>
      %dma_start3A_83 = arith.constant 0 : i32
      %dma_start3A_84 = tpu.memref_slice %arg13[%mul3A_77, %dma_start3A_83] : memref<10240x144xf32, #tpu.memory_space<vmem_shared>> -> memref<640x144xf32, #tpu.memory_space<vmem_shared>>
      tpu.enqueue_dma source(%dma_start3A_84 : memref<640x144xf32, #tpu.memory_space<vmem_shared>>) target(%dma_start3A_82 : memref<640x144xf32, #tpu.memory_space<hbm>>) target_semaphore(%run_scoped3A : memref<!tpu.dma_semaphore, #tpu.memory_space<semaphore_mem>>)
      %dma_wait3A_85 = arith.constant 0 : i32
      %dma_wait3A_86 = tpu.memref_slice %arg5[%arg0, %mul3A_79, %dma_wait3A_85] : memref<2x10240x144xf32, #tpu.memory_space<hbm>> -> memref<1x640x144xf32, #tpu.memory_space<hbm>>
      %dma_wait3A_87 = tpu.memref_squeeze %dma_wait3A_86 : memref<1x640x144xf32, #tpu.memory_space<hbm>> -> memref<640x144xf32, #tpu.memory_space<hbm>>
      %dma_wait3A_88 = arith.constant 0 : i32
      %dma_wait3A_89 = tpu.memref_slice %arg13[%mul3A_77, %dma_wait3A_88] : memref<10240x144xf32, #tpu.memory_space<vmem_shared>> -> memref<640x144xf32, #tpu.memory_space<vmem_shared>>
      tpu.wait_dma2 semaphore(%run_scoped3A : memref<!tpu.dma_semaphore, #tpu.memory_space<semaphore_mem>>) src(%dma_wait3A_89 : memref<640x144xf32, #tpu.memory_space<vmem_shared>>) dst(%dma_wait3A_87 : memref<640x144xf32, #tpu.memory_space<hbm>>)
      tpu.yield
    }) : () -> ()
    return
  }
}

module attributes {stable_mosaic.version = 14 : i64} {
  func.func @_proj_body(%arg0: i32, %arg1: memref<1000x128xf32, #tpu.memory_space<vmem>>, %arg2: memref<128x256xf32, #tpu.memory_space<vmem>>, %arg3: memref<128x128xf32, #tpu.memory_space<vmem>>, %arg4: memref<1000x256xf32, #tpu.memory_space<vmem>>, %arg5: memref<1000x128xf32, #tpu.memory_space<vmem>>, %arg6: memref<1x128xf32, #tpu.memory_space<vmem>>) attributes {dimension_semantics = [#tpu.dimension_semantics<arbitrary>], iteration_bounds = array<i64: 10>, scalar_prefetch = 0 : i64, scratch_operands = 0 : i64, tpu.core_type = #tpu.core_type<tc>, window_params = [{transform_indices = @transform_0, window_bounds = array<i64: 1000, 128>}, {pipeline_mode = #tpu.pipeline_mode<synchronous>, transform_indices = @transform_1, window_bounds = array<i64: 128, 256>}, {pipeline_mode = #tpu.pipeline_mode<synchronous>, transform_indices = @transform_2, window_bounds = array<i64: 128, 128>}, {transform_indices = @transform_3, window_bounds = array<i64: 1000, 256>}, {transform_indices = @transform_4, window_bounds = array<i64: 1000, 128>}, {pipeline_mode = #tpu.pipeline_mode<synchronous>, transform_indices = @transform_5, window_bounds = array<i64: 1, 128>}]} {
    %get3A = arith.constant 0 : index
    %get3A_0 = arith.constant 0 : index
    %get3A_1 = vector.load %arg1[%get3A, %get3A_0] : memref<1000x128xf32, #tpu.memory_space<vmem>>, vector<1000x128xf32>
    %get3A_2 = arith.constant 0 : index
    %get3A_3 = arith.constant 0 : index
    %get3A_4 = vector.load %arg2[%get3A_2, %get3A_3] : memref<128x256xf32, #tpu.memory_space<vmem>>, vector<128x256xf32>
    %dot_general3A = arith.constant dense<0.000000e+00> : vector<1000x256xf32>
    %dot_general3A_5 = tpu.matmul %get3A_1, %get3A_4, %dot_general3A {dimension_numbers = #tpu.dot_dimension_numbers<[1], [0], [0], [1], [0, 0, 1, 1], [], []>, transpose_lhs_hint = false} : vector<1000x128xf32>, vector<128x256xf32>, vector<1000x256xf32> -> vector<1000x256xf32>
    %swap3A = arith.constant 0 : index
    %swap3A_6 = arith.constant 0 : index
    %swap3A_7 = vector.load %arg4[%swap3A, %swap3A_6] : memref<1000x256xf32, #tpu.memory_space<vmem>>, vector<1000x256xf32>
    tpu.vector_store %arg4[%swap3A, %swap3A_6], %dot_general3A_5 {strides = array<i32>} : memref<1000x256xf32, #tpu.memory_space<vmem>>, vector<1000x256xf32>,
    %get3A_8 = arith.constant 0 : index
    %get3A_9 = arith.constant 0 : index
    %get3A_10 = vector.load %arg3[%get3A_8, %get3A_9] : memref<128x128xf32, #tpu.memory_space<vmem>>, vector<128x128xf32>
    %dot_general3A_11 = arith.constant dense<0.000000e+00> : vector<1000x128xf32>
    %dot_general3A_12 = tpu.matmul %get3A_1, %get3A_10, %dot_general3A_11 {dimension_numbers = #tpu.dot_dimension_numbers<[1], [0], [0], [1], [0, 0, 1, 1], [], []>, transpose_lhs_hint = false} : vector<1000x128xf32>, vector<128x128xf32>, vector<1000x128xf32> -> vector<1000x128xf32>
    %swap3A_13 = arith.constant 0 : index
    %swap3A_14 = arith.constant 0 : index
    %swap3A_15 = vector.load %arg5[%swap3A_13, %swap3A_14] : memref<1000x128xf32, #tpu.memory_space<vmem>>, vector<1000x128xf32>
    tpu.vector_store %arg5[%swap3A_13, %swap3A_14], %dot_general3A_12 {strides = array<i32>} : memref<1000x128xf32, #tpu.memory_space<vmem>>, vector<1000x128xf32>,
    %reduce_sum3A = arith.constant dense<0.000000e+00> : vector<128xf32>
    %reduce_sum3A_16 = vector.multi_reduction <add>, %get3A_1, %reduce_sum3A [0] : vector<1000x128xf32> to vector<128xf32>
    %broadcast_in_dim3A = vector.shape_cast %reduce_sum3A_16 : vector<128xf32> to vector<1x128xf32>
    %eq3A = arith.constant 0 : i32
    %eq3A_17 = arith.cmpi eq, %arg0, %eq3A : i32
    %convert_element_type3A = arith.extui %eq3A_17 : i1 to i32
    %cond3A = arith.constant 0 : i32
    %cond3A_18 = arith.cmpi ne, %convert_element_type3A, %cond3A : i32
    scf.if %cond3A_18 {
      %swap3A_23 = arith.constant 0 : index
      %swap3A_24 = arith.constant 0 : index
      %swap3A_25 = vector.load %arg6[%swap3A_23, %swap3A_24] : memref<1x128xf32, #tpu.memory_space<vmem>>, vector<1x128xf32>
      tpu.vector_store %arg6[%swap3A_23, %swap3A_24], %broadcast_in_dim3A {strides = array<i32>} : memref<1x128xf32, #tpu.memory_space<vmem>>, vector<1x128xf32>,
    } else {
    }
    %ne3A = arith.constant 0 : i32
    %ne3A_19 = arith.cmpi ne, %arg0, %ne3A : i32
    %convert_element_type3A_20 = arith.extui %ne3A_19 : i1 to i32
    %cond3A_21 = arith.constant 0 : i32
    %cond3A_22 = arith.cmpi ne, %convert_element_type3A_20, %cond3A_21 : i32
    scf.if %cond3A_22 {
      %get3A_23 = arith.constant 0 : index
      %get3A_24 = arith.constant 0 : index
      %get3A_25 = vector.load %arg6[%get3A_23, %get3A_24] : memref<1x128xf32, #tpu.memory_space<vmem>>, vector<1x128xf32>
      %add3A = arith.addf %get3A_25, %broadcast_in_dim3A : vector<1x128xf32>
      %swap3A_26 = arith.constant 0 : index
      %swap3A_27 = arith.constant 0 : index
      %swap3A_28 = vector.load %arg6[%swap3A_26, %swap3A_27] : memref<1x128xf32, #tpu.memory_space<vmem>>, vector<1x128xf32>
      tpu.vector_store %arg6[%swap3A_26, %swap3A_27], %add3A {strides = array<i32>} : memref<1x128xf32, #tpu.memory_space<vmem>>, vector<1x128xf32>,
    } else {
    }
    return
  }
  func.func @transform_0(%arg0: i32) -> (i32, i32) {
    %c0_i32 = arith.constant 0 : i32
    %c0_i32_0 = arith.constant 0 : i32
    return %arg0, %c0_i32 : i32, i32
  }
  func.func @transform_1(%arg0: i32) -> (i32, i32) {
    %c0_i32 = arith.constant 0 : i32
    %c0_i32_0 = arith.constant 0 : i32
    %c0_i32_1 = arith.constant 0 : i32
    return %c0_i32, %c0_i32_0 : i32, i32
  }
  func.func @transform_2(%arg0: i32) -> (i32, i32) {
    %c0_i32 = arith.constant 0 : i32
    %c0_i32_0 = arith.constant 0 : i32
    %c0_i32_1 = arith.constant 0 : i32
    return %c0_i32, %c0_i32_0 : i32, i32
  }
  func.func @transform_3(%arg0: i32) -> (i32, i32) {
    %c0_i32 = arith.constant 0 : i32
    %c0_i32_0 = arith.constant 0 : i32
    return %arg0, %c0_i32 : i32, i32
  }
  func.func @transform_4(%arg0: i32) -> (i32, i32) {
    %c0_i32 = arith.constant 0 : i32
    %c0_i32_0 = arith.constant 0 : i32
    return %arg0, %c0_i32 : i32, i32
  }
  func.func @transform_5(%arg0: i32) -> (i32, i32) {
    %c0_i32 = arith.constant 0 : i32
    %c0_i32_0 = arith.constant 0 : i32
    %c0_i32_1 = arith.constant 0 : i32
    return %c0_i32, %c0_i32_0 : i32, i32
  }
}

module attributes {stable_mosaic.version = 14 : i64} {
  func.func @_final_body(%arg0: i32, %arg1: memref<2x1000x144xf32, #tpu.memory_space<vmem>>, %arg2: memref<1x128xf32, #tpu.memory_space<vmem>>, %arg3: memref<8x128xf32, #tpu.memory_space<vmem>>, %arg4: memref<1000x256xf32, #tpu.memory_space<vmem>>) attributes {dimension_semantics = [#tpu.dimension_semantics<arbitrary>], iteration_bounds = array<i64: 10>, scalar_prefetch = 0 : i64, scratch_operands = 0 : i64, tpu.core_type = #tpu.core_type<tc>, window_params = [{transform_indices = @transform_0, window_bounds = array<i64: 2, 1000, 144>}, {pipeline_mode = #tpu.pipeline_mode<synchronous>, transform_indices = @transform_1, window_bounds = array<i64: 1, 128>}, {pipeline_mode = #tpu.pipeline_mode<synchronous>, transform_indices = @transform_2, window_bounds = array<i64: 8, 128>}, {transform_indices = @transform_3, window_bounds = array<i64: 1000, 256>}]} {
    %get3A = arith.constant 0 : index
    %get3A_0 = arith.constant 0 : index
    %get3A_1 = arith.constant 0 : index
    %get3A_2 = vector.load %arg1[%get3A, %get3A_0, %get3A_1] : memref<2x1000x144xf32, #tpu.memory_space<vmem>>, vector<2x1000x144xf32>
    %slice3A = vector.extract_strided_slice %get3A_2 {offsets = [0, 0, 0], sizes = [1, 1000, 128], strides = [1, 1, 1]} : vector<2x1000x144xf32> to vector<1x1000x128xf32>
    %squeeze3A = vector.shape_cast %slice3A : vector<1x1000x128xf32> to vector<1000x128xf32>
    %slice3A_3 = vector.extract_strided_slice %get3A_2 {offsets = [1, 0, 0], sizes = [1, 1000, 128], strides = [1, 1, 1]} : vector<2x1000x144xf32> to vector<1x1000x128xf32>
    %squeeze3A_4 = vector.shape_cast %slice3A_3 : vector<1x1000x128xf32> to vector<1000x128xf32>
    %add3A = arith.addf %squeeze3A, %squeeze3A_4 : vector<1000x128xf32>
    %slice3A_5 = vector.extract_strided_slice %get3A_2 {offsets = [0, 0, 128], sizes = [1, 1000, 8], strides = [1, 1, 1]} : vector<2x1000x144xf32> to vector<1x1000x8xf32>
    %squeeze3A_6 = vector.shape_cast %slice3A_5 : vector<1x1000x8xf32> to vector<1000x8xf32>
    %slice3A_7 = vector.extract_strided_slice %get3A_2 {offsets = [1, 0, 128], sizes = [1, 1000, 8], strides = [1, 1, 1]} : vector<2x1000x144xf32> to vector<1x1000x8xf32>
    %squeeze3A_8 = vector.shape_cast %slice3A_7 : vector<1x1000x8xf32> to vector<1000x8xf32>
    %add3A_9 = arith.addf %squeeze3A_6, %squeeze3A_8 : vector<1000x8xf32>
    %get3A_10 = arith.constant 0 : index
    %get3A_11 = arith.constant 0 : index
    %get3A_12 = vector.load %arg3[%get3A_10, %get3A_11] : memref<8x128xf32, #tpu.memory_space<vmem>>, vector<8x128xf32>
    %dot_general3A = arith.constant dense<0.000000e+00> : vector<1000x128xf32>
    %dot_general3A_13 = tpu.matmul %add3A_9, %get3A_12, %dot_general3A {dimension_numbers = #tpu.dot_dimension_numbers<[1], [0], [0], [1], [0, 0, 1, 1], [], []>, transpose_lhs_hint = false} : vector<1000x8xf32>, vector<8x128xf32>, vector<1000x128xf32> -> vector<1000x128xf32>
    %add3A_14 = arith.constant 9.99999997E-7 : f32
    %add3A_15 = vector.broadcast %add3A_14 : f32 to vector<1000x128xf32>
    %add3A_16 = arith.addf %dot_general3A_13, %add3A_15 : vector<1000x128xf32>
    %div3A = arith.divf %add3A, %add3A_16 : vector<1000x128xf32>
    %get3A_17 = arith.constant 0 : index
    %get3A_18 = arith.constant 0 : index
    %get3A_19 = vector.load %arg2[%get3A_17, %get3A_18] : memref<1x128xf32, #tpu.memory_space<vmem>>, vector<1x128xf32>
    %mul3A = arith.constant 9.99999974E-5 : f32
    %mul3A_20 = vector.broadcast %mul3A : f32 to vector<1x128xf32>
    %mul3A_21 = arith.mulf %get3A_19, %mul3A_20 : vector<1x128xf32>
    %broadcast_in_dim3A = vector.shape_cast %mul3A_21 : vector<1x128xf32> to vector<1x128xf32>
    %broadcast_in_dim3A_22 = vector.broadcast %broadcast_in_dim3A : vector<1x128xf32> to vector<1000x128xf32>
    %concatenate3A = tpu.concatenate %div3A, %broadcast_in_dim3A_22 in 1 : vector<1000x128xf32>, vector<1000x128xf32> -> vector<1000x256xf32>
    %swap3A = arith.constant 0 : index
    %swap3A_23 = arith.constant 0 : index
    %swap3A_24 = vector.load %arg4[%swap3A, %swap3A_23] : memref<1000x256xf32, #tpu.memory_space<vmem>>, vector<1000x256xf32>
    tpu.vector_store %arg4[%swap3A, %swap3A_23], %concatenate3A {strides = array<i32>} : memref<1000x256xf32, #tpu.memory_space<vmem>>, vector<1000x256xf32>,
    return
  }
  func.func @transform_0(%arg0: i32) -> (i32, i32, i32) {
    %c0_i32 = arith.constant 0 : i32
    %c0_i32_0 = arith.constant 0 : i32
    %c0_i32_1 = arith.constant 0 : i32
    return %c0_i32, %arg0, %c0_i32_0 : i32, i32, i32
  }
  func.func @transform_1(%arg0: i32) -> (i32, i32) {
    %c0_i32 = arith.constant 0 : i32
    %c0_i32_0 = arith.constant 0 : i32
    %c0_i32_1 = arith.constant 0 : i32
    return %c0_i32, %c0_i32_0 : i32, i32
  }
  func.func @transform_2(%arg0: i32) -> (i32, i32) {
    %c0_i32 = arith.constant 0 : i32
    %c0_i32_0 = arith.constant 0 : i32
    %c0_i32_1 = arith.constant 0 : i32
    return %c0_i32, %c0_i32_0 : i32, i32
  }
  func.func @transform_3(%arg0: i32) -> (i32, i32) {
    %c0_i32 = arith.constant 0 : i32
    %c0_i32_0 = arith.constant 0 : i32
    return %arg0, %c0_i32 : i32, i32
  }
}

</mosaic_0001>

<sc_bundles>
// kernel: kernel.5.cloned.1.call-start
scs
__scs_entry_jumppad:
0x0: {  	(pc) =	sbr.rel $0x88, $3  }
0x1: {  	(tag) =	ssettag $0x0;
	lr =	simm.s32 $0x1  }
0x2: {  	[smem:$0x3F9C] =	sst lr;
	_ =	strace $0xD0000000  }
0x3: {  	_ = 	snop  }
0x4: {  	_ = 	snop  }
0x5: {  	_ = 	snop  }
0x6: {  	_ = 	snop  }
0x7: {  	_ = 	snop  }
__scs_overlays_trampoline_lowered:
0x8: {  	[smem:$0x3FAB] =	sst s0  }
0x9: {  	[smem:$0x3FAC] =	sst s1  }
0xa: {  	[smem:$0x3FAD] =	sst s2  }
0xb: {  	[smem:$0x3FAE] =	sst s3  }
0xc: {  	[smem:$0x3FAF] =	sst s4  }
0xd: {  	[smem:$0x3FB0] =	sst s5  }
0xe: {  	[smem:$0x3FB1] =	sst s6  }
0xf: {  	[smem:$0x3FB2] =	sst s7  }
0x10: {  	[smem:$0x3FB3] =	sst s8  }
0x11: {  	[smem:$0x3FB4] =	sst s9;
	s0 =	simm.s32 @!p0 $0x0  }
0x12: {  	s1 =	sld [smem:$0x3F9A];
	s0 =	simm.s32 @p0 $0x1  }
0x13: {  	[smem:$0x3FB5] =	sst s0;
	s0 =	simm.s32 @!p1 $0x0  }
0x14: {  	s2 =	sld [smem:$0x3F99];
	s0 =	simm.s32 @p1 $0x1  }
0x15: {  	[smem:$0x3FB6] =	sst s0;
	s0 =	simm.s32 @!p2 $0x0  }
0x16: {  	s3 =	sld [smem:$0x3FDB];
	s0 =	simm.s32 @p2 $0x1  }
0x17: {  	s4 =	simm.s32 $0x1BF5;
	[smem:$0x3FB8] =	sst s0  }
0x18: {  	s0 =	sld [smem:$0x3F9B];
	_ =	swait.ge [sflag:s4], $0x0  }
0x19: {  	s7 =	sld [smem:$0x3F9C]  }
0x1a: {  	s8 =	sadd.s32 $0xFFFFE003, lr  }
0x1b: {  	s9 =	sadd.s32 $0xFFFFFEF7, lr;
	s5 =	simm.s32 $0xFFFFFFFF;
	p2 =	slt.u32 s8, $0xFFFFF086  }
0x1c: {  	p1 =	slt.u32 s9, $0xF7A;
	s5 =	simm.s32 @!p2 $0x0  }
0x1d: {  	s5 =	simm.s32 @p1 $0x1;
	p0 =	seq.s32 s7, s2  }
0x1e: {  	s7 =	smul.u32 @!p0 $0xF7A, s2;
	p2 =	seq.s32 @!p0 s5, $0x0  }
0x1f: {  	s9 =	smul.u32 $0xF7A, s1;
	s8 =	simm.s32 @!p0 $0x1BF5;
	p2 =	por !p2, p0  }
0x20: {  	[sflag:s8] =	ssyncset.s32 @!p0 $0xFFFFF086;
	s6 =	sadd.s32 @!p0 s3, s7;
	s7 =	simm.s32 @!p0 $0x108  }
0x21: {  	s3 =	sadd.s32 s3, s9;
	s6 =	sadd.s32 @!p0 $0x88, s6;
	s7 =	simm.s32 @p2 $0x1082  }
0x22: {  	[simem:s7], [sflag:s8] =	dma.local @!p0 [hbm:s6], $0xF7A  }
0x23: {  	s9 =	sor.u32 $0xD0000000, s2;
	s6 =	simm.s32 $0x108;
	_ =	swait.ge @!p0 [sflag:s8], $0x0  }
0x24: {  	s3 =	sadd.s32 $0x88, s3;
	s6 =	simm.s32 @!p1 $0x1082;
	[sflag:s4] =	ssyncset.s32 $0xFFFFF086  }
0x25: {  	[simem:s6], [sflag:s4] =	dma.local [hbm:s3], $0xF7A  }
0x26: {  	[smem:$0x3F9C] =	sst s1;
	(tag) =	ssettag s2;
	_ =	strace s9  }
0x27: {  	s1 =	sld [smem:$0x3FAC]  }
0x28: {  	s2 =	sld [smem:$0x3FAD]  }
0x29: {  	s4 =	sld [smem:$0x3FAF]  }
0x2a: {  	p0 =	seq.s32 s5, $0x0;
	s5 =	sld [smem:$0x3FB0]  }
0x2b: {  	s6 =	sld [smem:$0x3FB1]  }
0x2c: {  	s7 =	sld [smem:$0x3FB2]  }
0x2d: {  	s3 =	simm.s32 $0x108;
	s8 =	sld [smem:$0x3FB3]  }
0x2e: {  	s3 =	simm.s32 @!p0 $0x1082;
	s9 =	sld [smem:$0x3FB4]  }
0x2f: {  	lr =	sadd.s32 s0, s3;
	s0 =	sld [smem:$0x3FAB]  }
0x30: {  	s3 =	sld [smem:$0x3FAE]  }
0x31: {  	[smem:$0x3FB7] =	sst s10  }
0x32: {  	s10 =	sld [smem:$0x3FB5];
	_ =	sdelay $0x3  }
0x33: {  	p0 =	seq.s32 s10, $0x1;
	s10 =	sld [smem:$0x3FB7];
	_ =	sdelay $0x3  }
0x34: {  	[smem:$0x3FB7] =	sst s10  }
0x35: {  	s10 =	sld [smem:$0x3FB6];
	_ =	sdelay $0x3  }
0x36: {  	p1 =	seq.s32 s10, $0x1;
	s10 =	sld [smem:$0x3FB7];
	_ =	sdelay $0x3  }
0x37: {  	[smem:$0x3FB7] =	sst s10  }
0x38: {  	s10 =	sld [smem:$0x3FB8]  }
0x39: {  	_ = 	snop;
	(pc) =	sbr.ind lr, $3  }
0x3a: {  	_ = 	snop  }
0x3b: {  	_ = 	snop  }
0x3c: {  	p2 =	seq.s32 s10, $0x1;
	s10 =	sld [smem:$0x3FB7]  }
0x3d: {  	_ =	shalt  }
0x3e: {  	_ =	shalt  }
0x3f: {  	_ =	shalt  }
0x40: {  	_ =	shalt  }
0x41: {  	_ =	shalt  }
0x42: {  	_ =	shalt  }
0x43: {  	_ =	shalt  }
0x44: {  	_ =	shalt  }
0x45: {  	_ =	shalt  }
0x46: {  	_ =	shalt  }
0x47: {  	_ =	shalt  }
0x48: {  	_ =	shalt  }
0x49: {  	_ =	shalt  }
0x4a: {  	_ =	shalt  }
0x4b: {  	_ =	shalt  }
0x4c: {  	_ =	shalt  }
0x4d: {  	_ =	shalt  }
0x4e: {  	_ =	shalt  }
0x4f: {  	_ =	shalt  }
0x50: {  	_ =	shalt  }
0x51: {  	_ =	shalt  }
0x52: {  	_ =	shalt  }
0x53: {  	_ =	shalt  }
0x54: {  	_ =	shalt  }
0x55: {  	_ =	shalt  }
0x56: {  	_ =	shalt  }
0x57: {  	_ =	shalt  }
0x58: {  	_ =	shalt  }
0x59: {  	_ =	shalt  }
0x5a: {  	_ =	shalt  }
0x5b: {  	_ =	shalt  }
0x5c: {  	_ =	shalt  }
0x5d: {  	_ =	shalt  }
0x5e: {  	_ =	shalt  }
0x5f: {  	_ =	shalt  }
0x60: {  	_ =	shalt  }
0x61: {  	_ =	shalt  }
0x62: {  	_ =	shalt  }
0x63: {  	_ =	shalt  }
0x64: {  	_ =	shalt  }
0x65: {  	_ =	shalt  }
0x66: {  	_ =	shalt  }
0x67: {  	_ =	shalt  }
0x68: {  	_ =	shalt  }
0x69: {  	_ =	shalt  }
0x6a: {  	_ =	shalt  }
0x6b: {  	_ =	shalt  }
0x6c: {  	_ =	shalt  }
0x6d: {  	_ =	shalt  }
0x6e: {  	_ =	shalt  }
0x6f: {  	_ =	shalt  }
0x70: {  	_ =	shalt  }
0x71: {  	_ =	shalt  }
0x72: {  	_ =	shalt  }
0x73: {  	_ =	shalt  }
0x74: {  	_ =	shalt  }
0x75: {  	_ =	shalt  }
0x76: {  	_ =	shalt  }
0x77: {  	_ =	shalt  }
0x78: {  	_ =	shalt  }
0x79: {  	_ =	shalt  }
0x7a: {  	_ =	shalt  }
0x7b: {  	_ =	shalt  }
0x7c: {  	_ =	shalt  }
0x7d: {  	_ =	shalt  }
0x7e: {  	_ =	shalt  }
0x7f: {  	_ =	shalt  }
0x80: {  	_ =	shalt  }
0x81: {  	_ =	shalt  }
0x82: {  	_ =	shalt  }
0x83: {  	_ =	shalt  }
0x84: {  	_ =	shalt  }
0x85: {  	_ =	shalt  }
0x86: {  	_ =	shalt  }
0x87: {  	_ =	shalt  }
.Lfunc_end0:
.L_simem_size_0:
called_computation_lowered:
.L_overlay_start_0:
0x88: {  	s2 =	sld [smem:$0x3FD9]  }
0x89: {  	s3 =	sld [smem:$0x3FFE];
	_ =	sdelay $0x1  }
0x8a: {  	s1 =	srdreg.scid  }
0x8b: {  	s0 =	sand.u32 $0x1, s1  }
0x8c: {  	s17 =	sshll.u32 s0, $0xA;
	s2 =	sadd.s32 s3, s2  }
0x8d: {  	s2 =	sadd.s32 s2, s17  }
0x8e: {  	[smem:$0x3FC3] =	sst s2  }
0x8f: {  	_ = 	snop  }
0x90: {  	s2 =	sld [smem:$0x3FD0];
	(tm) =	ssettm $0x1  }
0x91: {  	s18 =	sld [smem:$0x3FFB];
	_ =	sdelay $0x3  }
0x92: {  	_ =	strace s18  }
0x93: {  	s3 =	sld [smem:$0x3FFC];
	_ =	sdelay $0x3  }
0x94: {  	_ =	strace s3  }
0x95: {  	s3 =	sld [smem:$0x3FFD];
	_ =	sdelay $0x3  }
0x96: {  	_ =	strace s3  }
0x97: {  	_ =	strace $0x8FFFFFFF  }
0x98: {  	s19 =	sld [smem:$0x3FDB];
	_ =	sdelay $0x1  }
0x99: {  	s4 =	simm.s32 $_scs_section_size  }
0x9a: {  	s5 =	simm.s32 $_size__tile_overlayer_lowered;
	s6 =	simm.s32 $_tile_overlayer_lowered  }
0x9b: {  	s22 =	simm.s32 $0x1BFF;
	s21 =	sshll.u32 s6, $0x1;
	s3 =	sadd.s32 s4, s19  }
0x9c: {  	s7 =	simm.s32 $0x0;
	s20 =	sshll.u32 s5, $0x1;
	s5 =	sadd.s32 s21, s3  }
0x9d: {  	[timem:s7], [sflag:s22] =	dma.local [hbm:s5], s20  }
0x9e: {  	_ =	swait.ge [sflag:s22], s20  }
0x9f: {  	s4 =	ssub.s32 $0x0, s20;
	[sflag:s22] =	ssyncset.done $0x0  }
0xa0: {  	[sflag:s22] =	ssyncadd.s32 s4;
	_ =	sdelay $0x1  }
0xa1: {  	s23 =	simm.s32 $0x1B8B  }
0xa2: {  	_ =	swait.ge [sflag:s23], $0x1  }
0xa3: {  	[sflag:s23] =	ssyncset.done $0x0  }
0xa4: {  	s25 =	simm.s32 $0x1B8E;
	s24 =	sld [smem:$0x3FFE];
	[sflag:s23] =	ssyncadd.s32 $0xFFFFFFFF  }
0xa5: {  	s26 =	simm.s32 $execute0_lowered;
	[smem:$0x3FD2] =	sst s25  }
0xa6: {  	s5 =	sshll.u32 s26, $0x1;
	_ =	strace $0x80000046;
	[dreg:$0x1] =	wrdreg $0xFFFFFFFF  }
0xa7: {  	s28 =	simm.s32 $_size_execute0_lowered;
	s3 =	sadd.s32 s3, s5;
	[dreg:$0x0] =	wrdreg $0x0  }
0xa8: {  	s5 =	sshll.u32 s28, $0x1;
	[dreg:$0x2] =	wrdreg s3  }
0xa9: {  	[dreg:$0x3] =	wrdreg s5  }
0xaa: {  	[dreg:$0x4] =	wrdreg $0xC0  }
0xab: {  	_ =	task [dreg:s7], $0x5FFFF  }
0xac: {  	[dreg:$0x1] =	wrdreg $0xFFFFFFFF  }
0xad: {  	[dreg:$0x0] =	wrdreg $0x60  }
0xae: {  	[dreg:$0x2] =	wrdreg s24  }
0xaf: {  	[dreg:$0x3] =	wrdreg s2  }
0xb0: {  	[dreg:$0x4] =	wrdreg $0x8F200  }
0xb1: {  	[dreg:$0x5] =	wrdreg $0x9  }
0xb2: {  	_ =	task.clear_ibuf [dreg:s7], $0x6FFFF;
	_ =	strace $0x90000046  }
0xb3: {  	s29 =	simm.s32 $0x9;
	_ =	strace $0x80000048  }
0xb4: {  	_ =	swait.ge [sflag:s29], $0x1  }
0xb5: {  	[sflag:s29] =	ssyncadd.s32 $0xFFFFFFFF  }
0xb6: {  	_ =	strace $0x90000048  }
0xb7: {  	_ =	sfence  }
0xb8: {  	s30 =	sld [smem:$0x0];
	_ =	sdelay $0x2  }
0xb9: {  	s31 =	sshll.u32 s1, $0xD;
	s1 =	sshrl.u32 s1, $0x2  }
0xba: {  	s3 =	sand.u32 $0x4000, s31;
	s1 =	sadd.s32 s1, s30  }
0xbb: {  	s0 =	sor.u32 s3, s0;
	s1 =	sshll.u32 s1, $0x11  }
0xbc: {  	s0 =	sor.u32 s1, s0  }
0xbd: {  	s0 =	sadd.s32 $0x8F2B, s0  }
0xbe: {  	[sflag:s0] =	ssyncadd.remote.s32 $0x1  }
0xbf: {  	_ =	sfence.sel $0xFFFF  }
0xc0: {  	[dreg:$0x0] =	wrdreg $0xFFFFFFFF;
	(pc) =	sbr.abs _section_cstart, $3  }
0xc1: {  	[dreg:$0x1] =	wrdreg $0xFFFFFFFF  }
0xc2: {  	_ =	task.clear_ibuf [dreg:s7], $0x2FFFF;
	_ =	strace $0x9FFFFFFF  }
0xc3: {  	(tm) =	ssettm $0x7FFFFFFF  }
tec
execute0_lowered:
.L_overlay_start_1:
0x0: {  	(tag) =	ssettag $0x1  }
0x1: {  	s0 =	rddreg [dreg:$0x0]  }
0x2: {  	s2 =	rddreg [dreg:$0x1];
	s1 =	srdreg.scid  }
0x3: {  	s11 =	stileid.u32;
	s3 =	rddreg [dreg:$0x2]  }
0x4: {  	s4 =	simm.s32 $0x0;
	s29 =	simm.s32 $0x78A0;
	s10 =	smul.u32 $0x5A000, s11  }
0x5: {  	s30 =	simm.s32 $0x3;
	s31 =	simm.s32 $0x28;
	s7 =	smul.u32 $0x16800, s11  }
0x6: {  	s1 =	sand.u32 $0x1, s1;
	[smem:$0x7FF] =	sst s4;
	s10 =	sshrl.u32 s10, $0x2  }
0x7: {  	s23 =	sshll.u32 s11, $0x1;
	s11 =	sadd.s32 s7, s3;
	s24 =	sadd.s32 s10, s3  }
0x8: {  	_ =	strace $0x80000047;
	[dreg:$0x4] =	wrdreg s11;
	s25 =	sadd.s32 $0x1680, s24  }
0x9: {  	s5 =	sadd.s32 $0x14A00, s0;
	s26 =	sadd.s32 $0x2D00, s24;
	[dreg:$0x5] =	wrdreg s25  }
0xa: {  	s6 =	smul.u32 $0x168000, s1;
	s10 =	sadd.s32 $0x4380, s24;
	[dreg:$0x6] =	wrdreg s26  }
0xb: {  	s9 =	ssub.s32 $0x2, s1;
	s12 =	sadd.s32 $0x5A00, s24;
	[dreg:$0x7] =	wrdreg s10  }
0xc: {  	s1 =	sor.u32 s1, s23;
	s13 =	sadd.s32 $0x7080, s24;
	[dreg:$0x8] =	wrdreg s12  }
0xd: {  	s22 =	sshrl.u32 s9, $0x1;
	s14 =	sadd.s32 $0x8700, s24;
	[dreg:$0x9] =	wrdreg s13  }
0xe: {  	s20 =	smul.u32 $0x9C4, s1;
	s15 =	sadd.s32 $0x9D80, s24;
	[dreg:$0xa] =	wrdreg s14  }
0xf: {  	s21 =	smul.u32 $0xFA, s1;
	s16 =	sadd.s32 $0xB400, s24;
	[dreg:$0xb] =	wrdreg s15  }
0x10: {  	s6 =	sadd.s32 s7, s6;
	s17 =	sadd.s32 $0xCA80, s24;
	[dreg:$0xc] =	wrdreg s16  }
0x11: {  	s7 =	simm.s32 $0x0;
	s18 =	sadd.s32 $0xE100, s24;
	[dreg:$0xd] =	wrdreg s17  }
0x12: {  	s8 =	sshrl.u32 s6, $0x3;
	s19 =	sadd.s32 $0xF780, s24;
	[dreg:$0xe] =	wrdreg s18  }
0x13: {  	s6 =	sadd.s32 $0x1000, s0;
	s23 =	sadd.s32 $0x13B00, s24;
	[dreg:$0xf] =	wrdreg s19  }
0x14: {  	s0 =	sadd.s32 s8, s0;
	s10 =	sadd.s32 $0x10E00, s24;
	[dreg:$0x12] =	wrdreg s23  }
0x15: {  	s8 =	ssub.s32 s9, s22;
	s22 =	sadd.s32 $0x12480, s24;
	[dreg:$0x10] =	wrdreg s10  }
0x16: {  	s28 =	sor.u32 $0x1, s21;
	s24 =	sadd.s32 $0x15180, s24;
	[dreg:$0x11] =	wrdreg s22  }
0x17: {  	s25 =	sadd.s32 s6, s20;
	s12 =	simm.s32 $0x1;
	[dreg:$0x13] =	wrdreg s24  }
0x18: {  	v0 =	vimm.f32 $0.0e+00;
	vm0 =	vmmov $0x1;
	vm1 =	vcmask $0x320;
	s13 =	simm.s32 $0x2;
	[dreg:$0x14] =	wrdreg s25;
	s0 =	sadd.s32 $0x64A00, s0  }
0x19: {  	vm2 =	vcmask $0x720;
	vm3 =	vcmask $0xB20;
	vm4 =	vcmask $0xF20;
	s26 =	smax.u32 s8, $0x1;
	s8 =	simm.s32 $0x50;
	[dreg:$0x15] =	wrdreg s0  }
0x1a: {  	vm5 =	vcmask $0x1320;
	vm6 =	vcmask $0x1720;
	vm7 =	vcmask $0x1B20;
	s10 =	simm.s32 $0x78;
	[dreg:$0x16] =	wrdreg s26;
	s0 =	simm.s32 $0x50A0  }
.LBB2_1:
0x1b: {  	[dreg:$0x17] =	wrdreg s7;
	s1 =	simm.s32 $0x0;
	s7 =	simm.s32 $0x240  }
.LBB2_2:
0x1c: {  	p0 =	sne.s32 s7, $0x57C0;
	[tilespmem:s1+$0x7920] =	vst v0  }
0x1d: {  	[tilespmem:s1+$0x78A0] =	vst v0  }
0x1e: {  	[tilespmem:s1+$0x78B0] =	vst v0  }
0x1f: {  	[tilespmem:s1+$0x78C0] =	vst v0  }
.Ltmp0:
0x20: {  	[tilespmem:s1+$0x78D0] =	vst v0;
	(pc) =	sbr.rel @p0 .LBB2_2-.Ltmp0, $4  }
0x21: {  	[tilespmem:s1+$0x78E0] =	vst v0  }
0x22: {  	[tilespmem:s1+$0x78F0] =	vst v0  }
0x23: {  	[tilespmem:s1+$0x7900] =	vst v0  }
0x24: {  	[tilespmem:s1+$0x7910] =	vst v0;
	s1 =	sshra.s32 s7, $0x2;
	s7 =	sadd.s32 $0x240, s7  }
0x25: {  	[tilespmem:s1+$0x7920] =	vst v0  }
0x26: {  	[tilespmem:s1+$0x78A0] =	vst v0  }
0x27: {  	[tilespmem:s1+$0x78B0] =	vst v0  }
0x28: {  	[tilespmem:s1+$0x78C0] =	vst v0  }
0x29: {  	[tilespmem:s1+$0x78D0] =	vst v0  }
0x2a: {  	[tilespmem:s1+$0x78E0] =	vst v0  }
0x2b: {  	[tilespmem:s1+$0x78F0] =	vst v0  }
0x2c: {  	[tilespmem:s1+$0x7900] =	vst v0  }
0x2d: {  	[tilespmem:s1+$0x7910] =	vst v0  }
0x2e: {  	[spmem:s11] =	stream.linear.scatter [tilespmem:s29], [sflag:$0x3], $0x1680, $0x38;
	[tilespmem:$0x1F720] =	vst v63  }
0x2f: {  	_ =	swait.ge [sflag:s30], $0x1680  }
0x30: {  	[sflag:s30] =	ssyncset.done $0x0  }
0x31: {  	s25 =	rddreg [dreg:$0x5];
	[sflag:s30] =	ssyncadd.s32 $0xFFFFE980  }
0x32: {  	[spmem:s25] =	stream.linear.scatter [tilespmem:s29], [sflag:$0x3], $0x1680, $0x38;
	[tilespmem:$0x1F720] =	vst v63  }
0x33: {  	_ =	swait.ge [sflag:s30], $0x1680  }
0x34: {  	[sflag:s30] =	ssyncset.done $0x0  }
0x35: {  	s26 =	rddreg [dreg:$0x6];
	[sflag:s30] =	ssyncadd.s32 $0xFFFFE980  }
0x36: {  	[spmem:s26] =	stream.linear.scatter [tilespmem:s29], [sflag:$0x3], $0x1680, $0x38;
	[tilespmem:$0x1F720] =	vst v63  }
0x37: {  	_ =	swait.ge [sflag:s30], $0x1680  }
0x38: {  	[sflag:s30] =	ssyncset.done $0x0  }
0x39: {  	s7 =	rddreg [dreg:$0x7];
	[sflag:s30] =	ssyncadd.s32 $0xFFFFE980  }
0x3a: {  	[spmem:s7] =	stream.linear.scatter [tilespmem:s29], [sflag:$0x3], $0x1680, $0x38;
	[tilespmem:$0x1F720] =	vst v63  }
0x3b: {  	_ =	swait.ge [sflag:s30], $0x1680  }
0x3c: {  	[sflag:s30] =	ssyncset.done $0x0  }
0x3d: {  	s9 =	rddreg [dreg:$0x8];
	[sflag:s30] =	ssyncadd.s32 $0xFFFFE980  }
0x3e: {  	[spmem:s9] =	stream.linear.scatter [tilespmem:s29], [sflag:$0x3], $0x1680, $0x38;
	[tilespmem:$0x1F720] =	vst v63  }
0x3f: {  	_ =	swait.ge [sflag:s30], $0x1680  }
0x40: {  	[sflag:s30] =	ssyncset.done $0x0  }
0x41: {  	s11 =	rddreg [dreg:$0x9];
	[sflag:s30] =	ssyncadd.s32 $0xFFFFE980  }
0x42: {  	[spmem:s11] =	stream.linear.scatter [tilespmem:s29], [sflag:$0x3], $0x1680, $0x38;
	[tilespmem:$0x1F720] =	vst v63  }
0x43: {  	_ =	swait.ge [sflag:s30], $0x1680  }
0x44: {  	[sflag:s30] =	ssyncset.done $0x0  }
0x45: {  	s14 =	rddreg [dreg:$0xa];
	[sflag:s30] =	ssyncadd.s32 $0xFFFFE980  }
0x46: {  	[spmem:s14] =	stream.linear.scatter [tilespmem:s29], [sflag:$0x3], $0x1680, $0x38;
	[tilespmem:$0x1F720] =	vst v63  }
0x47: {  	_ =	swait.ge [sflag:s30], $0x1680  }
0x48: {  	[sflag:s30] =	ssyncset.done $0x0  }
0x49: {  	s15 =	rddreg [dreg:$0xb];
	[sflag:s30] =	ssyncadd.s32 $0xFFFFE980  }
0x4a: {  	[spmem:s15] =	stream.linear.scatter [tilespmem:s29], [sflag:$0x3], $0x1680, $0x38;
	[tilespmem:$0x1F720] =	vst v63  }
0x4b: {  	_ =	swait.ge [sflag:s30], $0x1680  }
0x4c: {  	[sflag:s30] =	ssyncset.done $0x0  }
0x4d: {  	s16 =	rddreg [dreg:$0xc];
	[sflag:s30] =	ssyncadd.s32 $0xFFFFE980  }
0x4e: {  	[spmem:s16] =	stream.linear.scatter [tilespmem:s29], [sflag:$0x3], $0x1680, $0x38;
	[tilespmem:$0x1F720] =	vst v63  }
0x4f: {  	_ =	swait.ge [sflag:s30], $0x1680  }
0x50: {  	[sflag:s30] =	ssyncset.done $0x0  }
0x51: {  	s17 =	rddreg [dreg:$0xd];
	[sflag:s30] =	ssyncadd.s32 $0xFFFFE980  }
0x52: {  	[spmem:s17] =	stream.linear.scatter [tilespmem:s29], [sflag:$0x3], $0x1680, $0x38;
	[tilespmem:$0x1F720] =	vst v63  }
0x53: {  	_ =	swait.ge [sflag:s30], $0x1680  }
0x54: {  	[sflag:s30] =	ssyncset.done $0x0  }
0x55: {  	s18 =	rddreg [dreg:$0xe];
	[sflag:s30] =	ssyncadd.s32 $0xFFFFE980  }
0x56: {  	[spmem:s18] =	stream.linear.scatter [tilespmem:s29], [sflag:$0x3], $0x1680, $0x38;
	[tilespmem:$0x1F720] =	vst v63  }
0x57: {  	_ =	swait.ge [sflag:s30], $0x1680  }
0x58: {  	[sflag:s30] =	ssyncset.done $0x0  }
0x59: {  	s19 =	rddreg [dreg:$0xf];
	[sflag:s30] =	ssyncadd.s32 $0xFFFFE980  }
0x5a: {  	[spmem:s19] =	stream.linear.scatter [tilespmem:s29], [sflag:$0x3], $0x1680, $0x38;
	[tilespmem:$0x1F720] =	vst v63  }
0x5b: {  	_ =	swait.ge [sflag:s30], $0x1680  }
0x5c: {  	[sflag:s30] =	ssyncset.done $0x0  }
0x5d: {  	s20 =	rddreg [dreg:$0x10];
	[sflag:s30] =	ssyncadd.s32 $0xFFFFE980  }
0x5e: {  	[spmem:s20] =	stream.linear.scatter [tilespmem:s29], [sflag:$0x3], $0x1680, $0x38;
	[tilespmem:$0x1F720] =	vst v63  }
0x5f: {  	_ =	swait.ge [sflag:s30], $0x1680  }
0x60: {  	[sflag:s30] =	ssyncset.done $0x0  }
0x61: {  	s22 =	rddreg [dreg:$0x11];
	[sflag:s30] =	ssyncadd.s32 $0xFFFFE980  }
0x62: {  	[spmem:s22] =	stream.linear.scatter [tilespmem:s29], [sflag:$0x3], $0x1680, $0x38;
	[tilespmem:$0x1F720] =	vst v63  }
0x63: {  	_ =	swait.ge [sflag:s30], $0x1680  }
0x64: {  	[sflag:s30] =	ssyncset.done $0x0  }
0x65: {  	s23 =	rddreg [dreg:$0x12];
	[sflag:s30] =	ssyncadd.s32 $0xFFFFE980  }
0x66: {  	[spmem:s23] =	stream.linear.scatter [tilespmem:s29], [sflag:$0x3], $0x1680, $0x38;
	[tilespmem:$0x1F720] =	vst v63  }
0x67: {  	_ =	swait.ge [sflag:s30], $0x1680  }
0x68: {  	[sflag:s30] =	ssyncset.done $0x0  }
0x69: {  	s24 =	rddreg [dreg:$0x13];
	[sflag:s30] =	ssyncadd.s32 $0xFFFFE980  }
0x6a: {  	[spmem:s24] =	stream.linear.scatter [tilespmem:s29], [sflag:$0x3], $0x1680, $0x38;
	[tilespmem:$0x1F720] =	vst v63  }
0x6b: {  	_ =	swait.ge [sflag:s30], $0x1680  }
0x6c: {  	[sflag:s30] =	ssyncset.done $0x0  }
0x6d: {  	[sflag:s30] =	ssyncadd.s32 $0xFFFFE980  }
0x6e: {  	[bflag:$0x0] =	sbarrier.arrive $0xFFFF  }
0x6f: {  	s15 =	simm.s32 $0x0;
	s25 =	rddreg [dreg:$0x14]  }
0x70: {  	[tilespmem:s15], [sflag:$0x3] =	stream.linear.gather [hbm4b:s25+s15], $0x50, $0x38;
	[tilespmem:$0x1F720] =	vst v63  }
0x71: {  	_ =	swait.ge [sflag:s30], $0x50  }
0x72: {  	[sflag:s30] =	ssyncset.done $0x0  }
0x73: {  	s26 =	simm.s32 $0xA0;
	[sflag:s30] =	ssyncadd.s32 $0xFFFFFFB0  }
0x74: {  	[tilespmem:s26], [sflag:$0x1] =	stream.indirect.gather [hbm4b:s5+s31], $0x100, s15, s31, $0xb8;
	[tilespmem:$0x1F720] =	vst v63  }
0x75: {  	_ = 	snop  }
0x76: {  	[tilespmem:s0], [sflag:$0x1] =	stream.indirect.gather [hbm4b:s2+s31], $0x80, s31, s31, $0xb8;
	[tilespmem:$0x1F720] =	vst v63  }
.LBB2_4:
0x77: {  	s16 =	sshll.u32 s15, $0x1  }
0x78: {  	s1 =	sadd.s32 s21, s16  }
0x79: {  	s1 =	smul.u32 $0x50, s1;
	_ =	sdelay $0x1  }
0x7a: {  	s1 =	sshrl.u32 s1, $0x3  }
0x7b: {  	s1 =	sadd.s32 s6, s1  }
0x7c: {  	s1 =	sadd.s32 $0xA, s1  }
0x7d: {  	[tilespmem:s8], [sflag:$0x3] =	stream.linear.gather [hbm4b:s1+s4], $0x50, $0x38;
	[tilespmem:$0x1F720] =	vst v63  }
0x7e: {  	_ =	swait.ge [sflag:s30], $0x50  }
0x7f: {  	[sflag:s30] =	ssyncset.done $0x0  }
0x80: {  	s25 =	simm.s32 $0x28A0;
	[sflag:s30] =	ssyncadd.s32 $0xFFFFFFB0  }
0x81: {  	[tilespmem:s25], [sflag:$0x2] =	stream.indirect.gather [hbm4b:s5+s31], $0x100, s8, s31, $0xb8;
	[tilespmem:$0x1F720] =	vst v63  }
0x82: {  	s26 =	simm.s32 $0x64A0  }
0x83: {  	[tilespmem:s26], [sflag:$0x2] =	stream.indirect.gather [hbm4b:s2+s31], $0x80, s10, s31, $0xb8;
	[tilespmem:$0x1F720] =	vst v63  }
0x84: {  	_ =	swait.ge [sflag:s12], $0x2800  }
0x85: {  	[sflag:s12] =	ssyncset.done $0x0  }
0x86: {  	[sflag:s12] =	ssyncadd.s32 $0xFFFFD800  }
0x87: {  	_ =	swait.ge [sflag:s12], $0x1400  }
0x88: {  	[sflag:s12] =	ssyncset.done $0x0  }
0x89: {  	s26 =	simm.s32 $0x2A0;
	[sflag:s12] =	ssyncadd.s32 $0xFFFFEC00  }
0x8a: {  	s14 =	simm.s32 $0x51A0;
	v1 =	vld [tilespmem:s26+$0x100]  }
0x8b: {  	v2 =	vld [tilespmem:s14+$0x80];
	_ =	sdelay $0x4  }
0x8c: {  	v1 =	vmul.f32 v2, v1;
	_ =	sdelay $0x1  }
0x8d: {  	v2 =	vld [tilespmem:s14+$0xFFFFFF80];
	(xrf2) =	vadd.scan.msk.f32 $0xffff, v1  }
0x8e: {  	v1 =	vld [tilespmem:s26+$0xFFFFFF00];
	_ =	sdelay $0x4  }
0x8f: {  	v1 =	vmul.f32 v2, v1;
	_ =	sdelay $0x1  }
0x90: {  	(xrf2) =	vadd.scan.msk.f32 $0xffff, v1  }
0x91: {  	v2 =	vld [tilespmem:s14+$0xFFFFFF00]  }
0x92: {  	v1 =	vld [tilespmem:s26+$0xFFFFFE00];
	v3, _, _ =	vpop (xrf2)  }
0x93: {  	v3 =	vmul.f32 $2.500000000e-01, v3  }
0x94: {  	v4 =	vld [tilespmem:s26+$0x0]  }
0x95: {  	v5 =	vld [tilespmem:s14+$0x0];
	v3 =	vmax.f32 v3, $-5.000000000e+00  }
0x96: {  	v3 =	vmin.f32 v3, $5.000000000e+00  }
0x97: {  	v1 =	vmul.f32 v2, v1;
	v2 =	vmul.f32 $1.442695020e+00, v3;
	_ =	sdelay $0x1  }
0x98: {  	(xrf2) =	vadd.scan.msk.f32 $0xffff, v1;
	v1 =	vbroadcast v2, $0xF  }
0x99: {  	v2 =	vmul.f32 v5, v4;
	v3, _, _ =	vpop (xrf2)  }
0x9a: {  	(erf) = vpow2.f32 v1;
	v1 =	vmul.f32 $2.500000000e-01, v3;
	_ =	sdelay $0x1  }
0x9b: {  	(xrf2) =	vadd.scan.msk.f32 $0xffff, v2;
	v1 =	vmax.f32 v1, $-5.000000000e+00  }
0x9c: {  	v1 =	vmin.f32 v1, $5.000000000e+00  }
0x9d: {  	v1 =	vmul.f32 $1.442695020e+00, v1;
	_ =	sdelay $0x1  }
0x9e: {  	v2 =	vld [tilespmem:s26+$0x180];
	v1 =	vbroadcast v1, $0xF;
	_ =	sdelay $0x2  }
0x9f: {  	v3, _, _ =	vpop (xrf2)  }
0xa0: {  	v3 =	vmul.f32 $2.500000000e-01, v3;
	(erf) = vpow2.f32 v1;
	v1 =	vpop (erf)  }
0xa1: {  	v2 =	vmul.f32 v1, v2  }
0xa2: {  	s17 =	simm.s32 $0x79C0;
	v3 =	vmax.f32 v3, $-5.000000000e+00;
	v4, _, _ =	vpop (xrf2)  }
0xa3: {  	v3 =	vmin.f32 v3, $5.000000000e+00;
	v4 =	vmul.f32 $2.500000000e-01, v4;
	[tilespmem:s17+$0x90] =	vst v2  }
0xa4: {  	v2 =	vmul.f32 $1.442695020e+00, v3;
	v3 =	vld [tilespmem:s26+$0x110]  }
0xa5: {  	v4 =	vmax.f32 v4, $-5.000000000e+00;
	v6 =	vld [tilespmem:s14+$0x90]  }
0xa6: {  	v5 =	vld [tilespmem:s26+$0xFFFFFF80];
	v4 =	vmin.f32 v4, $5.000000000e+00;
	v2 =	vbroadcast v2, $0xF  }
0xa7: {  	v4 =	vmul.f32 $1.442695020e+00, v4  }
0xa8: {  	(erf) = vpow2.f32 v2  }
0xa9: {  	v4 =	vbroadcast v4, $0xF  }
0xaa: {  	v2 =	vpop (erf);
	v3 =	vmul.f32 v6, v3  }
0xab: {  	(erf) = vpow2.f32 v4;
	v5 =	vmul.f32 v2, v5;
	_ =	sdelay $0x1  }
0xac: {  	v6 =	vld [tilespmem:s26+$0xFFFFFE80];
	(xrf2) =	vadd.scan.msk.f32 $0xffff, v3;
	[tilespmem:s17+$0xFFFFFF70] =	vst v5  }
0xad: {  	v3 =	vld [tilespmem:s26+$0xFFFFFF10]  }
0xae: {  	v5 =	vld [tilespmem:s14+$0xFFFFFF90]  }
0xaf: {  	v7 =	vld [tilespmem:s26+$0x80]  }
0xb0: {  	v4 =	vpop (erf)  }
0xb1: {  	v6 =	vmul.f32 v4, v6;
	_ =	sdelay $0x1  }
0xb2: {  	v5 =	vmul.f32 v5, v3;
	v3 =	vpop (erf);
	[tilespmem:s17+$0xFFFFFEE0] =	vst v6  }
0xb3: {  	v6 =	vmul.f32 v3, v7;
	v7 =	vld [tilespmem:s26+$0xFFFFFE10]  }
0xb4: {  	(xrf2) =	vadd.scan.msk.f32 $0xffff, v5;
	v5 =	vld [tilespmem:s14+$0xFFFFFF10]  }
0xb5: {  	v8, _, _ =	vpop (xrf2)  }
0xb6: {  	[tilespmem:s17+$0x0] =	vst v6;
	v6 =	vmul.f32 $2.500000000e-01, v8;
	_ =	sdelay $0x1  }
0xb7: {  	v8 =	vld [tilespmem:s26+$0x10];
	v6 =	vmax.f32 v6, $-5.000000000e+00  }
0xb8: {  	v9 =	vld [tilespmem:s14+$0x10];
	v6 =	vmin.f32 v6, $5.000000000e+00;
	v5 =	vmul.f32 v5, v7  }
0xb9: {  	v6 =	vmul.f32 $1.442695020e+00, v6  }
0xba: {  	(xrf2) =	vadd.scan.msk.f32 $0xffff, v5  }
0xbb: {  	v5 =	vbroadcast v6, $0xF;
	_ =	sdelay $0x1  }
0xbc: {  	v6 =	vmul.f32 v9, v8;
	(erf) = vpow2.f32 v5  }
0xbd: {  	v7, _, _ =	vpop (xrf2)  }
0xbe: {  	(xrf2) =	vadd.scan.msk.f32 $0xffff, v6;
	v5 =	vmul.f32 $2.500000000e-01, v7;
	_ =	sdelay $0x1  }
0xbf: {  	v5 =	vmax.f32 v5, $-5.000000000e+00  }
0xc0: {  	v7 =	vld [tilespmem:s26+$0x190];
	v5 =	vmin.f32 v5, $5.000000000e+00  }
0xc1: {  	v5 =	vmul.f32 $1.442695020e+00, v5  }
0xc2: {  	v6, _, _ =	vpop (xrf2)  }
0xc3: {  	v5 =	vbroadcast v5, $0xF;
	v8 =	vmul.f32 $2.500000000e-01, v6  }
0xc4: {  	v6 =	vpop (erf)  }
0xc5: {  	(erf) = vpow2.f32 v5;
	v5 =	vmul.f32 v6, v7;
	v7 =	vmax.f32 v8, $-5.000000000e+00  }
0xc6: {  	v7 =	vmin.f32 v7, $5.000000000e+00  }
0xc7: {  	v8, _, _ =	vpop (xrf2);
	[tilespmem:s17+$0xA0] =	vst v5;
	v5 =	vmul.f32 $1.442695020e+00, v7  }
0xc8: {  	v9 =	vld [tilespmem:s26+$0xFFFFFF90];
	v8 =	vmul.f32 $2.500000000e-01, v8  }
0xc9: {  	v7 =	vld [tilespmem:s26+$0x120];
	v5 =	vbroadcast v5, $0xF  }
0xca: {  	v10 =	vld [tilespmem:s14+$0xA0];
	v8 =	vmax.f32 v8, $-5.000000000e+00  }
0xcb: {  	v8 =	vmin.f32 v8, $5.000000000e+00;
	(erf) = vpow2.f32 v5  }
0xcc: {  	v8 =	vmul.f32 $1.442695020e+00, v8;
	_ =	sdelay $0x1  }
0xcd: {  	v5 =	vpop (erf);
	v8 =	vbroadcast v8, $0xF  }
0xce: {  	v7 =	vmul.f32 v10, v7;
	v9 =	vmul.f32 v5, v9  }
0xcf: {  	(erf) = vpow2.f32 v8;
	v8 =	vld [tilespmem:s26+$0xFFFFFE90]  }
0xd0: {  	(xrf2) =	vadd.scan.msk.f32 $0xffff, v7;
	[tilespmem:s17+$0xFFFFFF80] =	vst v9  }
0xd1: {  	v9 =	vld [tilespmem:s26+$0xFFFFFF20]  }
0xd2: {  	v10 =	vld [tilespmem:s14+$0xFFFFFFA0]  }
0xd3: {  	v7 =	vpop (erf)  }
0xd4: {  	v11 =	vld [tilespmem:s26+$0x90];
	v8 =	vmul.f32 v7, v8;
	_ =	sdelay $0x2  }
0xd5: {  	v9 =	vmul.f32 v10, v9  }
0xd6: {  	[tilespmem:s17+$0xFFFFFEF0] =	vst v8;
	v8 =	vpop (erf)  }
0xd7: {  	(xrf2) =	vadd.scan.msk.f32 $0xffff, v9;
	v9 =	vmul.f32 v8, v11  }
0xd8: {  	v10 =	vld [tilespmem:s26+$0xFFFFFE20];
	v12, _, _ =	vpop (xrf2)  }
0xd9: {  	v11 =	vld [tilespmem:s14+$0xFFFFFF20];
	[tilespmem:s17+$0x10] =	vst v9;
	v9 =	vmul.f32 $2.500000000e-01, v12;
	_ =	sdelay $0x1  }
0xda: {  	v9 =	vmax.f32 v9, $-5.000000000e+00  }
0xdb: {  	v12 =	vld [tilespmem:s26+$0x20];
	v9 =	vmin.f32 v9, $5.000000000e+00  }
0xdc: {  	v13 =	vld [tilespmem:s14+$0x20];
	v9 =	vmul.f32 $1.442695020e+00, v9  }
0xdd: {  	v10 =	vmul.f32 v11, v10  }
0xde: {  	s18 =	simm.s32 $0x6A0;
	v9 =	vbroadcast v9, $0xF  }
0xdf: {  	s20 =	simm.s32 $0x53A0;
	v11 =	vld [tilespmem:s18+$0x100];
	(xrf2) =	vadd.scan.msk.f32 $0xffff, v10  }
0xe0: {  	(erf) = vpow2.f32 v9;
	v9 =	vld [tilespmem:s20+$0x80]  }
0xe1: {  	v10 =	vmul.f32 v13, v12;
	v12, _, _ =	vpop (xrf2)  }
0xe2: {  	v12 =	vmul.f32 $2.500000000e-01, v12  }
0xe3: {  	(xrf2) =	vadd.scan.msk.f32 $0xffff, v10  }
0xe4: {  	v10 =	vmax.f32 v12, $-5.000000000e+00  }
0xe5: {  	v13 =	vld [tilespmem:s20+$0xFFFFFF80];
	v10 =	vmin.f32 v10, $5.000000000e+00;
	v9 =	vmul.f32 v9, v11  }
0xe6: {  	v12 =	vld [tilespmem:s26+$0x1A0];
	v10 =	vmul.f32 $1.442695020e+00, v10  }
0xe7: {  	v11 =	vld [tilespmem:s18+$0xFFFFFF00]  }
0xe8: {  	v10 =	vbroadcast v10, $0xF;
	(xrf2) =	vadd.scan.msk.f32 $0xffff, v9  }
0xe9: {  	v15 =	vld [tilespmem:s20+$0xFFFFFF00];
	v9, _, _ =	vpop (xrf2)  }
0xea: {  	v18 =	vld [tilespmem:s18+$0xFFFFFE00];
	(erf) = vpow2.f32 v10;
	v16 =	vmul.f32 $2.500000000e-01, v9;
	v9 =	vpop (erf)  }
0xeb: {  	v19 =	vld [tilespmem:s20+$0x0];
	v12 =	vmul.f32 v9, v12  }
0xec: {  	v14 =	vld [tilespmem:s26+$0xFFFFFFA0];
	v11 =	vmul.f32 v13, v11;
	v16 =	vmax.f32 v16, $-5.000000000e+00  }
0xed: {  	v10 =	vld [tilespmem:s18+$0x0];
	v17, _, _ =	vpop (xrf2);
	v16 =	vmin.f32 v16, $5.000000000e+00;
	[tilespmem:s17+$0xB0] =	vst v12  }
0xee: {  	v17 =	vmul.f32 $2.500000000e-01, v17;
	(xrf2) =	vadd.scan.msk.f32 $0xffff, v11;
	v12 =	vmul.f32 $1.442695020e+00, v16;
	v13 =	vld [tilespmem:s26+$0x130]  }
0xef: {  	v11 =	vld [tilespmem:s14+$0xB0]  }
0xf0: {  	v16 =	vmax.f32 v17, $-5.000000000e+00;
	v12 =	vbroadcast v12, $0xF  }
0xf1: {  	v15 =	vmul.f32 v15, v18;
	v16 =	vmin.f32 v16, $5.000000000e+00  }
0xf2: {  	v16 =	vmul.f32 $1.442695020e+00, v16;
	v17, _, _ =	vpop (xrf2);
	(erf) = vpow2.f32 v12  }
0xf3: {  	(xrf2) =	vadd.scan.msk.f32 $0xffff, v15;
	v12 =	vmul.f32 v19, v10;
	v10 =	vpop (erf);
	v15 =	vmul.f32 $2.500000000e-01, v17  }
0xf4: {  	v14 =	vmul.f32 v10, v14;
	v11 =	vmul.f32 v11, v13  }
0xf5: {  	v16 =	vbroadcast v16, $0xF;
	(xrf2) =	vadd.scan.msk.f32 $0xffff, v12;
	v12 =	vmax.f32 v15, $-5.000000000e+00  }
0xf6: {  	[tilespmem:s17+$0xFFFFFF90] =	vst v14;
	(xrf2) =	vadd.scan.msk.f32 $0xffff, v11;
	v11 =	vmin.f32 v12, $5.000000000e+00  }
0xf7: {  	(erf) = vpow2.f32 v16;
	v12 =	vld [tilespmem:s26+$0xFFFFFF30];
	v11 =	vmul.f32 $1.442695020e+00, v11  }
0xf8: {  	v13 =	vld [tilespmem:s14+$0xFFFFFFB0];
	v14, _, _ =	vpop (xrf2)  }
0xf9: {  	v11 =	vbroadcast v11, $0xF;
	v14 =	vmul.f32 $2.500000000e-01, v14  }
0xfa: {  	v15 =	vld [tilespmem:s26+$0xFFFFFEA0]  }
0xfb: {  	v14 =	vmax.f32 v14, $-5.000000000e+00  }
0xfc: {  	v16 =	vld [tilespmem:s26+$0xA0]  }
0xfd: {  	(erf) = vpow2.f32 v11;
	v13 =	vmul.f32 v13, v12;
	v12 =	vmin.f32 v14, $5.000000000e+00;
	v11 =	vpop (erf)  }
0xfe: {  	v14, _, _ =	vpop (xrf2)  }
0xff: {  	v15 =	vmul.f32 v11, v15;
	v14 =	vmul.f32 $2.500000000e-01, v14  }
0x100: {  	v17 =	vmul.f32 $1.442695020e+00, v12;
	v12 =	vpop (erf)  }
0x101: {  	(xrf2) =	vadd.scan.msk.f32 $0xffff, v13;
	v18, _, _ =	vpop (xrf2);
	[tilespmem:s17+$0xFFFFFF00] =	vst v15;
	v15 =	vmul.f32 v12, v16;
	v13 =	vmax.f32 v14, $-5.000000000e+00  }
0x102: {  	v19 =	vld [tilespmem:s18+$0x180];
	v14 =	vbroadcast v17, $0xF;
	v17 =	vmul.f32 $2.500000000e-01, v18;
	v18, _, _ =	vpop (xrf2);
	v13 =	vmin.f32 v13, $5.000000000e+00  }
0x103: {  	v16 =	vmul.f32 $2.500000000e-01, v18;
	v18 =	vld [tilespmem:s26+$0xFFFFFE30];
	v13 =	vmul.f32 $1.442695020e+00, v13  }
0x104: {  	(erf) = vpow2.f32 v14;
	v14 =	vmax.f32 v17, $-5.000000000e+00;
	v17 =	vld [tilespmem:s14+$0xFFFFFF30];
	_ =	sdelay $0x1  }
0x105: {  	v14 =	vmin.f32 v14, $5.000000000e+00;
	v16 =	vmax.f32 v16, $-5.000000000e+00  }
0x106: {  	[tilespmem:s17+$0x20] =	vst v15;
	v15 =	vbroadcast v13, $0xF;
	v14 =	vmul.f32 $1.442695020e+00, v14;
	v16 =	vmin.f32 v16, $5.000000000e+00;
	v13 =	vpop (erf)  }
0x107: {  	v20 =	vld [tilespmem:s26+$0x30];
	v16 =	vmul.f32 $1.442695020e+00, v16;
	v19 =	vmul.f32 v13, v19  }
0x108: {  	s19 =	simm.s32 $0x7C00;
	v21 =	vld [tilespmem:s14+$0x30];
	v14 =	vbroadcast v14, $0xF;
	v17 =	vmul.f32 v17, v18  }
0x109: {  	(erf) = vpow2.f32 v15;
	v15 =	vld [tilespmem:s18+$0xFFFFFF80];
	v16 =	vbroadcast v16, $0xF;
	[tilespmem:s19+$0x90] =	vst v19  }
0x10a: {  	(erf) = vpow2.f32 v14;
	v18 =	vld [tilespmem:s18+$0x110]  }
0x10b: {  	(erf) = vpow2.f32 v16;
	v16 =	vld [tilespmem:s20+$0x90]  }
0x10c: {  	(xrf2) =	vadd.scan.msk.f32 $0xffff, v17;
	v17, _, _ =	vpop (xrf2)  }
0x10d: {  	v20 =	vmul.f32 v21, v20;
	v14 =	vpop (erf)  }
0x10e: {  	v19 =	vld [tilespmem:s18+$0xFFFFFE80];
	v17 =	vmul.f32 $2.500000000e-01, v17;
	v15 =	vmul.f32 v14, v15  }
0x10f: {  	(xrf2) =	vadd.scan.msk.f32 $0xffff, v20  }
0x110: {  	v21 =	vld [tilespmem:s18+$0x80];
	v17 =	vmax.f32 v17, $-5.000000000e+00;
	[tilespmem:s19+$0xFFFFFF70] =	vst v15;
	v15 =	vmul.f32 v16, v18  }
0x111: {  	v20 =	vld [tilespmem:s26+$0x1B0];
	v17 =	vmin.f32 v17, $5.000000000e+00  }
0x112: {  	v18 =	vld [tilespmem:s18+$0xFFFFFF10];
	v16 =	vpop (erf);
	v17 =	vmul.f32 $1.442695020e+00, v17  }
0x113: {  	v22 =	vld [tilespmem:s20+$0xFFFFFF90];
	v19 =	vmul.f32 v16, v19  }
0x114: {  	(xrf2) =	vadd.scan.msk.f32 $0xffff, v15;
	v15 =	vpop (erf)  }
0x115: {  	v23 =	vbroadcast v17, $0xF;
	[tilespmem:s19+$0xFFFFFEE0] =	vst v19;
	v21 =	vmul.f32 v15, v21  }
0x116: {  	v19 =	vld [tilespmem:s18+$0xFFFFFE10];
	v17 =	vpop (erf)  }
0x117: {  	(erf) = vpow2.f32 v23;
	v20 =	vmul.f32 v17, v20;
	[tilespmem:s19+$0x0] =	vst v21;
	v21 =	vld [tilespmem:s20+$0xFFFFFF10]  }
0x118: {  	v24, _, _ =	vpop (xrf2);
	v18 =	vmul.f32 v22, v18  }
0x119: {  	v26 =	vld [tilespmem:s26+$0xFFFFFFB0];
	v23 =	vmul.f32 $2.500000000e-01, v24;
	v24, _, _ =	vpop (xrf2);
	[tilespmem:s17+$0xC0] =	vst v20  }
0x11a: {  	v24 =	vmul.f32 $2.500000000e-01, v24;
	(xrf2) =	vadd.scan.msk.f32 $0xffff, v18;
	v20 =	vld [tilespmem:s26+$0x140]  }
0x11b: {  	v23 =	vmax.f32 v23, $-5.000000000e+00;
	v18 =	vld [tilespmem:s14+$0xC0]  }
0x11c: {  	v22 =	vld [tilespmem:s18+$0x10];
	v23 =	vmin.f32 v23, $5.000000000e+00;
	v19 =	vmul.f32 v21, v19;
	v21 =	vmax.f32 v24, $-5.000000000e+00  }
0x11d: {  	v25 =	vld [tilespmem:s20+$0x10];
	v23 =	vmul.f32 $1.442695020e+00, v23;
	v21 =	vmin.f32 v21, $5.000000000e+00  }
0x11e: {  	v24, _, _ =	vpop (xrf2);
	v21 =	vmul.f32 $1.442695020e+00, v21  }
0x11f: {  	v23 =	vbroadcast v23, $0xF;
	(xrf2) =	vadd.scan.msk.f32 $0xffff, v19;
	v19 =	vmul.f32 $2.500000000e-01, v24  }
0x120: {  	v20 =	vmul.f32 v18, v20;
	v18 =	vpop (erf);
	v21 =	vbroadcast v21, $0xF  }
0x121: {  	(erf) = vpow2.f32 v23;
	v23 =	vmul.f32 v18, v26;
	v19 =	vmax.f32 v19, $-5.000000000e+00  }
0x122: {  	v22 =	vmul.f32 v25, v22;
	(xrf2) =	vadd.scan.msk.f32 $0xffff, v20;
	v19 =	vmin.f32 v19, $5.000000000e+00  }
0x123: {  	[tilespmem:s17+$0xFFFFFFA0] =	vst v23;
	v19 =	vmul.f32 $1.442695020e+00, v19  }
0x124: {  	(xrf2) =	vadd.scan.msk.f32 $0xffff, v22;
	(erf) = vpow2.f32 v21;
	v22 =	vld [tilespmem:s26+$0xFFFFFF40];
	v21, _, _ =	vpop (xrf2)  }
0x125: {  	v23 =	vld [tilespmem:s14+$0xFFFFFFC0];
	v19 =	vbroadcast v19, $0xF;
	v21 =	vmul.f32 $2.500000000e-01, v21;
	_ =	sdelay $0x1  }
0x126: {  	v20 =	vld [tilespmem:s26+$0xFFFFFEB0];
	(erf) = vpow2.f32 v19;
	v19 =	vmax.f32 v21, $-5.000000000e+00  }
0x127: {  	v19 =	vmin.f32 v19, $5.000000000e+00  }
0x128: {  	v19 =	vmul.f32 $1.442695020e+00, v19  }
0x129: {  	v22 =	vmul.f32 v23, v22;
	v24, _, _ =	vpop (xrf2)  }
0x12a: {  	v21 =	vpop (erf);
	v24 =	vmul.f32 $2.500000000e-01, v24;
	v23 =	vbroadcast v19, $0xF  }
0x12b: {  	v20 =	vmul.f32 v21, v20;
	v26, _, _ =	vpop (xrf2)  }
0x12c: {  	v25 =	vld [tilespmem:s26+$0xB0];
	(xrf2) =	vadd.scan.msk.f32 $0xffff, v22;
	v24 =	vmax.f32 v24, $-5.000000000e+00;
	v22 =	vmul.f32 $2.500000000e-01, v26  }
0x12d: {  	v27 =	vld [tilespmem:s18+$0x190];
	[tilespmem:s17+$0xFFFFFF10] =	vst v20;
	v20 =	vmin.f32 v24, $5.000000000e+00  }
0x12e: {  	v24 =	vld [tilespmem:s26+$0xFFFFFE40];
	(erf) = vpow2.f32 v23;
	v20 =	vmul.f32 $1.442695020e+00, v20;
	v22 =	vmax.f32 v22, $-5.000000000e+00;
	v23, _, _ =	vpop (xrf2)  }
0x12f: {  	v26 =	vld [tilespmem:s14+$0xFFFFFF40];
	v22 =	vmin.f32 v22, $5.000000000e+00;
	v23 =	vmul.f32 $2.500000000e-01, v23  }
0x130: {  	v19 =	vpop (erf);
	v22 =	vmul.f32 $1.442695020e+00, v22  }
0x131: {  	v25 =	vmul.f32 v19, v25;
	v23 =	vmax.f32 v23, $-5.000000000e+00  }
0x132: {  	v28 =	vbroadcast v20, $0xF;
	v20 =	vpop (erf);
	v22 =	vbroadcast v22, $0xF;
	v23 =	vmin.f32 v23, $5.000000000e+00  }
0x133: {  	v29 =	vld [tilespmem:s18+$0xFFFFFF90];
	[tilespmem:s17+$0x30] =	vst v25;
	v25 =	vmul.f32 v20, v27;
	v23 =	vmul.f32 $1.442695020e+00, v23  }
0x134: {  	(erf) = vpow2.f32 v28;
	v28 =	vld [tilespmem:s14+$0x40];
	v24 =	vmul.f32 v26, v24  }
0x135: {  	v27 =	vld [tilespmem:s26+$0x40];
	(erf) = vpow2.f32 v22;
	[tilespmem:s19+$0xA0] =	vst v25;
	v22 =	vbroadcast v23, $0xF  }
0x136: {  	v25 =	vld [tilespmem:s18+$0x120]  }
0x137: {  	v23 =	vld [tilespmem:s20+$0xA0]  }
0x138: {  	(xrf2) =	vadd.scan.msk.f32 $0xffff, v24;
	v24, _, _ =	vpop (xrf2)  }
0x139: {  	v30 =	vld [tilespmem:s18+$0x90];
	v24 =	vmul.f32 $2.500000000e-01, v24;
	(erf) = vpow2.f32 v22;
	v22 =	vpop (erf)  }
0x13a: {  	v26 =	vld [tilespmem:s18+$0xFFFFFE90];
	v27 =	vmul.f32 v28, v27;
	v28 =	vmul.f32 v22, v29  }
0x13b: {  	v31 =	vld [tilespmem:s26+$0xFFFFFFC0];
	v24 =	vmax.f32 v24, $-5.000000000e+00  }
0x13c: {  	(xrf2) =	vadd.scan.msk.f32 $0xffff, v27;
	v27 =	vld [tilespmem:s26+$0x1C0];
	v23 =	vmul.f32 v23, v25;
	v25 =	vmin.f32 v24, $5.000000000e+00;
	[tilespmem:s19+$0xFFFFFF80] =	vst v28  }
0x13d: {  	v25 =	vmul.f32 $1.442695020e+00, v25;
	v28 =	vld [tilespmem:s18+$0xFFFFFF20]  }
0x13e: {  	v24 =	vpop (erf);
	(xrf2) =	vadd.scan.msk.f32 $0xffff, v23;
	v29 =	vld [tilespmem:s20+$0xFFFFFFA0]  }
0x13f: {  	v32 =	vld [tilespmem:s26+$0xFFFFFEC0];
	v26 =	vmul.f32 v24, v26;
	v23 =	vbroadcast v25, $0xF  }
0x140: {  	v33 =	vld [tilespmem:s26+$0xC0]  }
0x141: {  	v34 =	vld [tilespmem:s18+$0xFFFFFFA0];
	[tilespmem:s19+$0xFFFFFEF0] =	vst v26;
	v25 =	vpop (erf)  }
0x142: {  	v36, _, _ =	vpop (xrf2);
	v26 =	vld [tilespmem:s18+$0xFFFFFE20];
	v27 =	vmul.f32 v25, v27  }
0x143: {  	(erf) = vpow2.f32 v23;
	v35 =	vld [tilespmem:s20+$0xFFFFFF20];
	v23 =	vpop (erf);
	v28 =	vmul.f32 v29, v28  }
0x144: {  	v37 =	vld [tilespmem:s18+$0xFFFFFEA0];
	[tilespmem:s17+$0xD0] =	vst v27;
	v27 =	vmul.f32 v23, v30;
	v30 =	vmul.f32 $2.500000000e-01, v36  }
0x145: {  	v29 =	vld [tilespmem:s26+$0x150]  }
0x146: {  	v54 =	vld [tilespmem:s14+$0xD0];
	[tilespmem:s19+$0x10] =	vst v27;
	v27 =	vmax.f32 v30, $-5.000000000e+00  }
0x147: {  	(xrf2) =	vadd.scan.msk.f32 $0xffff, v28;
	v30 =	vld [tilespmem:s18+$0x20];
	v27 =	vmin.f32 v27, $5.000000000e+00;
	v28, _, _ =	vpop (xrf2)  }
0x148: {  	v26 =	vmul.f32 v35, v26;
	v27 =	vmul.f32 $1.442695020e+00, v27;
	v38 =	vld [tilespmem:s20+$0x20];
	v39, _, _ =	vpop (xrf2)  }
0x149: {  	v28 =	vmul.f32 $2.500000000e-01, v28;
	v55 =	vmul.f32 $2.500000000e-01, v39;
	_ =	sdelay $0x1  }
0x14a: {  	v27 =	vbroadcast v27, $0xF;
	v28 =	vmax.f32 v28, $-5.000000000e+00;
	v35 =	vmax.f32 v55, $-5.000000000e+00  }
0x14b: {  	(xrf2) =	vadd.scan.msk.f32 $0xffff, v26;
	v29 =	vmul.f32 v54, v29;
	v28 =	vmin.f32 v28, $5.000000000e+00;
	v35 =	vmin.f32 v35, $5.000000000e+00  }
0x14c: {  	v26 =	vpop (erf);
	v28 =	vmul.f32 $1.442695020e+00, v28;
	v35 =	vmul.f32 $1.442695020e+00, v35  }
0x14d: {  	v31 =	vmul.f32 v26, v31;
	(erf) = vpow2.f32 v27;
	(xrf2) =	vadd.scan.msk.f32 $0xffff, v29  }
0x14e: {  	s22 =	simm.s32 $0xAA0;
	v27 =	vbroadcast v28, $0xF;
	v29 =	vbroadcast v35, $0xF  }
0x14f: {  	[tilespmem:s17+$0xFFFFFFB0] =	vst v31;
	v31 =	vld [tilespmem:s22+$0x100]  }
0x150: {  	v28 =	vld [tilespmem:s26+$0xFFFFFF50];
	(erf) = vpow2.f32 v27;
	v27 =	vmul.f32 v38, v30  }
0x151: {  	s23 =	simm.s32 $0x55A0;
	v30 =	vld [tilespmem:s14+$0xFFFFFFD0]  }
0x152: {  	(erf) = vpow2.f32 v29;
	v29, _, _ =	vpop (xrf2);
	(xrf2) =	vadd.scan.msk.f32 $0xffff, v27;
	v27 =	vld [tilespmem:s23+$0x80]  }
0x153: {  	v29 =	vmul.f32 $2.500000000e-01, v29  }
0x154: {  	v56 =	vld [tilespmem:s22+$0xFFFFFF00]  }
0x155: {  	v58 =	vld [tilespmem:s23+$0xFFFFFF80];
	v57, _, _ =	vpop (xrf2);
	v29 =	vmax.f32 v29, $-5.000000000e+00  }
0x156: {  	v36 =	vmul.f32 $2.500000000e-01, v57;
	v28 =	vmul.f32 v30, v28;
	v29 =	vmin.f32 v29, $5.000000000e+00  }
0x157: {  	v60, _, _ =	vpop (xrf2);
	v59 =	vmul.f32 $1.442695020e+00, v29;
	v27 =	vmul.f32 v27, v31  }
0x158: {  	v30 =	vld [tilespmem:s18+$0x1A0];
	(xrf2) =	vadd.scan.msk.f32 $0xffff, v28;
	v31 =	vmax.f32 v36, $-5.000000000e+00;
	v36 =	vmul.f32 $2.500000000e-01, v60  }
0x159: {  	v31 =	vmin.f32 v31, $5.000000000e+00;
	v29 =	vpop (erf);
	v39 =	vbroadcast v59, $0xF  }
0x15a: {  	v40 =	vld [tilespmem:s23+$0xFFFFFF00];
	v35 =	vmul.f32 v58, v56;
	v31 =	vmul.f32 $1.442695020e+00, v31;
	v36 =	vmax.f32 v36, $-5.000000000e+00;
	v28 =	vpop (erf)  }
0x15b: {  	v61 =	vld [tilespmem:s22+$0xFFFFFE00];
	(xrf2) =	vadd.scan.msk.f32 $0xffff, v27;
	v36 =	vmin.f32 v36, $5.000000000e+00;
	v32 =	vmul.f32 v29, v32;
	v27 =	vpop (erf);
	(erf) = vpow2.f32 v39  }
0x15c: {  	v31 =	vbroadcast v31, $0xF;
	v36 =	vmul.f32 $1.442695020e+00, v36;
	v41, _, _ =	vpop (xrf2)  }
0x15d: {  	v30 =	vmul.f32 v27, v30;
	(xrf2) =	vadd.scan.msk.f32 $0xffff, v35;
	v41 =	vmul.f32 $2.500000000e-01, v41  }
0x15e: {  	(erf) = vpow2.f32 v31;
	v31 =	vbroadcast v36, $0xF  }
0x15f: {  	v62 =	vld [tilespmem:s22+$0x0];
	[tilespmem:s17+$0xFFFFFF20] =	vst v32  }
0x160: {  	v63 =	vld [tilespmem:s23+$0x0];
	v38 =	vmul.f32 v40, v61;
	[tilespmem:s19+$0xB0] =	vst v30;
	v30 =	vmax.f32 v41, $-5.000000000e+00  }
0x161: {  	v48 =	vld [tilespmem:s26+$0xFFFFFE50];
	(erf) = vpow2.f32 v31;
	v30 =	vmin.f32 v30, $5.000000000e+00  }
0x162: {  	v42 =	vld [tilespmem:s18+$0x130];
	v30 =	vmul.f32 $1.442695020e+00, v30;
	v31, _, _ =	vpop (xrf2);
	(xrf2) =	vadd.scan.msk.f32 $0xffff, v38  }
0x163: {  	v44 =	vld [tilespmem:s20+$0xB0]  }
0x164: {  	v49 =	vld [tilespmem:s14+$0xFFFFFF50]  }
0x165: {  	v45 =	vmul.f32 v63, v62;
	v46 =	vbroadcast v30, $0xF;
	v47, _, _ =	vpop (xrf2)  }
0x166: {  	v50 =	vld [tilespmem:s26+$0x1D0];
	v33 =	vmul.f32 v28, v33;
	v38 =	vmul.f32 $2.500000000e-01, v47;
	v30 =	vpop (erf)  }
0x167: {  	(xrf2) =	vadd.scan.msk.f32 $0xffff, v45;
	(erf) = vpow2.f32 v46;
	v34 =	vmul.f32 v30, v34;
	v52, _, _ =	vpop (xrf2)  }
0x168: {  	[tilespmem:s17+$0x40] =	vst v33;
	v36 =	vmul.f32 v44, v42;
	v51 =	vmax.f32 v38, $-5.000000000e+00;
	v54 =	vmul.f32 $2.500000000e-01, v52  }
0x169: {  	v31 =	vmul.f32 $2.500000000e-01, v31;
	v39 =	vmul.f32 v49, v48;
	v32 =	vpop (erf);
	v55 =	vmin.f32 v51, $5.000000000e+00;
	[tilespmem:s19+$0xFFFFFF90] =	vst v34  }
0x16a: {  	(xrf2) =	vadd.scan.msk.f32 $0xffff, v36;
	v37 =	vmul.f32 v32, v37;
	v38 =	vmul.f32 $1.442695020e+00, v55;
	v33 =	vpop (erf);
	v56 =	vld [tilespmem:s18+$0xFFFFFF30];
	v34 =	vmax.f32 v54, $-5.000000000e+00  }
0x16b: {  	v31 =	vmax.f32 v31, $-5.000000000e+00;
	v57 =	vld [tilespmem:s20+$0xFFFFFFB0];
	v35 =	vmul.f32 v33, v50;
	v34 =	vmin.f32 v34, $5.000000000e+00  }
0x16c: {  	v53 =	vld [tilespmem:s18+$0xA0];
	v31 =	vmin.f32 v31, $5.000000000e+00;
	[tilespmem:s19+$0xFFFFFF00] =	vst v37;
	v38 =	vbroadcast v38, $0xF;
	v34 =	vmul.f32 $1.442695020e+00, v34;
	v59, _, _ =	vpop (xrf2)  }
0x16d: {  	v31 =	vmul.f32 $1.442695020e+00, v31;
	v37 =	vld [tilespmem:s18+$0xFFFFFE30];
	v61 =	vmul.f32 $2.500000000e-01, v59  }
0x16e: {  	v60 =	vld [tilespmem:s20+$0xFFFFFF30];
	[tilespmem:s17+$0xE0] =	vst v35;
	(erf) = vpow2.f32 v38  }
0x16f: {  	(xrf2) =	vadd.scan.msk.f32 $0xffff, v39;
	v31 =	vbroadcast v31, $0xF;
	v63 =	vld [tilespmem:s26+$0x160];
	v35 =	vmax.f32 v61, $-5.000000000e+00  }
0x170: {  	v44 =	vld [tilespmem:s14+$0xE0];
	v62 =	vbroadcast v34, $0xF;
	v41 =	vmul.f32 v57, v56;
	v34 =	vpop (erf);
	v35 =	vmin.f32 v35, $5.000000000e+00  }
0x171: {  	v43 =	vld [tilespmem:s26+$0x50];
	v45, _, _ =	vpop (xrf2);
	v36 =	vmul.f32 v34, v53;
	v35 =	vmul.f32 $1.442695020e+00, v35  }
0x172: {  	v58 =	vld [tilespmem:s14+$0x50];
	v49 =	vmul.f32 $2.500000000e-01, v45;
	(erf) = vpow2.f32 v62  }
0x173: {  	v51 =	vld [tilespmem:s22+$0x180];
	v37 =	vmul.f32 v60, v37;
	(xrf2) =	vadd.scan.msk.f32 $0xffff, v41;
	[tilespmem:s19+$0x20] =	vst v36;
	v35 =	vbroadcast v35, $0xF  }
0x174: {  	v50, _, _ =	vpop (xrf2);
	(erf) = vpow2.f32 v31;
	v53 =	vld [tilespmem:s18+$0x30]  }
0x175: {  	v40 =	vmax.f32 v49, $-5.000000000e+00;
	v52 =	vmul.f32 $2.500000000e-01, v50;
	v42 =	vmul.f32 v44, v63;
	(xrf2) =	vadd.scan.msk.f32 $0xffff, v37;
	v31 =	vld [tilespmem:s20+$0x30]  }
0x176: {  	v40 =	vmin.f32 v40, $5.000000000e+00  }
0x177: {  	v40 =	vmul.f32 $1.442695020e+00, v40;
	v41 =	vmax.f32 v52, $-5.000000000e+00;
	(xrf2) =	vadd.scan.msk.f32 $0xffff, v42;
	(erf) = vpow2.f32 v35;
	v35 =	vpop (erf)  }
0x178: {  	v48 =	vmul.f32 v58, v43;
	v54 =	vld [tilespmem:s22+$0xFFFFFF80];
	v41 =	vmin.f32 v41, $5.000000000e+00;
	v36 =	vmul.f32 v35, v51  }
0x179: {  	s24 =	simm.s32 $0x7E40;
	v56, _, _ =	vpop (xrf2);
	v40 =	vbroadcast v40, $0xF;
	v55 =	vmul.f32 $1.442695020e+00, v41  }
0x17a: {  	v41 =	vmul.f32 $2.500000000e-01, v56;
	v31 =	vmul.f32 v31, v53;
	[tilespmem:s24+$0x90] =	vst v36  }
0x17b: {  	(xrf2) =	vadd.scan.msk.f32 $0xffff, v48;
	(erf) = vpow2.f32 v40;
	v37 =	vbroadcast v55, $0xF;
	v59 =	vld [tilespmem:s22+$0x110]  }
0x17c: {  	v60 =	vmax.f32 v41, $-5.000000000e+00;
	(xrf2) =	vadd.scan.msk.f32 $0xffff, v31;
	v31 =	vld [tilespmem:s23+$0x90];
	v36 =	vpop (erf)  }
0x17d: {  	v61, _, _ =	vpop (xrf2);
	(erf) = vpow2.f32 v37;
	v37 =	vmin.f32 v60, $5.000000000e+00;
	v58 =	vmul.f32 v36, v54  }
0x17e: {  	v57 =	vld [tilespmem:s22+$0xFFFFFE80];
	v40 =	vmul.f32 $2.500000000e-01, v61;
	v37 =	vmul.f32 $1.442695020e+00, v37  }
0x17f: {  	v62 =	vld [tilespmem:s22+$0x80];
	v47, _, _ =	vpop (xrf2);
	[tilespmem:s24+$0xFFFFFF70] =	vst v58  }
0x180: {  	v38 =	vpop (erf);
	v40 =	vmax.f32 v40, $-5.000000000e+00;
	v63 =	vld [tilespmem:s22+$0xFFFFFF10]  }
0x181: {  	v47 =	vmul.f32 $2.500000000e-01, v47;
	v40 =	vmin.f32 v40, $5.000000000e+00;
	v52 =	vld [tilespmem:s23+$0xFFFFFF90];
	v39 =	vmul.f32 v31, v59;
	v31, _, _ =	vpop (xrf2)  }
0x182: {  	v46 =	vld [tilespmem:s18+$0x1B0];
	v53 =	vbroadcast v37, $0xF;
	v40 =	vmul.f32 $1.442695020e+00, v40;
	v37 =	vpop (erf)  }
0x183: {  	v54 =	vmul.f32 $2.500000000e-01, v31;
	v42 =	vmul.f32 v37, v57  }
0x184: {  	(erf) = vpow2.f32 v53;
	v31 =	vpop (erf);
	v40 =	vbroadcast v40, $0xF  }
0x185: {  	(xrf2) =	vadd.scan.msk.f32 $0xffff, v39;
	v41 =	vmul.f32 v31, v62;
	v45 =	vmax.f32 v54, $-5.000000000e+00;
	[tilespmem:s24+$0xFFFFFEE0] =	vst v42  }
0x186: {  	(erf) = vpow2.f32 v40;
	v56 =	vmin.f32 v45, $5.000000000e+00;
	v42 =	vld [tilespmem:s22+$0xFFFFFE10];
	v39 =	vpop (erf);
	v43 =	vmul.f32 v52, v63  }
0x187: {  	v48, _, _ =	vpop (xrf2);
	v55 =	vld [tilespmem:s23+$0xFFFFFF10];
	v40 =	vmul.f32 $1.442695020e+00, v56;
	v46 =	vmul.f32 v39, v46  }
0x188: {  	v49 =	vld [tilespmem:s26+$0xFFFFFED0];
	[tilespmem:s24+$0x0] =	vst v41;
	v57, _, _ =	vpop (xrf2);
	(xrf2) =	vadd.scan.msk.f32 $0xffff, v43  }
0x189: {  	v59 =	vmax.f32 v47, $-5.000000000e+00;
	v58 =	vld [tilespmem:s22+$0x10];
	v41 =	vmul.f32 $2.500000000e-01, v57;
	v40 =	vbroadcast v40, $0xF;
	[tilespmem:s19+$0xC0] =	vst v46  }
0x18a: {  	v43 =	vmin.f32 v59, $5.000000000e+00;
	v46 =	vld [tilespmem:s18+$0x140]  }
0x18b: {  	v48 =	vmul.f32 $2.500000000e-01, v48;
	v41 =	vmax.f32 v41, $-5.000000000e+00;
	v43 =	vmul.f32 $1.442695020e+00, v43;
	v60 =	vld [tilespmem:s20+$0xC0]  }
0x18c: {  	v50 =	vld [tilespmem:s23+$0x10];
	v41 =	vmin.f32 v41, $5.000000000e+00;
	(erf) = vpow2.f32 v40;
	v42 =	vmul.f32 v55, v42  }
0x18d: {  	v61 =	vld [tilespmem:s18+$0xFFFFFFB0];
	v41 =	vmul.f32 $1.442695020e+00, v41;
	v43 =	vbroadcast v43, $0xF;
	v40 =	vpop (erf)  }
0x18e: {  	(xrf2) =	vadd.scan.msk.f32 $0xffff, v42;
	v62 =	vmul.f32 v40, v49  }
0x18f: {  	v48 =	vmax.f32 v48, $-5.000000000e+00;
	v63 =	vbroadcast v41, $0xF;
	v53, _, _ =	vpop (xrf2);
	(erf) = vpow2.f32 v43  }
0x190: {  	v54 =	vmin.f32 v48, $5.000000000e+00;
	v51 =	vmul.f32 $2.500000000e-01, v53;
	v46 =	vmul.f32 v60, v46  }
0x191: {  	v56 =	vld [tilespmem:s26+$0x1E0];
	v55 =	vmul.f32 v50, v58;
	v42 =	vmul.f32 $1.442695020e+00, v54;
	[tilespmem:s17+$0xFFFFFF30] =	vst v62;
	v41 =	vpop (erf)  }
0x192: {  	(erf) = vpow2.f32 v63;
	v44 =	vmul.f32 v41, v61;
	v57 =	vmax.f32 v51, $-5.000000000e+00;
	v59 =	vld [tilespmem:s14+$0xFFFFFF60];
	(xrf2) =	vadd.scan.msk.f32 $0xffff, v46;
	v58, _, _ =	vpop (xrf2)  }
0x193: {  	v61 =	vbroadcast v42, $0xF;
	v46 =	vld [tilespmem:s26+$0xFFFFFE60];
	v48 =	vmin.f32 v57, $5.000000000e+00;
	v60 =	vmul.f32 $2.500000000e-01, v58  }
0x194: {  	v47 =	vld [tilespmem:s18+$0xFFFFFEB0];
	[tilespmem:s19+$0xFFFFFFA0] =	vst v44;
	v48 =	vmul.f32 $1.442695020e+00, v48  }
0x195: {  	(xrf2) =	vadd.scan.msk.f32 $0xffff, v55;
	(erf) = vpow2.f32 v61;
	v62 =	vld [tilespmem:s18+$0xFFFFFF40];
	v42 =	vpop (erf);
	v44 =	vmax.f32 v60, $-5.000000000e+00  }
0x196: {  	v63 =	vld [tilespmem:s20+$0xFFFFFFC0];
	v48 =	vbroadcast v48, $0xF;
	v56 =	vmul.f32 v42, v56;
	v44 =	vmin.f32 v44, $5.000000000e+00  }
0x197: {  	v52 =	vld [tilespmem:s18+$0xB0]  }
0x198: {  	v57 =	vld [tilespmem:s26+$0xFFFFFFD0];
	(erf) = vpow2.f32 v48;
	v46 =	vmul.f32 v59, v46;
	[tilespmem:s17+$0xF0] =	vst v56;
	v58, _, _ =	vpop (xrf2)  }
0x199: {  	v53 =	vmul.f32 $1.442695020e+00, v44;
	v54 =	vld [tilespmem:s26+$0x170];
	v59 =	vmul.f32 $2.500000000e-01, v58;
	v44 =	vpop (erf)  }
0x19a: {  	v51 =	vld [tilespmem:s14+$0xF0];
	(xrf2) =	vadd.scan.msk.f32 $0xffff, v46;
	v47 =	vmul.f32 v44, v47  }
0x19b: {  	v48 =	vld [tilespmem:s26+$0xD0];
	v49 =	vmul.f32 v63, v62;
	v43 =	vpop (erf);
	v60 =	vmax.f32 v59, $-5.000000000e+00  }
0x19c: {  	v53 =	vbroadcast v53, $0xF;
	v52 =	vmul.f32 v43, v52;
	v46 =	vmin.f32 v60, $5.000000000e+00;
	v61, _, _ =	vpop (xrf2);
	[tilespmem:s19+$0xFFFFFF10] =	vst v47;
	v47 =	vld [tilespmem:s22+$0x190]  }
0x19d: {  	(xrf2) =	vadd.scan.msk.f32 $0xffff, v49;
	v62 =	vmul.f32 $2.500000000e-01, v61;
	v46 =	vmul.f32 $1.442695020e+00, v46;
	v55 =	vld [tilespmem:s18+$0xFFFFFE40]  }
0x19e: {  	v1 =	vnsel vm0, $0x0, v1;
	v63 =	vmul.f32 v38, v57;
	v45 =	vpop (erf);
	v56 =	vld [tilespmem:s20+$0xFFFFFF40];
	[tilespmem:s19+$0x30] =	vst v52  }
0x19f: {  	(erf) = vpow2.f32 v53;
	v51 =	vmul.f32 v51, v54;
	v60, _, _ =	vpop (xrf2);
	v49 =	vmax.f32 v62, $-5.000000000e+00;
	v62 =	vld [tilespmem:s18+$0x40]  }
0x1a0: {  	[tilespmem:s17+$0xFFFFFFC0] =	vst v63;
	v48 =	vmul.f32 v45, v48;
	v57 =	vmul.f32 $2.500000000e-01, v60;
	v63 =	vld [tilespmem:s20+$0x40];
	v49 =	vmin.f32 v49, $5.000000000e+00  }
0x1a1: {  	v2 =	vnsel vm0, $0x0, v2;
	v50 =	vld [tilespmem:s22+$0xFFFFFF90];
	v61 =	vbroadcast v46, $0xF;
	v46 =	vpop (erf);
	v49 =	vmul.f32 $1.442695020e+00, v49  }
0x1a2: {  	v6 =	vsel vm1, v1, v6;
	v52 =	vld [tilespmem:s26+$0xFFFFFF60];
	(xrf2) =	vadd.scan.msk.f32 $0xffff, v51;
	v57 =	vmax.f32 v57, $-5.000000000e+00;
	v47 =	vmul.f32 v46, v47  }
0x1a3: {  	v51 =	vld [tilespmem:s14+$0xFFFFFFE0];
	[tilespmem:s17+$0x50] =	vst v48;
	(erf) = vpow2.f32 v61;
	v57 =	vmin.f32 v57, $5.000000000e+00;
	v49 =	vbroadcast v49, $0xF  }
0x1a4: {  	v2 =	vsel vm1, v2, v5;
	v5 =	vld [tilespmem:s26+$0x60];
	v57 =	vmul.f32 $1.442695020e+00, v57;
	v1 =	vmul.f32 v56, v55;
	v59, _, _ =	vpop (xrf2);
	[tilespmem:s24+$0xA0] =	vst v47  }
0x1a5: {  	v48 =	vmul.f32 $2.500000000e-01, v59;
	v53 =	vmul.f32 v63, v62;
	v60 =	vld [tilespmem:s22+$0x120]  }
0x1a6: {  	v4 =	vnsel vm0, $0x0, v4;
	(erf) = vpow2.f32 v49;
	v61 =	vbroadcast v57, $0xF;
	v62 =	vld [tilespmem:s23+$0xA0]  }
0x1a7: {  	v3 =	vnsel vm0, $0x0, v3;
	v4 =	vsel vm1, v4, v7;
	v57 =	vld [tilespmem:s14+$0x60];
	v63, _, _ =	vpop (xrf2)  }
0x1a8: {  	v7 =	vsel vm1, v3, v8;
	v47 =	vld [tilespmem:s22+$0xFFFFFE90];
	(xrf2) =	vadd.scan.msk.f32 $0xffff, v1;
	v48 =	vmax.f32 v48, $-5.000000000e+00;
	v1 =	vpop (erf);
	(erf) = vpow2.f32 v61  }
0x1a9: {  	v55 =	vmul.f32 $2.500000000e-01, v63;
	v3 =	vmin.f32 v48, $5.000000000e+00;
	v50 =	vmul.f32 v1, v50  }
0x1aa: {  	v6 =	vsel vm2, v6, v9;
	v9 =	vsel vm2, v2, v10;
	(xrf2) =	vadd.scan.msk.f32 $0xffff, v53  }
0x1ab: {  	v8 =	vmul.f32 v51, v52;
	v59 =	vld [tilespmem:s18+$0x1C0];
	v48 =	vmul.f32 $1.442695020e+00, v3;
	v58 =	vmax.f32 v55, $-5.000000000e+00;
	[tilespmem:s24+$0xFFFFFF80] =	vst v50  }
0x1ac: {  	v3 =	vpop (erf);
	v49 =	vmul.f32 v62, v60;
	v50 =	vmin.f32 v58, $5.000000000e+00;
	v10 =	vmul.f32 v57, v5;
	v60 =	vld [tilespmem:s22+$0xFFFFFF20]  }
0x1ad: {  	(xrf2) =	vadd.scan.msk.f32 $0xffff, v8;
	v5, _, _ =	vpop (xrf2);
	v47 =	vmul.f32 v3, v47;
	v2 =	vld [tilespmem:s23+$0xFFFFFFA0];
	v8 =	vmul.f32 $1.442695020e+00, v50  }
0x1ae: {  	v4 =	vsel vm2, v4, v11;
	v11 =	vmul.f32 $2.500000000e-01, v5  }
0x1af: {  	v61 =	vld [tilespmem:s22+$0x90];
	v48 =	vbroadcast v48, $0xF;
	(xrf2) =	vadd.scan.msk.f32 $0xffff, v49;
	[tilespmem:s24+$0xFFFFFEF0] =	vst v47;
	v8 =	vbroadcast v8, $0xF;
	v5 =	vpop (erf)  }
0x1b0: {  	v12 =	vsel vm2, v7, v12;
	v11 =	vmax.f32 v11, $-5.000000000e+00;
	v47 =	vld [tilespmem:s22+$0xFFFFFE20];
	v7 =	vmul.f32 v5, v59  }
0x1b1: {  	(erf) = vpow2.f32 v48;
	v62 =	vld [tilespmem:s23+$0xFFFFFF20];
	v11 =	vmin.f32 v11, $5.000000000e+00  }
0x1b2: {  	v17 =	vsel vm3, v6, v17;
	v6 =	vmul.f32 $1.442695020e+00, v11;
	v63 =	vmul.f32 v2, v60;
	v2 =	vpop (erf)  }
0x1b3: {  	v13 =	vnsel vm0, $0x0, v13;
	v14 =	vnsel vm0, $0x0, v14;
	(erf) = vpow2.f32 v8;
	v8, _, _ =	vpop (xrf2)  }
0x1b4: {  	v16 =	vnsel vm0, $0x0, v16;
	[tilespmem:s19+$0xD0] =	vst v7;
	v11 =	vmul.f32 v2, v61;
	v6 =	vbroadcast v6, $0xF;
	v7, _, _ =	vpop (xrf2)  }
0x1b5: {  	v9 =	vsel vm3, v9, v18;
	v8 =	vmul.f32 $2.500000000e-01, v8;
	v52 =	vld [tilespmem:s18+$0x150];
	v7 =	vmul.f32 $2.500000000e-01, v7  }
0x1b6: {  	v21 =	vsel vm3, v4, v21;
	v53 =	vld [tilespmem:s20+$0xD0];
	(xrf2) =	vadd.scan.msk.f32 $0xffff, v63;
	[tilespmem:s24+$0x10] =	vst v11;
	v11 =	vmul.f32 v62, v47  }
0x1b7: {  	v19 =	vsel vm3, v12, v19;
	v8 =	vmax.f32 v8, $-5.000000000e+00;
	(xrf2) =	vadd.scan.msk.f32 $0xffff, v10;
	v10 =	vld [tilespmem:s22+$0x20];
	v7 =	vmax.f32 v7, $-5.000000000e+00  }
0x1b8: {  	(erf) = vpow2.f32 v6;
	v8 =	vmin.f32 v8, $5.000000000e+00;
	v6, _, _ =	vpop (xrf2);
	(xrf2) =	vadd.scan.msk.f32 $0xffff, v11;
	v11 =	vld [tilespmem:s23+$0x20];
	v7 =	vmin.f32 v7, $5.000000000e+00  }
0x1b9: {  	v13 =	vsel vm1, v13, v20;
	v54 =	vld [tilespmem:s18+$0xFFFFFFC0];
	v8 =	vmul.f32 $1.442695020e+00, v8;
	v55, _, _ =	vpop (xrf2);
	v7 =	vmul.f32 $1.442695020e+00, v7  }
0x1ba: {  	v20 =	vsel vm1, v14, v22;
	v18 =	vmul.f32 $2.500000000e-01, v6;
	v4 =	vmul.f32 $2.500000000e-01, v55  }
0x1bb: {  	v22 =	vsel vm1, v16, v24;
	v56 =	vmul.f32 v53, v52;
	v8 =	vbroadcast v8, $0xF  }
0x1bc: {  	v6 =	vpop (erf);
	v18 =	vmax.f32 v18, $-5.000000000e+00;
	v4 =	vmax.f32 v4, $-5.000000000e+00;
	v57 =	vbroadcast v7, $0xF  }
0x1bd: {  	s25 =	simm.s32 $0xEA0;
	v10 =	vmul.f32 v11, v10;
	v11 =	vmin.f32 v4, $5.000000000e+00;
	(erf) = vpow2.f32 v8;
	v7 =	vpop (erf)  }
0x1be: {  	v24 =	vld [tilespmem:s25+$0x100];
	v18 =	vmin.f32 v18, $5.000000000e+00;
	v8 =	vmul.f32 $1.442695020e+00, v11;
	v47 =	vmul.f32 v7, v54  }
0x1bf: {  	s7 =	simm.s32 $0x57A0;
	v17 =	vsel vm4, v17, v25;
	v25 =	vsel vm4, v9, v26;
	v26 =	vld [tilespmem:s25+$0xFFFFFF00];
	(xrf2) =	vadd.scan.msk.f32 $0xffff, v56;
	v18 =	vmul.f32 $1.442695020e+00, v18  }
0x1c0: {  	v29 =	vsel vm4, v21, v29;
	v21 =	vld [tilespmem:s7+$0xFFFFFF80];
	v12, _, _ =	vpop (xrf2);
	(xrf2) =	vadd.scan.msk.f32 $0xffff, v10;
	v8 =	vbroadcast v8, $0xF;
	[tilespmem:s19+$0xFFFFFFB0] =	vst v47  }
0x1c1: {  	v10 =	vbroadcast v18, $0xF;
	v12 =	vmul.f32 $2.500000000e-01, v12;
	v18 =	vld [tilespmem:s18+$0xFFFFFF50]  }
0x1c2: {  	(erf) = vpow2.f32 v57;
	v16, _, _ =	vpop (xrf2);
	v14 =	vld [tilespmem:s20+$0xFFFFFFD0]  }
0x1c3: {  	(erf) = vpow2.f32 v10;
	v10 =	vmax.f32 v12, $-5.000000000e+00;
	v12 =	vmul.f32 $2.500000000e-01, v16;
	v16 =	vld [tilespmem:s7+$0x80]  }
0x1c4: {  	(erf) = vpow2.f32 v8;
	v8, _, _ =	vpop (xrf2);
	v10 =	vmin.f32 v10, $5.000000000e+00  }
0x1c5: {  	v15 =	vnsel vm0, $0x0, v15;
	v8 =	vmul.f32 $2.500000000e-01, v8;
	v10 =	vmul.f32 $1.442695020e+00, v10  }
0x1c6: {  	v23 =	vsel vm1, v15, v23;
	v21 =	vmul.f32 v21, v26;
	v15 =	vmax.f32 v12, $-5.000000000e+00  }
0x1c7: {  	v9 =	vpop (erf);
	v8 =	vmax.f32 v8, $-5.000000000e+00;
	v59 =	vbroadcast v10, $0xF;
	v14 =	vmul.f32 v14, v18  }
0x1c8: {  	v12 =	vpop (erf);
	v8 =	vmin.f32 v8, $5.000000000e+00;
	v18 =	vmin.f32 v15, $5.000000000e+00;
	v16 =	vmul.f32 v16, v24  }
0x1c9: {  	v26 =	vld [tilespmem:s25+$0xFFFFFE00];
	v10, _, _ =	vpop (xrf2);
	v8 =	vmul.f32 $1.442695020e+00, v8;
	v18 =	vmul.f32 $1.442695020e+00, v18  }
0x1ca: {  	v11 =	vld [tilespmem:s18+$0xFFFFFEC0];
	(erf) = vpow2.f32 v59;
	v61 =	vmul.f32 $2.500000000e-01, v10;
	v24, _, _ =	vpop (xrf2)  }
0x1cb: {  	v13 =	vsel vm2, v13, v27;
	v60 =	vld [tilespmem:s22+$0x1A0];
	v8 =	vbroadcast v8, $0xF;
	v24 =	vmul.f32 $2.500000000e-01, v24  }
0x1cc: {  	v62 =	vld [tilespmem:s7+$0xFFFFFF00];
	v63 =	vsel vm5, v17, v33;
	(xrf2) =	vadd.scan.msk.f32 $0xffff, v14;
	v18 =	vbroadcast v18, $0xF;
	v14 =	vmax.f32 v61, $-5.000000000e+00  }
0x1cd: {  	v27 =	vld [tilespmem:s25+$0x0];
	v10 =	vpop (erf);
	(xrf2) =	vadd.scan.msk.f32 $0xffff, v16;
	v51 =	vmin.f32 v14, $5.000000000e+00;
	(erf) = vpow2.f32 v8;
	v17 =	vmax.f32 v24, $-5.000000000e+00  }
0x1ce: {  	v16 =	vpop (erf);
	v8 =	vmul.f32 $1.442695020e+00, v51;
	(erf) = vpow2.f32 v18;
	v18 =	vld [tilespmem:s7+$0x0];
	v17 =	vmin.f32 v17, $5.000000000e+00  }
0x1cf: {  	v28 =	vsel vm4, v19, v28;
	v19 =	vld [tilespmem:s22+$0xFFFFFFA0];
	v11 =	vmul.f32 v12, v11;
	v14 =	vpop (erf);
	v24 =	vmul.f32 $1.442695020e+00, v17  }
0x1d0: {  	v20 =	vsel vm2, v20, v30;
	v58 =	vld [tilespmem:s26+$0xFFFFFEE0];
	(xrf2) =	vadd.scan.msk.f32 $0xffff, v21;
	v30 =	vmul.f32 v14, v60;
	v8 =	vbroadcast v8, $0xF  }
0x1d1: {  	v23 =	vsel vm2, v23, v34;
	v47 =	vld [tilespmem:s18+$0xC0];
	[tilespmem:s19+$0xFFFFFF20] =	vst v11;
	v21 =	vsel vm5, v25, v38;
	v25 =	vmul.f32 v62, v26  }
0x1d2: {  	v34 =	vsel vm3, v20, v41;
	v20 =	vbroadcast v24, $0xF;
	v24 =	vld [tilespmem:s20+$0xFFFFFF50];
	[tilespmem:s24+$0xB0] =	vst v30;
	(erf) = vpow2.f32 v8  }
0x1d3: {  	v22 =	vsel vm2, v22, v32;
	v17 =	vpop (erf);
	v8 =	vld [tilespmem:s22+$0x130];
	v11 =	vmul.f32 v18, v27  }
0x1d4: {  	(xrf2) =	vadd.scan.msk.f32 $0xffff, v25;
	v26 =	vld [tilespmem:s23+$0xB0];
	v19 =	vmul.f32 v17, v19  }
0x1d5: {  	v31 =	vnsel vm0, $0x0, v31;
	v50 =	vsel vm3, v13, v39;
	v13 =	vnsel vm0, $0x0, v35;
	v30 =	vld [tilespmem:s22+$0xFFFFFEA0]  }
0x1d6: {  	v2 =	vsel vm1, v31, v2;
	v52 =	vnsel vm0, $0x0, v36;
	v25 =	vsel vm3, v22, v44;
	v18 =	vld [tilespmem:s18+$0xFFFFFE50];
	v22, _, _ =	vpop (xrf2)  }
0x1d7: {  	v53 =	vmul.f32 v6, v58;
	v32 =	vsel vm1, v52, v1;
	(erf) = vpow2.f32 v20;
	v20 =	vld [tilespmem:s18+$0x1D0];
	(xrf2) =	vadd.scan.msk.f32 $0xffff, v11;
	v11, _, _ =	vpop (xrf2)  }
0x1d8: {  	v54 =	vnsel vm0, $0x0, v37;
	[tilespmem:s24+$0xFFFFFF90] =	vst v19;
	v22 =	vmul.f32 $2.500000000e-01, v22;
	v19 =	vpop (erf);
	v56 =	vmul.f32 $2.500000000e-01, v11  }
0x1d9: {  	v55 =	vld [tilespmem:s22+$0xA0];
	v8 =	vmul.f32 v26, v8;
	v26 =	vsel vm3, v23, v43;
	v23 =	vsel vm1, v13, v46;
	v13 =	vpop (erf)  }
0x1da: {  	v59 =	vmul.f32 v10, v47;
	v57 =	vld [tilespmem:s23+$0xFFFFFFB0];
	v22 =	vmax.f32 v22, $-5.000000000e+00;
	v30 =	vmul.f32 v19, v30;
	v58, _, _ =	vpop (xrf2)  }
0x1db: {  	v11 =	vsel vm5, v28, v45;
	v28 =	vld [tilespmem:s22+$0xFFFFFF30];
	v39 =	vmax.f32 v56, $-5.000000000e+00;
	(xrf2) =	vadd.scan.msk.f32 $0xffff, v8;
	v8 =	vmul.f32 v24, v18;
	v18 =	vpop (erf)  }
0x1dc: {  	v51 =	vld [tilespmem:s26+$0x1F0];
	v24 =	vmul.f32 $2.500000000e-01, v58;
	[tilespmem:s24+$0xFFFFFF00] =	vst v30;
	v39 =	vmin.f32 v39, $5.000000000e+00;
	v20 =	vmul.f32 v18, v20  }
0x1dd: {  	v27 =	vsel vm6, v63, v42;
	v22 =	vmin.f32 v22, $5.000000000e+00;
	v60 =	vld [tilespmem:s23+$0xFFFFFF30];
	v39 =	vmul.f32 $1.442695020e+00, v39  }
0x1de: {  	v22 =	vmul.f32 $1.442695020e+00, v22;
	v1, _, _ =	vpop (xrf2);
	(xrf2) =	vadd.scan.msk.f32 $0xffff, v8;
	v8 =	vld [tilespmem:s22+$0xFFFFFE30];
	v24 =	vmax.f32 v24, $-5.000000000e+00;
	[tilespmem:s19+$0xE0] =	vst v20  }
0x1df: {  	v63 =	vmul.f32 $2.500000000e-01, v1;
	v20 =	vmin.f32 v24, $5.000000000e+00;
	v39 =	vbroadcast v39, $0xF;
	v62 =	vld [tilespmem:s18+$0x160]  }
0x1e0: {  	v1 =	vsel vm4, v50, v5;
	v28 =	vmul.f32 v57, v28;
	v61 =	vmul.f32 $1.442695020e+00, v20;
	v44 =	vld [tilespmem:s20+$0xE0]  }
0x1e1: {  	[tilespmem:s19+$0x40] =	vst v59;
	v22 =	vbroadcast v22, $0xF;
	v36 =	vmax.f32 v63, $-5.000000000e+00;
	v46, _, _ =	vpop (xrf2);
	(erf) = vpow2.f32 v39  }
0x1e2: {  	v47 =	vld [tilespmem:s20+$0x50];
	v36 =	vmin.f32 v36, $5.000000000e+00;
	(xrf2) =	vadd.scan.msk.f32 $0xffff, v28;
	v35 =	vmul.f32 $2.500000000e-01, v46;
	v20 =	vpop (erf);
	v28 =	vbroadcast v61, $0xF  }
0x1e3: {  	v45 =	vld [tilespmem:s18+$0x50];
	v24 =	vsel vm1, v54, v3;
	v3 =	vmul.f32 v9, v51;
	v5 =	vmul.f32 v20, v55  }
0x1e4: {  	v31 =	vld [tilespmem:s25+$0xFFFFFE80];
	v8 =	vmul.f32 v60, v8;
	v35 =	vmax.f32 v35, $-5.000000000e+00;
	(erf) = vpow2.f32 v28  }
0x1e5: {  	v50 =	vld [tilespmem:s25+$0x180];
	v28 =	vmul.f32 $1.442695020e+00, v36;
	v35 =	vmin.f32 v35, $5.000000000e+00;
	[tilespmem:s24+$0x20] =	vst v5;
	v39 =	vmul.f32 v44, v62  }
0x1e6: {  	v49, _, _ =	vpop (xrf2);
	(xrf2) =	vadd.scan.msk.f32 $0xffff, v8;
	(erf) = vpow2.f32 v22;
	v8 =	vmul.f32 $1.442695020e+00, v35;
	v48 =	vld [tilespmem:s22+$0x30]  }
0x1e7: {  	v38 =	vmul.f32 $2.500000000e-01, v49;
	v51 =	vld [tilespmem:s23+$0x30];
	v22 =	vbroadcast v28, $0xF  }
0x1e8: {  	v29 =	vsel vm5, v29, v40;
	[tilespmem:s17+$0xFFFFFF40] =	vst v53;
	v4 =	vld [tilespmem:s26+$0xFFFFFFE0];
	v33 =	vmul.f32 v47, v45  }
0x1e9: {  	v54 =	vld [tilespmem:s25+$0xFFFFFF80];
	v53, _, _ =	vpop (xrf2);
	(xrf2) =	vadd.scan.msk.f32 $0xffff, v39;
	v55 =	vbroadcast v8, $0xF;
	v28 =	vmax.f32 v38, $-5.000000000e+00;
	(erf) = vpow2.f32 v22  }
0x1ea: {  	v15 =	vld [tilespmem:s26+$0xE0];
	v22 =	vsel vm4, v34, v7;
	v8 =	vmin.f32 v28, $5.000000000e+00;
	v28 =	vmul.f32 $2.500000000e-01, v53;
	v37 =	vpop (erf)  }
0x1eb: {  	v41 =	vld [tilespmem:s26+$0xFFFFFE70];
	v56 =	vmul.f32 $1.442695020e+00, v8;
	v8 =	vsel vm6, v29, v6;
	v6 =	vmul.f32 v37, v50  }
0x1ec: {  	s9 =	simm.s32 $0x8080;
	v30 =	vld [tilespmem:s14+$0xFFFFFF70];
	(xrf2) =	vadd.scan.msk.f32 $0xffff, v33;
	(erf) = vpow2.f32 v55;
	v7, _, _ =	vpop (xrf2);
	v57 =	vmul.f32 v51, v48;
	v28 =	vmax.f32 v28, $-5.000000000e+00  }
0x1ed: {  	v52 =	vld [tilespmem:s18+$0xFFFFFFD0];
	v58 =	vbroadcast v56, $0xF;
	v28 =	vmin.f32 v28, $5.000000000e+00;
	[tilespmem:s9+$0x90] =	vst v6;
	v39 =	vpop (erf);
	v6 =	vmul.f32 $2.500000000e-01, v7  }
0x1ee: {  	v29 =	vld [tilespmem:s25+$0x80];
	(xrf2) =	vadd.scan.msk.f32 $0xffff, v57;
	v7 =	vsel vm4, v25, v12;
	v12 =	vmul.f32 $1.442695020e+00, v28;
	v38 =	vmul.f32 v39, v54  }
0x1ef: {  	v15 =	vmul.f32 v13, v15;
	v9 =	vsel vm7, v27, v9;
	v59 =	vld [tilespmem:s25+$0x110]  }
0x1f0: {  	(erf) = vpow2.f32 v58;
	v28 =	vld [tilespmem:s7+$0x90];
	v6 =	vmax.f32 v6, $-5.000000000e+00;
	v12 =	vbroadcast v12, $0xF;
	[tilespmem:s9+$0xFFFFFF70] =	vst v38  }
0x1f1: {  	v30 =	vmul.f32 v30, v41;
	v60 =	vmul.f32 v16, v4;
	v4 =	vpop (erf);
	v62 =	vmin.f32 v6, $5.000000000e+00;
	v63 =	vld [tilespmem:s25+$0xFFFFFF10]  }
0x1f2: {  	v61, _, _ =	vpop (xrf2);
	v25 =	vmul.f32 v4, v52;
	v6 =	vsel vm4, v26, v10;
	v35 =	vmul.f32 $1.442695020e+00, v62;
	v45 =	vld [tilespmem:s7+$0xFFFFFF90]  }
0x1f3: {  	v47 =	vld [tilespmem:s22+$0x1B0];
	[tilespmem:s17+$0xFFFFFFD0] =	vst v60;
	v26 =	vmul.f32 $2.500000000e-01, v61;
	v10 =	vsel vm6, v21, v16;
	v46, _, _ =	vpop (xrf2);
	(erf) = vpow2.f32 v12  }
0x1f4: {  	v27 =	vld [tilespmem:s18+$0xFFFFFED0];
	(xrf2) =	vadd.scan.msk.f32 $0xffff, v30;
	v21 =	vsel vm2, v23, v14;
	v16 =	vmul.f32 $2.500000000e-01, v46;
	v12 =	vpop (erf);
	v30 =	vbroadcast v35, $0xF  }
0x1f5: {  	[tilespmem:s17+$0x60] =	vst v15;
	v15 =	vld [tilespmem:s14+$0xFFFFFFF0];
	v26 =	vmax.f32 v26, $-5.000000000e+00;
	v28 =	vmul.f32 v28, v59;
	v31 =	vmul.f32 v12, v31;
	v14 =	vpop (erf)  }
0x1f6: {  	v23 =	vld [tilespmem:s26+$0xFFFFFF70];
	v26 =	vmin.f32 v26, $5.000000000e+00;
	v16 =	vmax.f32 v16, $-5.000000000e+00;
	v29 =	vmul.f32 v14, v29  }
0x1f7: {  	v34 =	vld [tilespmem:s22+$0xFFFFFFB0];
	v49, _, _ =	vpop (xrf2);
	(erf) = vpow2.f32 v30;
	v16 =	vmin.f32 v16, $5.000000000e+00;
	[tilespmem:s9+$0xFFFFFEE0] =	vst v31;
	v30 =	vmul.f32 v45, v63  }
0x1f8: {  	(xrf2) =	vadd.scan.msk.f32 $0xffff, v28;
	v50 =	vmul.f32 $1.442695020e+00, v16;
	v16 =	vsel vm2, v32, v17;
	v17 =	vmul.f32 $1.442695020e+00, v26;
	v26 =	vld [tilespmem:s25+$0xFFFFFE10];
	v52, _, _ =	vpop (xrf2)  }
0x1f9: {  	v54 =	vmul.f32 $2.500000000e-01, v49;
	[tilespmem:s9+$0x0] =	vst v29;
	v29 =	vld [tilespmem:s7+$0xFFFFFF10];
	v31 =	vpop (erf);
	(xrf2) =	vadd.scan.msk.f32 $0xffff, v30;
	v30 =	vmul.f32 $2.500000000e-01, v52  }
0x1fa: {  	v48 =	vld [tilespmem:s26+$0x70];
	v53 =	vbroadcast v50, $0xF;
	v51 =	vmul.f32 v31, v47  }
0x1fb: {  	v28 =	vld [tilespmem:s14+$0x70];
	v15 =	vmul.f32 v15, v23;
	v17 =	vbroadcast v17, $0xF;
	v23 =	vmax.f32 v30, $-5.000000000e+00  }
0x1fc: {  	v19 =	vsel vm2, v24, v19;
	v24 =	vld [tilespmem:s25+$0x10];
	(erf) = vpow2.f32 v53;
	v55 =	vpop (erf);
	[tilespmem:s24+$0xC0] =	vst v51;
	v23 =	vmin.f32 v23, $5.000000000e+00  }
0x1fd: {  	(erf) = vpow2.f32 v17;
	v17 =	vmax.f32 v54, $-5.000000000e+00;
	v27 =	vmul.f32 v55, v27;
	v30 =	vld [tilespmem:s22+$0x140]  }
0x1fe: {  	(xrf2) =	vadd.scan.msk.f32 $0xffff, v15;
	v56 =	vld [tilespmem:s23+$0xC0];
	v58 =	vmul.f32 $1.442695020e+00, v23;
	v15 =	vmin.f32 v17, $5.000000000e+00;
	v17 =	vmul.f32 v29, v26  }
0x1ff: {  	v57 =	vld [tilespmem:s7+$0x10];
	v23 =	vsel vm5, v1, v18  }
0x200: {  	v1 =	vsel vm6, v11, v13;
	v29 =	vld [tilespmem:s18+$0x1E0];
	v18 =	vmul.f32 $1.442695020e+00, v15;
	[tilespmem:s19+$0xFFFFFF30] =	vst v27;
	v13 =	vbroadcast v58, $0xF;
	v26 =	vpop (erf)  }
0x201: {  	v60, _, _ =	vpop (xrf2);
	v15 =	vmul.f32 v28, v48;
	(xrf2) =	vadd.scan.msk.f32 $0xffff, v17;
	v61 =	vld [tilespmem:s18+$0xFFFFFE60];
	v27 =	vmul.f32 v26, v34  }
0x202: {  	v62 =	vld [tilespmem:s20+$0xFFFFFF60];
	v28 =	vbroadcast v18, $0xF;
	v17, _, _ =	vpop (xrf2);
	(erf) = vpow2.f32 v13  }
0x203: {  	v20 =	vsel vm2, v2, v20;
	v36 =	vld [tilespmem:s22+$0xFFFFFEB0];
	v2 =	vmul.f32 $2.500000000e-01, v17;
	v30 =	vmul.f32 v56, v30  }
0x204: {  	v24 =	vmul.f32 v57, v24;
	[tilespmem:s24+$0xFFFFFFA0] =	vst v27;
	v13, _, _ =	vpop (xrf2)  }
0x205: {  	(erf) = vpow2.f32 v28;
	v27 =	vmul.f32 $2.500000000e-01, v60;
	v28 =	vld [tilespmem:s22+$0xFFFFFF40];
	v2 =	vmax.f32 v2, $-5.000000000e+00;
	(xrf2) =	vadd.scan.msk.f32 $0xffff, v30;
	v63 =	vpop (erf)  }
0x206: {  	v44 =	vld [tilespmem:s23+$0xFFFFFFC0];
	v30 =	vmul.f32 $2.500000000e-01, v13;
	v2 =	vmin.f32 v2, $5.000000000e+00;
	v29 =	vmul.f32 v63, v29  }
0x207: {  	v27 =	vmax.f32 v27, $-5.000000000e+00;
	v32 =	vmul.f32 v62, v61;
	v46 =	vpop (erf);
	(xrf2) =	vadd.scan.msk.f32 $0xffff, v24;
	v45 =	vmul.f32 $1.442695020e+00, v2  }
0x208: {  	v11 =	vld [tilespmem:s22+$0xB0];
	v48, _, _ =	vpop (xrf2);
	v27 =	vmin.f32 v27, $5.000000000e+00;
	v30 =	vmax.f32 v30, $-5.000000000e+00;
	v24 =	vmul.f32 v46, v36;
	[tilespmem:s19+$0xF0] =	vst v29  }
0x209: {  	v30 =	vmin.f32 v30, $5.000000000e+00;
	v29 =	vmul.f32 $2.500000000e-01, v48;
	v38 =	vbroadcast v45, $0xF;
	v49 =	vld [tilespmem:s18+$0x170]  }
0x20a: {  	v30 =	vmul.f32 $1.442695020e+00, v30;
	[tilespmem:s24+$0xFFFFFF10] =	vst v24;
	v24 =	vmul.f32 $1.442695020e+00, v27;
	v27 =	vld [tilespmem:s20+$0xF0]  }
0x20b: {  	v5 =	vld [tilespmem:s26+$0xFFFFFEF0];
	v4 =	vsel vm5, v22, v4;
	v28 =	vmul.f32 v44, v28;
	v22, _, _ =	vpop (xrf2);
	(erf) = vpow2.f32 v38  }
0x20c: {  	(xrf2) =	vadd.scan.msk.f32 $0xffff, v32;
	v50 =	vld [tilespmem:s22+$0xFFFFFE40];
	v30 =	vbroadcast v30, $0xF;
	v22 =	vmul.f32 $2.500000000e-01, v22;
	v51 =	vpop (erf)  }
0x20d: {  	[tilespmem:s19+$0xFFFFFFC0] =	vst v25;
	v25 =	vmax.f32 v29, $-5.000000000e+00;
	v29 =	vld [tilespmem:s23+$0xFFFFFF40];
	v24 =	vbroadcast v24, $0xF;
	v11 =	vmul.f32 v51, v11  }
0x20e: {  	v59 =	vld [tilespmem:s18+$0xD0];
	v25 =	vmin.f32 v25, $5.000000000e+00;
	(xrf2) =	vadd.scan.msk.f32 $0xffff, v28;
	(erf) = vpow2.f32 v30;
	v22 =	vmax.f32 v22, $-5.000000000e+00  }
0x20f: {  	v52 =	vld [tilespmem:s18+$0xFFFFFF60];
	v25 =	vmul.f32 $1.442695020e+00, v25;
	[tilespmem:s24+$0x30] =	vst v11;
	v11 =	vmin.f32 v22, $5.000000000e+00;
	v22 =	vmul.f32 v27, v49;
	v28, _, _ =	vpop (xrf2)  }
0x210: {  	v27 =	vld [tilespmem:s25+$0x190];
	v11 =	vmul.f32 $1.442695020e+00, v11;
	v28 =	vmul.f32 $2.500000000e-01, v28  }
0x211: {  	v31 =	vsel vm3, v21, v31;
	v21 =	vbroadcast v25, $0xF;
	(erf) = vpow2.f32 v24;
	v30 =	vpop (erf);
	v25 =	vld [tilespmem:s22+$0x40]  }
0x212: {  	v29 =	vmul.f32 v29, v50;
	v54 =	vld [tilespmem:s23+$0x40];
	v24, _, _ =	vpop (xrf2);
	v11 =	vbroadcast v11, $0xF;
	v28 =	vmax.f32 v28, $-5.000000000e+00  }
0x213: {  	v47 =	vld [tilespmem:s25+$0xFFFFFF90];
	v41 =	vmul.f32 v30, v59;
	v24 =	vmul.f32 $2.500000000e-01, v24;
	v28 =	vmin.f32 v28, $5.000000000e+00  }
0x214: {  	v53 =	vld [tilespmem:s20+$0xFFFFFFE0];
	v33 =	vsel vm5, v7, v55;
	(xrf2) =	vadd.scan.msk.f32 $0xffff, v22;
	(erf) = vpow2.f32 v21;
	v56 =	vpop (erf);
	v7 =	vmul.f32 $1.442695020e+00, v28  }
0x215: {  	v55 =	vld [tilespmem:s25+$0x90];
	[tilespmem:s19+$0x50] =	vst v41;
	v21 =	vmax.f32 v24, $-5.000000000e+00;
	v24 =	vmul.f32 v56, v27  }
0x216: {  	(xrf2) =	vadd.scan.msk.f32 $0xffff, v29;
	v29 =	vnsel vm0, $0x0, v12;
	v12 =	vld [tilespmem:s20+$0x60];
	(erf) = vpow2.f32 v11;
	v11, _, _ =	vpop (xrf2);
	v7 =	vbroadcast v7, $0xF  }
0x217: {  	v27 =	vld [tilespmem:s18+$0x60];
	v11 =	vmul.f32 $2.500000000e-01, v11;
	[tilespmem:s9+$0xA0] =	vst v24;
	v24 =	vmul.f32 v54, v25;
	v25 =	vpop (erf)  }
0x218: {  	v26 =	vsel vm3, v16, v26;
	v22 =	vld [tilespmem:s25+$0xFFFFFE90];
	v21 =	vmin.f32 v21, $5.000000000e+00;
	v16 =	vmul.f32 v25, v47  }
0x219: {  	v21 =	vmul.f32 $1.442695020e+00, v21;
	v59, _, _ =	vpop (xrf2);
	v58 =	vld [tilespmem:s25+$0x120];
	(erf) = vpow2.f32 v7;
	v11 =	vmax.f32 v11, $-5.000000000e+00  }
0x21a: {  	v60 =	vld [tilespmem:s7+$0xA0];
	v7 =	vsel vm3, v19, v46;
	v19 =	vmul.f32 $2.500000000e-01, v59;
	v11 =	vmin.f32 v11, $5.000000000e+00;
	[tilespmem:s9+$0xFFFFFF80] =	vst v16  }
0x21b: {  	v35 =	vsel vm6, v23, v63;
	v21 =	vbroadcast v21, $0xF;
	(xrf2) =	vadd.scan.msk.f32 $0xffff, v24;
	v23 =	vmul.f32 $1.442695020e+00, v11;
	v24 =	vld [tilespmem:s25+$0xFFFFFF20]  }
0x21c: {  	v62 =	vpop (erf);
	v11 =	vsel vm3, v20, v51;
	v20 =	vmul.f32 v12, v27;
	v12 =	vmax.f32 v19, $-5.000000000e+00;
	v27 =	vld [tilespmem:s7+$0xFFFFFFA0]  }
0x21d: {  	v57 =	vmul.f32 v53, v52;
	v17 =	vld [tilespmem:s26+$0xFFFFFFF0];
	(erf) = vpow2.f32 v21;
	v63 =	vpop (erf);
	v12 =	vmin.f32 v12, $5.000000000e+00  }
0x21e: {  	v61 =	vld [tilespmem:s22+$0xFFFFFFC0];
	v19, _, _ =	vpop (xrf2);
	v21 =	vbroadcast v23, $0xF;
	v12 =	vmul.f32 $1.442695020e+00, v12  }
0x21f: {  	v6 =	vsel vm5, v6, v30;
	v30 =	vld [tilespmem:s22+$0x1C0];
	(xrf2) =	vadd.scan.msk.f32 $0xffff, v57;
	v23 =	vmul.f32 $2.500000000e-01, v19;
	v43 =	vmul.f32 v60, v58;
	v44 =	vpop (erf)  }
0x220: {  	v18 =	vnsel vm0, $0x0, v37;
	v2 =	vld [tilespmem:s26+$0xF0];
	(erf) = vpow2.f32 v21;
	v45 =	vmul.f32 v44, v22  }
0x221: {  	v28 =	vld [tilespmem:s18+$0xFFFFFEE0];
	v46 =	vbroadcast v12, $0xF;
	v12 =	vsel vm1, v18, v56;
	v18 =	vmul.f32 v27, v24  }
0x222: {  	v13 =	vnsel vm0, $0x0, v39;
	v16 =	vld [tilespmem:s18+$0xFFFFFFE0];
	v22, _, _ =	vpop (xrf2);
	v23 =	vmax.f32 v23, $-5.000000000e+00;
	(xrf2) =	vadd.scan.msk.f32 $0xffff, v43;
	[tilespmem:s9+$0xFFFFFEF0] =	vst v45  }
0x223: {  	v5 =	vmul.f32 v62, v5;
	v47 =	vmul.f32 $2.500000000e-01, v22;
	v23 =	vmin.f32 v23, $5.000000000e+00;
	v27 =	vpop (erf);
	v49 =	vld [tilespmem:s25+$0xFFFFFE20];
	(xrf2) =	vadd.scan.msk.f32 $0xffff, v18  }
0x224: {  	v13 =	vsel vm1, v13, v25;
	v24 =	vmul.f32 $1.442695020e+00, v23;
	v25 =	vld [tilespmem:s7+$0xFFFFFF20];
	v30 =	vmul.f32 v27, v30  }
0x225: {  	[tilespmem:s17+$0x110] =	vst v9;
	v17 =	vmul.f32 v63, v17;
	v19 =	vld [tilespmem:s22+$0xFFFFFEC0];
	v48 =	vmax.f32 v47, $-5.000000000e+00;
	(erf) = vpow2.f32 v46;
	v50, _, _ =	vpop (xrf2)  }
0x226: {  	v21 =	vld [tilespmem:s22+$0xC0];
	v18 =	vmin.f32 v48, $5.000000000e+00;
	v9 =	vpop (erf);
	v51 =	vbroadcast v24, $0xF;
	v39 =	vmul.f32 $2.500000000e-01, v50;
	[tilespmem:s24+$0xD0] =	vst v30  }
0x227: {  	v52 =	vnsel vm0, $0x0, v14;
	[tilespmem:s17+$0xFFFFFFE0] =	vst v17;
	v18 =	vmul.f32 $1.442695020e+00, v18;
	v14 =	vmul.f32 v9, v55;
	v30 =	vld [tilespmem:s22+$0x150]  }
0x228: {  	(xrf2) =	vadd.scan.msk.f32 $0xffff, v20;
	v20 =	vsel vm7, v10, v63;
	(erf) = vpow2.f32 v51;
	v54 =	vld [tilespmem:s23+$0xD0];
	v53 =	vmax.f32 v39, $-5.000000000e+00  }
0x229: {  	v22 =	vld [tilespmem:s18+$0xE0];
	v18 =	vbroadcast v18, $0xF;
	[tilespmem:s9+$0x10] =	vst v14;
	v55, _, _ =	vpop (xrf2);
	v17 =	vmul.f32 v25, v49;
	v14 =	vmin.f32 v53, $5.000000000e+00  }
0x22a: {  	[tilespmem:s17+$0x100] =	vst v3;
	v10 =	vsel vm1, v29, v44;
	v56 =	vld [tilespmem:s25+$0x20];
	v29 =	vmul.f32 $2.500000000e-01, v55;
	v3 =	vpop (erf);
	v57 =	vmul.f32 $1.442695020e+00, v14  }
0x22b: {  	v8 =	vsel vm7, v8, v62;
	[tilespmem:s17+$0xFFFFFF50] =	vst v5;
	v5 =	vld [tilespmem:s7+$0x20];
	(erf) = vpow2.f32 v18;
	v18 =	vmul.f32 v3, v28  }
0x22c: {  	v23 =	vld [tilespmem:s25+$0xFFFFFFA0];
	v14 =	vsel vm4, v31, v27;
	v27, _, _ =	vpop (xrf2);
	v28 =	vmax.f32 v29, $-5.000000000e+00;
	v29 =	vbroadcast v57, $0xF  }
0x22d: {  	v24 =	vld [tilespmem:s25+$0xFFFFFEA0];
	v58 =	vmul.f32 $2.500000000e-01, v27;
	[tilespmem:s19+$0xFFFFFF40] =	vst v18;
	v18 =	vmul.f32 v54, v30;
	v30, _, _ =	vpop (xrf2);
	(xrf2) =	vadd.scan.msk.f32 $0xffff, v17  }
0x22e: {  	[tilespmem:s17+$0xFFFFFF60] =	vst v8;
	v31 =	vld [tilespmem:s18+$0x1F0];
	v59 =	vpop (erf);
	v8 =	vmin.f32 v28, $5.000000000e+00  }
0x22f: {  	[tilespmem:s17+$0xFFFFFFF0] =	vst v20;
	v25 =	vld [tilespmem:s25+$0xA0];
	v28 =	vmul.f32 v59, v61;
	(erf) = vpow2.f32 v29;
	v20 =	vmax.f32 v58, $-5.000000000e+00  }
0x230: {  	v27 =	vld [tilespmem:s18+$0xFFFFFE70];
	v60 =	vmul.f32 $1.442695020e+00, v8;
	v34 =	vmul.f32 v5, v56;
	v20 =	vmin.f32 v20, $5.000000000e+00;
	(xrf2) =	vadd.scan.msk.f32 $0xffff, v18  }
0x231: {  	v29 =	vld [tilespmem:s20+$0xFFFFFF70];
	v30 =	vmul.f32 $2.500000000e-01, v30;
	[tilespmem:s24+$0xFFFFFFB0] =	vst v28;
	v17 =	vmul.f32 $1.442695020e+00, v20  }
0x232: {  	v9 =	vsel vm1, v52, v9;
	v3 =	vsel vm6, v33, v3;
	v32 =	vbroadcast v60, $0xF;
	v61 =	vpop (erf);
	v28 =	vld [tilespmem:s22+$0xFFFFFF50]  }
0x233: {  	s11 =	simm.s32 $0xC;
	v62, _, _ =	vpop (xrf2);
	(xrf2) =	vadd.scan.msk.f32 $0xffff, v34;
	v31 =	vmul.f32 v61, v31;
	v18 =	vsel vm7, v35, v61;
	v20 =	vmax.f32 v30, $-5.000000000e+00;
	v30 =	vld [tilespmem:s23+$0xFFFFFFD0]  }
0x234: {  	s1 =	simm.s32 $0x12A0;
	v5 =	vld [tilespmem:s18+$0xFFFFFEF0];
	[tilespmem:s19+$0x110] =	vst v18;
	v63 =	vmin.f32 v20, $5.000000000e+00;
	v20 =	vbroadcast v17, $0xF;
	v18 =	vmul.f32 $2.500000000e-01, v62  }
0x235: {  	s14 =	simm.s32 $0x57A0;
	s26 =	simm.s32 $0x8080;
	v8 =	vsel vm4, v26, v59;
	v26 =	vld [tilespmem:s22+$0xFFFFFFD0];
	[tilespmem:s19+$0x100] =	vst v31;
	v31 =	vmul.f32 $1.442695020e+00, v63;
	v17 =	vpop (erf);
	(erf) = vpow2.f32 v32  }
.LBB2_5:
0x236: {  	v32 =	vld [tilespmem:s1+$0x100];
	s7 =	sadd.s32 $0x200, s7;
	(erf) = vpow2.f32 v20;
	v19 =	vmul.f32 v17, v19;
	v35 =	vmax.f32 v18, $-5.000000000e+00;
	(xrf2) =	vadd.scan.msk.f32 $0xffff, v15  }
0x237: {  	v15 =	vmul.f32 v29, v27;
	v20 =	vld [tilespmem:s7+$0x80];
	v31 =	vbroadcast v31, $0xF;
	v33, _, _ =	vpop (xrf2);
	v27 =	vmin.f32 v35, $5.000000000e+00  }
0x238: {  	v7 =	vsel vm4, v7, v17;
	v34 =	vld [tilespmem:s7+$0xFFFFFF00];
	v29 =	vmul.f32 $2.500000000e-01, v33;
	[tilespmem:s24+$0xFFFFFF20] =	vst v19;
	v30 =	vmul.f32 v30, v28;
	v18 =	vpop (erf)  }
0x239: {  	v19 =	vld [tilespmem:s1+$0xFFFFFF00];
	(erf) = vpow2.f32 v31;
	v21 =	vmul.f32 v18, v21;
	v18 =	vsel vm4, v11, v18  }
0x23a: {  	v27 =	vmul.f32 $1.442695020e+00, v27;
	v11 =	vld [tilespmem:s7+$0xFFFFFF80];
	v28 =	vmax.f32 v29, $-5.000000000e+00;
	(xrf2) =	vadd.scan.msk.f32 $0xffff, v30;
	v17, _, _ =	vpop (xrf2)  }
0x23b: {  	v28 =	vmin.f32 v28, $5.000000000e+00;
	v29 =	vld [tilespmem:s25+$0x1A0];
	[tilespmem:s24+$0x40] =	vst v21;
	v17 =	vmul.f32 $2.500000000e-01, v17  }
0x23c: {  	v21 =	vld [tilespmem:s1+$0x0];
	v20 =	vmul.f32 v20, v32;
	v28 =	vmul.f32 $1.442695020e+00, v28  }
0x23d: {  	v27 =	vbroadcast v27, $0xF;
	v30 =	vld [tilespmem:s7+$0x0];
	v31, _, _ =	vpop (xrf2);
	v17 =	vmax.f32 v17, $-5.000000000e+00  }
0x23e: {  	s11 =	sadd.s32 $0x4, s11;
	v32 =	vld [tilespmem:s1+$0xFFFFFE00];
	(xrf2) =	vadd.scan.msk.f32 $0xffff, v20;
	v37 =	vbroadcast v28, $0xF;
	v31 =	vmul.f32 $2.500000000e-01, v31;
	v17 =	vmin.f32 v17, $5.000000000e+00;
	v33 =	vpop (erf)  }
0x23f: {  	p0 =	slt.u32 s11, $0x24;
	v28 =	vld [tilespmem:s1+$0xFFFFFE80];
	v11 =	vmul.f32 v11, v19;
	v19 =	vpop (erf);
	v35 =	vmul.f32 $1.442695020e+00, v17;
	v17 =	vsel vm6, v4, v33  }
0x240: {  	v4 =	vld [tilespmem:s1+$0xFFFFFF80];
	v31 =	vmax.f32 v31, $-5.000000000e+00;
	v36 =	vmul.f32 v19, v29;
	(erf) = vpow2.f32 v37;
	v20, _, _ =	vpop (xrf2)  }
0x241: {  	v29 =	vld [tilespmem:s1+$0x80];
	(xrf2) =	vadd.scan.msk.f32 $0xffff, v11;
	v11 =	vmin.f32 v31, $5.000000000e+00;
	v35 =	vbroadcast v35, $0xF;
	(erf) = vpow2.f32 v27  }
0x242: {  	v27 =	vsel vm2, v12, v19;
	v21 =	vmul.f32 v30, v21;
	v11 =	vmul.f32 $1.442695020e+00, v11;
	[tilespmem:s9+$0xB0] =	vst v36;
	v19 =	vpop (erf);
	v30 =	vld [tilespmem:s22+$0xFFFFFE50]  }
0x243: {  	v32 =	vmul.f32 v34, v32;
	v12 =	vsel vm2, v13, v19;
	v13 =	vld [tilespmem:s25+$0x130];
	(erf) = vpow2.f32 v35  }
0x244: {  	v19 =	vmul.f32 v19, v23;
	v11 =	vbroadcast v11, $0xF;
	v23 =	vld [tilespmem:s14+$0xB0];
	v31, _, _ =	vpop (xrf2)  }
0x245: {  	v34 =	vmul.f32 v33, v16;
	(xrf2) =	vadd.scan.msk.f32 $0xffff, v32;
	v32 =	vld [tilespmem:s23+$0xFFFFFF50];
	v31 =	vmul.f32 $2.500000000e-01, v31  }
0x246: {  	[tilespmem:s9+$0xFFFFFF90] =	vst v19;
	v33 =	vld [tilespmem:s22+$0x50];
	v19 =	vmul.f32 $2.500000000e-01, v20  }
0x247: {  	v20 =	vld [tilespmem:s25+$0xFFFFFF30];
	(erf) = vpow2.f32 v11;
	v11 =	vmax.f32 v31, $-5.000000000e+00;
	[tilespmem:s19+$0xFFFFFFD0] =	vst v34  }
0x248: {  	(xrf2) =	vadd.scan.msk.f32 $0xffff, v21;
	v16, _, _ =	vpop (xrf2);
	v11 =	vmin.f32 v11, $5.000000000e+00;
	v21 =	vld [tilespmem:s22+$0x1D0];
	v19 =	vmax.f32 v19, $-5.000000000e+00  }
0x249: {  	v38 =	vmul.f32 $2.500000000e-01, v16;
	v31 =	vld [tilespmem:s14+$0xFFFFFFB0];
	v13 =	vmul.f32 v23, v13;
	v23 =	vpop (erf);
	v34 =	vmin.f32 v19, $5.000000000e+00  }
0x24a: {  	v24 =	vmul.f32 v23, v24;
	v10 =	vsel vm2, v10, v23;
	v19 =	vld [tilespmem:s25+$0xFFFFFFB0];
	v23 =	vmul.f32 v32, v30;
	v30 =	vpop (erf)  }
0x24b: {  	v37 =	vmax.f32 v38, $-5.000000000e+00;
	v32, _, _ =	vpop (xrf2);
	(xrf2) =	vadd.scan.msk.f32 $0xffff, v13;
	v13 =	vmul.f32 $1.442695020e+00, v11;
	v35 =	vld [tilespmem:s23+$0x50];
	v36 =	vmul.f32 v30, v22  }
0x24c: {  	v32 =	vmul.f32 $2.500000000e-01, v32;
	v11 =	vmin.f32 v37, $5.000000000e+00;
	[tilespmem:s9+$0xFFFFFF00] =	vst v24;
	v22 =	vld [tilespmem:s22+$0xFFFFFED0];
	v16 =	vpop (erf);
	v24 =	vmul.f32 $1.442695020e+00, v34  }
0x24d: {  	v34 =	vmul.f32 $1.442695020e+00, v11;
	v37 =	vld [tilespmem:s25+$0xFFFFFE30];
	v21 =	vmul.f32 v16, v21;
	v11 =	vsel vm5, v14, v16;
	[tilespmem:s19+$0x60] =	vst v36  }
0x24e: {  	v36 =	vbroadcast v13, $0xF;
	v14 =	vmax.f32 v32, $-5.000000000e+00;
	v32 =	vld [tilespmem:s14+$0xFFFFFF30];
	v20 =	vmul.f32 v31, v20;
	(xrf2) =	vadd.scan.msk.f32 $0xffff, v23  }
0x24f: {  	v24 =	vbroadcast v24, $0xF;
	v13 =	vmin.f32 v14, $5.000000000e+00;
	v14 =	vbroadcast v34, $0xF;
	v23, _, _ =	vpop (xrf2);
	v16 =	vld [tilespmem:s25+$0xFFFFFEB0];
	[tilespmem:s24+$0xE0] =	vst v21  }
0x250: {  	v31 =	vsel vm6, v6, v30;
	v21 =	vmul.f32 $2.500000000e-01, v23;
	v13 =	vmul.f32 $1.442695020e+00, v13;
	v23 =	vpop (erf);
	v34 =	vld [tilespmem:s22+$0x160]  }
0x251: {  	(erf) = vpow2.f32 v14;
	v14 =	vmul.f32 v23, v25;
	v6 =	vsel vm2, v9, v23;
	(xrf2) =	vadd.scan.msk.f32 $0xffff, v20;
	v9 =	vld [tilespmem:s23+$0xE0]  }
0x252: {  	v25 =	vmul.f32 v35, v33;
	v20 =	vmax.f32 v21, $-5.000000000e+00;
	v21 =	vbroadcast v13, $0xF;
	v23, _, _ =	vpop (xrf2);
	v13 =	vld [tilespmem:s22+$0xD0]  }
0x253: {  	v20 =	vmin.f32 v20, $5.000000000e+00;
	v23 =	vmul.f32 $2.500000000e-01, v23;
	v33 =	vmul.f32 v32, v37;
	[tilespmem:s9+$0x20] =	vst v14;
	v14 =	vld [tilespmem:s18+$0xFFFFFF70]  }
0x254: {  	v20 =	vmul.f32 $1.442695020e+00, v20;
	(erf) = vpow2.f32 v21;
	v32 =	vld [tilespmem:s25+$0x30]  }
0x255: {  	v21 =	vmax.f32 v23, $-5.000000000e+00;
	v23 =	vld [tilespmem:s14+$0x30];
	(xrf2) =	vadd.scan.msk.f32 $0xffff, v33;
	v30, _, _ =	vpop (xrf2);
	(erf) = vpow2.f32 v36  }
0x256: {  	v21 =	vmin.f32 v21, $5.000000000e+00;
	v33 =	vld [tilespmem:s1+$0x180];
	v30 =	vmul.f32 $2.500000000e-01, v30;
	v9 =	vmul.f32 v9, v34  }
0x257: {  	v37 =	vbroadcast v20, $0xF;
	v34 =	vmul.f32 $1.442695020e+00, v21;
	v21 =	vld [tilespmem:s25+$0xB0]  }
0x258: {  	v30 =	vmax.f32 v30, $-5.000000000e+00;
	v35, _, _ =	vpop (xrf2);
	(xrf2) =	vadd.scan.msk.f32 $0xffff, v9;
	v36 =	vld [tilespmem:s20+$0xFFFFFFF0];
	(erf) = vpow2.f32 v24  }
0x259: {  	v9 =	vbroadcast v34, $0xF;
	v24 =	vmin.f32 v30, $5.000000000e+00;
	v30 =	vmul.f32 $2.500000000e-01, v35;
	v34 =	vld [tilespmem:s18+$0x70]  }
0x25a: {  	(erf) = vpow2.f32 v37;
	v20 =	vpop (erf);
	v24 =	vmul.f32 $1.442695020e+00, v24;
	v35 =	vld [tilespmem:s20+$0x70];
	s20 =	smov.u32 s23;
	s23 =	smov.u32 s14;
	s14 =	smov.u32 s7  }
0x25b: {  	v33 =	vmul.f32 v20, v33;
	(erf) = vpow2.f32 v9;
	v37, _, _ =	vpop (xrf2);
	v30 =	vmax.f32 v30, $-5.000000000e+00;
	(xrf2) =	vadd.scan.msk.f32 $0xffff, v25;
	v9 =	vld [tilespmem:s18+$0xFFFFFFF0]  }
0x25c: {  	s9 =	sadd.s32 $0x240, s9;
	v25 =	vmul.f32 v23, v32;
	v39 =	vbroadcast v24, $0xF;
	v30 =	vmin.f32 v30, $5.000000000e+00;
	v32 =	vld [tilespmem:s18+$0xF0];
	s18 =	smov.u32 s22;
	s22 =	smov.u32 s25  }
0x25d: {  	v23 =	vnsel vm0, $0x0, v20;
	s25 =	smov.u32 s1;
	[tilespmem:s9+$0x90] =	vst v33;
	v20 =	vpop (erf);
	v33 =	vmul.f32 $2.500000000e-01, v37;
	v30 =	vmul.f32 $1.442695020e+00, v30  }
0x25e: {  	v4 =	vmul.f32 v20, v4;
	v20 =	vnsel vm0, $0x0, v20;
	v37 =	vld [tilespmem:s1+$0x110];
	(xrf2) =	vadd.scan.msk.f32 $0xffff, v25;
	(erf) = vpow2.f32 v39;
	v24 =	vpop (erf)  }
0x25f: {  	v25 =	vld [tilespmem:s7+$0x90];
	v33 =	vmax.f32 v33, $-5.000000000e+00;
	v38, _, _ =	vpop (xrf2);
	v30 =	vbroadcast v30, $0xF;
	v39 =	vmul.f32 v24, v26  }
0x260: {  	v36 =	vmul.f32 v36, v14;
	[tilespmem:s9+$0xFFFFFF70] =	vst v4;
	v4 =	vmul.f32 $2.500000000e-01, v38;
	v33 =	vmin.f32 v33, $5.000000000e+00  }
0x261: {  	v38 =	vld [tilespmem:s1+$0xFFFFFF10];
	v14 =	vmul.f32 $1.442695020e+00, v33;
	[tilespmem:s24+$0xFFFFFFC0] =	vst v39;
	(erf) = vpow2.f32 v30;
	(xrf2) =	vadd.scan.msk.f32 $0xffff, v15;
	v26 =	vpop (erf)  }
0x262: {  	v15 =	vmul.f32 v35, v34;
	v33 =	vld [tilespmem:s7+$0xFFFFFF90];
	v30 =	vmax.f32 v4, $-5.000000000e+00;
	v4 =	vsel vm5, v8, v24;
	v8, _, _ =	vpop (xrf2)  }
0x263: {  	v24 =	vpop (erf);
	v34 =	vmin.f32 v30, $5.000000000e+00;
	v35 =	vbroadcast v14, $0xF;
	v39 =	vld [tilespmem:s22+$0x1B0];
	v8 =	vmul.f32 $2.500000000e-01, v8  }
0x264: {  	v28 =	vmul.f32 v24, v28;
	v14 =	vnsel vm0, $0x0, v24;
	v30 =	vld [tilespmem:s1+$0xFFFFFF90];
	v24 =	vmul.f32 v25, v37;
	v25 =	vpop (erf)  }
0x265: {  	v34 =	vmul.f32 $1.442695020e+00, v34;
	v29 =	vmul.f32 v25, v29;
	v37 =	vld [tilespmem:s18+$0xFFFFFF60];
	v8 =	vmax.f32 v8, $-5.000000000e+00;
	v40, _, _ =	vpop (xrf2)  }
0x266: {  	[tilespmem:s9+$0xFFFFFEE0] =	vst v28;
	(xrf2) =	vadd.scan.msk.f32 $0xffff, v24;
	(erf) = vpow2.f32 v35;
	v28 =	vld [tilespmem:s20+$0xFFFFFFE0];
	v24 =	vmin.f32 v8, $5.000000000e+00  }
0x267: {  	v8 =	vnsel vm0, $0x0, v25;
	v35 =	vld [tilespmem:s1+$0xFFFFFE10];
	v33 =	vmul.f32 v33, v38;
	[tilespmem:s9+$0x0] =	vst v29;
	v25 =	vpop (erf);
	v29 =	vmul.f32 $1.442695020e+00, v24  }
0x268: {  	v34 =	vbroadcast v34, $0xF;
	v38 =	vld [tilespmem:s7+$0xFFFFFF10];
	v43 =	vmul.f32 v25, v39;
	v24 =	vsel vm3, v27, v25;
	v25, _, _ =	vpop (xrf2)  }
0x269: {  	v41 =	vld [tilespmem:s1+$0x10];
	(xrf2) =	vadd.scan.msk.f32 $0xffff, v33;
	v25 =	vmul.f32 $2.500000000e-01, v25;
	v27 =	vbroadcast v29, $0xF;
	v29 =	vsel vm7, v1, v26;
	v1 =	vmovc v31  }
0x26a: {  	v33 =	vmul.f32 $2.500000000e-01, v40;
	v26 =	vmul.f32 v26, v2;
	v2 =	vmov v32;
	v31 =	vld [tilespmem:s7+$0x10];
	[tilespmem:s26+$0xC0] =	vst v43;
	v39 =	vpop (erf)  }
0x26b: {  	v25 =	vmax.f32 v25, $-5.000000000e+00;
	v40 =	vld [tilespmem:s22+$0x140];
	v22 =	vmul.f32 v39, v22;
	(erf) = vpow2.f32 v27;
	v42, _, _ =	vpop (xrf2);
	[tilespmem:s17+$0x80] =	vst v29  }
0x26c: {  	v27 =	vmax.f32 v33, $-5.000000000e+00;
	v25 =	vmin.f32 v25, $5.000000000e+00;
	v29 =	vld [tilespmem:s23+$0xC0];
	(erf) = vpow2.f32 v34;
	(xrf2) =	vadd.scan.msk.f32 $0xffff, v36  }
0x26d: {  	v36 =	vmul.f32 v38, v35;
	v32 =	vld [tilespmem:s1+$0xFFFFFE90];
	v35 =	vmul.f32 $1.442695020e+00, v25;
	[tilespmem:s24+$0xFFFFFF30] =	vst v22;
	v22 =	vmin.f32 v27, $5.000000000e+00  }
0x26e: {  	v33 =	vmul.f32 v28, v37;
	v25 =	vsel vm5, v7, v39;
	v27 =	vld [tilespmem:s1+$0x90];
	v7 =	vmul.f32 $1.442695020e+00, v22;
	[tilespmem:s17+$0x70] =	vst v26;
	s17 =	smov.u32 s19;
	s19 =	smov.u32 s24;
	s24 =	smov.u32 s26  }
0x26f: {  	s26 =	smov.u32 s9;
	v22 =	vmul.f32 v31, v41;
	(xrf2) =	vadd.scan.msk.f32 $0xffff, v36;
	v28 =	vbroadcast v35, $0xF;
	v26 =	vpop (erf);
	v31 =	vld [tilespmem:s18+$0xFFFFFE60]  }
0x270: {  	v34, _, _ =	vpop (xrf2);
	v19 =	vmul.f32 v26, v19;
	v26 =	vsel vm3, v12, v26;
	v7 =	vbroadcast v7, $0xF;
	v12 =	vld [tilespmem:s18+$0x1E0]  }
0x271: {  	v34 =	vmul.f32 $2.500000000e-01, v34;
	v29 =	vmul.f32 v29, v40;
	v35 =	vld [tilespmem:s20+$0xFFFFFF60]  }
0x272: {  	[tilespmem:s24+$0xFFFFFFA0] =	vst v19;
	(erf) = vpow2.f32 v28;
	v28 =	vld [tilespmem:s18+$0xFFFFFEE0];
	v19 =	vmul.f32 $2.500000000e-01, v42  }
0x273: {  	v34 =	vmax.f32 v34, $-5.000000000e+00;
	v36, _, _ =	vpop (xrf2);
	v37 =	vld [tilespmem:s22+$0xFFFFFF40];
	(xrf2) =	vadd.scan.msk.f32 $0xffff, v29;
	(erf) = vpow2.f32 v7  }
0x274: {  	v7 =	vmul.f32 $2.500000000e-01, v36;
	v29 =	vmin.f32 v34, $5.000000000e+00;
	v34 =	vld [tilespmem:s23+$0xFFFFFFC0];
	v36 =	vpop (erf);
	v19 =	vmax.f32 v19, $-5.000000000e+00  }
0x275: {  	v38 =	vmul.f32 $1.442695020e+00, v29;
	v29 =	vld [tilespmem:s22+$0xFFFFFFC0];
	v39 =	vpop (erf);
	v12 =	vmul.f32 v36, v12;
	v19 =	vmin.f32 v19, $5.000000000e+00  }
0x276: {  	v7 =	vmax.f32 v7, $-5.000000000e+00;
	(xrf2) =	vadd.scan.msk.f32 $0xffff, v22;
	v40 =	vmul.f32 v39, v16;
	v31 =	vmul.f32 v35, v31;
	v16 =	vld [tilespmem:s18+$0xFFFFFFE0];
	v35, _, _ =	vpop (xrf2)  }
0x277: {  	v7 =	vmin.f32 v7, $5.000000000e+00;
	v38 =	vbroadcast v38, $0xF;
	[tilespmem:s19+$0xF0] =	vst v12;
	v12 =	vmul.f32 $2.500000000e-01, v35  }
0x278: {  	v19 =	vmul.f32 $1.442695020e+00, v19;
	v35 =	vmul.f32 $1.442695020e+00, v7;
	[tilespmem:s24+$0xFFFFFF10] =	vst v40;
	v7 =	vsel vm3, v10, v39;
	v10 =	vld [tilespmem:s18+$0x170]  }
0x279: {  	v22, _, _ =	vpop (xrf2);
	(erf) = vpow2.f32 v38;
	v34 =	vmul.f32 v34, v37;
	v37 =	vld [tilespmem:s20+$0xF0];
	(xrf2) =	vadd.scan.msk.f32 $0xffff, v31;
	v12 =	vmax.f32 v12, $-5.000000000e+00  }
0x27a: {  	v41 =	vmul.f32 $2.500000000e-01, v22;
	v35 =	vbroadcast v35, $0xF;
	v38 =	vld [tilespmem:s22+$0xFFFFFE40];
	v12 =	vmin.f32 v12, $5.000000000e+00  }
0x27b: {  	v31 =	vsel vm6, v11, v36;
	v36 =	vbroadcast v19, $0xF;
	v39 =	vld [tilespmem:s23+$0xFFFFFF40];
	v40 =	vpop (erf);
	v11 =	vmul.f32 $1.442695020e+00, v12  }
0x27c: {  	v12 =	vmax.f32 v41, $-5.000000000e+00;
	(erf) = vpow2.f32 v35;
	v19 =	vld [tilespmem:s22+$0xFFFFFEC0];
	v21 =	vmul.f32 v40, v21;
	(xrf2) =	vadd.scan.msk.f32 $0xffff, v34;
	v22 =	vpop (erf)  }
0x27d: {  	v12 =	vmin.f32 v12, $5.000000000e+00;
	v34, _, _ =	vpop (xrf2);
	v42 =	vmul.f32 v22, v13;
	v35 =	vbroadcast v11, $0xF  }
0x27e: {  	v11 =	vsel vm3, v6, v40;
	v41 =	vld [tilespmem:s1+$0x190];
	[tilespmem:s24+$0x30] =	vst v21;
	v21 =	vmul.f32 $2.500000000e-01, v34;
	v10 =	vmul.f32 v37, v10  }
0x27f: {  	v6 =	vsel vm5, v18, v22;
	v12 =	vmul.f32 $1.442695020e+00, v12;
	v34 =	vld [tilespmem:s22+$0x40];
	[tilespmem:s19+$0x50] =	vst v42;
	(erf) = vpow2.f32 v36  }
0x280: {  	v13, _, _ =	vpop (xrf2);
	v39 =	vmul.f32 v39, v38;
	v36 =	vld [tilespmem:s23+$0x40];
	v22 =	vmax.f32 v21, $-5.000000000e+00;
	(xrf2) =	vadd.scan.msk.f32 $0xffff, v10;
	(erf) = vpow2.f32 v35  }
0x281: {  	v10 =	vbroadcast v12, $0xF;
	v12 =	vmul.f32 $2.500000000e-01, v13;
	v21 =	vld [tilespmem:s22+$0xC0];
	v13 =	vmin.f32 v22, $5.000000000e+00  }
0x282: {  	v35 =	vpop (erf);
	v13 =	vmul.f32 $1.442695020e+00, v13;
	v37 =	vld [tilespmem:s18+$0x60]  }
0x283: {  	v12 =	vmax.f32 v12, $-5.000000000e+00;
	v38 =	vmul.f32 v35, v41;
	(erf) = vpow2.f32 v10;
	(xrf2) =	vadd.scan.msk.f32 $0xffff, v39;
	v10 =	vld [tilespmem:s20+$0x60];
	v18, _, _ =	vpop (xrf2)  }
0x284: {  	v12 =	vmin.f32 v12, $5.000000000e+00;
	v13 =	vbroadcast v13, $0xF;
	v18 =	vmul.f32 $2.500000000e-01, v18;
	v22 =	vld [tilespmem:s18+$0xE0]  }
0x285: {  	v39 =	vmul.f32 $1.442695020e+00, v12;
	[tilespmem:s9+$0xA0] =	vst v38;
	v12 =	vsel vm1, v23, v35;
	v23 =	vpop (erf);
	v34 =	vmul.f32 v36, v34  }
0x286: {  	v30 =	vmul.f32 v23, v30;
	v35 =	vld [tilespmem:s1+$0x120];
	v36, _, _ =	vpop (xrf2);
	(erf) = vpow2.f32 v13;
	v13 =	vmax.f32 v18, $-5.000000000e+00  }
0x287: {  	v18 =	vbroadcast v39, $0xF;
	v38 =	vld [tilespmem:s7+$0xA0];
	v39 =	vmul.f32 $2.500000000e-01, v36;
	(xrf2) =	vadd.scan.msk.f32 $0xffff, v34;
	v34 =	vmin.f32 v13, $5.000000000e+00  }
0x288: {  	v13 =	vsel vm1, v20, v23;
	[tilespmem:s9+$0xFFFFFF80] =	vst v30;
	v20 =	vmul.f32 $1.442695020e+00, v34;
	v30 =	vmul.f32 v10, v37;
	v10 =	vpop (erf)  }
0x289: {  	v34 =	vld [tilespmem:s1+$0xFFFFFF20];
	(erf) = vpow2.f32 v18;
	v18 =	vmax.f32 v39, $-5.000000000e+00;
	v5 =	vmul.f32 v10, v5;
	v36 =	vpop (erf)  }
0x28a: {  	v37 =	vld [tilespmem:s7+$0xFFFFFFA0];
	v18 =	vmin.f32 v18, $5.000000000e+00;
	v40 =	vbroadcast v20, $0xF;
	(xrf2) =	vadd.scan.msk.f32 $0xffff, v33;
	v23, _, _ =	vpop (xrf2);
	v9 =	vmul.f32 v36, v9  }
0x28b: {  	v3 =	vsel vm7, v3, v10;
	v18 =	vmul.f32 $1.442695020e+00, v18;
	v33 =	vld [tilespmem:s22+$0x1C0];
	v39 =	vmul.f32 $2.500000000e-01, v23;
	[tilespmem:s17+$0xFFFFFF50] =	vst v5  }
0x28c: {  	v23 =	vld [tilespmem:s1+$0xFFFFFFA0];
	v5 =	vmul.f32 v38, v35;
	v10 =	vpop (erf);
	(erf) = vpow2.f32 v40;
	[tilespmem:s17+$0xFFFFFFE0] =	vst v9;
	v9 =	vsel vm7, v17, v36  }
0x28d: {  	v35 =	vmul.f32 v10, v32;
	v18 =	vbroadcast v18, $0xF;
	v20, _, _ =	vpop (xrf2);
	v32 =	vmax.f32 v39, $-5.000000000e+00;
	[tilespmem:s17+$0xFFFFFF60] =	vst v3  }
0x28e: {  	v10 =	vsel vm1, v14, v10;
	(xrf2) =	vadd.scan.msk.f32 $0xffff, v5;
	v3 =	vmul.f32 $2.500000000e-01, v20;
	v5 =	vmin.f32 v32, $5.000000000e+00  }
0x28f: {  	[tilespmem:s9+$0xFFFFFEF0] =	vst v35;
	v14 =	vmul.f32 v37, v34;
	v17 =	vpop (erf);
	v5 =	vmul.f32 $1.442695020e+00, v5  }
0x290: {  	v20 =	vld [tilespmem:s1+$0xFFFFFE20];
	v3 =	vmax.f32 v3, $-5.000000000e+00;
	v32 =	vmul.f32 v17, v33;
	(erf) = vpow2.f32 v18;
	[tilespmem:s17+$0xFFFFFFF0] =	vst v9  }
0x291: {  	v18 =	vld [tilespmem:s7+$0xFFFFFF20];
	(xrf2) =	vadd.scan.msk.f32 $0xffff, v14;
	v3 =	vmin.f32 v3, $5.000000000e+00;
	v14 =	vsel vm4, v24, v17;
	v9, _, _ =	vpop (xrf2);
	v5 =	vbroadcast v5, $0xF  }
0x292: {  	v24 =	vld [tilespmem:s1+$0xFFFFFEA0];
	v17 =	vpop (erf);
	v3 =	vmul.f32 $1.442695020e+00, v3;
	v33 =	vmul.f32 $2.500000000e-01, v9;
	[tilespmem:s24+$0xD0] =	vst v32  }
0x293: {  	v27 =	vmul.f32 v17, v27;
	v9 =	vsel vm1, v8, v17;
	v8 =	vld [tilespmem:s22+$0x150];
	(erf) = vpow2.f32 v5  }
0x294: {  	v5 =	vbroadcast v3, $0xF;
	v3 =	vmax.f32 v33, $-5.000000000e+00;
	v17 =	vld [tilespmem:s23+$0xD0];
	v32, _, _ =	vpop (xrf2);
	(xrf2) =	vadd.scan.msk.f32 $0xffff, v30  }
0x295: {  	[tilespmem:s9+$0x10] =	vst v27;
	v3 =	vmin.f32 v3, $5.000000000e+00;
	v27 =	vmul.f32 $2.500000000e-01, v32;
	v30 =	vpop (erf)  }
0x296: {  	v34 =	vmul.f32 v18, v20;
	v20 =	vld [tilespmem:s1+$0x20];
	v32 =	vmul.f32 $1.442695020e+00, v3;
	v3 =	vsel vm6, v25, v30  }
0x297: {  	v33 =	vld [tilespmem:s7+$0x20];
	(erf) = vpow2.f32 v5;
	v5 =	vmul.f32 v30, v28;
	v25 =	vmax.f32 v27, $-5.000000000e+00  }
0x298: {  	(xrf2) =	vadd.scan.msk.f32 $0xffff, v34;
	v18, _, _ =	vpop (xrf2);
	v27 =	vbroadcast v32, $0xF;
	v28 =	vmin.f32 v25, $5.000000000e+00;
	v30 =	vld [tilespmem:s18+$0x1F0]  }
0x299: {  	v25 =	vld [tilespmem:s1+$0xA0];
	v18 =	vmul.f32 $2.500000000e-01, v18;
	v17 =	vmul.f32 v17, v8;
	v8 =	vpop (erf);
	[tilespmem:s19+$0xFFFFFF40] =	vst v5  }
0x29a: {  	v5 =	vmul.f32 v8, v29;
	v8 =	vsel vm4, v26, v8;
	(erf) = vpow2.f32 v27;
	v27 =	vld [tilespmem:s18+$0xFFFFFE70]  }
0x29b: {  	v34 =	vmul.f32 $1.442695020e+00, v28;
	v18 =	vmax.f32 v18, $-5.000000000e+00;
	v26, _, _ =	vpop (xrf2);
	(xrf2) =	vadd.scan.msk.f32 $0xffff, v17;
	v29 =	vld [tilespmem:s20+$0xFFFFFF70]  }
.Ltmp1:
0x29c: {  	v26 =	vmul.f32 $2.500000000e-01, v26;
	v20 =	vmul.f32 v33, v20;
	v18 =	vmin.f32 v18, $5.000000000e+00;
	[tilespmem:s24+$0xFFFFFFB0] =	vst v5;
	v5 =	vld [tilespmem:s18+$0xFFFFFEF0];
	v32 =	vpop (erf);
	(pc) =	sbr.rel @p0 .LBB2_5-.Ltmp1, $4  }
0x29d: {  	v18 =	vmul.f32 $1.442695020e+00, v18;
	v28 =	vld [tilespmem:s22+$0xFFFFFF50];
	v33 =	vmul.f32 v32, v30;
	v31 =	vsel vm7, v31, v32  }
0x29e: {  	v32 =	vbroadcast v34, $0xF;
	v26 =	vmax.f32 v26, $-5.000000000e+00;
	(xrf2) =	vadd.scan.msk.f32 $0xffff, v20;
	v30 =	vld [tilespmem:s23+$0xFFFFFFD0];
	[tilespmem:s19+$0x110] =	vst v31;
	v17, _, _ =	vpop (xrf2)  }
0x29f: {  	v31 =	vmin.f32 v26, $5.000000000e+00;
	v20 =	vbroadcast v18, $0xF;
	v26 =	vld [tilespmem:s22+$0xFFFFFFD0];
	v18 =	vmul.f32 $2.500000000e-01, v17;
	[tilespmem:s19+$0x100] =	vst v33  }
0x2a0: {  	s1 =	sadd.s32 $0x400, s1;
	v31 =	vmul.f32 $1.442695020e+00, v31;
	v17 =	vpop (erf);
	(erf) = vpow2.f32 v32  }
0x2a1: {  	_ = 	snop  }
0x2a2: {  	v31 =	vbroadcast v31, $0xF;
	_ =	sdelay $0x1  }
0x2a3: {  	(erf) = vpow2.f32 v20;
	v20, _, _ =	vpop (xrf2)  }
0x2a4: {  	v20 =	vmul.f32 $2.500000000e-01, v20  }
0x2a5: {  	(erf) = vpow2.f32 v31;
	v31, _, _ =	vpop (xrf2)  }
0x2a6: {  	v18 =	vmax.f32 v18, $-5.000000000e+00;
	v20 =	vmax.f32 v20, $-5.000000000e+00;
	v31 =	vmul.f32 $2.500000000e-01, v31  }
0x2a7: {  	v20 =	vmin.f32 v20, $5.000000000e+00  }
0x2a8: {  	v33 =	vld [tilespmem:s25+$0x1A0];
	v34 =	vmul.f32 v17, v19;
	v20 =	vmul.f32 $1.442695020e+00, v20;
	v19 =	vmax.f32 v31, $-5.000000000e+00  }
0x2a9: {  	v32 =	vmin.f32 v18, $5.000000000e+00;
	v18 =	vpop (erf)  }
0x2aa: {  	v35, _, _ =	vpop (xrf2)  }
0x2ab: {  	v35 =	vmul.f32 $2.500000000e-01, v35;
	v36 =	vmin.f32 v19, $5.000000000e+00;
	v19 =	vpop (erf)  }
0x2ac: {  	v45 =	vbroadcast v20, $0xF;
	v20 =	vpop (erf)  }
0x2ad: {  	v32 =	vmul.f32 $1.442695020e+00, v32;
	v46 =	vmax.f32 v35, $-5.000000000e+00;
	v33 =	vmul.f32 v20, v33  }
0x2ae: {  	v48 =	vmul.f32 v18, v21;
	(erf) = vpow2.f32 v45;
	v21 =	vmin.f32 v46, $5.000000000e+00  }
0x2af: {  	v36 =	vmul.f32 $1.442695020e+00, v36;
	[tilespmem:s9+$0xB0] =	vst v33  }
0x2b0: {  	v31 =	vbroadcast v32, $0xF;
	v33 =	vld [tilespmem:s25+$0x130]  }
0x2b1: {  	[tilespmem:s24+$0xFFFFFF20] =	vst v34;
	v47 =	vbroadcast v36, $0xF;
	v32 =	vmul.f32 $1.442695020e+00, v21;
	v21 =	vpop (erf);
	v49 =	vld [tilespmem:s14+$0xB0]  }
0x2b2: {  	v50 =	vld [tilespmem:s23+$0xFFFFFF50];
	(erf) = vpow2.f32 v31;
	v23 =	vmul.f32 v21, v23  }
0x2b3: {  	v37 =	vld [tilespmem:s22+$0xFFFFFED0];
	[tilespmem:s24+$0x40] =	vst v48;
	(erf) = vpow2.f32 v47;
	v32 =	vbroadcast v32, $0xF  }
0x2b4: {  	v51 =	vld [tilespmem:s22+$0x50];
	[tilespmem:s9+$0xFFFFFF90] =	vst v23;
	v23 =	vmul.f32 v30, v28  }
0x2b5: {  	(xrf2) =	vadd.scan.msk.f32 $0xffff, v15;
	v54 =	vld [tilespmem:s23+$0x50];
	(erf) = vpow2.f32 v32  }
0x2b6: {  	v31 =	vld [tilespmem:s22+$0xFFFFFE50];
	(xrf2) =	vadd.scan.msk.f32 $0xffff, v23;
	v33 =	vmul.f32 v49, v33  }
0x2b7: {  	v30 =	vld [tilespmem:s22+$0x1D0];
	v15 =	vpop (erf)  }
0x2b8: {  	v28 =	vld [tilespmem:s25+$0xFFFFFF30];
	v24 =	vmul.f32 v15, v24;
	(xrf2) =	vadd.scan.msk.f32 $0xffff, v33  }
0x2b9: {  	v52 =	vld [tilespmem:s14+$0xFFFFFFB0]  }
0x2ba: {  	v32 =	vld [tilespmem:s22+$0xD0]  }
0x2bb: {  	v41 =	vmul.f32 v19, v16;
	v53 =	vld [tilespmem:s25+$0xFFFFFFB0];
	v23 =	vpop (erf);
	[tilespmem:s9+$0xFFFFFF00] =	vst v24  }
0x2bc: {  	v31 =	vmul.f32 v50, v31;
	v22 =	vmul.f32 v23, v22;
	v38 =	vld [tilespmem:s25+$0xFFFFFE30];
	v24 =	vpop (erf)  }
0x2bd: {  	[tilespmem:s19+$0xFFFFFFD0] =	vst v41;
	v40 =	vld [tilespmem:s14+$0xFFFFFF30];
	v39 =	vmul.f32 v24, v30  }
0x2be: {  	v28 =	vmul.f32 v52, v28;
	(xrf2) =	vadd.scan.msk.f32 $0xffff, v31;
	v31 =	vld [tilespmem:s18+$0xFFFFFF70];
	v16 =	vpop (erf)  }
0x2bf: {  	v56, _, _ =	vpop (xrf2);
	v30 =	vld [tilespmem:s25+$0xFFFFFEB0];
	v25 =	vmul.f32 v16, v25;
	[tilespmem:s24+$0xE0] =	vst v39  }
0x2c0: {  	[tilespmem:s19+$0x60] =	vst v22;
	v55 =	vld [tilespmem:s22+$0x160];
	v22, _, _ =	vpop (xrf2)  }
0x2c1: {  	v39 =	vld [tilespmem:s23+$0xE0];
	[tilespmem:s9+$0x20] =	vst v25;
	(xrf2) =	vadd.scan.msk.f32 $0xffff, v28;
	v22 =	vmul.f32 $2.500000000e-01, v22  }
0x2c2: {  	v25 =	vmul.f32 $2.500000000e-01, v56;
	v42 =	vld [tilespmem:s25+$0x30];
	v28, _, _ =	vpop (xrf2)  }
0x2c3: {  	v22 =	vmax.f32 v22, $-5.000000000e+00;
	v28 =	vmul.f32 $2.500000000e-01, v28  }
0x2c4: {  	v25 =	vmax.f32 v25, $-5.000000000e+00;
	v22 =	vmin.f32 v22, $5.000000000e+00  }
0x2c5: {  	v25 =	vmin.f32 v25, $5.000000000e+00;
	v22 =	vmul.f32 $1.442695020e+00, v22;
	v28 =	vmax.f32 v28, $-5.000000000e+00  }
0x2c6: {  	v25 =	vmul.f32 $1.442695020e+00, v25;
	v28 =	vmin.f32 v28, $5.000000000e+00  }
0x2c7: {  	v22 =	vbroadcast v22, $0xF;
	v28 =	vmul.f32 $1.442695020e+00, v28  }
0x2c8: {  	v25 =	vbroadcast v25, $0xF  }
0x2c9: {  	(erf) = vpow2.f32 v22;
	v22 =	vbroadcast v28, $0xF  }
0x2ca: {  	(erf) = vpow2.f32 v25  }
0x2cb: {  	(erf) = vpow2.f32 v22;
	_ =	sdelay $0x4  }
0x2cc: {  	v57 =	vld [tilespmem:s25+$0x1B0];
	v58, _, _ =	vpop (xrf2);
	v25 =	vmul.f32 v40, v38  }
0x2cd: {  	v35 =	vmul.f32 v39, v55;
	v62, _, _ =	vpop (xrf2)  }
0x2ce: {  	(xrf2) =	vadd.scan.msk.f32 $0xffff, v25;
	v22 =	vpop (erf)  }
0x2cf: {  	v59 =	vld [tilespmem:s14+$0x30];
	(xrf2) =	vadd.scan.msk.f32 $0xffff, v35;
	v28 =	vpop (erf)  }
0x2d0: {  	v60 =	vmul.f32 $2.500000000e-01, v58;
	v25 =	vpop (erf)  }
0x2d1: {  	v36 =	vmul.f32 $2.500000000e-01, v62;
	v61 =	vmul.f32 v25, v57  }
0x2d2: {  	v33 =	vmul.f32 v54, v51;
	v63 =	vld [tilespmem:s20+$0xFFFFFFF0]  }
0x2d3: {  	v27 =	vmul.f32 v29, v27;
	v35 =	vmax.f32 v60, $-5.000000000e+00;
	v36 =	vmax.f32 v36, $-5.000000000e+00;
	[tilespmem:s26+$0xC0] =	vst v61  }
0x2d4: {  	v40 =	vmul.f32 v59, v42;
	v35 =	vmin.f32 v35, $5.000000000e+00;
	(xrf2) =	vadd.scan.msk.f32 $0xffff, v33;
	v36 =	vmin.f32 v36, $5.000000000e+00;
	v45 =	vld [tilespmem:s25+$0x140]  }
0x2d5: {  	v44 =	vmul.f32 $1.442695020e+00, v35;
	v29 =	vmul.f32 $1.442695020e+00, v36;
	v38 =	vld [tilespmem:s14+$0xC0]  }
0x2d6: {  	(xrf2) =	vadd.scan.msk.f32 $0xffff, v40  }
0x2d7: {  	v31 =	vmul.f32 v63, v31;
	(xrf2) =	vadd.scan.msk.f32 $0xffff, v27;
	v33 =	vbroadcast v44, $0xF  }
0x2d8: {  	v46, _, _ =	vpop (xrf2)  }
0x2d9: {  	v27 =	vbroadcast v29, $0xF;
	(erf) = vpow2.f32 v33;
	(xrf2) =	vadd.scan.msk.f32 $0xffff, v31;
	v29, _, _ =	vpop (xrf2)  }
0x2da: {  	v29 =	vmul.f32 $2.500000000e-01, v29;
	v35 =	vmul.f32 v38, v45  }
0x2db: {  	(erf) = vpow2.f32 v27;
	v27 =	vmul.f32 $2.500000000e-01, v46  }
0x2dc: {  	v29 =	vmax.f32 v29, $-5.000000000e+00;
	(xrf2) =	vadd.scan.msk.f32 $0xffff, v35  }
0x2dd: {  	v27 =	vmax.f32 v27, $-5.000000000e+00;
	v29 =	vmin.f32 v29, $5.000000000e+00  }
0x2de: {  	v47 =	vmul.f32 v22, v26;
	v31, _, _ =	vpop (xrf2);
	v26 =	vmin.f32 v27, $5.000000000e+00;
	v27 =	vmul.f32 $1.442695020e+00, v29  }
0x2df: {  	v31 =	vmul.f32 $2.500000000e-01, v31  }
0x2e0: {  	v26 =	vmul.f32 $1.442695020e+00, v26;
	v29, _, _ =	vpop (xrf2)  }
0x2e1: {  	v31 =	vmax.f32 v31, $-5.000000000e+00;
	v48 =	vbroadcast v27, $0xF;
	v29 =	vmul.f32 $2.500000000e-01, v29;
	v50, _, _ =	vpop (xrf2)  }
0x2e2: {  	v31 =	vmin.f32 v31, $5.000000000e+00;
	v26 =	vbroadcast v26, $0xF;
	v27 =	vpop (erf)  }
0x2e3: {  	(erf) = vpow2.f32 v48;
	v51, _, _ =	vpop (xrf2);
	v29 =	vmax.f32 v29, $-5.000000000e+00;
	v49 =	vmul.f32 v27, v37  }
0x2e4: {  	v35 =	vmul.f32 $2.500000000e-01, v50;
	v37 =	vmul.f32 $2.500000000e-01, v51;
	v29 =	vmin.f32 v29, $5.000000000e+00  }
0x2e5: {  	v31 =	vmul.f32 $1.442695020e+00, v31;
	v29 =	vmul.f32 $1.442695020e+00, v29  }
0x2e6: {  	(erf) = vpow2.f32 v26;
	v35 =	vmax.f32 v35, $-5.000000000e+00;
	v37 =	vmax.f32 v37, $-5.000000000e+00;
	v52, _, _ =	vpop (xrf2)  }
0x2e7: {  	v26 =	vpop (erf);
	v35 =	vmin.f32 v35, $5.000000000e+00;
	v29 =	vbroadcast v29, $0xF;
	v38 =	vmul.f32 $2.500000000e-01, v52  }
0x2e8: {  	v34 =	vmul.f32 v26, v53;
	v37 =	vmin.f32 v37, $5.000000000e+00;
	v35 =	vmul.f32 $1.442695020e+00, v35  }
0x2e9: {  	v53 =	vld [tilespmem:s22+$0x1E0];
	(erf) = vpow2.f32 v29;
	v29 =	vmul.f32 $1.442695020e+00, v37;
	v38 =	vmax.f32 v38, $-5.000000000e+00  }
0x2ea: {  	v31 =	vbroadcast v31, $0xF;
	v35 =	vbroadcast v35, $0xF;
	v54 =	vmin.f32 v38, $5.000000000e+00  }
0x2eb: {  	v29 =	vbroadcast v29, $0xF;
	v37 =	vmul.f32 $1.442695020e+00, v54  }
0x2ec: {  	v55 =	vld [tilespmem:s25+$0xB0];
	[tilespmem:s24+$0xFFFFFF30] =	vst v49;
	(erf) = vpow2.f32 v31  }
0x2ed: {  	v56 =	vld [tilespmem:s22+$0xFFFFFE60];
	(erf) = vpow2.f32 v35;
	v33 =	vpop (erf);
	v31 =	vbroadcast v37, $0xF  }
0x2ee: {  	v36 =	vld [tilespmem:s23+$0xFFFFFF60];
	[tilespmem:s26+$0xFFFFFFA0] =	vst v34;
	v57 =	vmul.f32 v33, v53;
	(erf) = vpow2.f32 v29  }
0x2ef: {  	v58 =	vld [tilespmem:s25+$0xFFFFFF40];
	v29 =	vpop (erf);
	(erf) = vpow2.f32 v31  }
0x2f0: {  	v59 =	vld [tilespmem:s14+$0xFFFFFFC0];
	[tilespmem:s24+$0xF0] =	vst v57;
	v30 =	vmul.f32 v29, v30  }
0x2f1: {  	v60 =	vld [tilespmem:s22+$0x170]  }
0x2f2: {  	v61 =	vld [tilespmem:s23+$0xF0]  }
0x2f3: {  	v63 =	vld [tilespmem:s25+$0x1C0];
	[tilespmem:s26+$0xFFFFFF10] =	vst v30  }
0x2f4: {  	v43 =	vld [tilespmem:s25+$0xFFFFFE40];
	v30 =	vpop (erf)  }
0x2f5: {  	[tilespmem:s24+$0xFFFFFFC0] =	vst v47;
	v62 =	vmul.f32 v36, v56;
	v44 =	vld [tilespmem:s14+$0xFFFFFF40];
	v38 =	vmul.f32 v30, v55;
	v31 =	vpop (erf)  }
0x2f6: {  	v40 =	vld [tilespmem:s22+$0xFFFFFF60];
	v37 =	vmul.f32 v59, v58;
	v35 =	vpop (erf)  }
0x2f7: {  	v45 =	vld [tilespmem:s23+$0xFFFFFFE0];
	(xrf2) =	vadd.scan.msk.f32 $0xffff, v62;
	v49 =	vmul.f32 v61, v60;
	[tilespmem:s26+$0x30] =	vst v38;
	v48 =	vmul.f32 v31, v32;
	v34 =	vpop (erf)  }
0x2f8: {  	(xrf2) =	vadd.scan.msk.f32 $0xffff, v37;
	v50 =	vld [tilespmem:s25+$0x40];
	v32 =	vpop (erf)  }
0x2f9: {  	(xrf2) =	vadd.scan.msk.f32 $0xffff, v49;
	v51 =	vld [tilespmem:s14+$0x40];
	[tilespmem:s24+$0x50] =	vst v48;
	v36 =	vmul.f32 v32, v63  }
0x2fa: {  	v53 =	vmul.f32 v44, v43;
	v52 =	vld [tilespmem:s22+$0x60]  }
0x2fb: {  	v54 =	vld [tilespmem:s23+$0x60];
	[tilespmem:s26+$0xD0] =	vst v36  }
0x2fc: {  	(xrf2) =	vadd.scan.msk.f32 $0xffff, v53;
	v36 =	vld [tilespmem:s25+$0x150]  }
0x2fd: {  	v55 =	vld [tilespmem:s14+$0xD0]  }
0x2fe: {  	v37 =	vmul.f32 v51, v50  }
0x2ff: {  	v40 =	vmul.f32 v45, v40  }
0x300: {  	(xrf2) =	vadd.scan.msk.f32 $0xffff, v37  }
0x301: {  	v56, _, _ =	vpop (xrf2);
	(xrf2) =	vadd.scan.msk.f32 $0xffff, v40;
	v38 =	vmul.f32 v54, v52  }
0x302: {  	v57 =	vmul.f32 $2.500000000e-01, v56;
	v58, _, _ =	vpop (xrf2);
	v36 =	vmul.f32 v55, v36  }
0x303: {  	v59 =	vmul.f32 $2.500000000e-01, v58;
	v60, _, _ =	vpop (xrf2);
	(xrf2) =	vadd.scan.msk.f32 $0xffff, v38  }
0x304: {  	v37 =	vmax.f32 v57, $-5.000000000e+00;
	v62 =	vmul.f32 $2.500000000e-01, v60;
	(xrf2) =	vadd.scan.msk.f32 $0xffff, v36  }
0x305: {  	v37 =	vmin.f32 v37, $5.000000000e+00;
	v38 =	vmax.f32 v59, $-5.000000000e+00  }
0x306: {  	v61 =	vmul.f32 $1.442695020e+00, v37;
	v38 =	vmin.f32 v38, $5.000000000e+00;
	v63, _, _ =	vpop (xrf2);
	v37 =	vmax.f32 v62, $-5.000000000e+00  }
0x307: {  	v38 =	vmul.f32 $1.442695020e+00, v38;
	v39 =	vmul.f32 $2.500000000e-01, v63;
	v37 =	vmin.f32 v37, $5.000000000e+00  }
0x308: {  	v37 =	vmul.f32 $1.442695020e+00, v37  }
0x309: {  	v42 =	vbroadcast v38, $0xF;
	v43 =	vmax.f32 v39, $-5.000000000e+00  }
0x30a: {  	v38 =	vmin.f32 v43, $5.000000000e+00;
	v37 =	vbroadcast v37, $0xF;
	v44, _, _ =	vpop (xrf2);
	v36 =	vbroadcast v61, $0xF  }
0x30b: {  	v45 =	vmul.f32 $1.442695020e+00, v38;
	v39 =	vmul.f32 $2.500000000e-01, v44;
	v46, _, _ =	vpop (xrf2)  }
0x30c: {  	v38 =	vmul.f32 $2.500000000e-01, v46;
	(erf) = vpow2.f32 v36  }
0x30d: {  	v47 =	vmax.f32 v39, $-5.000000000e+00;
	v36 =	vbroadcast v45, $0xF;
	(erf) = vpow2.f32 v42;
	v48, _, _ =	vpop (xrf2)  }
0x30e: {  	v38 =	vmax.f32 v38, $-5.000000000e+00;
	(erf) = vpow2.f32 v37;
	v39 =	vmul.f32 $2.500000000e-01, v48;
	v49, _, _ =	vpop (xrf2)  }
0x30f: {  	v37 =	vmin.f32 v47, $5.000000000e+00;
	v50 =	vmin.f32 v38, $5.000000000e+00;
	v40 =	vmul.f32 $2.500000000e-01, v49  }
0x310: {  	v37 =	vmul.f32 $1.442695020e+00, v37;
	(erf) = vpow2.f32 v36;
	v51 =	vmax.f32 v39, $-5.000000000e+00  }
0x311: {  	v36 =	vmul.f32 $1.442695020e+00, v50;
	v38 =	vmin.f32 v51, $5.000000000e+00;
	v52 =	vmax.f32 v40, $-5.000000000e+00  }
0x312: {  	v37 =	vbroadcast v37, $0xF;
	v38 =	vmul.f32 $1.442695020e+00, v38;
	v39 =	vmin.f32 v52, $5.000000000e+00  }
0x313: {  	v36 =	vbroadcast v36, $0xF;
	v39 =	vmul.f32 $1.442695020e+00, v39  }
0x314: {  	(erf) = vpow2.f32 v37;
	v53 =	vbroadcast v38, $0xF  }
0x315: {  	(erf) = vpow2.f32 v36;
	v54 =	vbroadcast v39, $0xF  }
0x316: {  	(erf) = vpow2.f32 v53  }
0x317: {  	v55 =	vld [tilespmem:s25+$0xFFFFFFC0];
	(erf) = vpow2.f32 v54;
	_ =	sdelay $0x1  }
0x318: {  	v40 =	vpop (erf)  }
0x319: {  	v56 =	vld [tilespmem:s25+$0xFFFFFEC0];
	v36 =	vpop (erf)  }
0x31a: {  	v43 =	vpop (erf)  }
0x31b: {  	v58 =	vld [tilespmem:s25+$0x1D0];
	v57 =	vmul.f32 v36, v55;
	v38 =	vpop (erf)  }
0x31c: {  	v59 =	vld [tilespmem:s18+$0x70];
	v37 =	vpop (erf)  }
0x31d: {  	v46 =	vld [tilespmem:s20+$0x70];
	[tilespmem:s26+$0xFFFFFFB0] =	vst v57;
	v41 =	vpop (erf)  }
0x31e: {  	v48 =	vmul.f32 v38, v56;
	v47 =	vld [tilespmem:s25+$0xFFFFFF50];
	v39 =	vpop (erf)  }
0x31f: {  	v49 =	vld [tilespmem:s14+$0xFFFFFFD0];
	v42 =	vpop (erf)  }
0x320: {  	v50 =	vld [tilespmem:s25+$0xC0];
	[tilespmem:s26+$0xFFFFFF20] =	vst v48;
	v44 =	vmul.f32 v42, v58  }
0x321: {  	v48 =	vld [tilespmem:s25+$0xFFFFFE50]  }
0x322: {  	v51 =	vld [tilespmem:s14+$0xFFFFFF50];
	[tilespmem:s26+$0xE0] =	vst v44  }
0x323: {  	v60 =	vmul.f32 v46, v59;
	v61 =	vld [tilespmem:s25+$0x160]  }
0x324: {  	v62 =	vmul.f32 v49, v47;
	v63 =	vld [tilespmem:s14+$0xE0]  }
0x325: {  	(xrf2) =	vadd.scan.msk.f32 $0xffff, v60;
	v50 =	vmul.f32 v37, v50  }
0x326: {  	(xrf2) =	vadd.scan.msk.f32 $0xffff, v62  }
0x327: {  	[tilespmem:s26+$0x40] =	vst v50;
	v52 =	vmul.f32 v51, v48  }
0x328: {  	v53 =	vld [tilespmem:s25+$0x50]  }
0x329: {  	v54 =	vld [tilespmem:s14+$0x50];
	(xrf2) =	vadd.scan.msk.f32 $0xffff, v52;
	v55 =	vmul.f32 v63, v61;
	_ =	sdelay $0x1  }
0x32a: {  	(xrf2) =	vadd.scan.msk.f32 $0xffff, v55;
	_ =	sdelay $0x2  }
0x32b: {  	v56 =	vmul.f32 v54, v53  }
0x32c: {  	v57, _, _ =	vpop (xrf2)  }
0x32d: {  	v58, _, _ =	vpop (xrf2);
	(xrf2) =	vadd.scan.msk.f32 $0xffff, v56  }
0x32e: {  	v59 =	vmul.f32 $2.500000000e-01, v58;
	_ =	sdelay $0x1  }
0x32f: {  	v45 =	vmul.f32 $2.500000000e-01, v57;
	v60, _, _ =	vpop (xrf2);
	v44 =	vmax.f32 v59, $-5.000000000e+00  }
0x330: {  	v46 =	vmul.f32 $2.500000000e-01, v60;
	v44 =	vmin.f32 v44, $5.000000000e+00  }
0x331: {  	v45 =	vmax.f32 v45, $-5.000000000e+00;
	v44 =	vmul.f32 $1.442695020e+00, v44;
	v61, _, _ =	vpop (xrf2)  }
0x332: {  	v45 =	vmin.f32 v45, $5.000000000e+00;
	v46 =	vmax.f32 v46, $-5.000000000e+00;
	v47 =	vmul.f32 $2.500000000e-01, v61  }
0x333: {  	v45 =	vmul.f32 $1.442695020e+00, v45;
	v46 =	vmin.f32 v46, $5.000000000e+00;
	v44 =	vbroadcast v44, $0xF  }
0x334: {  	v46 =	vmul.f32 $1.442695020e+00, v46;
	v47 =	vmax.f32 v47, $-5.000000000e+00  }
0x335: {  	v45 =	vbroadcast v45, $0xF;
	(erf) = vpow2.f32 v44;
	v62 =	vmin.f32 v47, $5.000000000e+00  }
0x336: {  	v46 =	vbroadcast v46, $0xF;
	v52, _, _ =	vpop (xrf2);
	v44 =	vmul.f32 $1.442695020e+00, v62  }
0x337: {  	v63 =	vld [tilespmem:s22+$0xFFFFFEE0];
	(erf) = vpow2.f32 v45;
	v53 =	vmul.f32 $2.500000000e-01, v52  }
0x338: {  	(erf) = vpow2.f32 v46;
	v44 =	vbroadcast v44, $0xF  }
0x339: {  	v54 =	vld [tilespmem:s22+$0xFFFFFFE0];
	v45 =	vmax.f32 v53, $-5.000000000e+00  }
0x33a: {  	v55 =	vmin.f32 v45, $5.000000000e+00;
	(erf) = vpow2.f32 v44  }
0x33b: {  	v44 =	vmul.f32 $1.442695020e+00, v55  }
0x33c: {  	v57 =	vld [tilespmem:s25+$0xFFFFFFD0];
	v56 =	vmul.f32 v40, v63  }
0x33d: {  	v58 =	vld [tilespmem:s25+$0xFFFFFED0]  }
0x33e: {  	v60 =	vld [tilespmem:s25+$0x1E0];
	[tilespmem:s24+$0xFFFFFF40] =	vst v56;
	v46 =	vmul.f32 v41, v54;
	v59 =	vbroadcast v44, $0xF  }
0x33f: {  	v50 =	vld [tilespmem:s22+$0xFFFFFE70];
	v44 =	vpop (erf)  }
0x340: {  	[tilespmem:s24+$0xFFFFFFD0] =	vst v46;
	v52 =	vld [tilespmem:s23+$0xFFFFFF70];
	(erf) = vpow2.f32 v59;
	v48 =	vpop (erf)  }
0x341: {  	v54 =	vld [tilespmem:s22+$0xFFFFFF70];
	v61 =	vmul.f32 v44, v57;
	v45 =	vpop (erf)  }
0x342: {  	v53 =	vld [tilespmem:s25+$0xD0];
	v49 =	vmul.f32 v45, v58  }
0x343: {  	v55 =	vld [tilespmem:s23+$0xFFFFFFF0];
	[tilespmem:s26+$0xFFFFFFC0] =	vst v61;
	v47 =	vpop (erf)  }
0x344: {  	v56 =	vld [tilespmem:s25+$0xFFFFFF60];
	[tilespmem:s26+$0xFFFFFF30] =	vst v49;
	v62 =	vmul.f32 v47, v60  }
0x345: {  	v49 =	vld [tilespmem:s25+$0xFFFFFE60]  }
0x346: {  	v50 =	vmul.f32 v52, v50;
	v63 =	vld [tilespmem:s14+$0xFFFFFF60];
	[tilespmem:s26+$0xF0] =	vst v62  }
0x347: {  	v57 =	vld [tilespmem:s25+$0x170]  }
0x348: {  	(xrf2) =	vadd.scan.msk.f32 $0xffff, v50;
	v58 =	vld [tilespmem:s14+$0xF0]  }
0x349: {  	v54 =	vmul.f32 v55, v54;
	v59 =	vld [tilespmem:s14+$0xFFFFFFE0];
	v46 =	vpop (erf)  }
0x34a: {  	v53 =	vmul.f32 v46, v53  }
0x34b: {  	(xrf2) =	vadd.scan.msk.f32 $0xffff, v54  }
0x34c: {  	v49 =	vmul.f32 v63, v49;
	[tilespmem:s26+$0x50] =	vst v53  }
0x34d: {  	v60 =	vld [tilespmem:s25+$0x60];
	v61 =	vmul.f32 v58, v57  }
0x34e: {  	v63 =	vmul.f32 v59, v56;
	(xrf2) =	vadd.scan.msk.f32 $0xffff, v49;
	v62 =	vld [tilespmem:s14+$0x60]  }
0x34f: {  	(xrf2) =	vadd.scan.msk.f32 $0xffff, v61  }
0x350: {  	(xrf2) =	vadd.scan.msk.f32 $0xffff, v63;
	_ =	sdelay $0x1  }
0x351: {  	v55, _, _ =	vpop (xrf2)  }
0x352: {  	v56 =	vmul.f32 $2.500000000e-01, v55;
	v54 =	vmul.f32 v62, v60;
	_ =	sdelay $0x1  }
0x353: {  	v49 =	vmax.f32 v56, $-5.000000000e+00;
	v57, _, _ =	vpop (xrf2);
	(xrf2) =	vadd.scan.msk.f32 $0xffff, v54  }
0x354: {  	v49 =	vmin.f32 v49, $5.000000000e+00;
	v50 =	vmul.f32 $2.500000000e-01, v57  }
0x355: {  	v49 =	vmul.f32 $1.442695020e+00, v49  }
0x356: {  	v50 =	vmax.f32 v50, $-5.000000000e+00;
	v58, _, _ =	vpop (xrf2)  }
0x357: {  	v49 =	vbroadcast v49, $0xF;
	v50 =	vmin.f32 v50, $5.000000000e+00;
	v51 =	vmul.f32 $2.500000000e-01, v58;
	v59, _, _ =	vpop (xrf2)  }
0x358: {  	v50 =	vmul.f32 $1.442695020e+00, v50;
	v52 =	vmul.f32 $2.500000000e-01, v59;
	v60, _, _ =	vpop (xrf2)  }
0x359: {  	(erf) = vpow2.f32 v49;
	v51 =	vmax.f32 v51, $-5.000000000e+00;
	v53 =	vmul.f32 $2.500000000e-01, v60  }
0x35a: {  	v50 =	vbroadcast v50, $0xF;
	v51 =	vmin.f32 v51, $5.000000000e+00;
	v52 =	vmax.f32 v52, $-5.000000000e+00  }
0x35b: {  	v51 =	vmul.f32 $1.442695020e+00, v51;
	v61 =	vmin.f32 v52, $5.000000000e+00;
	v62 =	vmax.f32 v53, $-5.000000000e+00  }
0x35c: {  	(erf) = vpow2.f32 v50;
	v49 =	vmul.f32 $1.442695020e+00, v61;
	v52 =	vmin.f32 v62, $5.000000000e+00  }
0x35d: {  	v51 =	vbroadcast v51, $0xF;
	v63, _, _ =	vpop (xrf2);
	v52 =	vmul.f32 $1.442695020e+00, v52  }
0x35e: {  	v53 =	vmul.f32 $2.500000000e-01, v63;
	v49 =	vbroadcast v49, $0xF  }
0x35f: {  	(erf) = vpow2.f32 v51;
	v55 =	vbroadcast v52, $0xF  }
0x360: {  	v56 =	vmax.f32 v53, $-5.000000000e+00;
	(erf) = vpow2.f32 v49  }
0x361: {  	v58 =	vld [tilespmem:s22+$0xE0];
	v57 =	vmin.f32 v56, $5.000000000e+00;
	(erf) = vpow2.f32 v55  }
0x362: {  	v49 =	vmul.f32 $1.442695020e+00, v57;
	_ =	sdelay $0x1  }
0x363: {  	v59 =	vld [tilespmem:s25+$0xFFFFFEE0];
	v49 =	vbroadcast v49, $0xF;
	_ =	sdelay $0x1  }
0x364: {  	v60 =	vmul.f32 v39, v58;
	v61 =	vld [tilespmem:s25+$0xFFFFFFE0];
	v52 =	vpop (erf)  }
0x365: {  	v53 =	vpop (erf);
	(erf) = vpow2.f32 v49  }
0x366: {  	[tilespmem:s24+$0x60] =	vst v60;
	v49 =	vpop (erf)  }
0x367: {  	v54 =	vld [tilespmem:s22+$0x70];
	v62 =	vmul.f32 v49, v59;
	v56 =	vpop (erf)  }
0x368: {  	v58 =	vld [tilespmem:s23+$0x70];
	v50 =	vpop (erf)  }
0x369: {  	v57 =	vld [tilespmem:s25+$0xE0];
	[tilespmem:s26+$0xFFFFFF40] =	vst v62;
	v51 =	vmul.f32 v50, v61  }
0x36a: {  	v55 =	vld [tilespmem:s25+$0xFFFFFE70]  }
0x36b: {  	v59 =	vld [tilespmem:s14+$0xFFFFFF70];
	[tilespmem:s26+$0xFFFFFFD0] =	vst v51  }
0x36c: {  	v60 =	vld [tilespmem:s25+$0xFFFFFF70]  }
0x36d: {  	v61 =	vld [tilespmem:s14+$0xFFFFFFF0]  }
0x36e: {  	v51 =	vpop (erf)  }
0x36f: {  	v54 =	vmul.f32 v58, v54;
	v57 =	vmul.f32 v51, v57;
	_ =	sdelay $0x1  }
0x370: {  	(xrf2) =	vadd.scan.msk.f32 $0xffff, v54;
	v54 =	vmul.f32 v59, v55;
	[tilespmem:s26+$0x60] =	vst v57  }
0x371: {  	v57 =	vld [tilespmem:s25+$0x70];
	v62 =	vmul.f32 v61, v60  }
0x372: {  	(xrf2) =	vadd.scan.msk.f32 $0xffff, v54;
	v63 =	vld [tilespmem:s14+$0x70]  }
0x373: {  	(xrf2) =	vadd.scan.msk.f32 $0xffff, v62;
	_ =	sdelay $0x3  }
0x374: {  	v63 =	vmul.f32 v63, v57;
	_ =	sdelay $0x1  }
0x375: {  	(xrf2) =	vadd.scan.msk.f32 $0xffff, v63  }
0x376: {  	v7 =	vsel vm4, v7, v17;
	v11 =	vsel vm4, v11, v18;
	v17 =	vld [tilespmem:s18+$0xFFFFFFF0];
	v18, _, _ =	vpop (xrf2)  }
0x377: {  	v13 =	vsel vm2, v13, v21;
	v21 =	vld [tilespmem:s22+$0x1F0];
	v18 =	vmul.f32 $2.500000000e-01, v18  }
0x378: {  	v4 =	vsel vm6, v4, v19;
	v12 =	vsel vm2, v12, v20;
	v2 =	vmul.f32 v28, v2;
	v19, _, _ =	vpop (xrf2)  }
0x379: {  	v1 =	vsel vm7, v1, v28;
	v18 =	vmax.f32 v18, $-5.000000000e+00;
	v19 =	vmul.f32 $2.500000000e-01, v19;
	v20, _, _ =	vpop (xrf2)  }
0x37a: {  	[tilespmem:s17+$0x70] =	vst v2;
	v2 =	vsel vm7, v3, v35;
	v18 =	vmin.f32 v18, $5.000000000e+00;
	v20 =	vmul.f32 $2.500000000e-01, v20  }
0x37b: {  	[tilespmem:s17+$0x80] =	vst v1;
	v1 =	vmul.f32 v34, v17;
	v17 =	vmul.f32 $1.442695020e+00, v18;
	v18 =	vmax.f32 v19, $-5.000000000e+00  }
0x37c: {  	[tilespmem:s19+$0xFFFFFF60] =	vst v2;
	v2 =	vmul.f32 v43, v21;
	v3 =	vmin.f32 v18, $5.000000000e+00;
	v18 =	vmax.f32 v20, $-5.000000000e+00  }
0x37d: {  	v6 =	vsel vm6, v6, v23;
	v14 =	vsel vm5, v14, v24;
	v5 =	vmul.f32 v35, v5;
	[tilespmem:s19+$0xFFFFFFE0] =	vst v1  }
0x37e: {  	v14 =	vsel vm6, v14, v33;
	v1 =	vsel vm7, v4, v34;
	[tilespmem:s24+$0x100] =	vst v2;
	v4 =	vld [tilespmem:s22+$0xFFFFFEF0];
	v2 =	vsel vm7, v6, v48  }
0x37f: {  	[tilespmem:s19+$0xFFFFFF50] =	vst v5;
	v5 =	vbroadcast v17, $0xF;
	v19 =	vld [tilespmem:s18+$0xF0];
	v3 =	vmul.f32 $1.442695020e+00, v3;
	v17 =	vmin.f32 v18, $5.000000000e+00;
	v18, _, _ =	vpop (xrf2)  }
0x380: {  	v6 =	vsel vm5, v7, v27;
	v20 =	vld [tilespmem:s22+$0xFFFFFFF0];
	v17 =	vmul.f32 $1.442695020e+00, v17;
	v18 =	vmul.f32 $2.500000000e-01, v18  }
0x381: {  	v14 =	vsel vm7, v14, v43;
	v6 =	vsel vm6, v6, v40;
	v3 =	vbroadcast v3, $0xF  }
0x382: {  	[tilespmem:s19+$0xFFFFFFF0] =	vst v1;
	(erf) = vpow2.f32 v5;
	v1 =	vbroadcast v17, $0xF;
	v5 =	vmax.f32 v18, $-5.000000000e+00  }
0x383: {  	[tilespmem:s19+$0x80] =	vst v2;
	v2 =	vmul.f32 v52, v4;
	(erf) = vpow2.f32 v3;
	v3 =	vmin.f32 v5, $5.000000000e+00  }
0x384: {  	(erf) = vpow2.f32 v1;
	v5 =	vsel vm3, v12, v25;
	v1 =	vmul.f32 $1.442695020e+00, v3  }
0x385: {  	[tilespmem:s24+$0x110] =	vst v14;
	v4 =	vld [tilespmem:s25+$0x1F0];
	v14 =	vmul.f32 v48, v19;
	v7 =	vmul.f32 v53, v20;
	v5 =	vsel vm4, v5, v32  }
0x386: {  	[tilespmem:s24+$0xFFFFFF50] =	vst v2;
	v3 =	vsel vm5, v8, v22;
	v2 =	vsel vm5, v5, v42;
	v1 =	vbroadcast v1, $0xF  }
0x387: {  	[tilespmem:s24+$0xFFFFFFE0] =	vst v7;
	v7 =	vsel vm5, v11, v31;
	v8 =	vld [tilespmem:s22+$0xF0];
	v3 =	vsel vm6, v3, v41;
	v2 =	vsel vm6, v2, v47  }
0x388: {  	[tilespmem:s19+$0x70] =	vst v14;
	v5 =	vsel vm7, v6, v52;
	v6 =	vld [tilespmem:s25+$0xFFFFFEF0];
	v2 =	vsel vm7, v2, v56;
	(erf) = vpow2.f32 v1  }
0x389: {  	v7 =	vsel vm6, v7, v39;
	v3 =	vsel vm7, v3, v53;
	[tilespmem:s24+$0xFFFFFF60] =	vst v5;
	v1 =	vsel vm2, v10, v15  }
0x38a: {  	v5 =	vld [tilespmem:s25+$0xFFFFFFF0];
	[tilespmem:s24+$0xFFFFFFF0] =	vst v3;
	v3 =	vmul.f32 v56, v4;
	v1 =	vsel vm3, v1, v29  }
0x38b: {  	v4 =	vsel vm2, v9, v16;
	[tilespmem:s26+$0x110] =	vst v2;
	v2 =	vpop (erf);
	v1 =	vsel vm4, v1, v38  }
0x38c: {  	[tilespmem:s26+$0x100] =	vst v3;
	v3 =	vsel vm7, v7, v2;
	v2 =	vmul.f32 v2, v8;
	v7 =	vpop (erf);
	v1 =	vsel vm5, v1, v45  }
0x38d: {  	v9 =	vsel vm3, v13, v26;
	v8 =	vld [tilespmem:s25+$0xF0];
	[tilespmem:s24+$0x80] =	vst v3;
	v3 =	vmul.f32 v7, v6;
	v1 =	vsel vm6, v1, v49  }
0x38e: {  	v4 =	vsel vm3, v4, v30;
	v9 =	vsel vm4, v9, v36;
	v6 =	vpop (erf);
	[tilespmem:s24+$0x70] =	vst v2;
	v1 =	vsel vm7, v1, v7  }
0x38f: {  	v4 =	vsel vm4, v4, v37;
	v2 =	vmul.f32 v6, v5;
	v5 =	vsel vm5, v9, v44;
	[tilespmem:s26+$0xFFFFFF50] =	vst v3  }
0x390: {  	v3 =	vsel vm5, v4, v46;
	v4 =	vsel vm6, v5, v50;
	[tilespmem:s26+$0xFFFFFF60] =	vst v1  }
0x391: {  	[tilespmem:s26+$0xFFFFFFE0] =	vst v2;
	v2 =	vsel vm6, v3, v51;
	v3 =	vsel vm7, v4, v6;
	v1 =	vpop (erf)  }
0x392: {  	[tilespmem:s26+$0xFFFFFFF0] =	vst v3;
	v2 =	vsel vm7, v2, v1;
	v1 =	vmul.f32 v1, v8  }
0x393: {  	s1 =	sadd.s32 s16, s28;
	[tilespmem:s26+$0x80] =	vst v2  }
0x394: {  	s1 =	smul.u32 $0x50, s1;
	[tilespmem:s26+$0x70] =	vst v1  }
0x395: {  	[spmem:s3] =	stream.indirect.scatter.add.f32 [tilespmem:s29], [sflag:$0x3], $0x90, s31, s31, $0xb8;
	[tilespmem:$0x1F720] =	vst v63  }
0x396: {  	s1 =	sshrl.u32 s1, $0x3;
	_ =	swait.ge [sflag:s30], $0x1680  }
0x397: {  	s1 =	sadd.s32 s6, s1;
	[sflag:s30] =	ssyncset.done $0x0  }
0x398: {  	s1 =	sadd.s32 $0xA, s1;
	[sflag:s30] =	ssyncadd.s32 $0xFFFFE980  }
0x399: {  	[tilespmem:s4], [sflag:$0x3] =	stream.linear.gather [hbm4b:s1+s4], $0x50, $0x38;
	[tilespmem:$0x1F720] =	vst v63  }
0x39a: {  	_ =	swait.ge [sflag:s30], $0x50  }
0x39b: {  	[sflag:s30] =	ssyncset.done $0x0  }
0x39c: {  	s7 =	simm.s32 $0xA0;
	[sflag:s30] =	ssyncadd.s32 $0xFFFFFFB0  }
0x39d: {  	[tilespmem:s7], [sflag:$0x1] =	stream.indirect.gather [hbm4b:s5+s31], $0x100, s4, s31, $0xb8;
	[tilespmem:$0x1F720] =	vst v63  }
0x39e: {  	_ = 	snop  }
0x39f: {  	[tilespmem:s0], [sflag:$0x1] =	stream.indirect.gather [hbm4b:s2+s31], $0x80, s31, s31, $0xb8;
	[tilespmem:$0x1F720] =	vst v63  }
0x3a0: {  	_ =	swait.ge [sflag:s13], $0x2800  }
0x3a1: {  	[sflag:s13] =	ssyncset.done $0x0  }
0x3a2: {  	[sflag:s13] =	ssyncadd.s32 $0xFFFFD800  }
0x3a3: {  	_ =	swait.ge [sflag:s13], $0x1400  }
0x3a4: {  	[sflag:s13] =	ssyncset.done $0x0  }
0x3a5: {  	s9 =	simm.s32 $0x2AA0;
	[sflag:s13] =	ssyncadd.s32 $0xFFFFEC00  }
0x3a6: {  	s11 =	simm.s32 $0x65A0;
	v1 =	vld [tilespmem:s9+$0x100]  }
0x3a7: {  	v2 =	vld [tilespmem:s11+$0x80];
	_ =	sdelay $0x4  }
0x3a8: {  	v1 =	vmul.f32 v2, v1;
	_ =	sdelay $0x1  }
0x3a9: {  	v2 =	vld [tilespmem:s11+$0xFFFFFF80];
	(xrf2) =	vadd.scan.msk.f32 $0xffff, v1  }
0x3aa: {  	v1 =	vld [tilespmem:s9+$0xFFFFFF00];
	_ =	sdelay $0x4  }
0x3ab: {  	v1 =	vmul.f32 v2, v1;
	_ =	sdelay $0x1  }
0x3ac: {  	(xrf2) =	vadd.scan.msk.f32 $0xffff, v1  }
0x3ad: {  	v2 =	vld [tilespmem:s11+$0xFFFFFF00]  }
0x3ae: {  	v1 =	vld [tilespmem:s9+$0xFFFFFE00];
	v3, _, _ =	vpop (xrf2)  }
0x3af: {  	v3 =	vmul.f32 $2.500000000e-01, v3  }
0x3b0: {  	v4 =	vld [tilespmem:s9+$0x0]  }
0x3b1: {  	v5 =	vld [tilespmem:s11+$0x0];
	v3 =	vmax.f32 v3, $-5.000000000e+00  }
0x3b2: {  	v3 =	vmin.f32 v3, $5.000000000e+00  }
0x3b3: {  	v1 =	vmul.f32 v2, v1;
	v2 =	vmul.f32 $1.442695020e+00, v3;
	_ =	sdelay $0x1  }
0x3b4: {  	(xrf2) =	vadd.scan.msk.f32 $0xffff, v1;
	v1 =	vbroadcast v2, $0xF  }
0x3b5: {  	v2 =	vmul.f32 v5, v4;
	v3, _, _ =	vpop (xrf2)  }
0x3b6: {  	(erf) = vpow2.f32 v1;
	v1 =	vmul.f32 $2.500000000e-01, v3;
	_ =	sdelay $0x1  }
0x3b7: {  	(xrf2) =	vadd.scan.msk.f32 $0xffff, v2;
	v1 =	vmax.f32 v1, $-5.000000000e+00  }
0x3b8: {  	v1 =	vmin.f32 v1, $5.000000000e+00  }
0x3b9: {  	v1 =	vmul.f32 $1.442695020e+00, v1;
	_ =	sdelay $0x1  }
0x3ba: {  	v2 =	vld [tilespmem:s9+$0x180];
	v1 =	vbroadcast v1, $0xF;
	_ =	sdelay $0x2  }
0x3bb: {  	v3, _, _ =	vpop (xrf2)  }
0x3bc: {  	v3 =	vmul.f32 $2.500000000e-01, v3;
	(erf) = vpow2.f32 v1;
	v1 =	vpop (erf)  }
0x3bd: {  	v2 =	vmul.f32 v1, v2  }
0x3be: {  	s16 =	simm.s32 $0x79C0;
	v3 =	vmax.f32 v3, $-5.000000000e+00;
	v4, _, _ =	vpop (xrf2)  }
0x3bf: {  	v3 =	vmin.f32 v3, $5.000000000e+00;
	v4 =	vmul.f32 $2.500000000e-01, v4;
	[tilespmem:s16+$0x90] =	vst v2  }
0x3c0: {  	v2 =	vmul.f32 $1.442695020e+00, v3;
	v3 =	vld [tilespmem:s9+$0x110]  }
0x3c1: {  	v4 =	vmax.f32 v4, $-5.000000000e+00;
	v6 =	vld [tilespmem:s11+$0x90]  }
0x3c2: {  	v5 =	vld [tilespmem:s9+$0xFFFFFF80];
	v4 =	vmin.f32 v4, $5.000000000e+00;
	v2 =	vbroadcast v2, $0xF  }
0x3c3: {  	v4 =	vmul.f32 $1.442695020e+00, v4  }
0x3c4: {  	(erf) = vpow2.f32 v2  }
0x3c5: {  	v4 =	vbroadcast v4, $0xF  }
0x3c6: {  	v2 =	vpop (erf);
	v3 =	vmul.f32 v6, v3  }
0x3c7: {  	(erf) = vpow2.f32 v4;
	v5 =	vmul.f32 v2, v5;
	_ =	sdelay $0x1  }
0x3c8: {  	v6 =	vld [tilespmem:s9+$0xFFFFFE80];
	(xrf2) =	vadd.scan.msk.f32 $0xffff, v3;
	[tilespmem:s16+$0xFFFFFF70] =	vst v5  }
0x3c9: {  	v3 =	vld [tilespmem:s9+$0xFFFFFF10]  }
0x3ca: {  	v5 =	vld [tilespmem:s11+$0xFFFFFF90]  }
0x3cb: {  	v7 =	vld [tilespmem:s9+$0x80]  }
0x3cc: {  	v4 =	vpop (erf)  }
0x3cd: {  	v6 =	vmul.f32 v4, v6;
	_ =	sdelay $0x1  }
0x3ce: {  	v5 =	vmul.f32 v5, v3;
	v3 =	vpop (erf);
	[tilespmem:s16+$0xFFFFFEE0] =	vst v6  }
0x3cf: {  	v6 =	vmul.f32 v3, v7;
	v7 =	vld [tilespmem:s9+$0xFFFFFE10]  }
0x3d0: {  	(xrf2) =	vadd.scan.msk.f32 $0xffff, v5;
	v5 =	vld [tilespmem:s11+$0xFFFFFF10]  }
0x3d1: {  	v8, _, _ =	vpop (xrf2)  }
0x3d2: {  	[tilespmem:s16+$0x0] =	vst v6;
	v6 =	vmul.f32 $2.500000000e-01, v8;
	_ =	sdelay $0x1  }
0x3d3: {  	v8 =	vld [tilespmem:s9+$0x10];
	v6 =	vmax.f32 v6, $-5.000000000e+00  }
0x3d4: {  	v9 =	vld [tilespmem:s11+$0x10];
	v6 =	vmin.f32 v6, $5.000000000e+00;
	v5 =	vmul.f32 v5, v7  }
0x3d5: {  	v6 =	vmul.f32 $1.442695020e+00, v6  }
0x3d6: {  	(xrf2) =	vadd.scan.msk.f32 $0xffff, v5  }
0x3d7: {  	v5 =	vbroadcast v6, $0xF;
	_ =	sdelay $0x1  }
0x3d8: {  	v6 =	vmul.f32 v9, v8;
	(erf) = vpow2.f32 v5  }
0x3d9: {  	v7, _, _ =	vpop (xrf2)  }
0x3da: {  	(xrf2) =	vadd.scan.msk.f32 $0xffff, v6;
	v5 =	vmul.f32 $2.500000000e-01, v7;
	_ =	sdelay $0x1  }
0x3db: {  	v5 =	vmax.f32 v5, $-5.000000000e+00  }
0x3dc: {  	v7 =	vld [tilespmem:s9+$0x190];
	v5 =	vmin.f32 v5, $5.000000000e+00  }
0x3dd: {  	v5 =	vmul.f32 $1.442695020e+00, v5  }
0x3de: {  	v6, _, _ =	vpop (xrf2)  }
0x3df: {  	v5 =	vbroadcast v5, $0xF;
	v8 =	vmul.f32 $2.500000000e-01, v6  }
0x3e0: {  	v6 =	vpop (erf)  }
0x3e1: {  	(erf) = vpow2.f32 v5;
	v5 =	vmul.f32 v6, v7;
	v7 =	vmax.f32 v8, $-5.000000000e+00  }
0x3e2: {  	v7 =	vmin.f32 v7, $5.000000000e+00  }
0x3e3: {  	v8, _, _ =	vpop (xrf2);
	[tilespmem:s16+$0xA0] =	vst v5;
	v5 =	vmul.f32 $1.442695020e+00, v7  }
0x3e4: {  	v9 =	vld [tilespmem:s9+$0xFFFFFF90];
	v8 =	vmul.f32 $2.500000000e-01, v8  }
0x3e5: {  	v7 =	vld [tilespmem:s9+$0x120];
	v5 =	vbroadcast v5, $0xF  }
0x3e6: {  	v10 =	vld [tilespmem:s11+$0xA0];
	v8 =	vmax.f32 v8, $-5.000000000e+00  }
0x3e7: {  	v8 =	vmin.f32 v8, $5.000000000e+00;
	(erf) = vpow2.f32 v5  }
0x3e8: {  	v8 =	vmul.f32 $1.442695020e+00, v8;
	_ =	sdelay $0x1  }
0x3e9: {  	v5 =	vpop (erf);
	v8 =	vbroadcast v8, $0xF  }
0x3ea: {  	v7 =	vmul.f32 v10, v7;
	v9 =	vmul.f32 v5, v9  }
0x3eb: {  	(erf) = vpow2.f32 v8;
	v8 =	vld [tilespmem:s9+$0xFFFFFE90]  }
0x3ec: {  	(xrf2) =	vadd.scan.msk.f32 $0xffff, v7;
	[tilespmem:s16+$0xFFFFFF80] =	vst v9  }
0x3ed: {  	v9 =	vld [tilespmem:s9+$0xFFFFFF20]  }
0x3ee: {  	v10 =	vld [tilespmem:s11+$0xFFFFFFA0]  }
0x3ef: {  	v7 =	vpop (erf)  }
0x3f0: {  	v11 =	vld [tilespmem:s9+$0x90];
	v8 =	vmul.f32 v7, v8;
	_ =	sdelay $0x2  }
0x3f1: {  	v9 =	vmul.f32 v10, v9  }
0x3f2: {  	[tilespmem:s16+$0xFFFFFEF0] =	vst v8;
	v8 =	vpop (erf)  }
0x3f3: {  	(xrf2) =	vadd.scan.msk.f32 $0xffff, v9;
	v9 =	vmul.f32 v8, v11  }
0x3f4: {  	v10 =	vld [tilespmem:s9+$0xFFFFFE20];
	v12, _, _ =	vpop (xrf2)  }
0x3f5: {  	v11 =	vld [tilespmem:s11+$0xFFFFFF20];
	[tilespmem:s16+$0x10] =	vst v9;
	v9 =	vmul.f32 $2.500000000e-01, v12;
	_ =	sdelay $0x1  }
0x3f6: {  	v9 =	vmax.f32 v9, $-5.000000000e+00  }
0x3f7: {  	v12 =	vld [tilespmem:s9+$0x20];
	v9 =	vmin.f32 v9, $5.000000000e+00  }
0x3f8: {  	v13 =	vld [tilespmem:s11+$0x20];
	v9 =	vmul.f32 $1.442695020e+00, v9  }
0x3f9: {  	v10 =	vmul.f32 v11, v10  }
0x3fa: {  	s17 =	simm.s32 $0x2EA0;
	v9 =	vbroadcast v9, $0xF  }
0x3fb: {  	s19 =	simm.s32 $0x67A0;
	v11 =	vld [tilespmem:s17+$0x100];
	(xrf2) =	vadd.scan.msk.f32 $0xffff, v10  }
0x3fc: {  	(erf) = vpow2.f32 v9;
	v9 =	vld [tilespmem:s19+$0x80]  }
0x3fd: {  	v10 =	vmul.f32 v13, v12;
	v12, _, _ =	vpop (xrf2)  }
0x3fe: {  	v12 =	vmul.f32 $2.500000000e-01, v12  }
0x3ff: {  	(xrf2) =	vadd.scan.msk.f32 $0xffff, v10  }
0x400: {  	v10 =	vmax.f32 v12, $-5.000000000e+00  }
0x401: {  	v13 =	vld [tilespmem:s19+$0xFFFFFF80];
	v10 =	vmin.f32 v10, $5.000000000e+00;
	v9 =	vmul.f32 v9, v11  }
0x402: {  	v12 =	vld [tilespmem:s9+$0x1A0];
	v10 =	vmul.f32 $1.442695020e+00, v10  }
0x403: {  	v11 =	vld [tilespmem:s17+$0xFFFFFF00]  }
0x404: {  	v10 =	vbroadcast v10, $0xF;
	(xrf2) =	vadd.scan.msk.f32 $0xffff, v9  }
0x405: {  	v15 =	vld [tilespmem:s19+$0xFFFFFF00];
	v9, _, _ =	vpop (xrf2)  }
0x406: {  	v18 =	vld [tilespmem:s17+$0xFFFFFE00];
	(erf) = vpow2.f32 v10;
	v16 =	vmul.f32 $2.500000000e-01, v9;
	v9 =	vpop (erf)  }
0x407: {  	v19 =	vld [tilespmem:s19+$0x0];
	v12 =	vmul.f32 v9, v12  }
0x408: {  	v14 =	vld [tilespmem:s9+$0xFFFFFFA0];
	v11 =	vmul.f32 v13, v11;
	v16 =	vmax.f32 v16, $-5.000000000e+00  }
0x409: {  	v10 =	vld [tilespmem:s17+$0x0];
	v17, _, _ =	vpop (xrf2);
	v16 =	vmin.f32 v16, $5.000000000e+00;
	[tilespmem:s16+$0xB0] =	vst v12  }
0x40a: {  	v17 =	vmul.f32 $2.500000000e-01, v17;
	(xrf2) =	vadd.scan.msk.f32 $0xffff, v11;
	v12 =	vmul.f32 $1.442695020e+00, v16;
	v13 =	vld [tilespmem:s9+$0x130]  }
0x40b: {  	v11 =	vld [tilespmem:s11+$0xB0]  }
0x40c: {  	v16 =	vmax.f32 v17, $-5.000000000e+00;
	v12 =	vbroadcast v12, $0xF  }
0x40d: {  	v15 =	vmul.f32 v15, v18;
	v16 =	vmin.f32 v16, $5.000000000e+00  }
0x40e: {  	v16 =	vmul.f32 $1.442695020e+00, v16;
	v17, _, _ =	vpop (xrf2);
	(erf) = vpow2.f32 v12  }
0x40f: {  	(xrf2) =	vadd.scan.msk.f32 $0xffff, v15;
	v12 =	vmul.f32 v19, v10;
	v10 =	vpop (erf);
	v15 =	vmul.f32 $2.500000000e-01, v17  }
0x410: {  	v14 =	vmul.f32 v10, v14;
	v11 =	vmul.f32 v11, v13  }
0x411: {  	v16 =	vbroadcast v16, $0xF;
	(xrf2) =	vadd.scan.msk.f32 $0xffff, v12;
	v12 =	vmax.f32 v15, $-5.000000000e+00  }
0x412: {  	[tilespmem:s16+$0xFFFFFF90] =	vst v14;
	(xrf2) =	vadd.scan.msk.f32 $0xffff, v11;
	v11 =	vmin.f32 v12, $5.000000000e+00  }
0x413: {  	(erf) = vpow2.f32 v16;
	v12 =	vld [tilespmem:s9+$0xFFFFFF30];
	v11 =	vmul.f32 $1.442695020e+00, v11  }
0x414: {  	v13 =	vld [tilespmem:s11+$0xFFFFFFB0];
	v14, _, _ =	vpop (xrf2)  }
0x415: {  	v11 =	vbroadcast v11, $0xF;
	v14 =	vmul.f32 $2.500000000e-01, v14  }
0x416: {  	v15 =	vld [tilespmem:s9+$0xFFFFFEA0]  }
0x417: {  	v14 =	vmax.f32 v14, $-5.000000000e+00  }
0x418: {  	v16 =	vld [tilespmem:s9+$0xA0]  }
0x419: {  	(erf) = vpow2.f32 v11;
	v13 =	vmul.f32 v13, v12;
	v12 =	vmin.f32 v14, $5.000000000e+00;
	v11 =	vpop (erf)  }
0x41a: {  	v14, _, _ =	vpop (xrf2)  }
0x41b: {  	v15 =	vmul.f32 v11, v15;
	v14 =	vmul.f32 $2.500000000e-01, v14  }
0x41c: {  	v17 =	vmul.f32 $1.442695020e+00, v12;
	v12 =	vpop (erf)  }
0x41d: {  	(xrf2) =	vadd.scan.msk.f32 $0xffff, v13;
	v18, _, _ =	vpop (xrf2);
	[tilespmem:s16+$0xFFFFFF00] =	vst v15;
	v15 =	vmul.f32 v12, v16;
	v13 =	vmax.f32 v14, $-5.000000000e+00  }
0x41e: {  	v19 =	vld [tilespmem:s17+$0x180];
	v14 =	vbroadcast v17, $0xF;
	v17 =	vmul.f32 $2.500000000e-01, v18;
	v18, _, _ =	vpop (xrf2);
	v13 =	vmin.f32 v13, $5.000000000e+00  }
0x41f: {  	v16 =	vmul.f32 $2.500000000e-01, v18;
	v18 =	vld [tilespmem:s9+$0xFFFFFE30];
	v13 =	vmul.f32 $1.442695020e+00, v13  }
0x420: {  	(erf) = vpow2.f32 v14;
	v14 =	vmax.f32 v17, $-5.000000000e+00;
	v17 =	vld [tilespmem:s11+$0xFFFFFF30];
	_ =	sdelay $0x1  }
0x421: {  	v14 =	vmin.f32 v14, $5.000000000e+00;
	v16 =	vmax.f32 v16, $-5.000000000e+00  }
0x422: {  	[tilespmem:s16+$0x20] =	vst v15;
	v15 =	vbroadcast v13, $0xF;
	v14 =	vmul.f32 $1.442695020e+00, v14;
	v16 =	vmin.f32 v16, $5.000000000e+00;
	v13 =	vpop (erf)  }
0x423: {  	v20 =	vld [tilespmem:s9+$0x30];
	v16 =	vmul.f32 $1.442695020e+00, v16;
	v19 =	vmul.f32 v13, v19  }
0x424: {  	s18 =	simm.s32 $0x7C00;
	v21 =	vld [tilespmem:s11+$0x30];
	v14 =	vbroadcast v14, $0xF;
	v17 =	vmul.f32 v17, v18  }
0x425: {  	(erf) = vpow2.f32 v15;
	v15 =	vld [tilespmem:s17+$0xFFFFFF80];
	v16 =	vbroadcast v16, $0xF;
	[tilespmem:s18+$0x90] =	vst v19  }
0x426: {  	(erf) = vpow2.f32 v14;
	v18 =	vld [tilespmem:s17+$0x110]  }
0x427: {  	(erf) = vpow2.f32 v16;
	v16 =	vld [tilespmem:s19+$0x90]  }
0x428: {  	(xrf2) =	vadd.scan.msk.f32 $0xffff, v17;
	v17, _, _ =	vpop (xrf2)  }
0x429: {  	v20 =	vmul.f32 v21, v20;
	v14 =	vpop (erf)  }
0x42a: {  	v19 =	vld [tilespmem:s17+$0xFFFFFE80];
	v17 =	vmul.f32 $2.500000000e-01, v17;
	v15 =	vmul.f32 v14, v15  }
0x42b: {  	(xrf2) =	vadd.scan.msk.f32 $0xffff, v20  }
0x42c: {  	v21 =	vld [tilespmem:s17+$0x80];
	v17 =	vmax.f32 v17, $-5.000000000e+00;
	[tilespmem:s18+$0xFFFFFF70] =	vst v15;
	v15 =	vmul.f32 v16, v18  }
0x42d: {  	v20 =	vld [tilespmem:s9+$0x1B0];
	v17 =	vmin.f32 v17, $5.000000000e+00  }
0x42e: {  	v18 =	vld [tilespmem:s17+$0xFFFFFF10];
	v16 =	vpop (erf);
	v17 =	vmul.f32 $1.442695020e+00, v17  }
0x42f: {  	v22 =	vld [tilespmem:s19+$0xFFFFFF90];
	v19 =	vmul.f32 v16, v19  }
0x430: {  	(xrf2) =	vadd.scan.msk.f32 $0xffff, v15;
	v15 =	vpop (erf)  }
0x431: {  	v23 =	vbroadcast v17, $0xF;
	[tilespmem:s18+$0xFFFFFEE0] =	vst v19;
	v21 =	vmul.f32 v15, v21  }
0x432: {  	v19 =	vld [tilespmem:s17+$0xFFFFFE10];
	v17 =	vpop (erf)  }
0x433: {  	(erf) = vpow2.f32 v23;
	v20 =	vmul.f32 v17, v20;
	[tilespmem:s18+$0x0] =	vst v21;
	v21 =	vld [tilespmem:s19+$0xFFFFFF10]  }
0x434: {  	v24, _, _ =	vpop (xrf2);
	v18 =	vmul.f32 v22, v18  }
0x435: {  	v26 =	vld [tilespmem:s9+$0xFFFFFFB0];
	v23 =	vmul.f32 $2.500000000e-01, v24;
	v24, _, _ =	vpop (xrf2);
	[tilespmem:s16+$0xC0] =	vst v20  }
0x436: {  	v24 =	vmul.f32 $2.500000000e-01, v24;
	(xrf2) =	vadd.scan.msk.f32 $0xffff, v18;
	v20 =	vld [tilespmem:s9+$0x140]  }
0x437: {  	v23 =	vmax.f32 v23, $-5.000000000e+00;
	v18 =	vld [tilespmem:s11+$0xC0]  }
0x438: {  	v22 =	vld [tilespmem:s17+$0x10];
	v23 =	vmin.f32 v23, $5.000000000e+00;
	v19 =	vmul.f32 v21, v19;
	v21 =	vmax.f32 v24, $-5.000000000e+00  }
0x439: {  	v25 =	vld [tilespmem:s19+$0x10];
	v23 =	vmul.f32 $1.442695020e+00, v23;
	v21 =	vmin.f32 v21, $5.000000000e+00  }
0x43a: {  	v24, _, _ =	vpop (xrf2);
	v21 =	vmul.f32 $1.442695020e+00, v21  }
0x43b: {  	v23 =	vbroadcast v23, $0xF;
	(xrf2) =	vadd.scan.msk.f32 $0xffff, v19;
	v19 =	vmul.f32 $2.500000000e-01, v24  }
0x43c: {  	v20 =	vmul.f32 v18, v20;
	v18 =	vpop (erf);
	v21 =	vbroadcast v21, $0xF  }
0x43d: {  	(erf) = vpow2.f32 v23;
	v23 =	vmul.f32 v18, v26;
	v19 =	vmax.f32 v19, $-5.000000000e+00  }
0x43e: {  	v22 =	vmul.f32 v25, v22;
	(xrf2) =	vadd.scan.msk.f32 $0xffff, v20;
	v19 =	vmin.f32 v19, $5.000000000e+00  }
0x43f: {  	[tilespmem:s16+$0xFFFFFFA0] =	vst v23;
	v19 =	vmul.f32 $1.442695020e+00, v19  }
0x440: {  	(xrf2) =	vadd.scan.msk.f32 $0xffff, v22;
	(erf) = vpow2.f32 v21;
	v22 =	vld [tilespmem:s9+$0xFFFFFF40];
	v21, _, _ =	vpop (xrf2)  }
0x441: {  	v23 =	vld [tilespmem:s11+$0xFFFFFFC0];
	v19 =	vbroadcast v19, $0xF;
	v21 =	vmul.f32 $2.500000000e-01, v21  }
0x442: {  	v20 =	vld [tilespmem:s9+$0xFFFFFEB0]  }
0x443: {  	(erf) = vpow2.f32 v19;
	v19 =	vmax.f32 v21, $-5.000000000e+00  }
0x444: {  	v19 =	vmin.f32 v19, $5.000000000e+00  }
0x445: {  	v24, _, _ =	vpop (xrf2);
	v19 =	vmul.f32 $1.442695020e+00, v19  }
0x446: {  	v22 =	vmul.f32 v23, v22;
	v21 =	vpop (erf);
	v24 =	vmul.f32 $2.500000000e-01, v24  }
0x447: {  	v20 =	vmul.f32 v21, v20;
	v23 =	vbroadcast v19, $0xF  }
0x448: {  	v25 =	vld [tilespmem:s9+$0xB0];
	v26, _, _ =	vpop (xrf2);
	v24 =	vmax.f32 v24, $-5.000000000e+00  }
0x449: {  	v27 =	vld [tilespmem:s17+$0x190];
	(xrf2) =	vadd.scan.msk.f32 $0xffff, v22;
	v22 =	vmul.f32 $2.500000000e-01, v26;
	[tilespmem:s16+$0xFFFFFF10] =	vst v20;
	v20 =	vmin.f32 v24, $5.000000000e+00  }
0x44a: {  	v24 =	vld [tilespmem:s9+$0xFFFFFE40];
	v20 =	vmul.f32 $1.442695020e+00, v20  }
0x44b: {  	(erf) = vpow2.f32 v23;
	v26 =	vld [tilespmem:s11+$0xFFFFFF40];
	v22 =	vmax.f32 v22, $-5.000000000e+00;
	v23, _, _ =	vpop (xrf2)  }
0x44c: {  	v19 =	vpop (erf);
	v22 =	vmin.f32 v22, $5.000000000e+00;
	v23 =	vmul.f32 $2.500000000e-01, v23  }
0x44d: {  	v25 =	vmul.f32 v19, v25;
	v22 =	vmul.f32 $1.442695020e+00, v22  }
0x44e: {  	v28 =	vbroadcast v20, $0xF;
	v20 =	vpop (erf);
	v23 =	vmax.f32 v23, $-5.000000000e+00  }
0x44f: {  	[tilespmem:s16+$0x30] =	vst v25;
	v22 =	vbroadcast v22, $0xF;
	v25 =	vmul.f32 v20, v27;
	v23 =	vmin.f32 v23, $5.000000000e+00  }
0x450: {  	v29 =	vld [tilespmem:s17+$0xFFFFFF90];
	v24 =	vmul.f32 v26, v24;
	v23 =	vmul.f32 $1.442695020e+00, v23  }
0x451: {  	(erf) = vpow2.f32 v28;
	v28 =	vld [tilespmem:s11+$0x40]  }
0x452: {  	v27 =	vld [tilespmem:s9+$0x40];
	(erf) = vpow2.f32 v22;
	[tilespmem:s18+$0xA0] =	vst v25;
	v22 =	vbroadcast v23, $0xF  }
0x453: {  	v25 =	vld [tilespmem:s17+$0x120]  }
0x454: {  	(xrf2) =	vadd.scan.msk.f32 $0xffff, v24;
	v23 =	vld [tilespmem:s19+$0xA0];
	v24, _, _ =	vpop (xrf2)  }
0x455: {  	v24 =	vmul.f32 $2.500000000e-01, v24  }
0x456: {  	v26 =	vld [tilespmem:s17+$0xFFFFFE90];
	(erf) = vpow2.f32 v22;
	v22 =	vpop (erf)  }
0x457: {  	v30 =	vld [tilespmem:s17+$0x90];
	v27 =	vmul.f32 v28, v27;
	v24 =	vmax.f32 v24, $-5.000000000e+00;
	v28 =	vmul.f32 v22, v29  }
0x458: {  	v31 =	vld [tilespmem:s9+$0xFFFFFFC0]  }
0x459: {  	(xrf2) =	vadd.scan.msk.f32 $0xffff, v27;
	v27 =	vld [tilespmem:s9+$0x1C0];
	v23 =	vmul.f32 v23, v25;
	v25 =	vmin.f32 v24, $5.000000000e+00;
	[tilespmem:s18+$0xFFFFFF80] =	vst v28  }
0x45a: {  	v24 =	vpop (erf);
	v25 =	vmul.f32 $1.442695020e+00, v25;
	v28 =	vld [tilespmem:s17+$0xFFFFFF20]  }
0x45b: {  	v26 =	vmul.f32 v24, v26;
	(xrf2) =	vadd.scan.msk.f32 $0xffff, v23;
	v29 =	vld [tilespmem:s19+$0xFFFFFFA0]  }
0x45c: {  	v49 =	vld [tilespmem:s9+$0xFFFFFEC0];
	v23 =	vbroadcast v25, $0xF  }
0x45d: {  	v33 =	vld [tilespmem:s9+$0xC0];
	[tilespmem:s18+$0xFFFFFEF0] =	vst v26  }
0x45e: {  	v25 =	vpop (erf);
	v26 =	vld [tilespmem:s17+$0xFFFFFE20]  }
0x45f: {  	v51, _, _ =	vpop (xrf2);
	(erf) = vpow2.f32 v23;
	v50 =	vld [tilespmem:s19+$0xFFFFFF20];
	v27 =	vmul.f32 v25, v27  }
0x460: {  	v34 =	vld [tilespmem:s17+$0xFFFFFFA0];
	v23 =	vpop (erf);
	v28 =	vmul.f32 v29, v28  }
0x461: {  	v37 =	vld [tilespmem:s17+$0xFFFFFEA0];
	[tilespmem:s16+$0xD0] =	vst v27;
	v27 =	vmul.f32 v23, v30;
	v30 =	vmul.f32 $2.500000000e-01, v51  }
0x462: {  	v29 =	vld [tilespmem:s9+$0x150]  }
0x463: {  	v52 =	vld [tilespmem:s11+$0xD0];
	[tilespmem:s18+$0x10] =	vst v27;
	v27 =	vmax.f32 v30, $-5.000000000e+00  }
0x464: {  	(xrf2) =	vadd.scan.msk.f32 $0xffff, v28;
	v26 =	vmul.f32 v50, v26;
	v30 =	vld [tilespmem:s17+$0x20];
	v27 =	vmin.f32 v27, $5.000000000e+00;
	v28, _, _ =	vpop (xrf2)  }
0x465: {  	v27 =	vmul.f32 $1.442695020e+00, v27;
	v53 =	vld [tilespmem:s19+$0x20];
	v54, _, _ =	vpop (xrf2)  }
0x466: {  	v28 =	vmul.f32 $2.500000000e-01, v28;
	v55 =	vmul.f32 $2.500000000e-01, v54  }
0x467: {  	v27 =	vbroadcast v27, $0xF  }
0x468: {  	(xrf2) =	vadd.scan.msk.f32 $0xffff, v26;
	v26 =	vpop (erf);
	v29 =	vmul.f32 v52, v29;
	v28 =	vmax.f32 v28, $-5.000000000e+00;
	v35 =	vmax.f32 v55, $-5.000000000e+00  }
0x469: {  	v31 =	vmul.f32 v26, v31;
	v28 =	vmin.f32 v28, $5.000000000e+00;
	v35 =	vmin.f32 v35, $5.000000000e+00  }
0x46a: {  	(xrf2) =	vadd.scan.msk.f32 $0xffff, v29;
	v28 =	vmul.f32 $1.442695020e+00, v28;
	v35 =	vmul.f32 $1.442695020e+00, v35  }
0x46b: {  	(erf) = vpow2.f32 v27  }
0x46c: {  	[tilespmem:s16+$0xFFFFFFB0] =	vst v31;
	v27 =	vbroadcast v28, $0xF;
	v29 =	vbroadcast v35, $0xF  }
0x46d: {  	v28 =	vld [tilespmem:s9+$0xFFFFFF50]  }
0x46e: {  	s20 =	simm.s32 $0x32A0;
	(erf) = vpow2.f32 v27;
	v27 =	vmul.f32 v53, v30;
	v30 =	vld [tilespmem:s11+$0xFFFFFFD0]  }
0x46f: {  	s22 =	simm.s32 $0x69A0;
	v31 =	vld [tilespmem:s20+$0x100]  }
0x470: {  	(erf) = vpow2.f32 v29;
	v29, _, _ =	vpop (xrf2);
	(xrf2) =	vadd.scan.msk.f32 $0xffff, v27;
	v27 =	vld [tilespmem:s22+$0x80]  }
0x471: {  	v29 =	vmul.f32 $2.500000000e-01, v29  }
0x472: {  	v56 =	vld [tilespmem:s20+$0xFFFFFF00];
	v57, _, _ =	vpop (xrf2)  }
0x473: {  	v58 =	vld [tilespmem:s22+$0xFFFFFF80];
	v36 =	vmul.f32 $2.500000000e-01, v57;
	v28 =	vmul.f32 v30, v28;
	v29 =	vmax.f32 v29, $-5.000000000e+00  }
0x474: {  	v60, _, _ =	vpop (xrf2);
	v29 =	vmin.f32 v29, $5.000000000e+00  }
0x475: {  	(xrf2) =	vadd.scan.msk.f32 $0xffff, v28;
	v27 =	vmul.f32 v27, v31;
	v31 =	vmax.f32 v36, $-5.000000000e+00;
	v36 =	vmul.f32 $2.500000000e-01, v60  }
0x476: {  	v61 =	vld [tilespmem:s22+$0xFFFFFF00];
	v59 =	vmul.f32 $1.442695020e+00, v29;
	v31 =	vmin.f32 v31, $5.000000000e+00  }
0x477: {  	v30 =	vld [tilespmem:s17+$0x1A0];
	v31 =	vmul.f32 $1.442695020e+00, v31;
	v36 =	vmax.f32 v36, $-5.000000000e+00  }
0x478: {  	v62 =	vld [tilespmem:s20+$0xFFFFFE00];
	v35 =	vmul.f32 v58, v56;
	v29 =	vpop (erf);
	v39 =	vbroadcast v59, $0xF;
	(xrf2) =	vadd.scan.msk.f32 $0xffff, v27;
	v36 =	vmin.f32 v36, $5.000000000e+00  }
0x479: {  	v28 =	vpop (erf);
	v31 =	vbroadcast v31, $0xF;
	v36 =	vmul.f32 $1.442695020e+00, v36  }
0x47a: {  	v27 =	vpop (erf);
	(erf) = vpow2.f32 v39  }
0x47b: {  	v63 =	vld [tilespmem:s20+$0x0];
	v45, _, _ =	vpop (xrf2);
	(xrf2) =	vadd.scan.msk.f32 $0xffff, v35;
	(erf) = vpow2.f32 v31;
	v31 =	vbroadcast v36, $0xF  }
0x47c: {  	v46 =	vld [tilespmem:s22+$0x0];
	v30 =	vmul.f32 v27, v30;
	v41 =	vmul.f32 $2.500000000e-01, v45  }
0x47d: {  	v38 =	vmul.f32 v61, v62  }
0x47e: {  	v32 =	vmul.f32 v29, v49;
	[tilespmem:s18+$0xB0] =	vst v30;
	v30 =	vmax.f32 v41, $-5.000000000e+00  }
0x47f: {  	v47 =	vld [tilespmem:s17+$0x130];
	(erf) = vpow2.f32 v31;
	v30 =	vmin.f32 v30, $5.000000000e+00;
	v31, _, _ =	vpop (xrf2);
	(xrf2) =	vadd.scan.msk.f32 $0xffff, v38  }
0x480: {  	[tilespmem:s16+$0xFFFFFF20] =	vst v32;
	v48 =	vld [tilespmem:s19+$0xB0];
	v30 =	vmul.f32 $1.442695020e+00, v30  }
0x481: {  	v49 =	vmul.f32 v46, v63;
	v52 =	vld [tilespmem:s9+$0xFFFFFE50]  }
0x482: {  	v53 =	vld [tilespmem:s11+$0xFFFFFF50];
	v51, _, _ =	vpop (xrf2)  }
0x483: {  	(xrf2) =	vadd.scan.msk.f32 $0xffff, v49;
	v50 =	vbroadcast v30, $0xF;
	v38 =	vmul.f32 $2.500000000e-01, v51  }
0x484: {  	v54 =	vld [tilespmem:s9+$0x1D0];
	v33 =	vmul.f32 v28, v33;
	v31 =	vmul.f32 $2.500000000e-01, v31;
	v30 =	vpop (erf)  }
0x485: {  	v36 =	vmul.f32 v48, v47;
	(erf) = vpow2.f32 v50;
	v55 =	vmax.f32 v38, $-5.000000000e+00;
	v56, _, _ =	vpop (xrf2)  }
0x486: {  	v34 =	vmul.f32 v30, v34;
	v58 =	vmul.f32 $2.500000000e-01, v56;
	v59 =	vmin.f32 v55, $5.000000000e+00  }
0x487: {  	[tilespmem:s16+$0x40] =	vst v33;
	v39 =	vmul.f32 v53, v52;
	(xrf2) =	vadd.scan.msk.f32 $0xffff, v36;
	v32 =	vpop (erf);
	v38 =	vmul.f32 $1.442695020e+00, v59  }
0x488: {  	v57 =	vld [tilespmem:s17+$0xA0];
	v31 =	vmax.f32 v31, $-5.000000000e+00;
	v37 =	vmul.f32 v32, v37;
	[tilespmem:s18+$0xFFFFFF90] =	vst v34;
	v33 =	vpop (erf);
	v34 =	vmax.f32 v58, $-5.000000000e+00  }
0x489: {  	v60 =	vld [tilespmem:s17+$0xFFFFFF30];
	v35 =	vmul.f32 v33, v54;
	v34 =	vmin.f32 v34, $5.000000000e+00;
	v38 =	vbroadcast v38, $0xF;
	v47, _, _ =	vpop (xrf2)  }
0x48a: {  	v31 =	vmin.f32 v31, $5.000000000e+00;
	v61 =	vld [tilespmem:s19+$0xFFFFFFB0];
	[tilespmem:s18+$0xFFFFFF00] =	vst v37;
	v34 =	vmul.f32 $1.442695020e+00, v34;
	v49 =	vmul.f32 $2.500000000e-01, v47  }
0x48b: {  	v31 =	vmul.f32 $1.442695020e+00, v31;
	v37 =	vld [tilespmem:s17+$0xFFFFFE30];
	(erf) = vpow2.f32 v38  }
0x48c: {  	(xrf2) =	vadd.scan.msk.f32 $0xffff, v39;
	v48 =	vld [tilespmem:s19+$0xFFFFFF30];
	[tilespmem:s16+$0xE0] =	vst v35;
	v35 =	vmax.f32 v49, $-5.000000000e+00  }
0x48d: {  	v62 =	vld [tilespmem:s9+$0x50];
	v31 =	vbroadcast v31, $0xF;
	v53, _, _ =	vpop (xrf2);
	v50 =	vbroadcast v34, $0xF;
	v35 =	vmin.f32 v35, $5.000000000e+00  }
0x48e: {  	v51 =	vld [tilespmem:s9+$0x160];
	v55 =	vmul.f32 $2.500000000e-01, v53;
	v34 =	vpop (erf);
	v35 =	vmul.f32 $1.442695020e+00, v35  }
0x48f: {  	v52 =	vld [tilespmem:s11+$0xE0];
	v41 =	vmul.f32 v61, v60;
	v36 =	vmul.f32 v34, v57  }
0x490: {  	(erf) = vpow2.f32 v50;
	v57 =	vld [tilespmem:s20+$0x180];
	v35 =	vbroadcast v35, $0xF  }
0x491: {  	v63 =	vld [tilespmem:s11+$0x50];
	v37 =	vmul.f32 v48, v37;
	v40 =	vmax.f32 v55, $-5.000000000e+00;
	v56, _, _ =	vpop (xrf2);
	(xrf2) =	vadd.scan.msk.f32 $0xffff, v41;
	[tilespmem:s18+$0x20] =	vst v36  }
0x492: {  	v40 =	vmin.f32 v40, $5.000000000e+00;
	v58 =	vmul.f32 $2.500000000e-01, v56;
	v59 =	vld [tilespmem:s17+$0x30]  }
0x493: {  	(erf) = vpow2.f32 v31;
	v40 =	vmul.f32 $1.442695020e+00, v40;
	(xrf2) =	vadd.scan.msk.f32 $0xffff, v37;
	v31 =	vld [tilespmem:s19+$0x30]  }
0x494: {  	v42 =	vmul.f32 v52, v51;
	v41 =	vmax.f32 v58, $-5.000000000e+00;
	(erf) = vpow2.f32 v35;
	v35 =	vpop (erf)  }
0x495: {  	v60 =	vld [tilespmem:s20+$0xFFFFFF80];
	v40 =	vbroadcast v40, $0xF;
	v41 =	vmin.f32 v41, $5.000000000e+00;
	v36 =	vmul.f32 v35, v57  }
0x496: {  	v54 =	vmul.f32 v63, v62;
	v62, _, _ =	vpop (xrf2);
	(xrf2) =	vadd.scan.msk.f32 $0xffff, v42;
	v61 =	vmul.f32 $1.442695020e+00, v41  }
0x497: {  	s23 =	simm.s32 $0x7E40;
	v41 =	vmul.f32 $2.500000000e-01, v62;
	(erf) = vpow2.f32 v40  }
0x498: {  	v37 =	vbroadcast v61, $0xF;
	v31 =	vmul.f32 v31, v59;
	[tilespmem:s23+$0x90] =	vst v36  }
0x499: {  	(xrf2) =	vadd.scan.msk.f32 $0xffff, v54;
	v49 =	vmax.f32 v41, $-5.000000000e+00;
	v48 =	vld [tilespmem:s20+$0x110];
	v36 =	vpop (erf)  }
0x49a: {  	(xrf2) =	vadd.scan.msk.f32 $0xffff, v31;
	v31 =	vld [tilespmem:s22+$0x90];
	(erf) = vpow2.f32 v37;
	v37 =	vmin.f32 v49, $5.000000000e+00;
	v47 =	vmul.f32 v36, v60  }
0x49b: {  	v63 =	vld [tilespmem:s20+$0xFFFFFE80];
	v50, _, _ =	vpop (xrf2);
	v37 =	vmul.f32 $1.442695020e+00, v37  }
0x49c: {  	v51 =	vld [tilespmem:s20+$0x80];
	v40 =	vmul.f32 $2.500000000e-01, v50;
	[tilespmem:s23+$0xFFFFFF70] =	vst v47  }
0x49d: {  	v56, _, _ =	vpop (xrf2);
	v52 =	vld [tilespmem:s20+$0xFFFFFF10]  }
0x49e: {  	v38 =	vpop (erf);
	v40 =	vmax.f32 v40, $-5.000000000e+00;
	v53 =	vld [tilespmem:s22+$0xFFFFFF90]  }
0x49f: {  	v54 =	vbroadcast v37, $0xF;
	v40 =	vmin.f32 v40, $5.000000000e+00;
	v39 =	vmul.f32 v31, v48;
	v37 =	vpop (erf)  }
0x4a0: {  	v55 =	vld [tilespmem:s17+$0x1B0];
	v40 =	vmul.f32 $1.442695020e+00, v40;
	v31, _, _ =	vpop (xrf2);
	v42 =	vmul.f32 v37, v63  }
0x4a1: {  	(erf) = vpow2.f32 v54;
	v57 =	vmul.f32 $2.500000000e-01, v31;
	v31 =	vpop (erf)  }
0x4a2: {  	v40 =	vbroadcast v40, $0xF;
	v41 =	vmul.f32 v31, v51;
	[tilespmem:s23+$0xFFFFFEE0] =	vst v42  }
0x4a3: {  	v58, _, _ =	vpop (xrf2);
	(xrf2) =	vadd.scan.msk.f32 $0xffff, v39;
	v45 =	vmax.f32 v57, $-5.000000000e+00;
	v42 =	vld [tilespmem:s20+$0xFFFFFE10];
	v43 =	vmul.f32 v53, v52  }
0x4a4: {  	v47 =	vmul.f32 $2.500000000e-01, v56;
	(erf) = vpow2.f32 v40;
	v61 =	vmin.f32 v45, $5.000000000e+00;
	v39 =	vpop (erf);
	v59 =	vld [tilespmem:s22+$0xFFFFFF10];
	[tilespmem:s23+$0x0] =	vst v41  }
0x4a5: {  	v62, _, _ =	vpop (xrf2);
	v40 =	vmul.f32 $1.442695020e+00, v61;
	v46 =	vmul.f32 v39, v55;
	v63 =	vld [tilespmem:s20+$0x10];
	(xrf2) =	vadd.scan.msk.f32 $0xffff, v43  }
0x4a6: {  	v53 =	vmax.f32 v47, $-5.000000000e+00;
	v41 =	vmul.f32 $2.500000000e-01, v62;
	v55 =	vld [tilespmem:s22+$0x10]  }
0x4a7: {  	v60 =	vld [tilespmem:s9+$0xFFFFFED0];
	v43 =	vmin.f32 v53, $5.000000000e+00;
	v40 =	vbroadcast v40, $0xF;
	[tilespmem:s18+$0xC0] =	vst v46  }
0x4a8: {  	v48 =	vmul.f32 $2.500000000e-01, v58;
	v41 =	vmax.f32 v41, $-5.000000000e+00;
	v43 =	vmul.f32 $1.442695020e+00, v43;
	v46 =	vld [tilespmem:s17+$0x140]  }
0x4a9: {  	v54 =	vld [tilespmem:s19+$0xC0];
	v41 =	vmin.f32 v41, $5.000000000e+00;
	(erf) = vpow2.f32 v40;
	v42 =	vmul.f32 v59, v42  }
0x4aa: {  	v56 =	vld [tilespmem:s17+$0xFFFFFFB0];
	v41 =	vmul.f32 $1.442695020e+00, v41  }
0x4ab: {  	v48 =	vmax.f32 v48, $-5.000000000e+00;
	v43 =	vbroadcast v43, $0xF;
	v40 =	vpop (erf);
	v62 =	vmul.f32 v55, v63;
	(xrf2) =	vadd.scan.msk.f32 $0xffff, v42  }
0x4ac: {  	v61 =	vmin.f32 v48, $5.000000000e+00;
	v57 =	vmul.f32 v40, v60;
	v58 =	vbroadcast v41, $0xF  }
0x4ad: {  	v59, _, _ =	vpop (xrf2);
	(erf) = vpow2.f32 v43;
	v42 =	vmul.f32 $1.442695020e+00, v61  }
0x4ae: {  	v63 =	vld [tilespmem:s9+$0x1E0];
	v60 =	vmul.f32 $2.500000000e-01, v59;
	v46 =	vmul.f32 v54, v46;
	[tilespmem:s16+$0xFFFFFF30] =	vst v57;
	v41 =	vpop (erf)  }
0x4af: {  	v44 =	vmul.f32 v41, v56;
	v56 =	vld [tilespmem:s11+$0xFFFFFF60];
	v55, _, _ =	vpop (xrf2)  }
0x4b0: {  	(erf) = vpow2.f32 v58;
	v54 =	vmax.f32 v60, $-5.000000000e+00;
	(xrf2) =	vadd.scan.msk.f32 $0xffff, v46;
	v46 =	vld [tilespmem:s9+$0xFFFFFE60];
	v58 =	vmul.f32 $2.500000000e-01, v55  }
0x4b1: {  	v47 =	vld [tilespmem:s17+$0xFFFFFEB0];
	v59 =	vbroadcast v42, $0xF;
	v48 =	vmin.f32 v54, $5.000000000e+00  }
0x4b2: {  	v61 =	vld [tilespmem:s17+$0xB0];
	[tilespmem:s18+$0xFFFFFFA0] =	vst v44;
	v48 =	vmul.f32 $1.442695020e+00, v48;
	(xrf2) =	vadd.scan.msk.f32 $0xffff, v62;
	v42 =	vpop (erf);
	v44 =	vmax.f32 v58, $-5.000000000e+00  }
0x4b3: {  	v49 =	vld [tilespmem:s17+$0xFFFFFF40];
	v62 =	vmul.f32 v42, v63;
	v44 =	vmin.f32 v44, $5.000000000e+00  }
0x4b4: {  	(erf) = vpow2.f32 v59;
	v60 =	vld [tilespmem:s19+$0xFFFFFFC0];
	v48 =	vbroadcast v48, $0xF  }
0x4b5: {  	v63 =	vld [tilespmem:s9+$0xFFFFFFD0];
	v46 =	vmul.f32 v56, v46;
	[tilespmem:s16+$0xF0] =	vst v62;
	v58, _, _ =	vpop (xrf2)  }
0x4b6: {  	(erf) = vpow2.f32 v48;
	v57 =	vmul.f32 $1.442695020e+00, v44;
	v54 =	vld [tilespmem:s9+$0x170];
	v44 =	vpop (erf)  }
0x4b7: {  	v51 =	vld [tilespmem:s11+$0xF0];
	v59 =	vmul.f32 $2.500000000e-01, v58;
	(xrf2) =	vadd.scan.msk.f32 $0xffff, v46;
	v47 =	vmul.f32 v44, v47  }
0x4b8: {  	v48 =	vld [tilespmem:s9+$0xD0];
	v53 =	vbroadcast v57, $0xF  }
0x4b9: {  	v49 =	vmul.f32 v60, v49;
	v43 =	vpop (erf);
	v60 =	vmax.f32 v59, $-5.000000000e+00;
	[tilespmem:s18+$0xFFFFFF10] =	vst v47;
	v47 =	vld [tilespmem:s20+$0x190]  }
0x4ba: {  	(erf) = vpow2.f32 v53;
	v52 =	vmul.f32 v43, v61;
	v46 =	vmin.f32 v60, $5.000000000e+00;
	v61, _, _ =	vpop (xrf2);
	v55 =	vld [tilespmem:s17+$0xFFFFFE40]  }
0x4bb: {  	v1 =	vnsel vm0, $0x0, v1;
	(xrf2) =	vadd.scan.msk.f32 $0xffff, v49;
	v62 =	vmul.f32 $2.500000000e-01, v61;
	v46 =	vmul.f32 $1.442695020e+00, v46;
	v60 =	vld [tilespmem:s19+$0xFFFFFF40]  }
0x4bc: {  	v2 =	vnsel vm0, $0x0, v2;
	v50 =	vld [tilespmem:s20+$0xFFFFFF90];
	v53 =	vmul.f32 v38, v63;
	v63, _, _ =	vpop (xrf2);
	v51 =	vmul.f32 v51, v54;
	[tilespmem:s18+$0x30] =	vst v52  }
0x4bd: {  	v45 =	vpop (erf);
	v49 =	vmax.f32 v62, $-5.000000000e+00;
	v61 =	vbroadcast v46, $0xF;
	v62 =	vmul.f32 $2.500000000e-01, v63;
	v54 =	vld [tilespmem:s17+$0x40]  }
0x4be: {  	v6 =	vsel vm1, v1, v6;
	v48 =	vmul.f32 v45, v48;
	[tilespmem:s16+$0xFFFFFFC0] =	vst v53;
	v63 =	vld [tilespmem:s19+$0x40];
	v49 =	vmin.f32 v49, $5.000000000e+00  }
0x4bf: {  	v52 =	vld [tilespmem:s9+$0xFFFFFF60];
	(xrf2) =	vadd.scan.msk.f32 $0xffff, v51;
	v46 =	vpop (erf);
	v49 =	vmul.f32 $1.442695020e+00, v49;
	v57 =	vmax.f32 v62, $-5.000000000e+00;
	(erf) = vpow2.f32 v61  }
0x4c0: {  	v51 =	vld [tilespmem:s11+$0xFFFFFFE0];
	[tilespmem:s16+$0x50] =	vst v48;
	v47 =	vmul.f32 v46, v47;
	v57 =	vmin.f32 v57, $5.000000000e+00;
	v1 =	vmul.f32 v60, v55  }
0x4c1: {  	v2 =	vsel vm1, v2, v5;
	v5 =	vld [tilespmem:s9+$0x60];
	v49 =	vbroadcast v49, $0xF;
	v57 =	vmul.f32 $1.442695020e+00, v57;
	v60, _, _ =	vpop (xrf2)  }
0x4c2: {  	v58 =	vld [tilespmem:s11+$0x60];
	[tilespmem:s23+$0xA0] =	vst v47;
	v48 =	vmul.f32 $2.500000000e-01, v60  }
0x4c3: {  	v4 =	vnsel vm0, $0x0, v4;
	(erf) = vpow2.f32 v49;
	v61 =	vld [tilespmem:s20+$0x120];
	v62 =	vbroadcast v57, $0xF  }
0x4c4: {  	v3 =	vnsel vm0, $0x0, v3;
	v4 =	vsel vm1, v4, v7;
	v53 =	vmul.f32 v63, v54;
	(xrf2) =	vadd.scan.msk.f32 $0xffff, v1;
	v63 =	vld [tilespmem:s22+$0xA0];
	v1 =	vpop (erf)  }
0x4c5: {  	v7 =	vsel vm1, v3, v8;
	v47 =	vld [tilespmem:s20+$0xFFFFFE90];
	v48 =	vmax.f32 v48, $-5.000000000e+00;
	(erf) = vpow2.f32 v62;
	v57, _, _ =	vpop (xrf2)  }
0x4c6: {  	v3 =	vmin.f32 v48, $5.000000000e+00;
	v50 =	vmul.f32 v1, v50;
	v55 =	vmul.f32 $2.500000000e-01, v57  }
0x4c7: {  	v6 =	vsel vm2, v6, v9;
	v9 =	vsel vm2, v2, v10;
	(xrf2) =	vadd.scan.msk.f32 $0xffff, v53  }
0x4c8: {  	v8 =	vmul.f32 v51, v52;
	v60 =	vld [tilespmem:s17+$0x1C0];
	v10 =	vmul.f32 v58, v5;
	[tilespmem:s23+$0xFFFFFF80] =	vst v50;
	v59 =	vmax.f32 v55, $-5.000000000e+00  }
0x4c9: {  	v48 =	vmul.f32 $1.442695020e+00, v3;
	v3 =	vpop (erf);
	v49 =	vmul.f32 v63, v61;
	v61 =	vld [tilespmem:s20+$0xFFFFFF20];
	v50 =	vmin.f32 v59, $5.000000000e+00  }
0x4ca: {  	(xrf2) =	vadd.scan.msk.f32 $0xffff, v8;
	v5, _, _ =	vpop (xrf2);
	v47 =	vmul.f32 v3, v47;
	v2 =	vld [tilespmem:s22+$0xFFFFFFA0];
	v8 =	vmul.f32 $1.442695020e+00, v50  }
0x4cb: {  	v4 =	vsel vm2, v4, v11;
	v11 =	vmul.f32 $2.500000000e-01, v5  }
0x4cc: {  	v62 =	vld [tilespmem:s20+$0x90];
	v48 =	vbroadcast v48, $0xF;
	(xrf2) =	vadd.scan.msk.f32 $0xffff, v49;
	[tilespmem:s23+$0xFFFFFEF0] =	vst v47;
	v8 =	vbroadcast v8, $0xF;
	v5 =	vpop (erf)  }
0x4cd: {  	v12 =	vsel vm2, v7, v12;
	v11 =	vmax.f32 v11, $-5.000000000e+00;
	v47 =	vld [tilespmem:s20+$0xFFFFFE20];
	v7 =	vmul.f32 v5, v60  }
0x4ce: {  	(erf) = vpow2.f32 v48;
	v11 =	vmin.f32 v11, $5.000000000e+00;
	v63 =	vld [tilespmem:s22+$0xFFFFFF20]  }
0x4cf: {  	v17 =	vsel vm3, v6, v17;
	v6 =	vmul.f32 $1.442695020e+00, v11;
	v52 =	vmul.f32 v2, v61;
	v2 =	vpop (erf)  }
0x4d0: {  	v13 =	vnsel vm0, $0x0, v13;
	v14 =	vnsel vm0, $0x0, v14;
	(erf) = vpow2.f32 v8;
	v8, _, _ =	vpop (xrf2)  }
0x4d1: {  	v16 =	vnsel vm0, $0x0, v16;
	v6 =	vbroadcast v6, $0xF;
	[tilespmem:s18+$0xD0] =	vst v7;
	v11 =	vmul.f32 v2, v62;
	v7, _, _ =	vpop (xrf2)  }
0x4d2: {  	v9 =	vsel vm3, v9, v18;
	v53 =	vld [tilespmem:s17+$0x150];
	v8 =	vmul.f32 $2.500000000e-01, v8;
	v7 =	vmul.f32 $2.500000000e-01, v7  }
0x4d3: {  	v21 =	vsel vm3, v4, v21;
	v54 =	vld [tilespmem:s19+$0xD0];
	(xrf2) =	vadd.scan.msk.f32 $0xffff, v52;
	[tilespmem:s23+$0x10] =	vst v11;
	v11 =	vmul.f32 v63, v47  }
0x4d4: {  	v19 =	vsel vm3, v12, v19;
	(xrf2) =	vadd.scan.msk.f32 $0xffff, v10;
	v10 =	vld [tilespmem:s20+$0x20];
	v8 =	vmax.f32 v8, $-5.000000000e+00;
	v7 =	vmax.f32 v7, $-5.000000000e+00  }
0x4d5: {  	(erf) = vpow2.f32 v6;
	v6, _, _ =	vpop (xrf2);
	(xrf2) =	vadd.scan.msk.f32 $0xffff, v11;
	v11 =	vld [tilespmem:s22+$0x20];
	v8 =	vmin.f32 v8, $5.000000000e+00;
	v7 =	vmin.f32 v7, $5.000000000e+00  }
0x4d6: {  	v13 =	vsel vm1, v13, v20;
	v55 =	vld [tilespmem:s17+$0xFFFFFFC0];
	v56, _, _ =	vpop (xrf2);
	v8 =	vmul.f32 $1.442695020e+00, v8;
	v7 =	vmul.f32 $1.442695020e+00, v7  }
0x4d7: {  	v20 =	vsel vm1, v14, v22;
	v18 =	vmul.f32 $2.500000000e-01, v6;
	v4 =	vmul.f32 $2.500000000e-01, v56  }
0x4d8: {  	v22 =	vsel vm1, v16, v24;
	v57 =	vmul.f32 v54, v53;
	v8 =	vbroadcast v8, $0xF  }
0x4d9: {  	v6 =	vpop (erf);
	v18 =	vmax.f32 v18, $-5.000000000e+00;
	v4 =	vmax.f32 v4, $-5.000000000e+00;
	v58 =	vbroadcast v7, $0xF  }
0x4da: {  	s24 =	simm.s32 $0x36A0;
	v10 =	vmul.f32 v11, v10;
	v11 =	vmin.f32 v4, $5.000000000e+00;
	(erf) = vpow2.f32 v8;
	v7 =	vpop (erf)  }
0x4db: {  	v24 =	vld [tilespmem:s24+$0x100];
	v18 =	vmin.f32 v18, $5.000000000e+00;
	v8 =	vmul.f32 $1.442695020e+00, v11;
	v47 =	vmul.f32 v7, v55  }
0x4dc: {  	s7 =	simm.s32 $0x6BA0;
	v17 =	vsel vm4, v17, v25;
	v25 =	vsel vm4, v9, v26;
	v26 =	vld [tilespmem:s24+$0xFFFFFF00];
	(xrf2) =	vadd.scan.msk.f32 $0xffff, v57;
	v18 =	vmul.f32 $1.442695020e+00, v18  }
0x4dd: {  	v29 =	vsel vm4, v21, v29;
	v21 =	vld [tilespmem:s7+$0xFFFFFF80];
	v12, _, _ =	vpop (xrf2);
	(xrf2) =	vadd.scan.msk.f32 $0xffff, v10;
	v8 =	vbroadcast v8, $0xF;
	[tilespmem:s18+$0xFFFFFFB0] =	vst v47  }
0x4de: {  	v10 =	vbroadcast v18, $0xF;
	v12 =	vmul.f32 $2.500000000e-01, v12;
	v18 =	vld [tilespmem:s17+$0xFFFFFF50]  }
0x4df: {  	(erf) = vpow2.f32 v58;
	v16, _, _ =	vpop (xrf2);
	v14 =	vld [tilespmem:s19+$0xFFFFFFD0]  }
0x4e0: {  	(erf) = vpow2.f32 v10;
	v10 =	vmax.f32 v12, $-5.000000000e+00;
	v12 =	vmul.f32 $2.500000000e-01, v16;
	v16 =	vld [tilespmem:s7+$0x80]  }
0x4e1: {  	v15 =	vnsel vm0, $0x0, v15;
	(erf) = vpow2.f32 v8;
	v8, _, _ =	vpop (xrf2);
	v10 =	vmin.f32 v10, $5.000000000e+00  }
0x4e2: {  	v23 =	vsel vm1, v15, v23;
	v8 =	vmul.f32 $2.500000000e-01, v8;
	v10 =	vmul.f32 $1.442695020e+00, v10  }
0x4e3: {  	v13 =	vsel vm2, v13, v27;
	v21 =	vmul.f32 v21, v26;
	v15 =	vmax.f32 v12, $-5.000000000e+00  }
0x4e4: {  	v9 =	vpop (erf);
	v8 =	vmax.f32 v8, $-5.000000000e+00;
	v60 =	vbroadcast v10, $0xF;
	v14 =	vmul.f32 v14, v18  }
0x4e5: {  	v27 =	vld [tilespmem:s24+$0x0];
	v12 =	vpop (erf);
	v8 =	vmin.f32 v8, $5.000000000e+00;
	v18 =	vmin.f32 v15, $5.000000000e+00;
	v16 =	vmul.f32 v16, v24  }
0x4e6: {  	v26 =	vld [tilespmem:s24+$0xFFFFFE00];
	v10, _, _ =	vpop (xrf2);
	v8 =	vmul.f32 $1.442695020e+00, v8;
	v18 =	vmul.f32 $1.442695020e+00, v18  }
0x4e7: {  	v11 =	vld [tilespmem:s17+$0xFFFFFEC0];
	(erf) = vpow2.f32 v60;
	v62 =	vmul.f32 $2.500000000e-01, v10;
	v24, _, _ =	vpop (xrf2)  }
0x4e8: {  	v61 =	vld [tilespmem:s20+$0x1A0];
	v8 =	vbroadcast v8, $0xF;
	v24 =	vmul.f32 $2.500000000e-01, v24  }
0x4e9: {  	v50 =	vsel vm5, v17, v33;
	v63 =	vld [tilespmem:s7+$0xFFFFFF00];
	(xrf2) =	vadd.scan.msk.f32 $0xffff, v14;
	v18 =	vbroadcast v18, $0xF;
	v14 =	vmax.f32 v62, $-5.000000000e+00  }
0x4ea: {  	v59 =	vld [tilespmem:s9+$0xFFFFFEE0];
	v10 =	vpop (erf);
	(xrf2) =	vadd.scan.msk.f32 $0xffff, v16;
	v51 =	vmin.f32 v14, $5.000000000e+00;
	(erf) = vpow2.f32 v8;
	v17 =	vmax.f32 v24, $-5.000000000e+00  }
0x4eb: {  	v16 =	vpop (erf);
	v8 =	vmul.f32 $1.442695020e+00, v51;
	(erf) = vpow2.f32 v18;
	v18 =	vld [tilespmem:s7+$0x0];
	v17 =	vmin.f32 v17, $5.000000000e+00  }
0x4ec: {  	v28 =	vsel vm4, v19, v28;
	v19 =	vld [tilespmem:s20+$0xFFFFFFA0];
	v11 =	vmul.f32 v12, v11;
	v14 =	vpop (erf);
	v24 =	vmul.f32 $1.442695020e+00, v17  }
0x4ed: {  	v20 =	vsel vm2, v20, v30;
	v47 =	vld [tilespmem:s17+$0xC0];
	(xrf2) =	vadd.scan.msk.f32 $0xffff, v21;
	v30 =	vmul.f32 v14, v61;
	v8 =	vbroadcast v8, $0xF  }
0x4ee: {  	v23 =	vsel vm2, v23, v34;
	v52 =	vld [tilespmem:s9+$0x1F0];
	[tilespmem:s18+$0xFFFFFF20] =	vst v11;
	v21 =	vsel vm5, v25, v38;
	v25 =	vmul.f32 v63, v26  }
0x4ef: {  	v34 =	vsel vm3, v20, v41;
	v20 =	vbroadcast v24, $0xF;
	v24 =	vld [tilespmem:s19+$0xFFFFFF50];
	[tilespmem:s23+$0xB0] =	vst v30;
	(erf) = vpow2.f32 v8  }
0x4f0: {  	v22 =	vsel vm2, v22, v32;
	v31 =	vnsel vm0, $0x0, v31;
	(xrf2) =	vadd.scan.msk.f32 $0xffff, v25;
	v17 =	vpop (erf);
	v8 =	vld [tilespmem:s20+$0x130];
	v11 =	vmul.f32 v18, v27  }
0x4f1: {  	v2 =	vsel vm1, v31, v2;
	v26 =	vld [tilespmem:s22+$0xB0];
	v19 =	vmul.f32 v17, v19  }
0x4f2: {  	v53 =	vnsel vm0, $0x0, v36;
	v54 =	vmul.f32 v6, v59;
	v60 =	vmul.f32 v10, v47;
	v30 =	vld [tilespmem:s20+$0xFFFFFEA0]  }
0x4f3: {  	v51 =	vsel vm3, v13, v39;
	v13 =	vnsel vm0, $0x0, v35;
	v25 =	vsel vm3, v22, v44;
	v18 =	vld [tilespmem:s17+$0xFFFFFE50];
	v22, _, _ =	vpop (xrf2)  }
0x4f4: {  	v32 =	vsel vm1, v53, v1;
	[tilespmem:s18+$0x40] =	vst v60;
	(erf) = vpow2.f32 v20;
	v20 =	vld [tilespmem:s17+$0x1D0];
	(xrf2) =	vadd.scan.msk.f32 $0xffff, v11;
	v11, _, _ =	vpop (xrf2)  }
0x4f5: {  	v56 =	vld [tilespmem:s20+$0xA0];
	v55 =	vnsel vm0, $0x0, v37;
	[tilespmem:s23+$0xFFFFFF90] =	vst v19;
	v22 =	vmul.f32 $2.500000000e-01, v22;
	v19 =	vpop (erf);
	v57 =	vmul.f32 $2.500000000e-01, v11  }
0x4f6: {  	v48 =	vld [tilespmem:s19+$0x50];
	v8 =	vmul.f32 v26, v8;
	v26 =	vsel vm3, v23, v43;
	v23 =	vsel vm1, v13, v46;
	v13 =	vpop (erf)  }
0x4f7: {  	v58 =	vld [tilespmem:s22+$0xFFFFFFB0];
	v22 =	vmax.f32 v22, $-5.000000000e+00;
	v11 =	vsel vm5, v28, v45;
	v30 =	vmul.f32 v19, v30;
	v59, _, _ =	vpop (xrf2)  }
0x4f8: {  	v28 =	vld [tilespmem:s20+$0xFFFFFF30];
	v22 =	vmin.f32 v22, $5.000000000e+00;
	v39 =	vmax.f32 v57, $-5.000000000e+00;
	(xrf2) =	vadd.scan.msk.f32 $0xffff, v8;
	v8 =	vmul.f32 v24, v18;
	v18 =	vpop (erf)  }
0x4f9: {  	v46 =	vld [tilespmem:s17+$0x50];
	v24 =	vmul.f32 $2.500000000e-01, v59;
	[tilespmem:s23+$0xFFFFFF00] =	vst v30;
	v39 =	vmin.f32 v39, $5.000000000e+00;
	v20 =	vmul.f32 v18, v20  }
0x4fa: {  	v27 =	vsel vm6, v50, v42;
	v22 =	vmul.f32 $1.442695020e+00, v22;
	v1, _, _ =	vpop (xrf2);
	v61 =	vld [tilespmem:s22+$0xFFFFFF30];
	v39 =	vmul.f32 $1.442695020e+00, v39  }
0x4fb: {  	v44 =	vmul.f32 $2.500000000e-01, v1;
	(xrf2) =	vadd.scan.msk.f32 $0xffff, v8;
	v8 =	vld [tilespmem:s20+$0xFFFFFE30];
	v24 =	vmax.f32 v24, $-5.000000000e+00;
	[tilespmem:s18+$0xE0] =	vst v20  }
0x4fc: {  	v22 =	vbroadcast v22, $0xF;
	v20 =	vmin.f32 v24, $5.000000000e+00;
	v39 =	vbroadcast v39, $0xF;
	v63 =	vld [tilespmem:s17+$0x160]  }
0x4fd: {  	v1 =	vsel vm4, v51, v5;
	v28 =	vmul.f32 v58, v28;
	v62 =	vmul.f32 $1.442695020e+00, v20;
	v45 =	vld [tilespmem:s19+$0xE0]  }
0x4fe: {  	v36 =	vmax.f32 v44, $-5.000000000e+00;
	v33 =	vmul.f32 v48, v46;
	v47, _, _ =	vpop (xrf2);
	(erf) = vpow2.f32 v39  }
0x4ff: {  	v36 =	vmin.f32 v36, $5.000000000e+00;
	(xrf2) =	vadd.scan.msk.f32 $0xffff, v28;
	v35 =	vmul.f32 $2.500000000e-01, v47;
	v20 =	vpop (erf);
	v28 =	vbroadcast v62, $0xF  }
0x500: {  	v4 =	vld [tilespmem:s9+$0xFFFFFFE0];
	v24 =	vsel vm1, v55, v3;
	v3 =	vmul.f32 v9, v52;
	v5 =	vmul.f32 v20, v56  }
0x501: {  	v31 =	vld [tilespmem:s24+$0xFFFFFE80];
	v8 =	vmul.f32 v61, v8;
	v35 =	vmax.f32 v35, $-5.000000000e+00;
	(erf) = vpow2.f32 v28  }
0x502: {  	v51 =	vld [tilespmem:s24+$0x180];
	v28 =	vmul.f32 $1.442695020e+00, v36;
	v35 =	vmin.f32 v35, $5.000000000e+00;
	[tilespmem:s23+$0x20] =	vst v5;
	v50, _, _ =	vpop (xrf2);
	v39 =	vmul.f32 v45, v63  }
0x503: {  	(xrf2) =	vadd.scan.msk.f32 $0xffff, v8;
	v8 =	vmul.f32 $1.442695020e+00, v35;
	v49 =	vld [tilespmem:s20+$0x30];
	v38 =	vmul.f32 $2.500000000e-01, v50  }
0x504: {  	v29 =	vsel vm5, v29, v40;
	[tilespmem:s16+$0xFFFFFF40] =	vst v54;
	(erf) = vpow2.f32 v22;
	v52 =	vld [tilespmem:s22+$0x30];
	v22 =	vbroadcast v28, $0xF  }
0x505: {  	v41 =	vld [tilespmem:s9+$0xFFFFFE70];
	v63 =	vmul.f32 v16, v4;
	v54, _, _ =	vpop (xrf2);
	(xrf2) =	vadd.scan.msk.f32 $0xffff, v39;
	v56 =	vbroadcast v8, $0xF;
	v28 =	vmax.f32 v38, $-5.000000000e+00  }
0x506: {  	v55 =	vld [tilespmem:s24+$0xFFFFFF80];
	(erf) = vpow2.f32 v22;
	v8 =	vmin.f32 v28, $5.000000000e+00;
	v28 =	vmul.f32 $2.500000000e-01, v54  }
0x507: {  	v53 =	vld [tilespmem:s17+$0xFFFFFFD0];
	v22 =	vsel vm4, v34, v7;
	v37 =	vpop (erf);
	v57 =	vmul.f32 $1.442695020e+00, v8;
	v8 =	vsel vm6, v29, v6  }
0x508: {  	v15 =	vld [tilespmem:s9+$0xE0];
	[tilespmem:s16+$0xFFFFFFD0] =	vst v63;
	(erf) = vpow2.f32 v56;
	v6 =	vmul.f32 v37, v51;
	v28 =	vmax.f32 v28, $-5.000000000e+00  }
0x509: {  	s26 =	simm.s32 $0x8080;
	v30 =	vld [tilespmem:s11+$0xFFFFFF70];
	(xrf2) =	vadd.scan.msk.f32 $0xffff, v33;
	v7, _, _ =	vpop (xrf2);
	v59 =	vmul.f32 v52, v49;
	v60 =	vbroadcast v57, $0xF;
	v28 =	vmin.f32 v28, $5.000000000e+00  }
0x50a: {  	v50 =	vld [tilespmem:s11+$0xFFFFFFF0];
	[tilespmem:s26+$0x90] =	vst v6;
	v61 =	vpop (erf);
	v6 =	vmul.f32 $2.500000000e-01, v7;
	v7 =	vsel vm4, v25, v12;
	v12 =	vmul.f32 $1.442695020e+00, v28  }
0x50b: {  	(xrf2) =	vadd.scan.msk.f32 $0xffff, v59;
	v38 =	vmul.f32 v61, v55;
	v62 =	vld [tilespmem:s24+$0x110];
	(erf) = vpow2.f32 v60  }
0x50c: {  	v28 =	vld [tilespmem:s7+$0x90]  }
0x50d: {  	v15 =	vmul.f32 v13, v15;
	v29 =	vld [tilespmem:s24+$0x80];
	v6 =	vmax.f32 v6, $-5.000000000e+00;
	v12 =	vbroadcast v12, $0xF;
	[tilespmem:s26+$0xFFFFFF70] =	vst v38  }
0x50e: {  	v30 =	vmul.f32 v30, v41;
	v44, _, _ =	vpop (xrf2);
	v45 =	vmin.f32 v6, $5.000000000e+00;
	v6 =	vsel vm4, v26, v10;
	v46 =	vld [tilespmem:s24+$0xFFFFFF10]  }
0x50f: {  	v26 =	vmul.f32 $2.500000000e-01, v44;
	v10 =	vsel vm6, v21, v16;
	v35 =	vmul.f32 $1.442695020e+00, v45;
	v47 =	vld [tilespmem:s7+$0xFFFFFF90];
	v48, _, _ =	vpop (xrf2)  }
0x510: {  	v4 =	vpop (erf);
	v21 =	vsel vm2, v23, v14;
	v23 =	vld [tilespmem:s9+$0xFFFFFF70];
	(erf) = vpow2.f32 v12;
	v49 =	vmul.f32 $2.500000000e-01, v48  }
0x511: {  	v9 =	vsel vm7, v27, v9;
	(xrf2) =	vadd.scan.msk.f32 $0xffff, v30;
	v16 =	vld [tilespmem:s20+$0x1B0];
	v12 =	vpop (erf);
	v30 =	vbroadcast v35, $0xF;
	v28 =	vmul.f32 v28, v62  }
0x512: {  	[tilespmem:s16+$0x60] =	vst v15;
	v25 =	vmul.f32 v4, v53;
	v15 =	vmax.f32 v26, $-5.000000000e+00;
	v26 =	vmul.f32 v12, v31;
	v14 =	vpop (erf)  }
0x513: {  	v58 =	vld [tilespmem:s20+$0xFFFFFFB0];
	v52, _, _ =	vpop (xrf2);
	v31 =	vmax.f32 v49, $-5.000000000e+00;
	v29 =	vmul.f32 v14, v29;
	(xrf2) =	vadd.scan.msk.f32 $0xffff, v28;
	(erf) = vpow2.f32 v30  }
0x514: {  	v27 =	vld [tilespmem:s17+$0xFFFFFED0];
	v28 =	vmin.f32 v31, $5.000000000e+00;
	v31 =	vmin.f32 v15, $5.000000000e+00;
	[tilespmem:s26+$0xFFFFFEE0] =	vst v26;
	v26 =	vmul.f32 v47, v46;
	v38 =	vpop (erf)  }
0x515: {  	v15 =	vsel vm2, v32, v17;
	v23 =	vmul.f32 v50, v23;
	v28 =	vmul.f32 $1.442695020e+00, v28;
	v53 =	vld [tilespmem:s24+$0xFFFFFE10];
	v17, _, _ =	vpop (xrf2)  }
0x516: {  	[tilespmem:s26+$0x0] =	vst v29;
	v29 =	vld [tilespmem:s7+$0xFFFFFF10];
	v16 =	vmul.f32 v38, v16;
	(xrf2) =	vadd.scan.msk.f32 $0xffff, v26;
	v26 =	vmul.f32 $2.500000000e-01, v17  }
0x517: {  	v51 =	vld [tilespmem:s9+$0x70];
	v31 =	vmul.f32 $1.442695020e+00, v31;
	v28 =	vbroadcast v28, $0xF  }
0x518: {  	v30 =	vld [tilespmem:s11+$0x70];
	v17 =	vsel vm2, v24, v19;
	[tilespmem:s23+$0xC0] =	vst v16;
	v16 =	vmul.f32 $2.500000000e-01, v52;
	v26 =	vmax.f32 v26, $-5.000000000e+00  }
0x519: {  	v19 =	vbroadcast v31, $0xF;
	(xrf2) =	vadd.scan.msk.f32 $0xffff, v23;
	(erf) = vpow2.f32 v28;
	v31 =	vld [tilespmem:s20+$0x140];
	v26 =	vmin.f32 v26, $5.000000000e+00  }
0x51a: {  	v23 =	vsel vm5, v1, v18;
	v54 =	vld [tilespmem:s22+$0xC0];
	v16 =	vmax.f32 v16, $-5.000000000e+00;
	v26 =	vmul.f32 $1.442695020e+00, v26  }
0x51b: {  	v24 =	vld [tilespmem:s24+$0x10];
	(erf) = vpow2.f32 v19;
	v18 =	vmul.f32 v29, v53;
	v16 =	vmin.f32 v16, $5.000000000e+00  }
0x51c: {  	v55 =	vld [tilespmem:s7+$0x10];
	v28 =	vpop (erf);
	v29 =	vmul.f32 $1.442695020e+00, v16  }
0x51d: {  	v56, _, _ =	vpop (xrf2);
	v1 =	vsel vm6, v11, v13;
	v19 =	vmul.f32 v28, v27;
	v13 =	vbroadcast v26, $0xF  }
0x51e: {  	v57 =	vld [tilespmem:s17+$0x1E0];
	v16 =	vmul.f32 v30, v51;
	v26 =	vpop (erf);
	v29 =	vbroadcast v29, $0xF  }
0x51f: {  	v36 =	vld [tilespmem:s20+$0xFFFFFEB0];
	(xrf2) =	vadd.scan.msk.f32 $0xffff, v18;
	[tilespmem:s18+$0xFFFFFF30] =	vst v19;
	v18, _, _ =	vpop (xrf2);
	v31 =	vmul.f32 v54, v31;
	(erf) = vpow2.f32 v13  }
0x520: {  	v20 =	vsel vm2, v2, v20;
	v59 =	vld [tilespmem:s19+$0xFFFFFF60];
	v30 =	vmul.f32 v26, v58;
	v2 =	vmul.f32 $2.500000000e-01, v18  }
0x521: {  	v24 =	vmul.f32 v55, v24;
	v58 =	vld [tilespmem:s17+$0xFFFFFE60];
	v13, _, _ =	vpop (xrf2);
	(xrf2) =	vadd.scan.msk.f32 $0xffff, v31;
	(erf) = vpow2.f32 v29  }
0x522: {  	v29 =	vmul.f32 $2.500000000e-01, v56;
	[tilespmem:s23+$0xFFFFFFA0] =	vst v30;
	v2 =	vmax.f32 v2, $-5.000000000e+00;
	v31 =	vmul.f32 $2.500000000e-01, v13;
	v60 =	vpop (erf)  }
0x523: {  	v13 =	vnsel vm0, $0x0, v61;
	v45, _, _ =	vpop (xrf2);
	v30 =	vld [tilespmem:s20+$0xFFFFFF40];
	v2 =	vmin.f32 v2, $5.000000000e+00;
	v32 =	vmul.f32 v60, v57  }
0x524: {  	v61 =	vld [tilespmem:s22+$0xFFFFFFC0];
	v63 =	vpop (erf);
	v29 =	vmax.f32 v29, $-5.000000000e+00;
	v46 =	vmul.f32 $2.500000000e-01, v45;
	v62 =	vmul.f32 $1.442695020e+00, v2  }
0x525: {  	v5 =	vld [tilespmem:s9+$0xFFFFFEF0];
	(xrf2) =	vadd.scan.msk.f32 $0xffff, v24;
	v31 =	vmax.f32 v31, $-5.000000000e+00;
	v24 =	vmul.f32 v63, v36;
	v29 =	vmin.f32 v29, $5.000000000e+00  }
0x526: {  	[tilespmem:s18+$0xFFFFFFC0] =	vst v25;
	v11 =	vld [tilespmem:s20+$0xB0];
	v33 =	vmul.f32 v59, v58;
	v31 =	vmin.f32 v31, $5.000000000e+00;
	v25 =	vmax.f32 v46, $-5.000000000e+00  }
0x527: {  	v44 =	vld [tilespmem:s24+$0xFFFFFF90];
	[tilespmem:s18+$0xF0] =	vst v32;
	v39 =	vbroadcast v62, $0xF;
	v31 =	vmul.f32 $1.442695020e+00, v31;
	v25 =	vmin.f32 v25, $5.000000000e+00  }
0x528: {  	v47 =	vld [tilespmem:s17+$0x170];
	[tilespmem:s23+$0xFFFFFF10] =	vst v24;
	v24 =	vmul.f32 $1.442695020e+00, v29;
	v25 =	vmul.f32 $1.442695020e+00, v25  }
0x529: {  	v4 =	vsel vm5, v22, v4;
	v29 =	vld [tilespmem:s19+$0xF0];
	v22, _, _ =	vpop (xrf2);
	(erf) = vpow2.f32 v39;
	v30 =	vmul.f32 v61, v30  }
0x52a: {  	v27 =	vld [tilespmem:s17+$0xD0];
	(xrf2) =	vadd.scan.msk.f32 $0xffff, v33;
	v31 =	vbroadcast v31, $0xF;
	v22 =	vmul.f32 $2.500000000e-01, v22;
	v50 =	vpop (erf)  }
0x52b: {  	v48 =	vld [tilespmem:s20+$0xFFFFFE40];
	v24 =	vbroadcast v24, $0xF;
	v11 =	vmul.f32 v50, v11  }
0x52c: {  	v21 =	vsel vm3, v21, v38;
	v49 =	vld [tilespmem:s22+$0xFFFFFF40];
	(erf) = vpow2.f32 v31;
	v22 =	vmax.f32 v22, $-5.000000000e+00  }
0x52d: {  	v38 =	vld [tilespmem:s24+$0x90];
	v25 =	vbroadcast v25, $0xF;
	(xrf2) =	vadd.scan.msk.f32 $0xffff, v30;
	[tilespmem:s23+$0x30] =	vst v11;
	v11 =	vmin.f32 v22, $5.000000000e+00  }
0x52e: {  	v22 =	vmul.f32 v29, v47;
	v29 =	vld [tilespmem:s24+$0x190];
	v30, _, _ =	vpop (xrf2);
	v11 =	vmul.f32 $1.442695020e+00, v11  }
0x52f: {  	v52 =	vld [tilespmem:s19+$0xFFFFFFE0];
	(erf) = vpow2.f32 v24;
	v30 =	vmul.f32 $2.500000000e-01, v30;
	v24, _, _ =	vpop (xrf2)  }
0x530: {  	v28 =	vsel vm5, v7, v28;
	v31 =	vpop (erf);
	v53 =	vld [tilespmem:s20+$0x40];
	v11 =	vbroadcast v11, $0xF;
	v24 =	vmul.f32 $2.500000000e-01, v24  }
0x531: {  	v32 =	vmul.f32 v49, v48;
	v54 =	vld [tilespmem:s22+$0x40];
	v27 =	vmul.f32 v31, v27;
	(xrf2) =	vadd.scan.msk.f32 $0xffff, v22;
	v30 =	vmax.f32 v30, $-5.000000000e+00  }
0x532: {  	v51 =	vld [tilespmem:s17+$0xFFFFFF60];
	(erf) = vpow2.f32 v25;
	v30 =	vmin.f32 v30, $5.000000000e+00;
	v24 =	vmax.f32 v24, $-5.000000000e+00;
	v25 =	vpop (erf)  }
0x533: {  	v18 =	vld [tilespmem:s9+$0xFFFFFFF0];
	[tilespmem:s18+$0x50] =	vst v27;
	v7 =	vmul.f32 $1.442695020e+00, v30;
	v24 =	vmin.f32 v24, $5.000000000e+00;
	v29 =	vmul.f32 v25, v29  }
0x534: {  	(xrf2) =	vadd.scan.msk.f32 $0xffff, v32;
	v32 =	vnsel vm0, $0x0, v12;
	v12 =	vld [tilespmem:s19+$0x60];
	(erf) = vpow2.f32 v11;
	v11, _, _ =	vpop (xrf2);
	v24 =	vmul.f32 $1.442695020e+00, v24  }
0x535: {  	v26 =	vsel vm3, v15, v26;
	v30 =	vld [tilespmem:s17+$0x60];
	v7 =	vbroadcast v7, $0xF;
	v11 =	vmul.f32 $2.500000000e-01, v11;
	v55 =	vpop (erf);
	[tilespmem:s26+$0xA0] =	vst v29  }
0x536: {  	v35 =	vsel vm6, v23, v60;
	v29 =	vmul.f32 v54, v53;
	v15 =	vmul.f32 v55, v44;
	v57 =	vld [tilespmem:s24+$0x120]  }
0x537: {  	v58, _, _ =	vpop (xrf2);
	v24 =	vbroadcast v24, $0xF;
	(erf) = vpow2.f32 v7;
	v11 =	vmax.f32 v11, $-5.000000000e+00;
	v59 =	vld [tilespmem:s7+$0xA0]  }
0x538: {  	v2 =	vld [tilespmem:s9+$0xF0];
	v7 =	vsel vm3, v17, v63;
	v17 =	vmul.f32 $2.500000000e-01, v58;
	v11 =	vmin.f32 v11, $5.000000000e+00  }
0x539: {  	v22 =	vld [tilespmem:s24+$0xFFFFFE90];
	v60 =	vpop (erf);
	(xrf2) =	vadd.scan.msk.f32 $0xffff, v29;
	[tilespmem:s26+$0xFFFFFF80] =	vst v15;
	(erf) = vpow2.f32 v24;
	v15 =	vmul.f32 $1.442695020e+00, v11  }
0x53a: {  	v56 =	vmul.f32 v52, v51;
	v6 =	vsel vm5, v6, v31;
	v61 =	vld [tilespmem:s24+$0xFFFFFF20];
	v11 =	vsel vm3, v20, v50  }
0x53b: {  	v20 =	vmul.f32 v12, v30;
	v12 =	vmax.f32 v17, $-5.000000000e+00;
	v24 =	vld [tilespmem:s7+$0xFFFFFFA0];
	v23, _, _ =	vpop (xrf2);
	v15 =	vbroadcast v15, $0xF  }
0x53c: {  	v31 =	vld [tilespmem:s20+$0x1C0];
	v30 =	vpop (erf);
	(xrf2) =	vadd.scan.msk.f32 $0xffff, v56;
	v12 =	vmin.f32 v12, $5.000000000e+00;
	v62 =	vmul.f32 $2.500000000e-01, v23;
	v36 =	vmul.f32 v59, v57  }
0x53d: {  	v27 =	vld [tilespmem:s17+$0xFFFFFEE0];
	v12 =	vmul.f32 $1.442695020e+00, v12;
	v63 =	vpop (erf)  }
0x53e: {  	v29 =	vld [tilespmem:s20+$0xFFFFFFC0];
	v34 =	vmax.f32 v62, $-5.000000000e+00;
	(erf) = vpow2.f32 v15;
	v45 =	vmul.f32 v63, v22;
	(xrf2) =	vadd.scan.msk.f32 $0xffff, v36  }
0x53f: {  	v19 =	vnsel vm0, $0x0, v37;
	v17 =	vld [tilespmem:s17+$0xFFFFFFE0];
	v46 =	vbroadcast v12, $0xF;
	v34 =	vmin.f32 v34, $5.000000000e+00;
	v15, _, _ =	vpop (xrf2)  }
0x540: {  	v23 =	vld [tilespmem:s20+$0xFFFFFEC0];
	v12 =	vsel vm1, v19, v25;
	v19 =	vmul.f32 v24, v61;
	[tilespmem:s26+$0xFFFFFEF0] =	vst v45;
	v47 =	vmul.f32 $2.500000000e-01, v15  }
0x541: {  	[tilespmem:s16+$0x110] =	vst v9;
	v54 =	vnsel vm0, $0x0, v14;
	v25 =	vmul.f32 $1.442695020e+00, v34;
	v48 =	vpop (erf);
	(erf) = vpow2.f32 v46;
	v50 =	vld [tilespmem:s24+$0xFFFFFE20]  }
0x542: {  	[tilespmem:s16+$0x100] =	vst v3;
	v5 =	vmul.f32 v60, v5;
	v53 =	vld [tilespmem:s7+$0xFFFFFF20];
	v31 =	vmul.f32 v48, v31;
	v9 =	vpop (erf);
	v49 =	vmax.f32 v47, $-5.000000000e+00  }
0x543: {  	v22 =	vld [tilespmem:s20+$0xC0];
	(xrf2) =	vadd.scan.msk.f32 $0xffff, v19;
	v52 =	vbroadcast v25, $0xF;
	v51, _, _ =	vpop (xrf2);
	v14 =	vmul.f32 v9, v38;
	v19 =	vmin.f32 v49, $5.000000000e+00  }
0x544: {  	v13 =	vsel vm1, v13, v55;
	v24 =	vld [tilespmem:s24+$0xFFFFFFA0];
	v40 =	vmul.f32 $2.500000000e-01, v51;
	[tilespmem:s23+$0xD0] =	vst v31;
	v19 =	vmul.f32 $1.442695020e+00, v19  }
0x545: {  	v8 =	vsel vm7, v8, v60;
	v18 =	vmul.f32 v30, v18;
	(erf) = vpow2.f32 v52;
	(xrf2) =	vadd.scan.msk.f32 $0xffff, v20;
	v31 =	vld [tilespmem:s20+$0x150]  }
0x546: {  	v20 =	vsel vm7, v10, v30;
	v56, _, _ =	vpop (xrf2);
	v30 =	vld [tilespmem:s22+$0xD0];
	[tilespmem:s26+$0x10] =	vst v14;
	v55 =	vmax.f32 v40, $-5.000000000e+00;
	v19 =	vbroadcast v19, $0xF  }
0x547: {  	[tilespmem:s16+$0xFFFFFFE0] =	vst v18;
	v57 =	vmul.f32 $2.500000000e-01, v56;
	v58 =	vld [tilespmem:s24+$0x20];
	v18 =	vmul.f32 v53, v50;
	v14 =	vmin.f32 v55, $5.000000000e+00;
	v3 =	vpop (erf)  }
0x548: {  	[tilespmem:s16+$0xFFFFFF50] =	vst v5;
	v5 =	vld [tilespmem:s7+$0x20];
	v38 =	vmul.f32 $1.442695020e+00, v14;
	v14 =	vsel vm4, v21, v48;
	(erf) = vpow2.f32 v19;
	v21, _, _ =	vpop (xrf2)  }
0x549: {  	[tilespmem:s16+$0xFFFFFF60] =	vst v8;
	v15 =	vld [tilespmem:s17+$0xE0];
	v19 =	vmul.f32 v3, v27;
	v21 =	vmul.f32 $2.500000000e-01, v21  }
0x54a: {  	v25 =	vld [tilespmem:s24+$0xFFFFFEA0];
	v10 =	vsel vm1, v32, v63;
	v32 =	vmax.f32 v57, $-5.000000000e+00;
	(xrf2) =	vadd.scan.msk.f32 $0xffff, v18;
	v59 =	vbroadcast v38, $0xF;
	v60 =	vpop (erf)  }
0x54b: {  	v8 =	vmin.f32 v32, $5.000000000e+00;
	v27 =	vld [tilespmem:s17+$0x1F0];
	[tilespmem:s18+$0xFFFFFF40] =	vst v19;
	v19 =	vmul.f32 v30, v31;
	v29 =	vmul.f32 v60, v29  }
0x54c: {  	[tilespmem:s16+$0xFFFFFFF0] =	vst v20;
	v3 =	vsel vm6, v28, v3;
	v28 =	vld [tilespmem:s24+$0xA0];
	(erf) = vpow2.f32 v59;
	v20 =	vmax.f32 v21, $-5.000000000e+00  }
0x54d: {  	v32 =	vmul.f32 $1.442695020e+00, v8;
	v61 =	vmul.f32 v5, v58;
	v30 =	vld [tilespmem:s17+$0xFFFFFE70];
	v20 =	vmin.f32 v20, $5.000000000e+00;
	v21, _, _ =	vpop (xrf2);
	(xrf2) =	vadd.scan.msk.f32 $0xffff, v19  }
0x54e: {  	v31 =	vld [tilespmem:s19+$0xFFFFFF70];
	[tilespmem:s23+$0xFFFFFFB0] =	vst v29;
	v18 =	vmul.f32 $1.442695020e+00, v20;
	v21 =	vmul.f32 $2.500000000e-01, v21  }
0x54f: {  	v8 =	vsel vm4, v26, v60;
	v62 =	vbroadcast v32, $0xF;
	v26 =	vld [tilespmem:s20+$0xFFFFFF50];
	v29 =	vpop (erf)  }
0x550: {  	s14 =	simm.s32 $0x6BA0;
	v63, _, _ =	vpop (xrf2);
	(xrf2) =	vadd.scan.msk.f32 $0xffff, v61;
	v20 =	vmul.f32 v29, v27;
	v19 =	vsel vm7, v35, v29;
	v29 =	vld [tilespmem:s22+$0xFFFFFFD0];
	v21 =	vmax.f32 v21, $-5.000000000e+00  }
0x551: {  	s25 =	simm.s32 $0x8080;
	v5 =	vld [tilespmem:s17+$0xFFFFFEF0];
	v32 =	vmul.f32 $2.500000000e-01, v63;
	[tilespmem:s18+$0x110] =	vst v19;
	v19 =	vbroadcast v18, $0xF;
	v21 =	vmin.f32 v21, $5.000000000e+00  }
0x552: {  	s1 =	simm.s32 $0x3AA0;
	s9 =	simm.s32 $0xC;
	v9 =	vsel vm1, v54, v9;
	v27 =	vld [tilespmem:s20+$0xFFFFFFD0];
	[tilespmem:s18+$0x100] =	vst v20;
	v18 =	vpop (erf);
	(erf) = vpow2.f32 v62;
	v33 =	vmul.f32 $1.442695020e+00, v21  }
.LBB2_7:
0x553: {  	v20 =	vld [tilespmem:s1+$0x100];
	s7 =	sadd.s32 $0x200, s7;
	(erf) = vpow2.f32 v19;
	v34 =	vmul.f32 v18, v23;
	v21 =	vmax.f32 v32, $-5.000000000e+00;
	(xrf2) =	vadd.scan.msk.f32 $0xffff, v16  }
0x554: {  	v16 =	vmul.f32 v31, v30;
	v23 =	vld [tilespmem:s7+$0x80];
	v32 =	vbroadcast v33, $0xF;
	v33, _, _ =	vpop (xrf2);
	v21 =	vmin.f32 v21, $5.000000000e+00  }
0x555: {  	v7 =	vsel vm4, v7, v18;
	v30 =	vld [tilespmem:s7+$0xFFFFFF00];
	v31 =	vmul.f32 $2.500000000e-01, v33;
	[tilespmem:s23+$0xFFFFFF20] =	vst v34;
	v33 =	vmul.f32 v29, v26;
	v19 =	vpop (erf)  }
0x556: {  	v26 =	vld [tilespmem:s1+$0xFFFFFF00];
	(erf) = vpow2.f32 v32;
	v22 =	vmul.f32 v19, v22;
	v19 =	vsel vm4, v11, v19  }
0x557: {  	v21 =	vmul.f32 $1.442695020e+00, v21;
	v11 =	vld [tilespmem:s7+$0xFFFFFF80];
	v29 =	vmax.f32 v31, $-5.000000000e+00;
	(xrf2) =	vadd.scan.msk.f32 $0xffff, v33;
	v18, _, _ =	vpop (xrf2)  }
0x558: {  	v29 =	vmin.f32 v29, $5.000000000e+00;
	v31 =	vld [tilespmem:s24+$0x1A0];
	[tilespmem:s23+$0x40] =	vst v22;
	v18 =	vmul.f32 $2.500000000e-01, v18  }
0x559: {  	v22 =	vld [tilespmem:s1+$0x0];
	v20 =	vmul.f32 v23, v20;
	v23 =	vmul.f32 $1.442695020e+00, v29  }
0x55a: {  	v21 =	vbroadcast v21, $0xF;
	v29 =	vld [tilespmem:s7+$0x0];
	v32, _, _ =	vpop (xrf2);
	v18 =	vmax.f32 v18, $-5.000000000e+00  }
0x55b: {  	s9 =	sadd.s32 $0x4, s9;
	v33 =	vld [tilespmem:s1+$0xFFFFFE00];
	(xrf2) =	vadd.scan.msk.f32 $0xffff, v20;
	v37 =	vbroadcast v23, $0xF;
	v32 =	vmul.f32 $2.500000000e-01, v32;
	v18 =	vmin.f32 v18, $5.000000000e+00;
	v34 =	vpop (erf)  }
0x55c: {  	p0 =	slt.u32 s9, $0x24;
	v23 =	vld [tilespmem:s1+$0xFFFFFE80];
	v11 =	vmul.f32 v11, v26;
	v35 =	vpop (erf);
	v36 =	vmul.f32 $1.442695020e+00, v18;
	v18 =	vsel vm6, v4, v34  }
0x55d: {  	v4 =	vld [tilespmem:s1+$0xFFFFFF80];
	v32 =	vmax.f32 v32, $-5.000000000e+00;
	v31 =	vmul.f32 v35, v31;
	(erf) = vpow2.f32 v37;
	v20, _, _ =	vpop (xrf2)  }
0x55e: {  	v26 =	vld [tilespmem:s1+$0x80];
	(xrf2) =	vadd.scan.msk.f32 $0xffff, v11;
	v11 =	vmin.f32 v32, $5.000000000e+00;
	v36 =	vbroadcast v36, $0xF;
	(erf) = vpow2.f32 v21  }
0x55f: {  	v21 =	vsel vm2, v12, v35;
	v22 =	vmul.f32 v29, v22;
	v11 =	vmul.f32 $1.442695020e+00, v11;
	[tilespmem:s26+$0xB0] =	vst v31;
	v29 =	vpop (erf);
	v31 =	vld [tilespmem:s20+$0xFFFFFE50]  }
0x560: {  	v30 =	vmul.f32 v30, v33;
	v12 =	vsel vm2, v13, v29;
	v13 =	vld [tilespmem:s24+$0x130];
	(erf) = vpow2.f32 v36  }
0x561: {  	v24 =	vmul.f32 v29, v24;
	v11 =	vbroadcast v11, $0xF;
	v29 =	vld [tilespmem:s14+$0xB0];
	v32, _, _ =	vpop (xrf2)  }
0x562: {  	v34 =	vmul.f32 v34, v17;
	(xrf2) =	vadd.scan.msk.f32 $0xffff, v30;
	v30 =	vld [tilespmem:s22+$0xFFFFFF50];
	v32 =	vmul.f32 $2.500000000e-01, v32  }
0x563: {  	v20 =	vmul.f32 $2.500000000e-01, v20;
	[tilespmem:s26+$0xFFFFFF90] =	vst v24;
	v24 =	vld [tilespmem:s20+$0x50]  }
0x564: {  	v33 =	vld [tilespmem:s24+$0xFFFFFF30];
	(erf) = vpow2.f32 v11;
	v11 =	vmax.f32 v32, $-5.000000000e+00;
	[tilespmem:s18+$0xFFFFFFD0] =	vst v34  }
0x565: {  	v20 =	vmax.f32 v20, $-5.000000000e+00;
	(xrf2) =	vadd.scan.msk.f32 $0xffff, v22;
	v17, _, _ =	vpop (xrf2);
	v11 =	vmin.f32 v11, $5.000000000e+00;
	v22 =	vld [tilespmem:s20+$0x1D0]  }
0x566: {  	v20 =	vmin.f32 v20, $5.000000000e+00;
	v35 =	vmul.f32 $2.500000000e-01, v17;
	v34 =	vld [tilespmem:s14+$0xFFFFFFB0];
	v13 =	vmul.f32 v29, v13;
	v17 =	vpop (erf)  }
0x567: {  	v36 =	vmul.f32 v17, v25;
	v10 =	vsel vm2, v10, v17;
	v17 =	vld [tilespmem:s24+$0xFFFFFFB0];
	v30 =	vmul.f32 v30, v31;
	v31 =	vpop (erf)  }
0x568: {  	v29 =	vmax.f32 v35, $-5.000000000e+00;
	v32, _, _ =	vpop (xrf2);
	(xrf2) =	vadd.scan.msk.f32 $0xffff, v13;
	v13 =	vmul.f32 $1.442695020e+00, v11;
	v35 =	vld [tilespmem:s22+$0x50];
	v15 =	vmul.f32 v31, v15  }
0x569: {  	v20 =	vmul.f32 $1.442695020e+00, v20;
	v32 =	vmul.f32 $2.500000000e-01, v32;
	v11 =	vmin.f32 v29, $5.000000000e+00;
	[tilespmem:s26+$0xFFFFFF00] =	vst v36;
	v29 =	vld [tilespmem:s20+$0xFFFFFED0];
	v25 =	vpop (erf)  }
0x56a: {  	v36 =	vmul.f32 $1.442695020e+00, v11;
	v37 =	vld [tilespmem:s24+$0xFFFFFE30];
	v22 =	vmul.f32 v25, v22;
	v11 =	vsel vm5, v14, v25;
	[tilespmem:s18+$0x60] =	vst v15  }
0x56b: {  	v14 =	vmax.f32 v32, $-5.000000000e+00;
	v25 =	vld [tilespmem:s14+$0xFFFFFF30];
	v32 =	vmul.f32 v34, v33;
	v33 =	vbroadcast v13, $0xF;
	(xrf2) =	vadd.scan.msk.f32 $0xffff, v30  }
0x56c: {  	v20 =	vbroadcast v20, $0xF;
	v13 =	vmin.f32 v14, $5.000000000e+00;
	v14 =	vbroadcast v36, $0xF;
	v30, _, _ =	vpop (xrf2);
	v15 =	vld [tilespmem:s24+$0xFFFFFEB0];
	[tilespmem:s23+$0xE0] =	vst v22  }
0x56d: {  	v22 =	vmul.f32 $2.500000000e-01, v30;
	v13 =	vmul.f32 $1.442695020e+00, v13;
	v34 =	vpop (erf);
	v36 =	vld [tilespmem:s20+$0x160];
	v30 =	vsel vm6, v6, v31  }
0x56e: {  	(erf) = vpow2.f32 v14;
	v14 =	vmul.f32 v34, v28;
	v6 =	vsel vm2, v9, v34;
	(xrf2) =	vadd.scan.msk.f32 $0xffff, v32;
	v9 =	vld [tilespmem:s22+$0xE0]  }
0x56f: {  	v24 =	vmul.f32 v35, v24;
	v22 =	vmax.f32 v22, $-5.000000000e+00;
	v28 =	vbroadcast v13, $0xF;
	v31, _, _ =	vpop (xrf2);
	v13 =	vld [tilespmem:s20+$0xD0]  }
0x570: {  	v22 =	vmin.f32 v22, $5.000000000e+00;
	v31 =	vmul.f32 $2.500000000e-01, v31;
	v34 =	vmul.f32 v25, v37;
	[tilespmem:s26+$0x20] =	vst v14;
	v14 =	vld [tilespmem:s17+$0xFFFFFF70]  }
0x571: {  	v22 =	vmul.f32 $1.442695020e+00, v22;
	(erf) = vpow2.f32 v28;
	v28 =	vld [tilespmem:s24+$0x30]  }
0x572: {  	v31 =	vmax.f32 v31, $-5.000000000e+00;
	v32 =	vld [tilespmem:s14+$0x30];
	(xrf2) =	vadd.scan.msk.f32 $0xffff, v34;
	v25, _, _ =	vpop (xrf2);
	(erf) = vpow2.f32 v33  }
0x573: {  	v31 =	vmin.f32 v31, $5.000000000e+00;
	v33 =	vld [tilespmem:s1+$0x180];
	v25 =	vmul.f32 $2.500000000e-01, v25;
	v9 =	vmul.f32 v9, v36  }
0x574: {  	v37 =	vbroadcast v22, $0xF;
	v31 =	vmul.f32 $1.442695020e+00, v31;
	v22 =	vld [tilespmem:s24+$0xB0]  }
0x575: {  	v25 =	vmax.f32 v25, $-5.000000000e+00;
	v35, _, _ =	vpop (xrf2);
	(xrf2) =	vadd.scan.msk.f32 $0xffff, v9;
	v36 =	vld [tilespmem:s19+$0xFFFFFFF0];
	(erf) = vpow2.f32 v20  }
0x576: {  	v9 =	vbroadcast v31, $0xF;
	v20 =	vmin.f32 v25, $5.000000000e+00;
	v25 =	vmul.f32 $2.500000000e-01, v35;
	v31 =	vld [tilespmem:s17+$0x70]  }
0x577: {  	(erf) = vpow2.f32 v37;
	v34 =	vpop (erf);
	v20 =	vmul.f32 $1.442695020e+00, v20;
	v35 =	vld [tilespmem:s19+$0x70];
	s19 =	smov.u32 s22;
	s22 =	smov.u32 s14;
	s14 =	smov.u32 s7  }
0x578: {  	v33 =	vmul.f32 v34, v33;
	(erf) = vpow2.f32 v9;
	v37, _, _ =	vpop (xrf2);
	v39 =	vmax.f32 v25, $-5.000000000e+00;
	(xrf2) =	vadd.scan.msk.f32 $0xffff, v24;
	v9 =	vld [tilespmem:s17+$0xFFFFFFF0]  }
0x579: {  	s26 =	sadd.s32 $0x240, s26;
	v28 =	vmul.f32 v32, v28;
	v32 =	vbroadcast v20, $0xF;
	v20 =	vmin.f32 v39, $5.000000000e+00;
	v38 =	vld [tilespmem:s17+$0xF0];
	s17 =	smov.u32 s20;
	s20 =	smov.u32 s24  }
0x57a: {  	v24 =	vnsel vm0, $0x0, v34;
	v39 =	vmul.f32 $2.500000000e-01, v37;
	s24 =	smov.u32 s1;
	[tilespmem:s26+$0x90] =	vst v33;
	v25 =	vpop (erf);
	v34 =	vmul.f32 $1.442695020e+00, v20  }
0x57b: {  	v4 =	vmul.f32 v25, v4;
	v20 =	vnsel vm0, $0x0, v25;
	v37 =	vld [tilespmem:s1+$0x110];
	(xrf2) =	vadd.scan.msk.f32 $0xffff, v28;
	(erf) = vpow2.f32 v32;
	v25 =	vpop (erf)  }
0x57c: {  	v32 =	vmax.f32 v39, $-5.000000000e+00;
	v28 =	vld [tilespmem:s7+$0x90];
	v33, _, _ =	vpop (xrf2);
	v34 =	vbroadcast v34, $0xF;
	v39 =	vmul.f32 v25, v27  }
0x57d: {  	v32 =	vmin.f32 v32, $5.000000000e+00;
	[tilespmem:s26+$0xFFFFFF70] =	vst v4;
	v4 =	vmul.f32 $2.500000000e-01, v33;
	v33 =	vmul.f32 v36, v14  }
0x57e: {  	v14 =	vmul.f32 $1.442695020e+00, v32;
	v36 =	vld [tilespmem:s1+$0xFFFFFF10];
	[tilespmem:s23+$0xFFFFFFC0] =	vst v39;
	(erf) = vpow2.f32 v34;
	(xrf2) =	vadd.scan.msk.f32 $0xffff, v16;
	v27 =	vpop (erf)  }
0x57f: {  	v16 =	vmul.f32 v35, v31;
	v32 =	vld [tilespmem:s7+$0xFFFFFF90];
	v34 =	vmax.f32 v4, $-5.000000000e+00;
	v4 =	vsel vm5, v8, v25;
	v8, _, _ =	vpop (xrf2)  }
0x580: {  	v25 =	vpop (erf);
	v31 =	vmin.f32 v34, $5.000000000e+00;
	v34 =	vbroadcast v14, $0xF;
	v35 =	vld [tilespmem:s20+$0x1B0];
	v8 =	vmul.f32 $2.500000000e-01, v8  }
0x581: {  	v23 =	vmul.f32 v25, v23;
	v14 =	vnsel vm0, $0x0, v25;
	v25 =	vld [tilespmem:s1+$0xFFFFFF90];
	v28 =	vmul.f32 v28, v37;
	v37 =	vpop (erf)  }
0x582: {  	v31 =	vmul.f32 $1.442695020e+00, v31;
	v41 =	vmul.f32 v37, v26;
	v39 =	vld [tilespmem:s17+$0xFFFFFF60];
	v8 =	vmax.f32 v8, $-5.000000000e+00;
	v40, _, _ =	vpop (xrf2)  }
0x583: {  	[tilespmem:s26+$0xFFFFFEE0] =	vst v23;
	(xrf2) =	vadd.scan.msk.f32 $0xffff, v28;
	(erf) = vpow2.f32 v34;
	v23 =	vld [tilespmem:s19+$0xFFFFFFE0];
	v28 =	vmin.f32 v8, $5.000000000e+00  }
0x584: {  	v8 =	vnsel vm0, $0x0, v37;
	v34 =	vld [tilespmem:s1+$0xFFFFFE10];
	v32 =	vmul.f32 v32, v36;
	[tilespmem:s26+$0x0] =	vst v41;
	v26 =	vpop (erf);
	v28 =	vmul.f32 $1.442695020e+00, v28  }
0x585: {  	v31 =	vbroadcast v31, $0xF;
	v36 =	vld [tilespmem:s7+$0xFFFFFF10];
	v35 =	vmul.f32 v26, v35;
	v21 =	vsel vm3, v21, v26;
	v26, _, _ =	vpop (xrf2)  }
0x586: {  	v37 =	vld [tilespmem:s1+$0x10];
	(xrf2) =	vadd.scan.msk.f32 $0xffff, v32;
	v26 =	vmul.f32 $2.500000000e-01, v26;
	v28 =	vbroadcast v28, $0xF;
	v32 =	vsel vm7, v1, v27;
	v1 =	vmovc v30  }
0x587: {  	v41 =	vmul.f32 v27, v2;
	v2 =	vmov v38;
	v30 =	vld [tilespmem:s7+$0x10];
	[tilespmem:s25+$0xC0] =	vst v35;
	v35 =	vmul.f32 $2.500000000e-01, v40;
	v40 =	vpop (erf)  }
0x588: {  	v26 =	vmax.f32 v26, $-5.000000000e+00;
	v38 =	vld [tilespmem:s20+$0x140];
	v27 =	vmul.f32 v40, v29;
	(erf) = vpow2.f32 v28;
	v42, _, _ =	vpop (xrf2);
	[tilespmem:s16+$0x80] =	vst v32  }
0x589: {  	v26 =	vmin.f32 v26, $5.000000000e+00;
	v29 =	vld [tilespmem:s22+$0xC0];
	(erf) = vpow2.f32 v31;
	v28 =	vmax.f32 v35, $-5.000000000e+00;
	(xrf2) =	vadd.scan.msk.f32 $0xffff, v33  }
0x58a: {  	v32 =	vmul.f32 v36, v34;
	v31 =	vld [tilespmem:s1+$0xFFFFFE90];
	v35 =	vmul.f32 $1.442695020e+00, v26;
	[tilespmem:s23+$0xFFFFFF30] =	vst v27;
	v34 =	vmin.f32 v28, $5.000000000e+00  }
0x58b: {  	v33 =	vmul.f32 v23, v39;
	v27 =	vsel vm5, v7, v40;
	v28 =	vld [tilespmem:s1+$0x90];
	v7 =	vmul.f32 $1.442695020e+00, v34;
	[tilespmem:s16+$0x70] =	vst v41;
	s16 =	smov.u32 s18;
	s18 =	smov.u32 s23;
	s23 =	smov.u32 s25  }
0x58c: {  	s25 =	smov.u32 s26;
	v23 =	vmul.f32 v30, v37;
	(xrf2) =	vadd.scan.msk.f32 $0xffff, v32;
	v30 =	vbroadcast v35, $0xF;
	v26 =	vpop (erf);
	v32 =	vld [tilespmem:s17+$0xFFFFFE60]  }
0x58d: {  	v34, _, _ =	vpop (xrf2);
	v17 =	vmul.f32 v26, v17;
	v26 =	vsel vm3, v12, v26;
	v7 =	vbroadcast v7, $0xF;
	v12 =	vld [tilespmem:s17+$0x1E0]  }
0x58e: {  	v37 =	vmul.f32 $2.500000000e-01, v34;
	v38 =	vmul.f32 v29, v38;
	v36 =	vld [tilespmem:s19+$0xFFFFFF60]  }
0x58f: {  	[tilespmem:s23+$0xFFFFFFA0] =	vst v17;
	(erf) = vpow2.f32 v30;
	v29 =	vld [tilespmem:s17+$0xFFFFFEE0];
	v17 =	vmul.f32 $2.500000000e-01, v42  }
0x590: {  	v30 =	vmax.f32 v37, $-5.000000000e+00;
	v34, _, _ =	vpop (xrf2);
	v37 =	vld [tilespmem:s20+$0xFFFFFF40];
	(xrf2) =	vadd.scan.msk.f32 $0xffff, v38;
	(erf) = vpow2.f32 v7  }
0x591: {  	v7 =	vmul.f32 $2.500000000e-01, v34;
	v30 =	vmin.f32 v30, $5.000000000e+00;
	v34 =	vld [tilespmem:s22+$0xFFFFFFC0];
	v35 =	vpop (erf);
	v17 =	vmax.f32 v17, $-5.000000000e+00  }
0x592: {  	v38 =	vmul.f32 $1.442695020e+00, v30;
	v30 =	vld [tilespmem:s20+$0xFFFFFFC0];
	v39 =	vpop (erf);
	v12 =	vmul.f32 v35, v12;
	v40 =	vmin.f32 v17, $5.000000000e+00  }
0x593: {  	v7 =	vmax.f32 v7, $-5.000000000e+00;
	(xrf2) =	vadd.scan.msk.f32 $0xffff, v23;
	v15 =	vmul.f32 v39, v15;
	v23 =	vmul.f32 v36, v32;
	v17 =	vld [tilespmem:s17+$0xFFFFFFE0];
	v32, _, _ =	vpop (xrf2)  }
0x594: {  	v7 =	vmin.f32 v7, $5.000000000e+00;
	v36 =	vbroadcast v38, $0xF;
	[tilespmem:s18+$0xF0] =	vst v12;
	v12 =	vmul.f32 $2.500000000e-01, v32  }
0x595: {  	v32 =	vmul.f32 $1.442695020e+00, v7;
	[tilespmem:s23+$0xFFFFFF10] =	vst v15;
	v7 =	vsel vm3, v10, v39;
	v10 =	vld [tilespmem:s17+$0x170];
	v15 =	vmul.f32 $1.442695020e+00, v40  }
0x596: {  	v38, _, _ =	vpop (xrf2);
	(erf) = vpow2.f32 v36;
	v41 =	vmul.f32 v34, v37;
	v36 =	vld [tilespmem:s19+$0xF0];
	(xrf2) =	vadd.scan.msk.f32 $0xffff, v23;
	v12 =	vmax.f32 v12, $-5.000000000e+00  }
0x597: {  	v23 =	vmul.f32 $2.500000000e-01, v38;
	v37 =	vbroadcast v32, $0xF;
	v38 =	vld [tilespmem:s20+$0xFFFFFE40];
	v12 =	vmin.f32 v12, $5.000000000e+00  }
0x598: {  	v32 =	vsel vm6, v11, v35;
	v15 =	vbroadcast v15, $0xF;
	v39 =	vld [tilespmem:s22+$0xFFFFFF40];
	v40 =	vpop (erf);
	v11 =	vmul.f32 $1.442695020e+00, v12  }
0x599: {  	v12 =	vmax.f32 v23, $-5.000000000e+00;
	(erf) = vpow2.f32 v37;
	v23 =	vld [tilespmem:s20+$0xFFFFFEC0];
	v22 =	vmul.f32 v40, v22;
	(xrf2) =	vadd.scan.msk.f32 $0xffff, v41;
	v34 =	vpop (erf)  }
0x59a: {  	v12 =	vmin.f32 v12, $5.000000000e+00;
	v35, _, _ =	vpop (xrf2);
	v42 =	vmul.f32 v34, v13;
	v37 =	vbroadcast v11, $0xF  }
0x59b: {  	v11 =	vsel vm3, v6, v40;
	v41 =	vld [tilespmem:s1+$0x190];
	[tilespmem:s23+$0x30] =	vst v22;
	v22 =	vmul.f32 $2.500000000e-01, v35;
	v10 =	vmul.f32 v36, v10  }
0x59c: {  	v6 =	vsel vm5, v19, v34;
	v12 =	vmul.f32 $1.442695020e+00, v12;
	v35 =	vld [tilespmem:s20+$0x40];
	[tilespmem:s18+$0x50] =	vst v42;
	(erf) = vpow2.f32 v15  }
0x59d: {  	v13, _, _ =	vpop (xrf2);
	v38 =	vmul.f32 v39, v38;
	v19 =	vld [tilespmem:s22+$0x40];
	v36 =	vmax.f32 v22, $-5.000000000e+00;
	(xrf2) =	vadd.scan.msk.f32 $0xffff, v10;
	(erf) = vpow2.f32 v37  }
0x59e: {  	v10 =	vbroadcast v12, $0xF;
	v12 =	vmul.f32 $2.500000000e-01, v13;
	v22 =	vld [tilespmem:s20+$0xC0];
	v13 =	vmin.f32 v36, $5.000000000e+00  }
0x59f: {  	v34 =	vpop (erf);
	v13 =	vmul.f32 $1.442695020e+00, v13;
	v36 =	vld [tilespmem:s17+$0x60]  }
0x5a0: {  	v12 =	vmax.f32 v12, $-5.000000000e+00;
	v37 =	vmul.f32 v34, v41;
	(erf) = vpow2.f32 v10;
	(xrf2) =	vadd.scan.msk.f32 $0xffff, v38;
	v10 =	vld [tilespmem:s19+$0x60];
	v15, _, _ =	vpop (xrf2)  }
0x5a1: {  	v12 =	vmin.f32 v12, $5.000000000e+00;
	v13 =	vbroadcast v13, $0xF;
	v38 =	vmul.f32 $2.500000000e-01, v15;
	v15 =	vld [tilespmem:s17+$0xE0]  }
0x5a2: {  	v39 =	vmul.f32 $1.442695020e+00, v12;
	[tilespmem:s26+$0xA0] =	vst v37;
	v12 =	vsel vm1, v24, v34;
	v24 =	vpop (erf);
	v19 =	vmul.f32 v19, v35  }
0x5a3: {  	v25 =	vmul.f32 v24, v25;
	v34 =	vld [tilespmem:s1+$0x120];
	v35, _, _ =	vpop (xrf2);
	(erf) = vpow2.f32 v13;
	v13 =	vmax.f32 v38, $-5.000000000e+00  }
0x5a4: {  	v37 =	vbroadcast v39, $0xF;
	v38 =	vld [tilespmem:s7+$0xA0];
	v39 =	vmul.f32 $2.500000000e-01, v35;
	(xrf2) =	vadd.scan.msk.f32 $0xffff, v19;
	v19 =	vmin.f32 v13, $5.000000000e+00  }
0x5a5: {  	v13 =	vsel vm1, v20, v24;
	[tilespmem:s26+$0xFFFFFF80] =	vst v25;
	v19 =	vmul.f32 $1.442695020e+00, v19;
	v20 =	vmul.f32 v10, v36;
	v10 =	vpop (erf)  }
0x5a6: {  	v25 =	vld [tilespmem:s1+$0xFFFFFF20];
	(erf) = vpow2.f32 v37;
	v24 =	vmax.f32 v39, $-5.000000000e+00;
	v5 =	vmul.f32 v10, v5;
	v35 =	vpop (erf)  }
0x5a7: {  	v36 =	vld [tilespmem:s7+$0xFFFFFFA0];
	v24 =	vmin.f32 v24, $5.000000000e+00;
	v19 =	vbroadcast v19, $0xF;
	(xrf2) =	vadd.scan.msk.f32 $0xffff, v33;
	v33, _, _ =	vpop (xrf2);
	v9 =	vmul.f32 v35, v9  }
0x5a8: {  	v3 =	vsel vm7, v3, v10;
	v37 =	vmul.f32 $1.442695020e+00, v24;
	v39 =	vld [tilespmem:s20+$0x1C0];
	v33 =	vmul.f32 $2.500000000e-01, v33;
	[tilespmem:s16+$0xFFFFFF50] =	vst v5  }
0x5a9: {  	v24 =	vld [tilespmem:s1+$0xFFFFFFA0];
	v5 =	vmul.f32 v38, v34;
	v10 =	vpop (erf);
	(erf) = vpow2.f32 v19;
	[tilespmem:s16+$0xFFFFFFE0] =	vst v9;
	v9 =	vsel vm7, v18, v35  }
0x5aa: {  	v34 =	vmul.f32 v10, v31;
	v19 =	vbroadcast v37, $0xF;
	v31, _, _ =	vpop (xrf2);
	v33 =	vmax.f32 v33, $-5.000000000e+00;
	[tilespmem:s16+$0xFFFFFF60] =	vst v3  }
0x5ab: {  	v10 =	vsel vm1, v14, v10;
	(xrf2) =	vadd.scan.msk.f32 $0xffff, v5;
	v3 =	vmul.f32 $2.500000000e-01, v31;
	v5 =	vmin.f32 v33, $5.000000000e+00  }
0x5ac: {  	[tilespmem:s26+$0xFFFFFEF0] =	vst v34;
	v14 =	vmul.f32 v36, v25;
	v18 =	vpop (erf);
	v5 =	vmul.f32 $1.442695020e+00, v5  }
0x5ad: {  	v31 =	vld [tilespmem:s1+$0xFFFFFE20];
	v3 =	vmax.f32 v3, $-5.000000000e+00;
	v33 =	vmul.f32 v18, v39;
	(erf) = vpow2.f32 v19;
	[tilespmem:s16+$0xFFFFFFF0] =	vst v9  }
0x5ae: {  	v19 =	vld [tilespmem:s7+$0xFFFFFF20];
	(xrf2) =	vadd.scan.msk.f32 $0xffff, v14;
	v3 =	vmin.f32 v3, $5.000000000e+00;
	v14 =	vsel vm4, v21, v18;
	v9, _, _ =	vpop (xrf2);
	v5 =	vbroadcast v5, $0xF  }
0x5af: {  	v25 =	vld [tilespmem:s1+$0xFFFFFEA0];
	v18 =	vpop (erf);
	v3 =	vmul.f32 $1.442695020e+00, v3;
	v34 =	vmul.f32 $2.500000000e-01, v9;
	[tilespmem:s23+$0xD0] =	vst v33  }
0x5b0: {  	v28 =	vmul.f32 v18, v28;
	v9 =	vsel vm1, v8, v18;
	v8 =	vld [tilespmem:s20+$0x150];
	(erf) = vpow2.f32 v5  }
0x5b1: {  	v5 =	vbroadcast v3, $0xF;
	v3 =	vmax.f32 v34, $-5.000000000e+00;
	v18 =	vld [tilespmem:s22+$0xD0];
	v21, _, _ =	vpop (xrf2);
	(xrf2) =	vadd.scan.msk.f32 $0xffff, v20  }
0x5b2: {  	[tilespmem:s26+$0x10] =	vst v28;
	v3 =	vmin.f32 v3, $5.000000000e+00;
	v20 =	vmul.f32 $2.500000000e-01, v21;
	v21 =	vpop (erf)  }
0x5b3: {  	v31 =	vmul.f32 v19, v31;
	v33 =	vld [tilespmem:s1+$0x20];
	v28 =	vmul.f32 $1.442695020e+00, v3;
	v3 =	vsel vm6, v27, v21  }
0x5b4: {  	v27 =	vld [tilespmem:s7+$0x20];
	(erf) = vpow2.f32 v5;
	v5 =	vmul.f32 v21, v29;
	v20 =	vmax.f32 v20, $-5.000000000e+00  }
0x5b5: {  	(xrf2) =	vadd.scan.msk.f32 $0xffff, v31;
	v19, _, _ =	vpop (xrf2);
	v31 =	vbroadcast v28, $0xF;
	v20 =	vmin.f32 v20, $5.000000000e+00;
	v29 =	vld [tilespmem:s17+$0x1F0]  }
0x5b6: {  	v28 =	vld [tilespmem:s1+$0xA0];
	v19 =	vmul.f32 $2.500000000e-01, v19;
	v18 =	vmul.f32 v18, v8;
	v8 =	vpop (erf);
	[tilespmem:s18+$0xFFFFFF40] =	vst v5  }
0x5b7: {  	v5 =	vmul.f32 v8, v30;
	v8 =	vsel vm4, v26, v8;
	(erf) = vpow2.f32 v31;
	v30 =	vld [tilespmem:s17+$0xFFFFFE70]  }
0x5b8: {  	v34 =	vmul.f32 $1.442695020e+00, v20;
	v19 =	vmax.f32 v19, $-5.000000000e+00;
	v21, _, _ =	vpop (xrf2);
	(xrf2) =	vadd.scan.msk.f32 $0xffff, v18;
	v31 =	vld [tilespmem:s19+$0xFFFFFF70]  }
.Ltmp2:
0x5b9: {  	v20 =	vmul.f32 $2.500000000e-01, v21;
	v21 =	vmul.f32 v27, v33;
	v19 =	vmin.f32 v19, $5.000000000e+00;
	[tilespmem:s23+$0xFFFFFFB0] =	vst v5;
	v5 =	vld [tilespmem:s17+$0xFFFFFEF0];
	v27 =	vpop (erf);
	(pc) =	sbr.rel @p0 .LBB2_7-.Ltmp2, $4  }
0x5ba: {  	v19 =	vmul.f32 $1.442695020e+00, v19;
	v26 =	vld [tilespmem:s20+$0xFFFFFF50];
	v33 =	vmul.f32 v27, v29;
	v27 =	vsel vm7, v32, v27  }
0x5bb: {  	v20 =	vmax.f32 v20, $-5.000000000e+00;
	(xrf2) =	vadd.scan.msk.f32 $0xffff, v21;
	v29 =	vld [tilespmem:s22+$0xFFFFFFD0];
	v21 =	vbroadcast v34, $0xF;
	[tilespmem:s18+$0x110] =	vst v27;
	v18, _, _ =	vpop (xrf2)  }
0x5bc: {  	v20 =	vmin.f32 v20, $5.000000000e+00;
	v19 =	vbroadcast v19, $0xF;
	v27 =	vld [tilespmem:s20+$0xFFFFFFD0];
	v32 =	vmul.f32 $2.500000000e-01, v18;
	[tilespmem:s18+$0x100] =	vst v33  }
0x5bd: {  	s1 =	sadd.s32 $0x400, s1;
	v33 =	vmul.f32 $1.442695020e+00, v20;
	v18 =	vpop (erf);
	(erf) = vpow2.f32 v21  }
0x5be: {  	(erf) = vpow2.f32 v19;
	_ =	sdelay $0x4  }
0x5bf: {  	v34 =	vld [tilespmem:s24+$0x1A0];
	_ =	sdelay $0x1  }
0x5c0: {  	v19 =	vpop (erf)  }
0x5c1: {  	v20 =	vpop (erf)  }
0x5c2: {  	v21 =	vpop (erf)  }
0x5c3: {  	v34 =	vmul.f32 v21, v34;
	_ =	sdelay $0x1  }
0x5c4: {  	[tilespmem:s26+$0xB0] =	vst v34  }
0x5c5: {  	v34 =	vld [tilespmem:s24+$0x130]  }
0x5c6: {  	v35 =	vld [tilespmem:s14+$0xB0]  }
0x5c7: {  	v36, _, _ =	vpop (xrf2)  }
0x5c8: {  	v43 =	vmul.f32 $2.500000000e-01, v36  }
0x5c9: {  	v26 =	vmul.f32 v29, v26  }
0x5ca: {  	v33 =	vbroadcast v33, $0xF;
	(xrf2) =	vadd.scan.msk.f32 $0xffff, v16;
	v44, _, _ =	vpop (xrf2);
	v16 =	vmax.f32 v43, $-5.000000000e+00  }
0x5cb: {  	(xrf2) =	vadd.scan.msk.f32 $0xffff, v26;
	v45 =	vmul.f32 $2.500000000e-01, v44;
	v16 =	vmin.f32 v16, $5.000000000e+00;
	v46 =	vmul.f32 v35, v34  }
0x5cc: {  	v32 =	vmax.f32 v32, $-5.000000000e+00;
	v16 =	vmul.f32 $1.442695020e+00, v16  }
0x5cd: {  	v32 =	vmin.f32 v32, $5.000000000e+00;
	(erf) = vpow2.f32 v33;
	v26 =	vmax.f32 v45, $-5.000000000e+00;
	(xrf2) =	vadd.scan.msk.f32 $0xffff, v46  }
0x5ce: {  	v47 =	vmul.f32 $1.442695020e+00, v32;
	v48, _, _ =	vpop (xrf2);
	v26 =	vmin.f32 v26, $5.000000000e+00;
	v16 =	vbroadcast v16, $0xF  }
0x5cf: {  	v32 =	vmul.f32 $2.500000000e-01, v48;
	v26 =	vmul.f32 $1.442695020e+00, v26  }
0x5d0: {  	v23 =	vmul.f32 v18, v23;
	v29 =	vbroadcast v47, $0xF  }
0x5d1: {  	(erf) = vpow2.f32 v16;
	v50 =	vmax.f32 v32, $-5.000000000e+00;
	v49 =	vbroadcast v26, $0xF  }
0x5d2: {  	(erf) = vpow2.f32 v29;
	v52 =	vmin.f32 v50, $5.000000000e+00  }
0x5d3: {  	[tilespmem:s23+$0xFFFFFF20] =	vst v23;
	v16 =	vmul.f32 $1.442695020e+00, v52;
	(erf) = vpow2.f32 v49  }
0x5d4: {  	v53 =	vld [tilespmem:s20+$0xFFFFFE50];
	v51, _, _ =	vpop (xrf2)  }
0x5d5: {  	v55 =	vld [tilespmem:s22+$0xFFFFFF50];
	v54, _, _ =	vpop (xrf2);
	v16 =	vbroadcast v16, $0xF  }
0x5d6: {  	v23 =	vpop (erf);
	v26 =	vmul.f32 $2.500000000e-01, v51;
	v32 =	vmul.f32 $2.500000000e-01, v54  }
0x5d7: {  	v24 =	vmul.f32 v23, v24;
	(erf) = vpow2.f32 v16;
	v56, _, _ =	vpop (xrf2)  }
0x5d8: {  	v58 =	vld [tilespmem:s20+$0x1D0];
	v26 =	vmax.f32 v26, $-5.000000000e+00;
	v57 =	vmax.f32 v32, $-5.000000000e+00;
	v34 =	vmul.f32 $2.500000000e-01, v56  }
0x5d9: {  	v22 =	vmul.f32 v19, v22;
	[tilespmem:s26+$0xFFFFFF90] =	vst v24;
	v26 =	vmin.f32 v26, $5.000000000e+00;
	v24 =	vmin.f32 v57, $5.000000000e+00  }
0x5da: {  	v29 =	vmul.f32 v55, v53;
	v59 =	vld [tilespmem:s24+$0xFFFFFF30];
	v16 =	vpop (erf);
	v24 =	vmul.f32 $1.442695020e+00, v24;
	v61 =	vmax.f32 v34, $-5.000000000e+00  }
0x5db: {  	v60 =	vld [tilespmem:s14+$0xFFFFFFB0];
	v37 =	vmul.f32 $1.442695020e+00, v26;
	v62 =	vmul.f32 v16, v25;
	v25 =	vpop (erf);
	v33 =	vmin.f32 v61, $5.000000000e+00  }
0x5dc: {  	[tilespmem:s23+$0x40] =	vst v22;
	v24 =	vbroadcast v24, $0xF;
	(xrf2) =	vadd.scan.msk.f32 $0xffff, v29;
	v26 =	vpop (erf);
	v63 =	vmul.f32 $1.442695020e+00, v33  }
0x5dd: {  	v43 =	vld [tilespmem:s20+$0x50];
	v37 =	vbroadcast v37, $0xF;
	[tilespmem:s26+$0xFFFFFF00] =	vst v62;
	v32 =	vmul.f32 v26, v58  }
0x5de: {  	(erf) = vpow2.f32 v24;
	v39 =	vld [tilespmem:s24+$0xFFFFFE30];
	v38 =	vbroadcast v63, $0xF  }
0x5df: {  	v41 =	vld [tilespmem:s14+$0xFFFFFF30];
	(erf) = vpow2.f32 v37;
	[tilespmem:s23+$0xE0] =	vst v32  }
0x5e0: {  	v40 =	vmul.f32 v60, v59;
	v22 =	vpop (erf);
	v42 =	vld [tilespmem:s20+$0x160];
	(erf) = vpow2.f32 v38  }
0x5e1: {  	v32 =	vld [tilespmem:s22+$0xE0];
	v28 =	vmul.f32 v22, v28  }
0x5e2: {  	v44 =	vld [tilespmem:s22+$0x50];
	(xrf2) =	vadd.scan.msk.f32 $0xffff, v40  }
0x5e3: {  	v45 =	vld [tilespmem:s24+$0x1B0];
	[tilespmem:s26+$0x20] =	vst v28  }
0x5e4: {  	v29 =	vmul.f32 v41, v39;
	v46 =	vld [tilespmem:s24+$0x30]  }
0x5e5: {  	v48 =	vld [tilespmem:s14+$0x30]  }
0x5e6: {  	v47, _, _ =	vpop (xrf2);
	v32 =	vmul.f32 v32, v42  }
0x5e7: {  	(xrf2) =	vadd.scan.msk.f32 $0xffff, v29;
	v24 =	vpop (erf)  }
0x5e8: {  	v29 =	vpop (erf);
	(xrf2) =	vadd.scan.msk.f32 $0xffff, v32;
	v38 =	vmul.f32 v20, v17  }
0x5e9: {  	v34 =	vmul.f32 v44, v43;
	v17 =	vpop (erf)  }
0x5ea: {  	v33 =	vmul.f32 v48, v46;
	[tilespmem:s18+$0xFFFFFFD0] =	vst v38;
	v28 =	vmul.f32 v17, v45  }
0x5eb: {  	(xrf2) =	vadd.scan.msk.f32 $0xffff, v34;
	v50 =	vld [tilespmem:s17+$0xFFFFFF70]  }
0x5ec: {  	v30 =	vmul.f32 v31, v30;
	v51, _, _ =	vpop (xrf2);
	(xrf2) =	vadd.scan.msk.f32 $0xffff, v33;
	v38 =	vld [tilespmem:s19+$0xFFFFFFF0];
	[tilespmem:s25+$0xC0] =	vst v28  }
0x5ed: {  	v53 =	vld [tilespmem:s24+$0x140]  }
0x5ee: {  	v49 =	vmul.f32 $2.500000000e-01, v47;
	(xrf2) =	vadd.scan.msk.f32 $0xffff, v30;
	v55 =	vld [tilespmem:s14+$0xC0];
	_ =	sdelay $0x1  }
0x5ef: {  	v32 =	vmax.f32 v49, $-5.000000000e+00;
	v36 =	vmul.f32 $2.500000000e-01, v51  }
0x5f0: {  	v32 =	vmin.f32 v32, $5.000000000e+00;
	v57, _, _ =	vpop (xrf2)  }
0x5f1: {  	v52 =	vmul.f32 $1.442695020e+00, v32;
	v54 =	vmax.f32 v36, $-5.000000000e+00;
	v60, _, _ =	vpop (xrf2);
	v58 =	vmul.f32 v38, v50  }
0x5f2: {  	v33 =	vmin.f32 v54, $5.000000000e+00;
	v31 =	vmul.f32 $2.500000000e-01, v60;
	v32 =	vmul.f32 v55, v53  }
0x5f3: {  	v56 =	vmul.f32 $1.442695020e+00, v33;
	(xrf2) =	vadd.scan.msk.f32 $0xffff, v58  }
0x5f4: {  	v63 =	vmul.f32 v24, v27;
	v62, _, _ =	vpop (xrf2);
	v31 =	vmax.f32 v31, $-5.000000000e+00;
	(xrf2) =	vadd.scan.msk.f32 $0xffff, v32  }
0x5f5: {  	v59 =	vbroadcast v56, $0xF;
	v31 =	vmin.f32 v31, $5.000000000e+00;
	v46, _, _ =	vpop (xrf2);
	v28 =	vbroadcast v52, $0xF  }
0x5f6: {  	v45 =	vmul.f32 $1.442695020e+00, v31;
	v31 =	vmul.f32 $2.500000000e-01, v46  }
0x5f7: {  	v49, _, _ =	vpop (xrf2);
	(erf) = vpow2.f32 v28;
	v28 =	vmul.f32 $2.500000000e-01, v57  }
0x5f8: {  	v47 =	vbroadcast v45, $0xF;
	v34 =	vmul.f32 $2.500000000e-01, v49;
	v31 =	vmax.f32 v31, $-5.000000000e+00  }
0x5f9: {  	(erf) = vpow2.f32 v59;
	v31 =	vmin.f32 v31, $5.000000000e+00;
	v28 =	vmax.f32 v28, $-5.000000000e+00  }
0x5fa: {  	v34 =	vmax.f32 v34, $-5.000000000e+00;
	(erf) = vpow2.f32 v47;
	v44 =	vmin.f32 v28, $5.000000000e+00  }
0x5fb: {  	v31 =	vmul.f32 $1.442695020e+00, v31;
	v34 =	vmin.f32 v34, $5.000000000e+00;
	v27 =	vmul.f32 $1.442695020e+00, v44  }
0x5fc: {  	v61 =	vld [tilespmem:s20+$0xFFFFFED0];
	v34 =	vmul.f32 $1.442695020e+00, v34;
	v32 =	vmul.f32 $2.500000000e-01, v62  }
0x5fd: {  	v31 =	vbroadcast v31, $0xF;
	v27 =	vbroadcast v27, $0xF;
	v50, _, _ =	vpop (xrf2)  }
0x5fe: {  	v48 =	vld [tilespmem:s24+$0xFFFFFFB0];
	v34 =	vbroadcast v34, $0xF;
	v36 =	vmul.f32 $2.500000000e-01, v50;
	v32 =	vmax.f32 v32, $-5.000000000e+00;
	v51, _, _ =	vpop (xrf2)  }
0x5ff: {  	(erf) = vpow2.f32 v27;
	v32 =	vmin.f32 v32, $5.000000000e+00;
	v37 =	vmul.f32 $2.500000000e-01, v51  }
0x600: {  	v39 =	vld [tilespmem:s20+$0x1E0];
	v28 =	vpop (erf);
	v36 =	vmax.f32 v36, $-5.000000000e+00;
	(erf) = vpow2.f32 v31;
	v32 =	vmul.f32 $1.442695020e+00, v32  }
0x601: {  	v40 =	vld [tilespmem:s24+$0xB0];
	[tilespmem:s23+$0xFFFFFFC0] =	vst v63;
	v30 =	vmul.f32 v28, v61;
	v36 =	vmin.f32 v36, $5.000000000e+00;
	v37 =	vmax.f32 v37, $-5.000000000e+00  }
0x602: {  	v41 =	vld [tilespmem:s20+$0xFFFFFF60];
	v27 =	vpop (erf);
	v53 =	vmul.f32 $1.442695020e+00, v36;
	v32 =	vbroadcast v32, $0xF;
	v54 =	vmin.f32 v37, $5.000000000e+00  }
0x603: {  	v52 =	vld [tilespmem:s24+$0xFFFFFEB0];
	v35 =	vmul.f32 v27, v48;
	v36 =	vmul.f32 $1.442695020e+00, v54  }
0x604: {  	v43 =	vld [tilespmem:s24+$0x1C0];
	[tilespmem:s23+$0xFFFFFF30] =	vst v30;
	v31 =	vbroadcast v53, $0xF;
	(erf) = vpow2.f32 v32  }
0x605: {  	v57 =	vld [tilespmem:s20+$0xFFFFFE60];
	(erf) = vpow2.f32 v34;
	v56 =	vbroadcast v36, $0xF  }
0x606: {  	v58 =	vld [tilespmem:s22+$0xFFFFFF60];
	[tilespmem:s25+$0xFFFFFFA0] =	vst v35;
	v34 =	vpop (erf);
	(erf) = vpow2.f32 v31  }
0x607: {  	v35 =	vld [tilespmem:s24+$0xFFFFFF40];
	v59 =	vmul.f32 v34, v39;
	(erf) = vpow2.f32 v56  }
0x608: {  	v60 =	vld [tilespmem:s14+$0xFFFFFFC0];
	v30 =	vpop (erf)  }
0x609: {  	v55 =	vld [tilespmem:s20+$0xD0];
	[tilespmem:s23+$0xF0] =	vst v59;
	v61 =	vmul.f32 v30, v52  }
0x60a: {  	v62 =	vld [tilespmem:s20+$0x170]  }
0x60b: {  	v31 =	vpop (erf);
	v42 =	vld [tilespmem:s22+$0xF0];
	[tilespmem:s25+$0xFFFFFF10] =	vst v61  }
0x60c: {  	v63 =	vmul.f32 v58, v57;
	v48 =	vmul.f32 v31, v40;
	v44 =	vld [tilespmem:s24+$0xFFFFFE40]  }
0x60d: {  	v39 =	vmul.f32 v60, v35;
	v49 =	vld [tilespmem:s14+$0xFFFFFF40];
	v32 =	vpop (erf)  }
0x60e: {  	v45 =	vld [tilespmem:s22+$0xFFFFFFE0];
	(xrf2) =	vadd.scan.msk.f32 $0xffff, v63;
	[tilespmem:s25+$0x30] =	vst v48;
	v37 =	vmul.f32 v32, v55;
	v36 =	vpop (erf)  }
0x60f: {  	(xrf2) =	vadd.scan.msk.f32 $0xffff, v39;
	v50 =	vld [tilespmem:s24+$0x40];
	v35 =	vpop (erf)  }
0x610: {  	v51 =	vld [tilespmem:s14+$0x40];
	v38 =	vmul.f32 v42, v62;
	[tilespmem:s23+$0x50] =	vst v37;
	v33 =	vpop (erf)  }
0x611: {  	v53 =	vld [tilespmem:s20+$0x60];
	v52 =	vmul.f32 v33, v43  }
0x612: {  	(xrf2) =	vadd.scan.msk.f32 $0xffff, v38;
	v40 =	vmul.f32 v49, v44;
	v54 =	vld [tilespmem:s22+$0x60]  }
0x613: {  	[tilespmem:s25+$0xD0] =	vst v52  }
0x614: {  	(xrf2) =	vadd.scan.msk.f32 $0xffff, v40;
	v39 =	vld [tilespmem:s24+$0x150]  }
0x615: {  	v37 =	vmul.f32 v51, v50;
	v55 =	vld [tilespmem:s14+$0xD0]  }
0x616: {  	v41 =	vmul.f32 v45, v41  }
0x617: {  	(xrf2) =	vadd.scan.msk.f32 $0xffff, v37;
	v38 =	vmul.f32 v54, v53  }
0x618: {  	v56, _, _ =	vpop (xrf2);
	(xrf2) =	vadd.scan.msk.f32 $0xffff, v41  }
0x619: {  	v57 =	vmul.f32 $2.500000000e-01, v56;
	v58, _, _ =	vpop (xrf2);
	(xrf2) =	vadd.scan.msk.f32 $0xffff, v38  }
0x61a: {  	v59 =	vmul.f32 $2.500000000e-01, v58;
	v39 =	vmul.f32 v55, v39  }
0x61b: {  	v37 =	vmax.f32 v57, $-5.000000000e+00  }
0x61c: {  	v37 =	vmin.f32 v37, $5.000000000e+00;
	v38 =	vmax.f32 v59, $-5.000000000e+00;
	v60, _, _ =	vpop (xrf2);
	(xrf2) =	vadd.scan.msk.f32 $0xffff, v39  }
0x61d: {  	v37 =	vmul.f32 $1.442695020e+00, v37;
	v38 =	vmin.f32 v38, $5.000000000e+00  }
0x61e: {  	v38 =	vmul.f32 $1.442695020e+00, v38;
	v61 =	vmul.f32 $2.500000000e-01, v60;
	v62, _, _ =	vpop (xrf2)  }
0x61f: {  	v37 =	vbroadcast v37, $0xF;
	v40 =	vmul.f32 $2.500000000e-01, v62  }
0x620: {  	v63 =	vbroadcast v38, $0xF  }
0x621: {  	(erf) = vpow2.f32 v37;
	v45, _, _ =	vpop (xrf2);
	v44 =	vmax.f32 v40, $-5.000000000e+00;
	v39 =	vmax.f32 v61, $-5.000000000e+00  }
0x622: {  	v47, _, _ =	vpop (xrf2);
	v40 =	vmul.f32 $2.500000000e-01, v45;
	v38 =	vmin.f32 v44, $5.000000000e+00;
	v39 =	vmin.f32 v39, $5.000000000e+00  }
0x623: {  	v46 =	vmul.f32 $1.442695020e+00, v38;
	v49, _, _ =	vpop (xrf2);
	v39 =	vmul.f32 $1.442695020e+00, v39  }
0x624: {  	v48 =	vmax.f32 v40, $-5.000000000e+00;
	v38 =	vmul.f32 $2.500000000e-01, v47;
	v40 =	vmul.f32 $2.500000000e-01, v49  }
0x625: {  	(erf) = vpow2.f32 v63;
	v39 =	vbroadcast v39, $0xF  }
0x626: {  	v37 =	vbroadcast v46, $0xF;
	v38 =	vmax.f32 v38, $-5.000000000e+00;
	v52 =	vmax.f32 v40, $-5.000000000e+00;
	v50, _, _ =	vpop (xrf2)  }
0x627: {  	(erf) = vpow2.f32 v39;
	v39 =	vmin.f32 v48, $5.000000000e+00;
	v41 =	vmul.f32 $2.500000000e-01, v50  }
0x628: {  	v51 =	vmin.f32 v38, $5.000000000e+00;
	v38 =	vmin.f32 v52, $5.000000000e+00;
	v39 =	vmul.f32 $1.442695020e+00, v39  }
0x629: {  	(erf) = vpow2.f32 v37;
	v37 =	vmul.f32 $1.442695020e+00, v51;
	v53 =	vmax.f32 v41, $-5.000000000e+00  }
0x62a: {  	v38 =	vmul.f32 $1.442695020e+00, v38;
	v39 =	vbroadcast v39, $0xF;
	v40 =	vmin.f32 v53, $5.000000000e+00  }
0x62b: {  	v37 =	vbroadcast v37, $0xF;
	v40 =	vmul.f32 $1.442695020e+00, v40  }
0x62c: {  	v38 =	vbroadcast v38, $0xF;
	(erf) = vpow2.f32 v39  }
0x62d: {  	(erf) = vpow2.f32 v37;
	v54 =	vbroadcast v40, $0xF  }
0x62e: {  	(erf) = vpow2.f32 v38  }
0x62f: {  	v55 =	vld [tilespmem:s24+$0xFFFFFFC0];
	(erf) = vpow2.f32 v54;
	_ =	sdelay $0x1  }
0x630: {  	v15 =	vmul.f32 v25, v15;
	v40 =	vpop (erf)  }
0x631: {  	v56 =	vld [tilespmem:s24+$0xFFFFFEC0];
	v37 =	vpop (erf)  }
0x632: {  	v43 =	vpop (erf)  }
0x633: {  	[tilespmem:s18+$0x60] =	vst v15;
	v58 =	vld [tilespmem:s24+$0x1D0];
	v57 =	vmul.f32 v37, v55;
	v38 =	vpop (erf)  }
0x634: {  	v59 =	vld [tilespmem:s17+$0x70];
	v15 =	vpop (erf)  }
0x635: {  	v46 =	vld [tilespmem:s19+$0x70];
	[tilespmem:s25+$0xFFFFFFB0] =	vst v57;
	v41 =	vpop (erf)  }
0x636: {  	v48 =	vmul.f32 v38, v56;
	v47 =	vld [tilespmem:s24+$0xFFFFFF50];
	v39 =	vpop (erf)  }
0x637: {  	v49 =	vld [tilespmem:s14+$0xFFFFFFD0];
	v42 =	vpop (erf)  }
0x638: {  	v50 =	vld [tilespmem:s24+$0xC0];
	[tilespmem:s25+$0xFFFFFF20] =	vst v48;
	v44 =	vmul.f32 v42, v58  }
0x639: {  	v48 =	vld [tilespmem:s24+$0xFFFFFE50]  }
0x63a: {  	v51 =	vld [tilespmem:s14+$0xFFFFFF50];
	[tilespmem:s25+$0xE0] =	vst v44  }
0x63b: {  	v60 =	vmul.f32 v46, v59;
	v61 =	vld [tilespmem:s24+$0x160]  }
0x63c: {  	v62 =	vmul.f32 v49, v47;
	v63 =	vld [tilespmem:s14+$0xE0]  }
0x63d: {  	(xrf2) =	vadd.scan.msk.f32 $0xffff, v60;
	v50 =	vmul.f32 v15, v50  }
0x63e: {  	(xrf2) =	vadd.scan.msk.f32 $0xffff, v62  }
0x63f: {  	[tilespmem:s25+$0x40] =	vst v50;
	v52 =	vmul.f32 v51, v48  }
0x640: {  	v53 =	vld [tilespmem:s24+$0x50]  }
0x641: {  	v54 =	vld [tilespmem:s14+$0x50];
	(xrf2) =	vadd.scan.msk.f32 $0xffff, v52;
	v55 =	vmul.f32 v63, v61;
	_ =	sdelay $0x1  }
0x642: {  	(xrf2) =	vadd.scan.msk.f32 $0xffff, v55;
	_ =	sdelay $0x2  }
0x643: {  	v56 =	vmul.f32 v54, v53  }
0x644: {  	v57, _, _ =	vpop (xrf2)  }
0x645: {  	v58, _, _ =	vpop (xrf2);
	(xrf2) =	vadd.scan.msk.f32 $0xffff, v56  }
0x646: {  	v59 =	vmul.f32 $2.500000000e-01, v58;
	_ =	sdelay $0x1  }
0x647: {  	v45 =	vmul.f32 $2.500000000e-01, v57;
	v60, _, _ =	vpop (xrf2);
	v44 =	vmax.f32 v59, $-5.000000000e+00  }
0x648: {  	v46 =	vmul.f32 $2.500000000e-01, v60;
	v44 =	vmin.f32 v44, $5.000000000e+00  }
0x649: {  	v45 =	vmax.f32 v45, $-5.000000000e+00;
	v44 =	vmul.f32 $1.442695020e+00, v44;
	v61, _, _ =	vpop (xrf2)  }
0x64a: {  	v45 =	vmin.f32 v45, $5.000000000e+00;
	v46 =	vmax.f32 v46, $-5.000000000e+00;
	v47 =	vmul.f32 $2.500000000e-01, v61  }
0x64b: {  	v45 =	vmul.f32 $1.442695020e+00, v45;
	v46 =	vmin.f32 v46, $5.000000000e+00;
	v44 =	vbroadcast v44, $0xF  }
0x64c: {  	v46 =	vmul.f32 $1.442695020e+00, v46;
	v47 =	vmax.f32 v47, $-5.000000000e+00  }
0x64d: {  	v45 =	vbroadcast v45, $0xF;
	(erf) = vpow2.f32 v44;
	v62 =	vmin.f32 v47, $5.000000000e+00  }
0x64e: {  	v46 =	vbroadcast v46, $0xF;
	v52, _, _ =	vpop (xrf2);
	v44 =	vmul.f32 $1.442695020e+00, v62  }
0x64f: {  	v63 =	vld [tilespmem:s20+$0xFFFFFEE0];
	(erf) = vpow2.f32 v45;
	v53 =	vmul.f32 $2.500000000e-01, v52  }
0x650: {  	(erf) = vpow2.f32 v46;
	v44 =	vbroadcast v44, $0xF  }
0x651: {  	v45 =	vmax.f32 v53, $-5.000000000e+00  }
0x652: {  	v54 =	vld [tilespmem:s20+$0xFFFFFFE0];
	v55 =	vmin.f32 v45, $5.000000000e+00;
	(erf) = vpow2.f32 v44  }
0x653: {  	v44 =	vmul.f32 $1.442695020e+00, v55  }
0x654: {  	v57 =	vld [tilespmem:s24+$0xFFFFFFD0];
	v56 =	vmul.f32 v40, v63  }
0x655: {  	v58 =	vld [tilespmem:s24+$0xFFFFFED0]  }
0x656: {  	[tilespmem:s23+$0xFFFFFF40] =	vst v56;
	v60 =	vld [tilespmem:s24+$0x1E0];
	v59 =	vbroadcast v44, $0xF  }
0x657: {  	v50 =	vld [tilespmem:s20+$0xFFFFFE70];
	v46 =	vmul.f32 v41, v54;
	v44 =	vpop (erf)  }
0x658: {  	v52 =	vld [tilespmem:s22+$0xFFFFFF70];
	(erf) = vpow2.f32 v59;
	v48 =	vpop (erf)  }
0x659: {  	[tilespmem:s23+$0xFFFFFFD0] =	vst v46;
	v53 =	vld [tilespmem:s24+$0xD0];
	v61 =	vmul.f32 v44, v57;
	v45 =	vpop (erf)  }
0x65a: {  	v54 =	vld [tilespmem:s20+$0xFFFFFF70];
	v49 =	vmul.f32 v45, v58  }
0x65b: {  	v55 =	vld [tilespmem:s22+$0xFFFFFFF0];
	[tilespmem:s25+$0xFFFFFFC0] =	vst v61;
	v47 =	vpop (erf)  }
0x65c: {  	v56 =	vld [tilespmem:s24+$0xFFFFFF60];
	[tilespmem:s25+$0xFFFFFF30] =	vst v49;
	v62 =	vmul.f32 v47, v60  }
0x65d: {  	v49 =	vld [tilespmem:s24+$0xFFFFFE60]  }
0x65e: {  	v50 =	vmul.f32 v52, v50;
	v63 =	vld [tilespmem:s14+$0xFFFFFF60];
	[tilespmem:s25+$0xF0] =	vst v62  }
0x65f: {  	v57 =	vld [tilespmem:s24+$0x170]  }
0x660: {  	(xrf2) =	vadd.scan.msk.f32 $0xffff, v50;
	v58 =	vld [tilespmem:s14+$0xF0]  }
0x661: {  	v54 =	vmul.f32 v55, v54;
	v59 =	vld [tilespmem:s14+$0xFFFFFFE0];
	v46 =	vpop (erf)  }
0x662: {  	v53 =	vmul.f32 v46, v53  }
0x663: {  	(xrf2) =	vadd.scan.msk.f32 $0xffff, v54  }
0x664: {  	v49 =	vmul.f32 v63, v49;
	[tilespmem:s25+$0x50] =	vst v53  }
0x665: {  	v60 =	vld [tilespmem:s24+$0x60];
	v61 =	vmul.f32 v58, v57  }
0x666: {  	v63 =	vmul.f32 v59, v56;
	(xrf2) =	vadd.scan.msk.f32 $0xffff, v49;
	v62 =	vld [tilespmem:s14+$0x60]  }
0x667: {  	(xrf2) =	vadd.scan.msk.f32 $0xffff, v61  }
0x668: {  	(xrf2) =	vadd.scan.msk.f32 $0xffff, v63;
	_ =	sdelay $0x1  }
0x669: {  	v56, _, _ =	vpop (xrf2)  }
0x66a: {  	v50 =	vmul.f32 $2.500000000e-01, v56;
	v55 =	vmul.f32 v62, v60;
	_ =	sdelay $0x1  }
0x66b: {  	v57, _, _ =	vpop (xrf2);
	v50 =	vmax.f32 v50, $-5.000000000e+00;
	(xrf2) =	vadd.scan.msk.f32 $0xffff, v55  }
0x66c: {  	v49 =	vmul.f32 $2.500000000e-01, v57;
	v50 =	vmin.f32 v50, $5.000000000e+00  }
0x66d: {  	v50 =	vmul.f32 $1.442695020e+00, v50  }
0x66e: {  	v49 =	vmax.f32 v49, $-5.000000000e+00;
	v58, _, _ =	vpop (xrf2)  }
0x66f: {  	v49 =	vmin.f32 v49, $5.000000000e+00;
	v50 =	vbroadcast v50, $0xF;
	v51 =	vmul.f32 $2.500000000e-01, v58;
	v59, _, _ =	vpop (xrf2)  }
0x670: {  	v49 =	vmul.f32 $1.442695020e+00, v49;
	v52 =	vmul.f32 $2.500000000e-01, v59;
	v60, _, _ =	vpop (xrf2)  }
0x671: {  	(erf) = vpow2.f32 v50;
	v51 =	vmax.f32 v51, $-5.000000000e+00;
	v53 =	vmul.f32 $2.500000000e-01, v60  }
0x672: {  	v49 =	vbroadcast v49, $0xF;
	v51 =	vmin.f32 v51, $5.000000000e+00;
	v52 =	vmax.f32 v52, $-5.000000000e+00  }
0x673: {  	v51 =	vmul.f32 $1.442695020e+00, v51;
	v61 =	vmin.f32 v52, $5.000000000e+00;
	v62 =	vmax.f32 v53, $-5.000000000e+00  }
0x674: {  	(erf) = vpow2.f32 v49;
	v50 =	vmul.f32 $1.442695020e+00, v61;
	v52 =	vmin.f32 v62, $5.000000000e+00  }
0x675: {  	v51 =	vbroadcast v51, $0xF;
	v63, _, _ =	vpop (xrf2);
	v52 =	vmul.f32 $1.442695020e+00, v52  }
0x676: {  	v53 =	vmul.f32 $2.500000000e-01, v63;
	v54 =	vbroadcast v50, $0xF  }
0x677: {  	(erf) = vpow2.f32 v51;
	v55 =	vbroadcast v52, $0xF  }
0x678: {  	v56 =	vmax.f32 v53, $-5.000000000e+00;
	(erf) = vpow2.f32 v54  }
0x679: {  	v58 =	vld [tilespmem:s20+$0xE0];
	v57 =	vmin.f32 v56, $5.000000000e+00;
	(erf) = vpow2.f32 v55  }
0x67a: {  	v49 =	vmul.f32 $1.442695020e+00, v57;
	_ =	sdelay $0x1  }
0x67b: {  	v49 =	vbroadcast v49, $0xF  }
0x67c: {  	v59 =	vld [tilespmem:s24+$0xFFFFFEE0]  }
0x67d: {  	v60 =	vmul.f32 v39, v58;
	v61 =	vld [tilespmem:s24+$0xFFFFFFE0];
	v52 =	vpop (erf);
	(erf) = vpow2.f32 v49  }
0x67e: {  	v53 =	vpop (erf)  }
0x67f: {  	[tilespmem:s23+$0x60] =	vst v60;
	v49 =	vpop (erf)  }
0x680: {  	v58 =	vld [tilespmem:s22+$0x70];
	v56 =	vpop (erf)  }
0x681: {  	v54 =	vld [tilespmem:s20+$0x70];
	v62 =	vmul.f32 v49, v59;
	v50 =	vpop (erf)  }
0x682: {  	v57 =	vld [tilespmem:s24+$0xE0];
	v51 =	vmul.f32 v50, v61  }
0x683: {  	[tilespmem:s25+$0xFFFFFF40] =	vst v62  }
0x684: {  	v55 =	vld [tilespmem:s24+$0xFFFFFE70]  }
0x685: {  	v59 =	vld [tilespmem:s14+$0xFFFFFF70];
	[tilespmem:s25+$0xFFFFFFD0] =	vst v51  }
0x686: {  	v60 =	vld [tilespmem:s24+$0xFFFFFF70];
	v51 =	vpop (erf)  }
0x687: {  	v54 =	vmul.f32 v58, v54;
	v61 =	vld [tilespmem:s14+$0xFFFFFFF0];
	v57 =	vmul.f32 v51, v57;
	_ =	sdelay $0x1  }
0x688: {  	(xrf2) =	vadd.scan.msk.f32 $0xffff, v54;
	[tilespmem:s25+$0x60] =	vst v57  }
0x689: {  	v57 =	vld [tilespmem:s24+$0x70]  }
0x68a: {  	v54 =	vmul.f32 v59, v55;
	v63 =	vld [tilespmem:s14+$0x70]  }
0x68b: {  	v62 =	vmul.f32 v61, v60  }
0x68c: {  	(xrf2) =	vadd.scan.msk.f32 $0xffff, v54  }
0x68d: {  	(xrf2) =	vadd.scan.msk.f32 $0xffff, v62;
	_ =	sdelay $0x1  }
0x68e: {  	v63 =	vmul.f32 v63, v57;
	_ =	sdelay $0x1  }
0x68f: {  	(xrf2) =	vadd.scan.msk.f32 $0xffff, v63  }
0x690: {  	v55, _, _ =	vpop (xrf2)  }
0x691: {  	v7 =	vsel vm4, v7, v18;
	v18 =	vmul.f32 $2.500000000e-01, v55  }
0x692: {  	v11 =	vsel vm4, v11, v19;
	v4 =	vsel vm6, v4, v20;
	v12 =	vsel vm2, v12, v21  }
0x693: {  	v6 =	vsel vm6, v6, v25;
	v14 =	vsel vm5, v14, v26;
	v60 =	vld [tilespmem:s20+$0x1F0];
	v18 =	vmax.f32 v18, $-5.000000000e+00  }
0x694: {  	v1 =	vsel vm7, v1, v29;
	v2 =	vmul.f32 v29, v2;
	v18 =	vmin.f32 v18, $5.000000000e+00;
	v58, _, _ =	vpop (xrf2)  }
0x695: {  	[tilespmem:s16+$0x80] =	vst v1;
	v1 =	vsel vm7, v3, v36;
	v3 =	vmul.f32 $1.442695020e+00, v18;
	v20 =	vmul.f32 $2.500000000e-01, v58;
	v59, _, _ =	vpop (xrf2)  }
0x696: {  	v7 =	vsel vm5, v7, v28;
	v14 =	vsel vm6, v14, v34;
	v29 =	vld [tilespmem:s20+$0xFFFFFEF0];
	v21 =	vmul.f32 $2.500000000e-01, v59  }
0x697: {  	[tilespmem:s16+$0x70] =	vst v2;
	v5 =	vmul.f32 v36, v5;
	v57 =	vld [tilespmem:s17+$0xFFFFFFF0];
	v3 =	vbroadcast v3, $0xF;
	v61 =	vmax.f32 v20, $-5.000000000e+00  }
0x698: {  	v2 =	vld [tilespmem:s17+$0xF0];
	[tilespmem:s18+$0xFFFFFF60] =	vst v1;
	v1 =	vmul.f32 v43, v60;
	v18 =	vmin.f32 v61, $5.000000000e+00;
	v62 =	vmax.f32 v21, $-5.000000000e+00  }
0x699: {  	[tilespmem:s18+$0xFFFFFF50] =	vst v5;
	(erf) = vpow2.f32 v3;
	v63 =	vmul.f32 $1.442695020e+00, v18;
	v25 =	vmin.f32 v62, $5.000000000e+00;
	v26, _, _ =	vpop (xrf2)  }
0x69a: {  	v34 =	vld [tilespmem:s20+$0xFFFFFFF0];
	[tilespmem:s23+$0x100] =	vst v1;
	v1 =	vsel vm7, v6, v48;
	v18 =	vmul.f32 $1.442695020e+00, v25;
	v20 =	vmul.f32 $2.500000000e-01, v26  }
0x69b: {  	v4 =	vsel vm7, v4, v35;
	[tilespmem:s18+$0x80] =	vst v1;
	v1 =	vmul.f32 v52, v29;
	v5 =	vbroadcast v63, $0xF  }
0x69c: {  	v19 =	vmul.f32 v35, v57;
	v3 =	vbroadcast v18, $0xF;
	v35 =	vmax.f32 v20, $-5.000000000e+00  }
0x69d: {  	v2 =	vmul.f32 v48, v2;
	[tilespmem:s18+$0xFFFFFFF0] =	vst v4;
	v48 =	vld [tilespmem:s24+$0x1F0];
	(erf) = vpow2.f32 v5;
	v4 =	vmin.f32 v35, $5.000000000e+00  }
0x69e: {  	v7 =	vsel vm6, v7, v40;
	[tilespmem:s23+$0xFFFFFF50] =	vst v1;
	v1 =	vld [tilespmem:s20+$0xF0];
	(erf) = vpow2.f32 v3;
	v3 =	vmul.f32 $1.442695020e+00, v4  }
0x69f: {  	v13 =	vsel vm2, v13, v23;
	[tilespmem:s18+$0x70] =	vst v2;
	v7 =	vsel vm7, v7, v52;
	v2 =	vmul.f32 v53, v34  }
0x6a0: {  	v14 =	vsel vm7, v14, v43;
	[tilespmem:s23+$0xFFFFFF60] =	vst v7;
	v43 =	vsel vm3, v12, v17;
	v3 =	vbroadcast v3, $0xF  }
0x6a1: {  	v36 =	vsel vm5, v8, v24;
	[tilespmem:s23+$0xFFFFFFE0] =	vst v2;
	v55 =	vsel vm2, v9, v22;
	v5 =	vsel vm4, v43, v33  }
0x6a2: {  	v2 =	vld [tilespmem:s24+$0xFFFFFEF0];
	[tilespmem:s23+$0x110] =	vst v14;
	v54 =	vmul.f32 v56, v48;
	v57 =	vpop (erf);
	v5 =	vsel vm5, v5, v42;
	(erf) = vpow2.f32 v3  }
0x6a3: {  	[tilespmem:s18+$0xFFFFFFE0] =	vst v19;
	v1 =	vmul.f32 v57, v1;
	v5 =	vsel vm6, v5, v47;
	v3 =	vsel vm2, v10, v16  }
0x6a4: {  	v52 =	vld [tilespmem:s24+$0xFFFFFFF0];
	[tilespmem:s25+$0x100] =	vst v54;
	v5 =	vsel vm7, v5, v56;
	v4 =	vsel vm6, v36, v41;
	v3 =	vsel vm3, v3, v30  }
0x6a5: {  	[tilespmem:s23+$0x70] =	vst v1;
	v4 =	vsel vm7, v4, v53;
	v53 =	vsel vm5, v11, v32;
	v3 =	vsel vm4, v3, v38  }
0x6a6: {  	v56 =	vsel vm3, v13, v27;
	[tilespmem:s25+$0x110] =	vst v5;
	v8 =	vsel vm6, v53, v39;
	v59 =	vpop (erf);
	v3 =	vsel vm5, v3, v45  }
0x6a7: {  	v60 =	vld [tilespmem:s24+$0xF0];
	[tilespmem:s23+$0xFFFFFFF0] =	vst v4;
	v58 =	vsel vm7, v8, v57;
	v2 =	vmul.f32 v59, v2;
	v3 =	vsel vm6, v3, v49  }
0x6a8: {  	v6 =	vsel vm3, v55, v31;
	v9 =	vsel vm4, v56, v37;
	[tilespmem:s23+$0x80] =	vst v58;
	v61 =	vpop (erf);
	v3 =	vsel vm7, v3, v59  }
0x6a9: {  	v6 =	vsel vm4, v6, v15;
	v62 =	vsel vm5, v9, v44;
	[tilespmem:s25+$0xFFFFFF50] =	vst v2;
	v1 =	vmul.f32 v61, v52  }
0x6aa: {  	v63 =	vsel vm6, v62, v50;
	v2 =	vsel vm5, v6, v46;
	[tilespmem:s25+$0xFFFFFF60] =	vst v3  }
0x6ab: {  	[tilespmem:s25+$0xFFFFFFE0] =	vst v1;
	v1 =	vsel vm6, v2, v51;
	v2 =	vsel vm7, v63, v61;
	v3 =	vpop (erf)  }
0x6ac: {  	s15 =	sadd.s32 $0x1, s15;
	[tilespmem:s25+$0xFFFFFFF0] =	vst v2;
	v1 =	vsel vm7, v1, v3;
	v2 =	vmul.f32 v3, v60  }
0x6ad: {  	p0 =	sne.s32 s15, $0x7D;
	[tilespmem:s25+$0x80] =	vst v1  }
.Ltmp3:
0x6ae: {  	[tilespmem:s25+$0x70] =	vst v2;
	(pc) =	sbr.rel @p0 .LBB2_4-.Ltmp3, $4  }
0x6af: {  	[spmem:s3] =	stream.indirect.scatter.add.f32 [tilespmem:s29], [sflag:$0x3], $0x90, s10, s31, $0xb8;
	[tilespmem:$0x1F720] =	vst v63  }
0x6b0: {  	_ =	swait.ge [sflag:s30], $0x1680  }
0x6b1: {  	[sflag:s30] =	ssyncset.done $0x0  }
0x6b2: {  	[sflag:s30] =	ssyncadd.s32 $0xFFFFE980  }
0x6b3: {  	_ =	swait.ge [sflag:s12], $0x2800  }
0x6b4: {  	[sflag:s12] =	ssyncset.done $0x0  }
0x6b5: {  	[sflag:s12] =	ssyncadd.s32 $0xFFFFD800  }
0x6b6: {  	_ =	swait.ge [sflag:s12], $0x1400  }
0x6b7: {  	[sflag:s12] =	ssyncset.done $0x0  }
0x6b8: {  	[sflag:s12] =	ssyncadd.s32 $0xFFFFEC00  }
0x6b9: {  	s1 =	stileid.u32;
	[bflag:$0x0] =	sbarrier.arrive $0xFFFF  }
0x6ba: {  	s1 =	sshll.u32 s1, $0x6;
	s11 =	rddreg [dreg:$0x4]  }
0x6bb: {  	s1 =	sor.u32 $0x1C03, s1;
	s9 =	rddreg [dreg:$0x15];
	s7 =	sshrl.u32 s11, $0x3  }
0x6bc: {  	[hbm:s9], [sflag:s1] =	dma.local [spmem:s7], $0x2D00  }
0x6bd: {  	_ =	swait.ge [sflag:s30], $0x2D00  }
0x6be: {  	s25 =	rddreg [dreg:$0x17]  }
0x6bf: {  	s26 =	rddreg [dreg:$0x16];
	s7 =	sadd.s32 $0x1, s25  }
0x6c0: {  	p0 =	sne.s32 s7, s26  }
.Ltmp4:
0x6c1: {  	_ = 	snop;
	(pc) =	sbr.rel @p0 .LBB2_1-.Ltmp4, $3  }
0x6c2: {  	_ =	sdelay $0x1  }
0x6c3: {  	[sflag:s30] =	ssyncset.done $0x0  }
0x6c4: {  	[sflag:s30] =	ssyncadd.s32 $0xFFFFD300  }
0x6c5: {  	_ =	sfence.sel $0x180000  }
0x6c6: {  	[bflag:$0x0] =	sbarrier.arrive $0xFFFF  }
0x6c7: {  	_ =	strace $0x90000047  }
0x6c8: {  	s0 =	stileid.u32;
	[bflag:$0x2] =	sbarrier.arrive $0xFFFF  }
0x6c9: {  	p0 =	sne.s32 s0, $0x0;
	s0 =	rddreg [dreg:$0x3]  }
0x6ca: {  	s0 =	sadd.s32 @!p0 $0x100000, s0  }
0x6cb: {  	[sflag:s0] =	ssyncadd.tile.s32 @!p0 $0x1;
	_ =	shalt  }
.Lfunc_end2:
_tile_overlayer_lowered:
.L_overlay_start_2:
0x6cc: {  	(tag) =	ssettag $0x2  }
0x6cd: {  	s0 =	rddreg [dreg:$0x0];
	s2 =	stileid.u32  }
0x6ce: {  	s1 =	rddreg [dreg:$0x1];
	p0 =	sne.s32 s2, $0x0  }
0x6cf: {  	s3 =	rddreg [dreg:$0x2];
	[bflag:$0x3] =	sbarrier.arrive $0xFFFF;
	s2 =	simm.s32 @!p0 $0x1C03  }
0x6d0: {  	[timem:s3], [sflag:s2] =	dma.local @!p0 [hbm:s0], s1  }
0x6d1: {  	s0 =	simm.s32 @!p0 $0x3  }
0x6d2: {  	_ =	swait.ge @!p0 [sflag:s0], s1  }
0x6d3: {  	s1 =	ssub.s32 @!p0 $0x0, s1;
	[sflag:s0] =	ssyncset.done @!p0 $0x0  }
0x6d4: {  	[sflag:s0] =	ssyncadd.s32 @!p0 s1  }
0x6d5: {  	[bflag:$0x3] =	sbarrier.arrive $0xFFFF  }
0x6d6: {  	_ =	shalt  }

</sc_bundles>
